<compile_context>
chip_gen: v7x
topology: tpu7x:2x2x1
jax: 0.10.2.dev20260603
libtpu: 0.0.44.dev20260713+nightly
codegen_flags: <defaults>
</compile_context>

<pallas_src>
import jax
import jax.numpy as jnp
from jax import lax
from jax.experimental import pallas as pl
from jax.experimental.pallas import tpu as pltpu
from jax.experimental.pallas import tpu_sc as plsc

N = 100000
D = 128
S = 256
NC = 2
NS = 16
DH = D // NC
C = 128
SUB = 2
MC = C * SUB
NB = 4
L = 16

R = 512
TC_BLOCKS = 48
Q = R * TC_BLOCKS

SC_N = N - Q
FULL_MEGA = SC_N // MC
NITER = FULL_MEGA // NS
REM = FULL_MEGA - NITER * NS
TAIL = SC_N - FULL_MEGA * MC
assert TAIL == 160 and Q % 8 == 0
TAIL2 = TAIL - C


def _drain(descs):
    for d in descs:
        d.wait()


def _sc_body(data_hbm, ids_hbm, out_hbm,
          data2, ids3, ids_t, data_t, stage, acc, *sems):
    c = lax.axis_index("c")
    s = lax.axis_index("s")
    col0 = c * DH
    sem_ld = sems[:NB]
    sem_sc = sems[NB:]

    for r in range(L):
        for j in range(DH // L):
            stage[r, pl.ds(j * L, L)] = jnp.zeros((L,), jnp.float32)
    pltpu.sync_copy(stage, acc.at[pl.ds(s * L, L)])

    @pl.when(s < 2)
    def _():
        pltpu.sync_copy(stage, acc.at[pl.ds((NS + s) * L, L)])

    plsc.subcore_barrier()

    def issue_loads(i, b):
        base = Q + (s + i * NS) * MC
        descs = [pltpu.async_copy(
            data_hbm.at[pl.ds(base, MC), pl.ds(col0, DH)],
            data2.at[b], sem_ld[b])]
        for j in range(SUB):
            descs.append(pltpu.async_copy(
                ids_hbm.at[pl.ds(base + j * C, C)], ids3.at[b, j], sem_ld[b]))
        return descs

    def issue_scatters(b):
        return [pltpu.async_copy(
            data2.at[b, pl.ds(j * C, C)], acc.at[ids3.at[b, j]],
            sem_sc[b], add=True) for j in range(SUB)]

    ld_pend = [None] * NB
    sc_pend = [None] * NB
    for k in range(NB - 1):
        ld_pend[k] = issue_loads(k, k)
    for i in range(NITER):
        b = i % NB
        nk = i + NB - 1
        if nk < NITER:
            nb_ = nk % NB
            if sc_pend[nb_] is not None:
                _drain(sc_pend[nb_])
            ld_pend[nb_] = issue_loads(nk, nb_)
        _drain(ld_pend[b])
        sc_pend[b] = issue_scatters(b)
    for b in range(NB):
        if sc_pend[b] is not None:
            _drain(sc_pend[b])

    @pl.when(s < REM)
    def _():
        base = Q + (NITER * NS + s) * MC
        pltpu.sync_copy(data_hbm.at[pl.ds(base, MC), pl.ds(col0, DH)],
                        data2.at[0])
        for j in range(SUB):
            pltpu.sync_copy(ids_hbm.at[pl.ds(base + j * C, C)], ids3.at[0, j])
        for j in range(SUB):
            pltpu.sync_copy(data2.at[0, pl.ds(j * C, C)],
                            acc.at[ids3.at[0, j]], add=True)

    @pl.when(s == NS - 1)
    def _():
        base = Q + FULL_MEGA * MC
        pltpu.sync_copy(data_hbm.at[pl.ds(base, C), pl.ds(col0, DH)],
                        data2.at[0, pl.ds(0, C)])
        pltpu.sync_copy(ids_hbm.at[pl.ds(base, C)], ids3.at[0, 0])
        pltpu.sync_copy(data2.at[0, pl.ds(0, C)], acc.at[ids3.at[0, 0]],
                        add=True)
        base2 = base + C
        pltpu.sync_copy(data_hbm.at[pl.ds(base2, TAIL2), pl.ds(col0, DH)],
                        data_t)
        pltpu.sync_copy(ids_hbm.at[pl.ds(base2, TAIL2)], ids_t)
        pltpu.sync_copy(data_t, acc.at[ids_t], add=True)

    plsc.subcore_barrier()

    pltpu.sync_copy(acc.at[pl.ds(s * L, L)], stage)
    pltpu.sync_copy(stage, out_hbm.at[pl.ds(s * L, L), pl.ds(col0, DH)])


def _tc_body(ids_ref, data_ref, out_ref):
    i = pl.program_id(0)
    ids_row = ids_ref[0, 0, :]
    seg = lax.broadcasted_iota(jnp.int32, (S, R), 0)
    one_hot = (seg == ids_row[None, :]).astype(jnp.float32)
    part = jnp.dot(one_hot, data_ref[...],
                   preferred_element_type=jnp.float32)

    @pl.when(i == 0)
    def _():
        out_ref[...] = part

    @pl.when(i > 0)
    def _():
        out_ref[...] += part


def kernel(data, segment_ids):
    mesh = plsc.VectorSubcoreMesh(core_axis_name="c", subcore_axis_name="s",
                                  num_cores=NC, num_subcores=NS)
    run = pl.kernel(
        _sc_body,
        out_type=jax.ShapeDtypeStruct((S, D), jnp.float32),
        mesh=mesh,
        scratch_types=[
            pltpu.VMEM((NB, MC, DH), jnp.float32),
            pltpu.VMEM((NB, SUB, C), jnp.int32),
            pltpu.VMEM((TAIL2,), jnp.int32),
            pltpu.VMEM((TAIL2, DH), jnp.float32),
            pltpu.VMEM((L, DH), jnp.float32),
            pltpu.VMEM_SHARED((S + 2 * L, DH), jnp.float32),
        ] + [pltpu.SemaphoreType.DMA] * (2 * NB),
        compiler_params=pltpu.CompilerParams(use_tc_tiling_on_sc=False,
                                            needs_layout_passes=False),
    )
    ids32 = segment_ids.astype(jnp.int32)
    sc_out = run(data, ids32)

    tc_ids = ids32[:Q].reshape(TC_BLOCKS, 1, R)
    tc_out = pl.pallas_call(
        _tc_body,
        grid=(TC_BLOCKS,),
        in_specs=[
            pl.BlockSpec((1, 1, R), lambda i: (i, 0, 0)),
            pl.BlockSpec((R, D), lambda i: (i, 0)),
        ],
        out_specs=pl.BlockSpec((S, D), lambda i: (0, 0)),
        out_shape=jax.ShapeDtypeStruct((S, D), jnp.float32),
    )(tc_ids, data)

    return sc_out + tc_out

# --- scband reference (transcript-rebuilt; emitter-appended) ---
"""Pipeline reference for scband-sum-pooling-53996328845625 (READ-ONLY COPY).

The authoritative reference and input builder live on the scoring server;
editing this copy changes nothing except your own understanding.
"""

import jax, jax.numpy as jnp
import numpy as np

NUM_SEGMENTS = 256

def setup_inputs(seed: int = 0) -> dict:
    key = jax.random.key(seed)
    k1, k2 = jax.random.split(key)
    data = jax.random.normal(k1, (100000, 128), dtype=jnp.float32)
    segment_ids = jnp.sort(jax.random.randint(k2, (100000,), 0, NUM_SEGMENTS, dtype=jnp.int64))
    return {"data": data, "segment_ids": segment_ids}

def reference(data, segment_ids):
    # dgl.readout_nodes(graph, feat, op='sum') == per-graph sum over node features.
    # Each node belongs to a graph in the batch given by segment_ids.
    readout = jax.ops.segment_sum(data, segment_ids, num_segments=NUM_SEGMENTS)
    return readout

if __name__ == "__main__":
    import jax
    _d = setup_inputs()
    print(jax.jit(kernel)(*tuple(_d.values())))

</pallas_src>

<mosaic_0001>
#map = affine_map<(d0, d1) -> (0, 0)>
#map1 = affine_map<(d0, d1) -> (0)>
module attributes {stable_mosaic.version = 14 : i64} {
  func.func @_sc_body(%arg0: i32, %arg1: i32, %arg2: memref<100000x128xf32, #tpu.memory_space<hbm>>, %arg3: memref<100000xi32, #tpu.memory_space<hbm>>, %arg4: memref<256x128xf32, #tpu.memory_space<hbm>>, %arg5: memref<4x256x64xf32, #tpu.memory_space<vmem>>, %arg6: memref<4x2x128xi32, #tpu.memory_space<vmem>>, %arg7: memref<32xi32, #tpu.memory_space<vmem>>, %arg8: memref<32x64xf32, #tpu.memory_space<vmem>>, %arg9: memref<16x64xf32, #tpu.memory_space<vmem>>, %arg10: memref<288x64xf32, #tpu.memory_space<vmem_shared>>, %arg11: memref<!tpu.dma_semaphore, #tpu.memory_space<semaphore_mem>>, %arg12: memref<!tpu.dma_semaphore, #tpu.memory_space<semaphore_mem>>, %arg13: memref<!tpu.dma_semaphore, #tpu.memory_space<semaphore_mem>>, %arg14: memref<!tpu.dma_semaphore, #tpu.memory_space<semaphore_mem>>, %arg15: memref<!tpu.dma_semaphore, #tpu.memory_space<semaphore_mem>>, %arg16: memref<!tpu.dma_semaphore, #tpu.memory_space<semaphore_mem>>, %arg17: memref<!tpu.dma_semaphore, #tpu.memory_space<semaphore_mem>>, %arg18: memref<!tpu.dma_semaphore, #tpu.memory_space<semaphore_mem>>) attributes {dimension_semantics = [#tpu.dimension_semantics<core_parallel>, #tpu.dimension_semantics<subcore_parallel>], iteration_bounds = array<i64: 2, 16>, scalar_prefetch = 0 : i64, scratch_operands = 14 : i64, tpu.core_type = #tpu.core_type<sc_vector_subcore>, window_params = [{transform_indices = #map}, {transform_indices = #map1}, {transform_indices = #map}]} {
    %mul3A = arith.constant 64 : i32
    %mul3A_0 = arith.muli %arg0, %mul3A : i32
    %broadcast_in_dim3A = arith.constant 0.000000e+00 : f32
    %broadcast_in_dim3A_1 = vector.broadcast %broadcast_in_dim3A : f32 to vector<16xf32>
    %swap3A = arith.constant 0 : i32
    %swap3A_2 = arith.index_cast %swap3A : i32 to index
    %swap3A_3 = arith.constant 0 : index
    %swap3A_4 = tpu.vector_load %arg9[%swap3A_2, %swap3A_3] {strides = array<i32>} : memref<16x64xf32, #tpu.memory_space<vmem>>, vector<16xf32>,
    tpu.vector_store %arg9[%swap3A_2, %swap3A_3], %broadcast_in_dim3A_1 {strides = array<i32>} : memref<16x64xf32, #tpu.memory_space<vmem>>, vector<16xf32>,
    %broadcast_in_dim3A_5 = arith.constant 0.000000e+00 : f32
    %broadcast_in_dim3A_6 = vector.broadcast %broadcast_in_dim3A_5 : f32 to vector<16xf32>
    %swap3A_7 = arith.constant 0 : i32
    %swap3A_8 = arith.index_cast %swap3A_7 : i32 to index
    %swap3A_9 = arith.constant 16 : index
    %swap3A_10 = tpu.vector_load %arg9[%swap3A_8, %swap3A_9] {strides = array<i32>} : memref<16x64xf32, #tpu.memory_space<vmem>>, vector<16xf32>,
    tpu.vector_store %arg9[%swap3A_8, %swap3A_9], %broadcast_in_dim3A_6 {strides = array<i32>} : memref<16x64xf32, #tpu.memory_space<vmem>>, vector<16xf32>,
    %broadcast_in_dim3A_11 = arith.constant 0.000000e+00 : f32
    %broadcast_in_dim3A_12 = vector.broadcast %broadcast_in_dim3A_11 : f32 to vector<16xf32>
    %swap3A_13 = arith.constant 0 : i32
    %swap3A_14 = arith.index_cast %swap3A_13 : i32 to index
    %swap3A_15 = arith.constant 32 : index
    %swap3A_16 = tpu.vector_load %arg9[%swap3A_14, %swap3A_15] {strides = array<i32>} : memref<16x64xf32, #tpu.memory_space<vmem>>, vector<16xf32>,
    tpu.vector_store %arg9[%swap3A_14, %swap3A_15], %broadcast_in_dim3A_12 {strides = array<i32>} : memref<16x64xf32, #tpu.memory_space<vmem>>, vector<16xf32>,
    %broadcast_in_dim3A_17 = arith.constant 0.000000e+00 : f32
    %broadcast_in_dim3A_18 = vector.broadcast %broadcast_in_dim3A_17 : f32 to vector<16xf32>
    %swap3A_19 = arith.constant 0 : i32
    %swap3A_20 = arith.index_cast %swap3A_19 : i32 to index
    %swap3A_21 = arith.constant 48 : index
    %swap3A_22 = tpu.vector_load %arg9[%swap3A_20, %swap3A_21] {strides = array<i32>} : memref<16x64xf32, #tpu.memory_space<vmem>>, vector<16xf32>,
    tpu.vector_store %arg9[%swap3A_20, %swap3A_21], %broadcast_in_dim3A_18 {strides = array<i32>} : memref<16x64xf32, #tpu.memory_space<vmem>>, vector<16xf32>,
    %broadcast_in_dim3A_23 = arith.constant 0.000000e+00 : f32
    %broadcast_in_dim3A_24 = vector.broadcast %broadcast_in_dim3A_23 : f32 to vector<16xf32>
    %swap3A_25 = arith.constant 1 : i32
    %swap3A_26 = arith.index_cast %swap3A_25 : i32 to index
    %swap3A_27 = arith.constant 0 : index
    %swap3A_28 = tpu.vector_load %arg9[%swap3A_26, %swap3A_27] {strides = array<i32>} : memref<16x64xf32, #tpu.memory_space<vmem>>, vector<16xf32>,
    tpu.vector_store %arg9[%swap3A_26, %swap3A_27], %broadcast_in_dim3A_24 {strides = array<i32>} : memref<16x64xf32, #tpu.memory_space<vmem>>, vector<16xf32>,
    %broadcast_in_dim3A_29 = arith.constant 0.000000e+00 : f32
    %broadcast_in_dim3A_30 = vector.broadcast %broadcast_in_dim3A_29 : f32 to vector<16xf32>
    %swap3A_31 = arith.constant 1 : i32
    %swap3A_32 = arith.index_cast %swap3A_31 : i32 to index
    %swap3A_33 = arith.constant 16 : index
    %swap3A_34 = tpu.vector_load %arg9[%swap3A_32, %swap3A_33] {strides = array<i32>} : memref<16x64xf32, #tpu.memory_space<vmem>>, vector<16xf32>,
    tpu.vector_store %arg9[%swap3A_32, %swap3A_33], %broadcast_in_dim3A_30 {strides = array<i32>} : memref<16x64xf32, #tpu.memory_space<vmem>>, vector<16xf32>,
    %broadcast_in_dim3A_35 = arith.constant 0.000000e+00 : f32
    %broadcast_in_dim3A_36 = vector.broadcast %broadcast_in_dim3A_35 : f32 to vector<16xf32>
    %swap3A_37 = arith.constant 1 : i32
    %swap3A_38 = arith.index_cast %swap3A_37 : i32 to index
    %swap3A_39 = arith.constant 32 : index
    %swap3A_40 = tpu.vector_load %arg9[%swap3A_38, %swap3A_39] {strides = array<i32>} : memref<16x64xf32, #tpu.memory_space<vmem>>, vector<16xf32>,
    tpu.vector_store %arg9[%swap3A_38, %swap3A_39], %broadcast_in_dim3A_36 {strides = array<i32>} : memref<16x64xf32, #tpu.memory_space<vmem>>, vector<16xf32>,
    %broadcast_in_dim3A_41 = arith.constant 0.000000e+00 : f32
    %broadcast_in_dim3A_42 = vector.broadcast %broadcast_in_dim3A_41 : f32 to vector<16xf32>
    %swap3A_43 = arith.constant 1 : i32
    %swap3A_44 = arith.index_cast %swap3A_43 : i32 to index
    %swap3A_45 = arith.constant 48 : index
    %swap3A_46 = tpu.vector_load %arg9[%swap3A_44, %swap3A_45] {strides = array<i32>} : memref<16x64xf32, #tpu.memory_space<vmem>>, vector<16xf32>,
    tpu.vector_store %arg9[%swap3A_44, %swap3A_45], %broadcast_in_dim3A_42 {strides = array<i32>} : memref<16x64xf32, #tpu.memory_space<vmem>>, vector<16xf32>,
    %broadcast_in_dim3A_47 = arith.constant 0.000000e+00 : f32
    %broadcast_in_dim3A_48 = vector.broadcast %broadcast_in_dim3A_47 : f32 to vector<16xf32>
    %swap3A_49 = arith.constant 2 : i32
    %swap3A_50 = arith.index_cast %swap3A_49 : i32 to index
    %swap3A_51 = arith.constant 0 : index
    %swap3A_52 = tpu.vector_load %arg9[%swap3A_50, %swap3A_51] {strides = array<i32>} : memref<16x64xf32, #tpu.memory_space<vmem>>, vector<16xf32>,
    tpu.vector_store %arg9[%swap3A_50, %swap3A_51], %broadcast_in_dim3A_48 {strides = array<i32>} : memref<16x64xf32, #tpu.memory_space<vmem>>, vector<16xf32>,
    %broadcast_in_dim3A_53 = arith.constant 0.000000e+00 : f32
    %broadcast_in_dim3A_54 = vector.broadcast %broadcast_in_dim3A_53 : f32 to vector<16xf32>
    %swap3A_55 = arith.constant 2 : i32
    %swap3A_56 = arith.index_cast %swap3A_55 : i32 to index
    %swap3A_57 = arith.constant 16 : index
    %swap3A_58 = tpu.vector_load %arg9[%swap3A_56, %swap3A_57] {strides = array<i32>} : memref<16x64xf32, #tpu.memory_space<vmem>>, vector<16xf32>,
    tpu.vector_store %arg9[%swap3A_56, %swap3A_57], %broadcast_in_dim3A_54 {strides = array<i32>} : memref<16x64xf32, #tpu.memory_space<vmem>>, vector<16xf32>,
    %broadcast_in_dim3A_59 = arith.constant 0.000000e+00 : f32
    %broadcast_in_dim3A_60 = vector.broadcast %broadcast_in_dim3A_59 : f32 to vector<16xf32>
    %swap3A_61 = arith.constant 2 : i32
    %swap3A_62 = arith.index_cast %swap3A_61 : i32 to index
    %swap3A_63 = arith.constant 32 : index
    %swap3A_64 = tpu.vector_load %arg9[%swap3A_62, %swap3A_63] {strides = array<i32>} : memref<16x64xf32, #tpu.memory_space<vmem>>, vector<16xf32>,
    tpu.vector_store %arg9[%swap3A_62, %swap3A_63], %broadcast_in_dim3A_60 {strides = array<i32>} : memref<16x64xf32, #tpu.memory_space<vmem>>, vector<16xf32>,
    %broadcast_in_dim3A_65 = arith.constant 0.000000e+00 : f32
    %broadcast_in_dim3A_66 = vector.broadcast %broadcast_in_dim3A_65 : f32 to vector<16xf32>
    %swap3A_67 = arith.constant 2 : i32
    %swap3A_68 = arith.index_cast %swap3A_67 : i32 to index
    %swap3A_69 = arith.constant 48 : index
    %swap3A_70 = tpu.vector_load %arg9[%swap3A_68, %swap3A_69] {strides = array<i32>} : memref<16x64xf32, #tpu.memory_space<vmem>>, vector<16xf32>,
    tpu.vector_store %arg9[%swap3A_68, %swap3A_69], %broadcast_in_dim3A_66 {strides = array<i32>} : memref<16x64xf32, #tpu.memory_space<vmem>>, vector<16xf32>,
    %broadcast_in_dim3A_71 = arith.constant 0.000000e+00 : f32
    %broadcast_in_dim3A_72 = vector.broadcast %broadcast_in_dim3A_71 : f32 to vector<16xf32>
    %swap3A_73 = arith.constant 3 : i32
    %swap3A_74 = arith.index_cast %swap3A_73 : i32 to index
    %swap3A_75 = arith.constant 0 : index
    %swap3A_76 = tpu.vector_load %arg9[%swap3A_74, %swap3A_75] {strides = array<i32>} : memref<16x64xf32, #tpu.memory_space<vmem>>, vector<16xf32>,
    tpu.vector_store %arg9[%swap3A_74, %swap3A_75], %broadcast_in_dim3A_72 {strides = array<i32>} : memref<16x64xf32, #tpu.memory_space<vmem>>, vector<16xf32>,
    %broadcast_in_dim3A_77 = arith.constant 0.000000e+00 : f32
    %broadcast_in_dim3A_78 = vector.broadcast %broadcast_in_dim3A_77 : f32 to vector<16xf32>
    %swap3A_79 = arith.constant 3 : i32
    %swap3A_80 = arith.index_cast %swap3A_79 : i32 to index
    %swap3A_81 = arith.constant 16 : index
    %swap3A_82 = tpu.vector_load %arg9[%swap3A_80, %swap3A_81] {strides = array<i32>} : memref<16x64xf32, #tpu.memory_space<vmem>>, vector<16xf32>,
    tpu.vector_store %arg9[%swap3A_80, %swap3A_81], %broadcast_in_dim3A_78 {strides = array<i32>} : memref<16x64xf32, #tpu.memory_space<vmem>>, vector<16xf32>,
    %broadcast_in_dim3A_83 = arith.constant 0.000000e+00 : f32
    %broadcast_in_dim3A_84 = vector.broadcast %broadcast_in_dim3A_83 : f32 to vector<16xf32>
    %swap3A_85 = arith.constant 3 : i32
    %swap3A_86 = arith.index_cast %swap3A_85 : i32 to index
    %swap3A_87 = arith.constant 32 : index
    %swap3A_88 = tpu.vector_load %arg9[%swap3A_86, %swap3A_87] {strides = array<i32>} : memref<16x64xf32, #tpu.memory_space<vmem>>, vector<16xf32>,
    tpu.vector_store %arg9[%swap3A_86, %swap3A_87], %broadcast_in_dim3A_84 {strides = array<i32>} : memref<16x64xf32, #tpu.memory_space<vmem>>, vector<16xf32>,
    %broadcast_in_dim3A_89 = arith.constant 0.000000e+00 : f32
    %broadcast_in_dim3A_90 = vector.broadcast %broadcast_in_dim3A_89 : f32 to vector<16xf32>
    %swap3A_91 = arith.constant 3 : i32
    %swap3A_92 = arith.index_cast %swap3A_91 : i32 to index
    %swap3A_93 = arith.constant 48 : index
    %swap3A_94 = tpu.vector_load %arg9[%swap3A_92, %swap3A_93] {strides = array<i32>} : memref<16x64xf32, #tpu.memory_space<vmem>>, vector<16xf32>,
    tpu.vector_store %arg9[%swap3A_92, %swap3A_93], %broadcast_in_dim3A_90 {strides = array<i32>} : memref<16x64xf32, #tpu.memory_space<vmem>>, vector<16xf32>,
    %broadcast_in_dim3A_95 = arith.constant 0.000000e+00 : f32
    %broadcast_in_dim3A_96 = vector.broadcast %broadcast_in_dim3A_95 : f32 to vector<16xf32>
    %swap3A_97 = arith.constant 4 : i32
    %swap3A_98 = arith.index_cast %swap3A_97 : i32 to index
    %swap3A_99 = arith.constant 0 : index
    %swap3A_100 = tpu.vector_load %arg9[%swap3A_98, %swap3A_99] {strides = array<i32>} : memref<16x64xf32, #tpu.memory_space<vmem>>, vector<16xf32>,
    tpu.vector_store %arg9[%swap3A_98, %swap3A_99], %broadcast_in_dim3A_96 {strides = array<i32>} : memref<16x64xf32, #tpu.memory_space<vmem>>, vector<16xf32>,
    %broadcast_in_dim3A_101 = arith.constant 0.000000e+00 : f32
    %broadcast_in_dim3A_102 = vector.broadcast %broadcast_in_dim3A_101 : f32 to vector<16xf32>
    %swap3A_103 = arith.constant 4 : i32
    %swap3A_104 = arith.index_cast %swap3A_103 : i32 to index
    %swap3A_105 = arith.constant 16 : index
    %swap3A_106 = tpu.vector_load %arg9[%swap3A_104, %swap3A_105] {strides = array<i32>} : memref<16x64xf32, #tpu.memory_space<vmem>>, vector<16xf32>,
    tpu.vector_store %arg9[%swap3A_104, %swap3A_105], %broadcast_in_dim3A_102 {strides = array<i32>} : memref<16x64xf32, #tpu.memory_space<vmem>>, vector<16xf32>,
    %broadcast_in_dim3A_107 = arith.constant 0.000000e+00 : f32
    %broadcast_in_dim3A_108 = vector.broadcast %broadcast_in_dim3A_107 : f32 to vector<16xf32>
    %swap3A_109 = arith.constant 4 : i32
    %swap3A_110 = arith.index_cast %swap3A_109 : i32 to index
    %swap3A_111 = arith.constant 32 : index
    %swap3A_112 = tpu.vector_load %arg9[%swap3A_110, %swap3A_111] {strides = array<i32>} : memref<16x64xf32, #tpu.memory_space<vmem>>, vector<16xf32>,
    tpu.vector_store %arg9[%swap3A_110, %swap3A_111], %broadcast_in_dim3A_108 {strides = array<i32>} : memref<16x64xf32, #tpu.memory_space<vmem>>, vector<16xf32>,
    %broadcast_in_dim3A_113 = arith.constant 0.000000e+00 : f32
    %broadcast_in_dim3A_114 = vector.broadcast %broadcast_in_dim3A_113 : f32 to vector<16xf32>
    %swap3A_115 = arith.constant 4 : i32
    %swap3A_116 = arith.index_cast %swap3A_115 : i32 to index
    %swap3A_117 = arith.constant 48 : index
    %swap3A_118 = tpu.vector_load %arg9[%swap3A_116, %swap3A_117] {strides = array<i32>} : memref<16x64xf32, #tpu.memory_space<vmem>>, vector<16xf32>,
    tpu.vector_store %arg9[%swap3A_116, %swap3A_117], %broadcast_in_dim3A_114 {strides = array<i32>} : memref<16x64xf32, #tpu.memory_space<vmem>>, vector<16xf32>,
    %broadcast_in_dim3A_119 = arith.constant 0.000000e+00 : f32
    %broadcast_in_dim3A_120 = vector.broadcast %broadcast_in_dim3A_119 : f32 to vector<16xf32>
    %swap3A_121 = arith.constant 5 : i32
    %swap3A_122 = arith.index_cast %swap3A_121 : i32 to index
    %swap3A_123 = arith.constant 0 : index
    %swap3A_124 = tpu.vector_load %arg9[%swap3A_122, %swap3A_123] {strides = array<i32>} : memref<16x64xf32, #tpu.memory_space<vmem>>, vector<16xf32>,
    tpu.vector_store %arg9[%swap3A_122, %swap3A_123], %broadcast_in_dim3A_120 {strides = array<i32>} : memref<16x64xf32, #tpu.memory_space<vmem>>, vector<16xf32>,
    %broadcast_in_dim3A_125 = arith.constant 0.000000e+00 : f32
    %broadcast_in_dim3A_126 = vector.broadcast %broadcast_in_dim3A_125 : f32 to vector<16xf32>
    %swap3A_127 = arith.constant 5 : i32
    %swap3A_128 = arith.index_cast %swap3A_127 : i32 to index
    %swap3A_129 = arith.constant 16 : index
    %swap3A_130 = tpu.vector_load %arg9[%swap3A_128, %swap3A_129] {strides = array<i32>} : memref<16x64xf32, #tpu.memory_space<vmem>>, vector<16xf32>,
    tpu.vector_store %arg9[%swap3A_128, %swap3A_129], %broadcast_in_dim3A_126 {strides = array<i32>} : memref<16x64xf32, #tpu.memory_space<vmem>>, vector<16xf32>,
    %broadcast_in_dim3A_131 = arith.constant 0.000000e+00 : f32
    %broadcast_in_dim3A_132 = vector.broadcast %broadcast_in_dim3A_131 : f32 to vector<16xf32>
    %swap3A_133 = arith.constant 5 : i32
    %swap3A_134 = arith.index_cast %swap3A_133 : i32 to index
    %swap3A_135 = arith.constant 32 : index
    %swap3A_136 = tpu.vector_load %arg9[%swap3A_134, %swap3A_135] {strides = array<i32>} : memref<16x64xf32, #tpu.memory_space<vmem>>, vector<16xf32>,
    tpu.vector_store %arg9[%swap3A_134, %swap3A_135], %broadcast_in_dim3A_132 {strides = array<i32>} : memref<16x64xf32, #tpu.memory_space<vmem>>, vector<16xf32>,
    %broadcast_in_dim3A_137 = arith.constant 0.000000e+00 : f32
    %broadcast_in_dim3A_138 = vector.broadcast %broadcast_in_dim3A_137 : f32 to vector<16xf32>
    %swap3A_139 = arith.constant 5 : i32
    %swap3A_140 = arith.index_cast %swap3A_139 : i32 to index
    %swap3A_141 = arith.constant 48 : index
    %swap3A_142 = tpu.vector_load %arg9[%swap3A_140, %swap3A_141] {strides = array<i32>} : memref<16x64xf32, #tpu.memory_space<vmem>>, vector<16xf32>,
    tpu.vector_store %arg9[%swap3A_140, %swap3A_141], %broadcast_in_dim3A_138 {strides = array<i32>} : memref<16x64xf32, #tpu.memory_space<vmem>>, vector<16xf32>,
    %broadcast_in_dim3A_143 = arith.constant 0.000000e+00 : f32
    %broadcast_in_dim3A_144 = vector.broadcast %broadcast_in_dim3A_143 : f32 to vector<16xf32>
    %swap3A_145 = arith.constant 6 : i32
    %swap3A_146 = arith.index_cast %swap3A_145 : i32 to index
    %swap3A_147 = arith.constant 0 : index
    %swap3A_148 = tpu.vector_load %arg9[%swap3A_146, %swap3A_147] {strides = array<i32>} : memref<16x64xf32, #tpu.memory_space<vmem>>, vector<16xf32>,
    tpu.vector_store %arg9[%swap3A_146, %swap3A_147], %broadcast_in_dim3A_144 {strides = array<i32>} : memref<16x64xf32, #tpu.memory_space<vmem>>, vector<16xf32>,
    %broadcast_in_dim3A_149 = arith.constant 0.000000e+00 : f32
    %broadcast_in_dim3A_150 = vector.broadcast %broadcast_in_dim3A_149 : f32 to vector<16xf32>
    %swap3A_151 = arith.constant 6 : i32
    %swap3A_152 = arith.index_cast %swap3A_151 : i32 to index
    %swap3A_153 = arith.constant 16 : index
    %swap3A_154 = tpu.vector_load %arg9[%swap3A_152, %swap3A_153] {strides = array<i32>} : memref<16x64xf32, #tpu.memory_space<vmem>>, vector<16xf32>,
    tpu.vector_store %arg9[%swap3A_152, %swap3A_153], %broadcast_in_dim3A_150 {strides = array<i32>} : memref<16x64xf32, #tpu.memory_space<vmem>>, vector<16xf32>,
    %broadcast_in_dim3A_155 = arith.constant 0.000000e+00 : f32
    %broadcast_in_dim3A_156 = vector.broadcast %broadcast_in_dim3A_155 : f32 to vector<16xf32>
    %swap3A_157 = arith.constant 6 : i32
    %swap3A_158 = arith.index_cast %swap3A_157 : i32 to index
    %swap3A_159 = arith.constant 32 : index
    %swap3A_160 = tpu.vector_load %arg9[%swap3A_158, %swap3A_159] {strides = array<i32>} : memref<16x64xf32, #tpu.memory_space<vmem>>, vector<16xf32>,
    tpu.vector_store %arg9[%swap3A_158, %swap3A_159], %broadcast_in_dim3A_156 {strides = array<i32>} : memref<16x64xf32, #tpu.memory_space<vmem>>, vector<16xf32>,
    %broadcast_in_dim3A_161 = arith.constant 0.000000e+00 : f32
    %broadcast_in_dim3A_162 = vector.broadcast %broadcast_in_dim3A_161 : f32 to vector<16xf32>
    %swap3A_163 = arith.constant 6 : i32
    %swap3A_164 = arith.index_cast %swap3A_163 : i32 to index
    %swap3A_165 = arith.constant 48 : index
    %swap3A_166 = tpu.vector_load %arg9[%swap3A_164, %swap3A_165] {strides = array<i32>} : memref<16x64xf32, #tpu.memory_space<vmem>>, vector<16xf32>,
    tpu.vector_store %arg9[%swap3A_164, %swap3A_165], %broadcast_in_dim3A_162 {strides = array<i32>} : memref<16x64xf32, #tpu.memory_space<vmem>>, vector<16xf32>,
    %broadcast_in_dim3A_167 = arith.constant 0.000000e+00 : f32
    %broadcast_in_dim3A_168 = vector.broadcast %broadcast_in_dim3A_167 : f32 to vector<16xf32>
    %swap3A_169 = arith.constant 7 : i32
    %swap3A_170 = arith.index_cast %swap3A_169 : i32 to index
    %swap3A_171 = arith.constant 0 : index
    %swap3A_172 = tpu.vector_load %arg9[%swap3A_170, %swap3A_171] {strides = array<i32>} : memref<16x64xf32, #tpu.memory_space<vmem>>, vector<16xf32>,
    tpu.vector_store %arg9[%swap3A_170, %swap3A_171], %broadcast_in_dim3A_168 {strides = array<i32>} : memref<16x64xf32, #tpu.memory_space<vmem>>, vector<16xf32>,
    %broadcast_in_dim3A_173 = arith.constant 0.000000e+00 : f32
    %broadcast_in_dim3A_174 = vector.broadcast %broadcast_in_dim3A_173 : f32 to vector<16xf32>
    %swap3A_175 = arith.constant 7 : i32
    %swap3A_176 = arith.index_cast %swap3A_175 : i32 to index
    %swap3A_177 = arith.constant 16 : index
    %swap3A_178 = tpu.vector_load %arg9[%swap3A_176, %swap3A_177] {strides = array<i32>} : memref<16x64xf32, #tpu.memory_space<vmem>>, vector<16xf32>,
    tpu.vector_store %arg9[%swap3A_176, %swap3A_177], %broadcast_in_dim3A_174 {strides = array<i32>} : memref<16x64xf32, #tpu.memory_space<vmem>>, vector<16xf32>,
    %broadcast_in_dim3A_179 = arith.constant 0.000000e+00 : f32
    %broadcast_in_dim3A_180 = vector.broadcast %broadcast_in_dim3A_179 : f32 to vector<16xf32>
    %swap3A_181 = arith.constant 7 : i32
    %swap3A_182 = arith.index_cast %swap3A_181 : i32 to index
    %swap3A_183 = arith.constant 32 : index
    %swap3A_184 = tpu.vector_load %arg9[%swap3A_182, %swap3A_183] {strides = array<i32>} : memref<16x64xf32, #tpu.memory_space<vmem>>, vector<16xf32>,
    tpu.vector_store %arg9[%swap3A_182, %swap3A_183], %broadcast_in_dim3A_180 {strides = array<i32>} : memref<16x64xf32, #tpu.memory_space<vmem>>, vector<16xf32>,
    %broadcast_in_dim3A_185 = arith.constant 0.000000e+00 : f32
    %broadcast_in_dim3A_186 = vector.broadcast %broadcast_in_dim3A_185 : f32 to vector<16xf32>
    %swap3A_187 = arith.constant 7 : i32
    %swap3A_188 = arith.index_cast %swap3A_187 : i32 to index
    %swap3A_189 = arith.constant 48 : index
    %swap3A_190 = tpu.vector_load %arg9[%swap3A_188, %swap3A_189] {strides = array<i32>} : memref<16x64xf32, #tpu.memory_space<vmem>>, vector<16xf32>,
    tpu.vector_store %arg9[%swap3A_188, %swap3A_189], %broadcast_in_dim3A_186 {strides = array<i32>} : memref<16x64xf32, #tpu.memory_space<vmem>>, vector<16xf32>,
    %broadcast_in_dim3A_191 = arith.constant 0.000000e+00 : f32
    %broadcast_in_dim3A_192 = vector.broadcast %broadcast_in_dim3A_191 : f32 to vector<16xf32>
    %swap3A_193 = arith.constant 8 : i32
    %swap3A_194 = arith.index_cast %swap3A_193 : i32 to index
    %swap3A_195 = arith.constant 0 : index
    %swap3A_196 = tpu.vector_load %arg9[%swap3A_194, %swap3A_195] {strides = array<i32>} : memref<16x64xf32, #tpu.memory_space<vmem>>, vector<16xf32>,
    tpu.vector_store %arg9[%swap3A_194, %swap3A_195], %broadcast_in_dim3A_192 {strides = array<i32>} : memref<16x64xf32, #tpu.memory_space<vmem>>, vector<16xf32>,
    %broadcast_in_dim3A_197 = arith.constant 0.000000e+00 : f32
    %broadcast_in_dim3A_198 = vector.broadcast %broadcast_in_dim3A_197 : f32 to vector<16xf32>
    %swap3A_199 = arith.constant 8 : i32
    %swap3A_200 = arith.index_cast %swap3A_199 : i32 to index
    %swap3A_201 = arith.constant 16 : index
    %swap3A_202 = tpu.vector_load %arg9[%swap3A_200, %swap3A_201] {strides = array<i32>} : memref<16x64xf32, #tpu.memory_space<vmem>>, vector<16xf32>,
    tpu.vector_store %arg9[%swap3A_200, %swap3A_201], %broadcast_in_dim3A_198 {strides = array<i32>} : memref<16x64xf32, #tpu.memory_space<vmem>>, vector<16xf32>,
    %broadcast_in_dim3A_203 = arith.constant 0.000000e+00 : f32
    %broadcast_in_dim3A_204 = vector.broadcast %broadcast_in_dim3A_203 : f32 to vector<16xf32>
    %swap3A_205 = arith.constant 8 : i32
    %swap3A_206 = arith.index_cast %swap3A_205 : i32 to index
    %swap3A_207 = arith.constant 32 : index
    %swap3A_208 = tpu.vector_load %arg9[%swap3A_206, %swap3A_207] {strides = array<i32>} : memref<16x64xf32, #tpu.memory_space<vmem>>, vector<16xf32>,
    tpu.vector_store %arg9[%swap3A_206, %swap3A_207], %broadcast_in_dim3A_204 {strides = array<i32>} : memref<16x64xf32, #tpu.memory_space<vmem>>, vector<16xf32>,
    %broadcast_in_dim3A_209 = arith.constant 0.000000e+00 : f32
    %broadcast_in_dim3A_210 = vector.broadcast %broadcast_in_dim3A_209 : f32 to vector<16xf32>
    %swap3A_211 = arith.constant 8 : i32
    %swap3A_212 = arith.index_cast %swap3A_211 : i32 to index
    %swap3A_213 = arith.constant 48 : index
    %swap3A_214 = tpu.vector_load %arg9[%swap3A_212, %swap3A_213] {strides = array<i32>} : memref<16x64xf32, #tpu.memory_space<vmem>>, vector<16xf32>,
    tpu.vector_store %arg9[%swap3A_212, %swap3A_213], %broadcast_in_dim3A_210 {strides = array<i32>} : memref<16x64xf32, #tpu.memory_space<vmem>>, vector<16xf32>,
    %broadcast_in_dim3A_215 = arith.constant 0.000000e+00 : f32
    %broadcast_in_dim3A_216 = vector.broadcast %broadcast_in_dim3A_215 : f32 to vector<16xf32>
    %swap3A_217 = arith.constant 9 : i32
    %swap3A_218 = arith.index_cast %swap3A_217 : i32 to index
    %swap3A_219 = arith.constant 0 : index
    %swap3A_220 = tpu.vector_load %arg9[%swap3A_218, %swap3A_219] {strides = array<i32>} : memref<16x64xf32, #tpu.memory_space<vmem>>, vector<16xf32>,
    tpu.vector_store %arg9[%swap3A_218, %swap3A_219], %broadcast_in_dim3A_216 {strides = array<i32>} : memref<16x64xf32, #tpu.memory_space<vmem>>, vector<16xf32>,
    %broadcast_in_dim3A_221 = arith.constant 0.000000e+00 : f32
    %broadcast_in_dim3A_222 = vector.broadcast %broadcast_in_dim3A_221 : f32 to vector<16xf32>
    %swap3A_223 = arith.constant 9 : i32
    %swap3A_224 = arith.index_cast %swap3A_223 : i32 to index
    %swap3A_225 = arith.constant 16 : index
    %swap3A_226 = tpu.vector_load %arg9[%swap3A_224, %swap3A_225] {strides = array<i32>} : memref<16x64xf32, #tpu.memory_space<vmem>>, vector<16xf32>,
    tpu.vector_store %arg9[%swap3A_224, %swap3A_225], %broadcast_in_dim3A_222 {strides = array<i32>} : memref<16x64xf32, #tpu.memory_space<vmem>>, vector<16xf32>,
    %broadcast_in_dim3A_227 = arith.constant 0.000000e+00 : f32
    %broadcast_in_dim3A_228 = vector.broadcast %broadcast_in_dim3A_227 : f32 to vector<16xf32>
    %swap3A_229 = arith.constant 9 : i32
    %swap3A_230 = arith.index_cast %swap3A_229 : i32 to index
    %swap3A_231 = arith.constant 32 : index
    %swap3A_232 = tpu.vector_load %arg9[%swap3A_230, %swap3A_231] {strides = array<i32>} : memref<16x64xf32, #tpu.memory_space<vmem>>, vector<16xf32>,
    tpu.vector_store %arg9[%swap3A_230, %swap3A_231], %broadcast_in_dim3A_228 {strides = array<i32>} : memref<16x64xf32, #tpu.memory_space<vmem>>, vector<16xf32>,
    %broadcast_in_dim3A_233 = arith.constant 0.000000e+00 : f32
    %broadcast_in_dim3A_234 = vector.broadcast %broadcast_in_dim3A_233 : f32 to vector<16xf32>
    %swap3A_235 = arith.constant 9 : i32
    %swap3A_236 = arith.index_cast %swap3A_235 : i32 to index
    %swap3A_237 = arith.constant 48 : index
    %swap3A_238 = tpu.vector_load %arg9[%swap3A_236, %swap3A_237] {strides = array<i32>} : memref<16x64xf32, #tpu.memory_space<vmem>>, vector<16xf32>,
    tpu.vector_store %arg9[%swap3A_236, %swap3A_237], %broadcast_in_dim3A_234 {strides = array<i32>} : memref<16x64xf32, #tpu.memory_space<vmem>>, vector<16xf32>,
    %broadcast_in_dim3A_239 = arith.constant 0.000000e+00 : f32
    %broadcast_in_dim3A_240 = vector.broadcast %broadcast_in_dim3A_239 : f32 to vector<16xf32>
    %swap3A_241 = arith.constant 10 : i32
    %swap3A_242 = arith.index_cast %swap3A_241 : i32 to index
    %swap3A_243 = arith.constant 0 : index
    %swap3A_244 = tpu.vector_load %arg9[%swap3A_242, %swap3A_243] {strides = array<i32>} : memref<16x64xf32, #tpu.memory_space<vmem>>, vector<16xf32>,
    tpu.vector_store %arg9[%swap3A_242, %swap3A_243], %broadcast_in_dim3A_240 {strides = array<i32>} : memref<16x64xf32, #tpu.memory_space<vmem>>, vector<16xf32>,
    %broadcast_in_dim3A_245 = arith.constant 0.000000e+00 : f32
    %broadcast_in_dim3A_246 = vector.broadcast %broadcast_in_dim3A_245 : f32 to vector<16xf32>
    %swap3A_247 = arith.constant 10 : i32
    %swap3A_248 = arith.index_cast %swap3A_247 : i32 to index
    %swap3A_249 = arith.constant 16 : index
    %swap3A_250 = tpu.vector_load %arg9[%swap3A_248, %swap3A_249] {strides = array<i32>} : memref<16x64xf32, #tpu.memory_space<vmem>>, vector<16xf32>,
    tpu.vector_store %arg9[%swap3A_248, %swap3A_249], %broadcast_in_dim3A_246 {strides = array<i32>} : memref<16x64xf32, #tpu.memory_space<vmem>>, vector<16xf32>,
    %broadcast_in_dim3A_251 = arith.constant 0.000000e+00 : f32
    %broadcast_in_dim3A_252 = vector.broadcast %broadcast_in_dim3A_251 : f32 to vector<16xf32>
    %swap3A_253 = arith.constant 10 : i32
    %swap3A_254 = arith.index_cast %swap3A_253 : i32 to index
    %swap3A_255 = arith.constant 32 : index
    %swap3A_256 = tpu.vector_load %arg9[%swap3A_254, %swap3A_255] {strides = array<i32>} : memref<16x64xf32, #tpu.memory_space<vmem>>, vector<16xf32>,
    tpu.vector_store %arg9[%swap3A_254, %swap3A_255], %broadcast_in_dim3A_252 {strides = array<i32>} : memref<16x64xf32, #tpu.memory_space<vmem>>, vector<16xf32>,
    %broadcast_in_dim3A_257 = arith.constant 0.000000e+00 : f32
    %broadcast_in_dim3A_258 = vector.broadcast %broadcast_in_dim3A_257 : f32 to vector<16xf32>
    %swap3A_259 = arith.constant 10 : i32
    %swap3A_260 = arith.index_cast %swap3A_259 : i32 to index
    %swap3A_261 = arith.constant 48 : index
    %swap3A_262 = tpu.vector_load %arg9[%swap3A_260, %swap3A_261] {strides = array<i32>} : memref<16x64xf32, #tpu.memory_space<vmem>>, vector<16xf32>,
    tpu.vector_store %arg9[%swap3A_260, %swap3A_261], %broadcast_in_dim3A_258 {strides = array<i32>} : memref<16x64xf32, #tpu.memory_space<vmem>>, vector<16xf32>,
    %broadcast_in_dim3A_263 = arith.constant 0.000000e+00 : f32
    %broadcast_in_dim3A_264 = vector.broadcast %broadcast_in_dim3A_263 : f32 to vector<16xf32>
    %swap3A_265 = arith.constant 11 : i32
    %swap3A_266 = arith.index_cast %swap3A_265 : i32 to index
    %swap3A_267 = arith.constant 0 : index
    %swap3A_268 = tpu.vector_load %arg9[%swap3A_266, %swap3A_267] {strides = array<i32>} : memref<16x64xf32, #tpu.memory_space<vmem>>, vector<16xf32>,
    tpu.vector_store %arg9[%swap3A_266, %swap3A_267], %broadcast_in_dim3A_264 {strides = array<i32>} : memref<16x64xf32, #tpu.memory_space<vmem>>, vector<16xf32>,
    %broadcast_in_dim3A_269 = arith.constant 0.000000e+00 : f32
    %broadcast_in_dim3A_270 = vector.broadcast %broadcast_in_dim3A_269 : f32 to vector<16xf32>
    %swap3A_271 = arith.constant 11 : i32
    %swap3A_272 = arith.index_cast %swap3A_271 : i32 to index
    %swap3A_273 = arith.constant 16 : index
    %swap3A_274 = tpu.vector_load %arg9[%swap3A_272, %swap3A_273] {strides = array<i32>} : memref<16x64xf32, #tpu.memory_space<vmem>>, vector<16xf32>,
    tpu.vector_store %arg9[%swap3A_272, %swap3A_273], %broadcast_in_dim3A_270 {strides = array<i32>} : memref<16x64xf32, #tpu.memory_space<vmem>>, vector<16xf32>,
    %broadcast_in_dim3A_275 = arith.constant 0.000000e+00 : f32
    %broadcast_in_dim3A_276 = vector.broadcast %broadcast_in_dim3A_275 : f32 to vector<16xf32>
    %swap3A_277 = arith.constant 11 : i32
    %swap3A_278 = arith.index_cast %swap3A_277 : i32 to index
    %swap3A_279 = arith.constant 32 : index
    %swap3A_280 = tpu.vector_load %arg9[%swap3A_278, %swap3A_279] {strides = array<i32>} : memref<16x64xf32, #tpu.memory_space<vmem>>, vector<16xf32>,
    tpu.vector_store %arg9[%swap3A_278, %swap3A_279], %broadcast_in_dim3A_276 {strides = array<i32>} : memref<16x64xf32, #tpu.memory_space<vmem>>, vector<16xf32>,
    %broadcast_in_dim3A_281 = arith.constant 0.000000e+00 : f32
    %broadcast_in_dim3A_282 = vector.broadcast %broadcast_in_dim3A_281 : f32 to vector<16xf32>
    %swap3A_283 = arith.constant 11 : i32
    %swap3A_284 = arith.index_cast %swap3A_283 : i32 to index
    %swap3A_285 = arith.constant 48 : index
    %swap3A_286 = tpu.vector_load %arg9[%swap3A_284, %swap3A_285] {strides = array<i32>} : memref<16x64xf32, #tpu.memory_space<vmem>>, vector<16xf32>,
    tpu.vector_store %arg9[%swap3A_284, %swap3A_285], %broadcast_in_dim3A_282 {strides = array<i32>} : memref<16x64xf32, #tpu.memory_space<vmem>>, vector<16xf32>,
    %broadcast_in_dim3A_287 = arith.constant 0.000000e+00 : f32
    %broadcast_in_dim3A_288 = vector.broadcast %broadcast_in_dim3A_287 : f32 to vector<16xf32>
    %swap3A_289 = arith.constant 12 : i32
    %swap3A_290 = arith.index_cast %swap3A_289 : i32 to index
    %swap3A_291 = arith.constant 0 : index
    %swap3A_292 = tpu.vector_load %arg9[%swap3A_290, %swap3A_291] {strides = array<i32>} : memref<16x64xf32, #tpu.memory_space<vmem>>, vector<16xf32>,
    tpu.vector_store %arg9[%swap3A_290, %swap3A_291], %broadcast_in_dim3A_288 {strides = array<i32>} : memref<16x64xf32, #tpu.memory_space<vmem>>, vector<16xf32>,
    %broadcast_in_dim3A_293 = arith.constant 0.000000e+00 : f32
    %broadcast_in_dim3A_294 = vector.broadcast %broadcast_in_dim3A_293 : f32 to vector<16xf32>
    %swap3A_295 = arith.constant 12 : i32
    %swap3A_296 = arith.index_cast %swap3A_295 : i32 to index
    %swap3A_297 = arith.constant 16 : index
    %swap3A_298 = tpu.vector_load %arg9[%swap3A_296, %swap3A_297] {strides = array<i32>} : memref<16x64xf32, #tpu.memory_space<vmem>>, vector<16xf32>,
    tpu.vector_store %arg9[%swap3A_296, %swap3A_297], %broadcast_in_dim3A_294 {strides = array<i32>} : memref<16x64xf32, #tpu.memory_space<vmem>>, vector<16xf32>,
    %broadcast_in_dim3A_299 = arith.constant 0.000000e+00 : f32
    %broadcast_in_dim3A_300 = vector.broadcast %broadcast_in_dim3A_299 : f32 to vector<16xf32>
    %swap3A_301 = arith.constant 12 : i32
    %swap3A_302 = arith.index_cast %swap3A_301 : i32 to index
    %swap3A_303 = arith.constant 32 : index
    %swap3A_304 = tpu.vector_load %arg9[%swap3A_302, %swap3A_303] {strides = array<i32>} : memref<16x64xf32, #tpu.memory_space<vmem>>, vector<16xf32>,
    tpu.vector_store %arg9[%swap3A_302, %swap3A_303], %broadcast_in_dim3A_300 {strides = array<i32>} : memref<16x64xf32, #tpu.memory_space<vmem>>, vector<16xf32>,
    %broadcast_in_dim3A_305 = arith.constant 0.000000e+00 : f32
    %broadcast_in_dim3A_306 = vector.broadcast %broadcast_in_dim3A_305 : f32 to vector<16xf32>
    %swap3A_307 = arith.constant 12 : i32
    %swap3A_308 = arith.index_cast %swap3A_307 : i32 to index
    %swap3A_309 = arith.constant 48 : index
    %swap3A_310 = tpu.vector_load %arg9[%swap3A_308, %swap3A_309] {strides = array<i32>} : memref<16x64xf32, #tpu.memory_space<vmem>>, vector<16xf32>,
    tpu.vector_store %arg9[%swap3A_308, %swap3A_309], %broadcast_in_dim3A_306 {strides = array<i32>} : memref<16x64xf32, #tpu.memory_space<vmem>>, vector<16xf32>,
    %broadcast_in_dim3A_311 = arith.constant 0.000000e+00 : f32
    %broadcast_in_dim3A_312 = vector.broadcast %broadcast_in_dim3A_311 : f32 to vector<16xf32>
    %swap3A_313 = arith.constant 13 : i32
    %swap3A_314 = arith.index_cast %swap3A_313 : i32 to index
    %swap3A_315 = arith.constant 0 : index
    %swap3A_316 = tpu.vector_load %arg9[%swap3A_314, %swap3A_315] {strides = array<i32>} : memref<16x64xf32, #tpu.memory_space<vmem>>, vector<16xf32>,
    tpu.vector_store %arg9[%swap3A_314, %swap3A_315], %broadcast_in_dim3A_312 {strides = array<i32>} : memref<16x64xf32, #tpu.memory_space<vmem>>, vector<16xf32>,
    %broadcast_in_dim3A_317 = arith.constant 0.000000e+00 : f32
    %broadcast_in_dim3A_318 = vector.broadcast %broadcast_in_dim3A_317 : f32 to vector<16xf32>
    %swap3A_319 = arith.constant 13 : i32
    %swap3A_320 = arith.index_cast %swap3A_319 : i32 to index
    %swap3A_321 = arith.constant 16 : index
    %swap3A_322 = tpu.vector_load %arg9[%swap3A_320, %swap3A_321] {strides = array<i32>} : memref<16x64xf32, #tpu.memory_space<vmem>>, vector<16xf32>,
    tpu.vector_store %arg9[%swap3A_320, %swap3A_321], %broadcast_in_dim3A_318 {strides = array<i32>} : memref<16x64xf32, #tpu.memory_space<vmem>>, vector<16xf32>,
    %broadcast_in_dim3A_323 = arith.constant 0.000000e+00 : f32
    %broadcast_in_dim3A_324 = vector.broadcast %broadcast_in_dim3A_323 : f32 to vector<16xf32>
    %swap3A_325 = arith.constant 13 : i32
    %swap3A_326 = arith.index_cast %swap3A_325 : i32 to index
    %swap3A_327 = arith.constant 32 : index
    %swap3A_328 = tpu.vector_load %arg9[%swap3A_326, %swap3A_327] {strides = array<i32>} : memref<16x64xf32, #tpu.memory_space<vmem>>, vector<16xf32>,
    tpu.vector_store %arg9[%swap3A_326, %swap3A_327], %broadcast_in_dim3A_324 {strides = array<i32>} : memref<16x64xf32, #tpu.memory_space<vmem>>, vector<16xf32>,
    %broadcast_in_dim3A_329 = arith.constant 0.000000e+00 : f32
    %broadcast_in_dim3A_330 = vector.broadcast %broadcast_in_dim3A_329 : f32 to vector<16xf32>
    %swap3A_331 = arith.constant 13 : i32
    %swap3A_332 = arith.index_cast %swap3A_331 : i32 to index
    %swap3A_333 = arith.constant 48 : index
    %swap3A_334 = tpu.vector_load %arg9[%swap3A_332, %swap3A_333] {strides = array<i32>} : memref<16x64xf32, #tpu.memory_space<vmem>>, vector<16xf32>,
    tpu.vector_store %arg9[%swap3A_332, %swap3A_333], %broadcast_in_dim3A_330 {strides = array<i32>} : memref<16x64xf32, #tpu.memory_space<vmem>>, vector<16xf32>,
    %broadcast_in_dim3A_335 = arith.constant 0.000000e+00 : f32
    %broadcast_in_dim3A_336 = vector.broadcast %broadcast_in_dim3A_335 : f32 to vector<16xf32>
    %swap3A_337 = arith.constant 14 : i32
    %swap3A_338 = arith.index_cast %swap3A_337 : i32 to index
    %swap3A_339 = arith.constant 0 : index
    %swap3A_340 = tpu.vector_load %arg9[%swap3A_338, %swap3A_339] {strides = array<i32>} : memref<16x64xf32, #tpu.memory_space<vmem>>, vector<16xf32>,
    tpu.vector_store %arg9[%swap3A_338, %swap3A_339], %broadcast_in_dim3A_336 {strides = array<i32>} : memref<16x64xf32, #tpu.memory_space<vmem>>, vector<16xf32>,
    %broadcast_in_dim3A_341 = arith.constant 0.000000e+00 : f32
    %broadcast_in_dim3A_342 = vector.broadcast %broadcast_in_dim3A_341 : f32 to vector<16xf32>
    %swap3A_343 = arith.constant 14 : i32
    %swap3A_344 = arith.index_cast %swap3A_343 : i32 to index
    %swap3A_345 = arith.constant 16 : index
    %swap3A_346 = tpu.vector_load %arg9[%swap3A_344, %swap3A_345] {strides = array<i32>} : memref<16x64xf32, #tpu.memory_space<vmem>>, vector<16xf32>,
    tpu.vector_store %arg9[%swap3A_344, %swap3A_345], %broadcast_in_dim3A_342 {strides = array<i32>} : memref<16x64xf32, #tpu.memory_space<vmem>>, vector<16xf32>,
    %broadcast_in_dim3A_347 = arith.constant 0.000000e+00 : f32
    %broadcast_in_dim3A_348 = vector.broadcast %broadcast_in_dim3A_347 : f32 to vector<16xf32>
    %swap3A_349 = arith.constant 14 : i32
    %swap3A_350 = arith.index_cast %swap3A_349 : i32 to index
    %swap3A_351 = arith.constant 32 : index
    %swap3A_352 = tpu.vector_load %arg9[%swap3A_350, %swap3A_351] {strides = array<i32>} : memref<16x64xf32, #tpu.memory_space<vmem>>, vector<16xf32>,
    tpu.vector_store %arg9[%swap3A_350, %swap3A_351], %broadcast_in_dim3A_348 {strides = array<i32>} : memref<16x64xf32, #tpu.memory_space<vmem>>, vector<16xf32>,
    %broadcast_in_dim3A_353 = arith.constant 0.000000e+00 : f32
    %broadcast_in_dim3A_354 = vector.broadcast %broadcast_in_dim3A_353 : f32 to vector<16xf32>
    %swap3A_355 = arith.constant 14 : i32
    %swap3A_356 = arith.index_cast %swap3A_355 : i32 to index
    %swap3A_357 = arith.constant 48 : index
    %swap3A_358 = tpu.vector_load %arg9[%swap3A_356, %swap3A_357] {strides = array<i32>} : memref<16x64xf32, #tpu.memory_space<vmem>>, vector<16xf32>,
    tpu.vector_store %arg9[%swap3A_356, %swap3A_357], %broadcast_in_dim3A_354 {strides = array<i32>} : memref<16x64xf32, #tpu.memory_space<vmem>>, vector<16xf32>,
    %broadcast_in_dim3A_359 = arith.constant 0.000000e+00 : f32
    %broadcast_in_dim3A_360 = vector.broadcast %broadcast_in_dim3A_359 : f32 to vector<16xf32>
    %swap3A_361 = arith.constant 15 : i32
    %swap3A_362 = arith.index_cast %swap3A_361 : i32 to index
    %swap3A_363 = arith.constant 0 : index
    %swap3A_364 = tpu.vector_load %arg9[%swap3A_362, %swap3A_363] {strides = array<i32>} : memref<16x64xf32, #tpu.memory_space<vmem>>, vector<16xf32>,
    tpu.vector_store %arg9[%swap3A_362, %swap3A_363], %broadcast_in_dim3A_360 {strides = array<i32>} : memref<16x64xf32, #tpu.memory_space<vmem>>, vector<16xf32>,
    %broadcast_in_dim3A_365 = arith.constant 0.000000e+00 : f32
    %broadcast_in_dim3A_366 = vector.broadcast %broadcast_in_dim3A_365 : f32 to vector<16xf32>
    %swap3A_367 = arith.constant 15 : i32
    %swap3A_368 = arith.index_cast %swap3A_367 : i32 to index
    %swap3A_369 = arith.constant 16 : index
    %swap3A_370 = tpu.vector_load %arg9[%swap3A_368, %swap3A_369] {strides = array<i32>} : memref<16x64xf32, #tpu.memory_space<vmem>>, vector<16xf32>,
    tpu.vector_store %arg9[%swap3A_368, %swap3A_369], %broadcast_in_dim3A_366 {strides = array<i32>} : memref<16x64xf32, #tpu.memory_space<vmem>>, vector<16xf32>,
    %broadcast_in_dim3A_371 = arith.constant 0.000000e+00 : f32
    %broadcast_in_dim3A_372 = vector.broadcast %broadcast_in_dim3A_371 : f32 to vector<16xf32>
    %swap3A_373 = arith.constant 15 : i32
    %swap3A_374 = arith.index_cast %swap3A_373 : i32 to index
    %swap3A_375 = arith.constant 32 : index
    %swap3A_376 = tpu.vector_load %arg9[%swap3A_374, %swap3A_375] {strides = array<i32>} : memref<16x64xf32, #tpu.memory_space<vmem>>, vector<16xf32>,
    tpu.vector_store %arg9[%swap3A_374, %swap3A_375], %broadcast_in_dim3A_372 {strides = array<i32>} : memref<16x64xf32, #tpu.memory_space<vmem>>, vector<16xf32>,
    %broadcast_in_dim3A_377 = arith.constant 0.000000e+00 : f32
    %broadcast_in_dim3A_378 = vector.broadcast %broadcast_in_dim3A_377 : f32 to vector<16xf32>
    %swap3A_379 = arith.constant 15 : i32
    %swap3A_380 = arith.index_cast %swap3A_379 : i32 to index
    %swap3A_381 = arith.constant 48 : index
    %swap3A_382 = tpu.vector_load %arg9[%swap3A_380, %swap3A_381] {strides = array<i32>} : memref<16x64xf32, #tpu.memory_space<vmem>>, vector<16xf32>,
    tpu.vector_store %arg9[%swap3A_380, %swap3A_381], %broadcast_in_dim3A_378 {strides = array<i32>} : memref<16x64xf32, #tpu.memory_space<vmem>>, vector<16xf32>,
    %mul3A_383 = arith.constant 16 : i32
    %mul3A_384 = arith.muli %arg1, %mul3A_383 : i32
    "tpu.region"() ({
      %run_scoped3A = tpu.sem_alloc : memref<!tpu.dma_semaphore, #tpu.memory_space<semaphore_mem>>
      %dma_start3A_2630 = arith.constant 0 : i32
      %dma_start3A_2631 = tpu.memref_slice %arg10[%mul3A_384, %dma_start3A_2630] : memref<288x64xf32, #tpu.memory_space<vmem_shared>> -> memref<16x64xf32, #tpu.memory_space<vmem_shared>>
      %dma_start3A_2632 = arith.constant 0 : i32
      %dma_start3A_2633 = tpu.memref_slice %arg10[%mul3A_384, %dma_start3A_2632] : memref<288x64xf32, #tpu.memory_space<vmem_shared>> -> memref<16x64xf32, #tpu.memory_space<vmem_shared>>
      tpu.enqueue_dma source(%arg9 : memref<16x64xf32, #tpu.memory_space<vmem>>) target(%dma_start3A_2633 : memref<16x64xf32, #tpu.memory_space<vmem_shared>>) target_semaphore(%run_scoped3A : memref<!tpu.dma_semaphore, #tpu.memory_space<semaphore_mem>>)
      %dma_wait3A_2634 = arith.constant 0 : i32
      %dma_wait3A_2635 = tpu.memref_slice %arg10[%mul3A_384, %dma_wait3A_2634] : memref<288x64xf32, #tpu.memory_space<vmem_shared>> -> memref<16x64xf32, #tpu.memory_space<vmem_shared>>
      %dma_wait3A_2636 = arith.constant 0 : i32
      %dma_wait3A_2637 = tpu.memref_slice %arg10[%mul3A_384, %dma_wait3A_2636] : memref<288x64xf32, #tpu.memory_space<vmem_shared>> -> memref<16x64xf32, #tpu.memory_space<vmem_shared>>
      tpu.wait_dma2 semaphore(%run_scoped3A : memref<!tpu.dma_semaphore, #tpu.memory_space<semaphore_mem>>) src(%arg9 : memref<16x64xf32, #tpu.memory_space<vmem>>) dst(%dma_wait3A_2637 : memref<16x64xf32, #tpu.memory_space<vmem_shared>>)
      tpu.yield
    }) : () -> ()
    %lt3A = arith.constant 2 : i32
    %lt3A_385 = arith.cmpi slt, %arg1, %lt3A : i32
    %convert_element_type3A = arith.extui %lt3A_385 : i1 to i32
    %cond3A = arith.constant 0 : i32
    %cond3A_386 = arith.cmpi ne, %convert_element_type3A, %cond3A : i32
    scf.if %cond3A_386 {
      %add3A_2630 = arith.constant 16 : i32
      %add3A_2631 = arith.addi %add3A_2630, %arg1 : i32
      %mul3A_2632 = arith.constant 16 : i32
      %mul3A_2633 = arith.muli %add3A_2631, %mul3A_2632 : i32
      "tpu.region"() ({
        %run_scoped3A = tpu.sem_alloc : memref<!tpu.dma_semaphore, #tpu.memory_space<semaphore_mem>>
        %dma_start3A_2634 = arith.constant 0 : i32
        %dma_start3A_2635 = tpu.memref_slice %arg10[%mul3A_2633, %dma_start3A_2634] : memref<288x64xf32, #tpu.memory_space<vmem_shared>> -> memref<16x64xf32, #tpu.memory_space<vmem_shared>>
        %dma_start3A_2636 = arith.constant 0 : i32
        %dma_start3A_2637 = tpu.memref_slice %arg10[%mul3A_2633, %dma_start3A_2636] : memref<288x64xf32, #tpu.memory_space<vmem_shared>> -> memref<16x64xf32, #tpu.memory_space<vmem_shared>>
        tpu.enqueue_dma source(%arg9 : memref<16x64xf32, #tpu.memory_space<vmem>>) target(%dma_start3A_2637 : memref<16x64xf32, #tpu.memory_space<vmem_shared>>) target_semaphore(%run_scoped3A : memref<!tpu.dma_semaphore, #tpu.memory_space<semaphore_mem>>)
        %dma_wait3A_2638 = arith.constant 0 : i32
        %dma_wait3A_2639 = tpu.memref_slice %arg10[%mul3A_2633, %dma_wait3A_2638] : memref<288x64xf32, #tpu.memory_space<vmem_shared>> -> memref<16x64xf32, #tpu.memory_space<vmem_shared>>
        %dma_wait3A_2640 = arith.constant 0 : i32
        %dma_wait3A_2641 = tpu.memref_slice %arg10[%mul3A_2633, %dma_wait3A_2640] : memref<288x64xf32, #tpu.memory_space<vmem_shared>> -> memref<16x64xf32, #tpu.memory_space<vmem_shared>>
        tpu.wait_dma2 semaphore(%run_scoped3A : memref<!tpu.dma_semaphore, #tpu.memory_space<semaphore_mem>>) src(%arg9 : memref<16x64xf32, #tpu.memory_space<vmem>>) dst(%dma_wait3A_2641 : memref<16x64xf32, #tpu.memory_space<vmem_shared>>)
        tpu.yield
      }) : () -> ()
    } else {
    }
    %barrier3A = arith.constant 0 : index
    tpu.barrier barrier_id(%barrier3A)
    %add3A = arith.constant 0 : i32
    %add3A_387 = arith.addi %arg1, %add3A : i32
    %mul3A_388 = arith.constant 256 : i32
    %mul3A_389 = arith.muli %add3A_387, %mul3A_388 : i32
    %add3A_390 = arith.constant 24576 : i32
    %add3A_391 = arith.addi %add3A_390, %mul3A_389 : i32
    %dma_start3A = arith.constant 0 : i32
    %dma_start3A_392 = arith.constant 0 : i32
    %dma_start3A_393 = arith.constant 0 : i32
    %dma_start3A_394 = tpu.memref_slice %arg5[%dma_start3A, %dma_start3A_392, %dma_start3A_393] : memref<4x256x64xf32, #tpu.memory_space<vmem>> -> memref<1x256x64xf32, #tpu.memory_space<vmem>>
    %dma_start3A_395 = tpu.memref_squeeze %dma_start3A_394 : memref<1x256x64xf32, #tpu.memory_space<vmem>> -> memref<256x64xf32, #tpu.memory_space<vmem>>
    %dma_start3A_396 = tpu.memref_slice %arg2[%add3A_391, %mul3A_0] : memref<100000x128xf32, #tpu.memory_space<hbm>> -> memref<256x64xf32, #tpu.memory_space<hbm>>
    %dma_start3A_397 = arith.constant 0 : i32
    %dma_start3A_398 = arith.constant 0 : i32
    %dma_start3A_399 = tpu.memref_slice %arg5[%dma_start3A, %dma_start3A_397, %dma_start3A_398] : memref<4x256x64xf32, #tpu.memory_space<vmem>> -> memref<1x256x64xf32, #tpu.memory_space<vmem>>
    %dma_start3A_400 = tpu.memref_squeeze %dma_start3A_399 : memref<1x256x64xf32, #tpu.memory_space<vmem>> -> memref<256x64xf32, #tpu.memory_space<vmem>>
    %dma_start3A_401 = tpu.memref_slice %arg2[%add3A_391, %mul3A_0] : memref<100000x128xf32, #tpu.memory_space<hbm>> -> memref<256x64xf32, #tpu.memory_space<hbm>>
    tpu.enqueue_dma source(%dma_start3A_401 : memref<256x64xf32, #tpu.memory_space<hbm>>) target(%dma_start3A_400 : memref<256x64xf32, #tpu.memory_space<vmem>>) target_semaphore(%arg11 : memref<!tpu.dma_semaphore, #tpu.memory_space<semaphore_mem>>)
    %add3A_402 = arith.constant 0 : i32
    %add3A_403 = arith.addi %add3A_391, %add3A_402 : i32
    %dma_start3A_404 = arith.constant 0 : i32
    %dma_start3A_405 = arith.constant 0 : i32
    %dma_start3A_406 = arith.constant 0 : i32
    %dma_start3A_407 = tpu.memref_slice %arg6[%dma_start3A_404, %dma_start3A_405, %dma_start3A_406] : memref<4x2x128xi32, #tpu.memory_space<vmem>> -> memref<1x1x128xi32, #tpu.memory_space<vmem>>
    %dma_start3A_408 = tpu.memref_squeeze %dma_start3A_407 : memref<1x1x128xi32, #tpu.memory_space<vmem>> -> memref<128xi32, #tpu.memory_space<vmem>>
    %dma_start3A_409 = tpu.memref_slice %arg3[%add3A_403] : memref<100000xi32, #tpu.memory_space<hbm>> -> memref<128xi32, #tpu.memory_space<hbm>>
    %dma_start3A_410 = arith.constant 0 : i32
    %dma_start3A_411 = tpu.memref_slice %arg6[%dma_start3A_404, %dma_start3A_405, %dma_start3A_410] : memref<4x2x128xi32, #tpu.memory_space<vmem>> -> memref<1x1x128xi32, #tpu.memory_space<vmem>>
    %dma_start3A_412 = tpu.memref_squeeze %dma_start3A_411 : memref<1x1x128xi32, #tpu.memory_space<vmem>> -> memref<128xi32, #tpu.memory_space<vmem>>
    %dma_start3A_413 = tpu.memref_slice %arg3[%add3A_403] : memref<100000xi32, #tpu.memory_space<hbm>> -> memref<128xi32, #tpu.memory_space<hbm>>
    tpu.enqueue_dma source(%dma_start3A_413 : memref<128xi32, #tpu.memory_space<hbm>>) target(%dma_start3A_412 : memref<128xi32, #tpu.memory_space<vmem>>) target_semaphore(%arg11 : memref<!tpu.dma_semaphore, #tpu.memory_space<semaphore_mem>>)
    %add3A_414 = arith.constant 128 : i32
    %add3A_415 = arith.addi %add3A_391, %add3A_414 : i32
    %dma_start3A_416 = arith.constant 0 : i32
    %dma_start3A_417 = arith.constant 1 : i32
    %dma_start3A_418 = arith.constant 0 : i32
    %dma_start3A_419 = tpu.memref_slice %arg6[%dma_start3A_416, %dma_start3A_417, %dma_start3A_418] : memref<4x2x128xi32, #tpu.memory_space<vmem>> -> memref<1x1x128xi32, #tpu.memory_space<vmem>>
    %dma_start3A_420 = tpu.memref_squeeze %dma_start3A_419 : memref<1x1x128xi32, #tpu.memory_space<vmem>> -> memref<128xi32, #tpu.memory_space<vmem>>
    %dma_start3A_421 = tpu.memref_slice %arg3[%add3A_415] : memref<100000xi32, #tpu.memory_space<hbm>> -> memref<128xi32, #tpu.memory_space<hbm>>
    %dma_start3A_422 = arith.constant 0 : i32
    %dma_start3A_423 = tpu.memref_slice %arg6[%dma_start3A_416, %dma_start3A_417, %dma_start3A_422] : memref<4x2x128xi32, #tpu.memory_space<vmem>> -> memref<1x1x128xi32, #tpu.memory_space<vmem>>
    %dma_start3A_424 = tpu.memref_squeeze %dma_start3A_423 : memref<1x1x128xi32, #tpu.memory_space<vmem>> -> memref<128xi32, #tpu.memory_space<vmem>>
    %dma_start3A_425 = tpu.memref_slice %arg3[%add3A_415] : memref<100000xi32, #tpu.memory_space<hbm>> -> memref<128xi32, #tpu.memory_space<hbm>>
    tpu.enqueue_dma source(%dma_start3A_425 : memref<128xi32, #tpu.memory_space<hbm>>) target(%dma_start3A_424 : memref<128xi32, #tpu.memory_space<vmem>>) target_semaphore(%arg11 : memref<!tpu.dma_semaphore, #tpu.memory_space<semaphore_mem>>)
    %add3A_426 = arith.constant 16 : i32
    %add3A_427 = arith.addi %arg1, %add3A_426 : i32
    %mul3A_428 = arith.constant 256 : i32
    %mul3A_429 = arith.muli %add3A_427, %mul3A_428 : i32
    %add3A_430 = arith.constant 24576 : i32
    %add3A_431 = arith.addi %add3A_430, %mul3A_429 : i32
    %dma_start3A_432 = arith.constant 1 : i32
    %dma_start3A_433 = arith.constant 0 : i32
    %dma_start3A_434 = arith.constant 0 : i32
    %dma_start3A_435 = tpu.memref_slice %arg5[%dma_start3A_432, %dma_start3A_433, %dma_start3A_434] : memref<4x256x64xf32, #tpu.memory_space<vmem>> -> memref<1x256x64xf32, #tpu.memory_space<vmem>>
    %dma_start3A_436 = tpu.memref_squeeze %dma_start3A_435 : memref<1x256x64xf32, #tpu.memory_space<vmem>> -> memref<256x64xf32, #tpu.memory_space<vmem>>
    %dma_start3A_437 = tpu.memref_slice %arg2[%add3A_431, %mul3A_0] : memref<100000x128xf32, #tpu.memory_space<hbm>> -> memref<256x64xf32, #tpu.memory_space<hbm>>
    %dma_start3A_438 = arith.constant 0 : i32
    %dma_start3A_439 = arith.constant 0 : i32
    %dma_start3A_440 = tpu.memref_slice %arg5[%dma_start3A_432, %dma_start3A_438, %dma_start3A_439] : memref<4x256x64xf32, #tpu.memory_space<vmem>> -> memref<1x256x64xf32, #tpu.memory_space<vmem>>
    %dma_start3A_441 = tpu.memref_squeeze %dma_start3A_440 : memref<1x256x64xf32, #tpu.memory_space<vmem>> -> memref<256x64xf32, #tpu.memory_space<vmem>>
    %dma_start3A_442 = tpu.memref_slice %arg2[%add3A_431, %mul3A_0] : memref<100000x128xf32, #tpu.memory_space<hbm>> -> memref<256x64xf32, #tpu.memory_space<hbm>>
    tpu.enqueue_dma source(%dma_start3A_442 : memref<256x64xf32, #tpu.memory_space<hbm>>) target(%dma_start3A_441 : memref<256x64xf32, #tpu.memory_space<vmem>>) target_semaphore(%arg12 : memref<!tpu.dma_semaphore, #tpu.memory_space<semaphore_mem>>)
    %add3A_443 = arith.constant 0 : i32
    %add3A_444 = arith.addi %add3A_431, %add3A_443 : i32
    %dma_start3A_445 = arith.constant 1 : i32
    %dma_start3A_446 = arith.constant 0 : i32
    %dma_start3A_447 = arith.constant 0 : i32
    %dma_start3A_448 = tpu.memref_slice %arg6[%dma_start3A_445, %dma_start3A_446, %dma_start3A_447] : memref<4x2x128xi32, #tpu.memory_space<vmem>> -> memref<1x1x128xi32, #tpu.memory_space<vmem>>
    %dma_start3A_449 = tpu.memref_squeeze %dma_start3A_448 : memref<1x1x128xi32, #tpu.memory_space<vmem>> -> memref<128xi32, #tpu.memory_space<vmem>>
    %dma_start3A_450 = tpu.memref_slice %arg3[%add3A_444] : memref<100000xi32, #tpu.memory_space<hbm>> -> memref<128xi32, #tpu.memory_space<hbm>>
    %dma_start3A_451 = arith.constant 0 : i32
    %dma_start3A_452 = tpu.memref_slice %arg6[%dma_start3A_445, %dma_start3A_446, %dma_start3A_451] : memref<4x2x128xi32, #tpu.memory_space<vmem>> -> memref<1x1x128xi32, #tpu.memory_space<vmem>>
    %dma_start3A_453 = tpu.memref_squeeze %dma_start3A_452 : memref<1x1x128xi32, #tpu.memory_space<vmem>> -> memref<128xi32, #tpu.memory_space<vmem>>
    %dma_start3A_454 = tpu.memref_slice %arg3[%add3A_444] : memref<100000xi32, #tpu.memory_space<hbm>> -> memref<128xi32, #tpu.memory_space<hbm>>
    tpu.enqueue_dma source(%dma_start3A_454 : memref<128xi32, #tpu.memory_space<hbm>>) target(%dma_start3A_453 : memref<128xi32, #tpu.memory_space<vmem>>) target_semaphore(%arg12 : memref<!tpu.dma_semaphore, #tpu.memory_space<semaphore_mem>>)
    %add3A_455 = arith.constant 128 : i32
    %add3A_456 = arith.addi %add3A_431, %add3A_455 : i32
    %dma_start3A_457 = arith.constant 1 : i32
    %dma_start3A_458 = arith.constant 1 : i32
    %dma_start3A_459 = arith.constant 0 : i32
    %dma_start3A_460 = tpu.memref_slice %arg6[%dma_start3A_457, %dma_start3A_458, %dma_start3A_459] : memref<4x2x128xi32, #tpu.memory_space<vmem>> -> memref<1x1x128xi32, #tpu.memory_space<vmem>>
    %dma_start3A_461 = tpu.memref_squeeze %dma_start3A_460 : memref<1x1x128xi32, #tpu.memory_space<vmem>> -> memref<128xi32, #tpu.memory_space<vmem>>
    %dma_start3A_462 = tpu.memref_slice %arg3[%add3A_456] : memref<100000xi32, #tpu.memory_space<hbm>> -> memref<128xi32, #tpu.memory_space<hbm>>
    %dma_start3A_463 = arith.constant 0 : i32
    %dma_start3A_464 = tpu.memref_slice %arg6[%dma_start3A_457, %dma_start3A_458, %dma_start3A_463] : memref<4x2x128xi32, #tpu.memory_space<vmem>> -> memref<1x1x128xi32, #tpu.memory_space<vmem>>
    %dma_start3A_465 = tpu.memref_squeeze %dma_start3A_464 : memref<1x1x128xi32, #tpu.memory_space<vmem>> -> memref<128xi32, #tpu.memory_space<vmem>>
    %dma_start3A_466 = tpu.memref_slice %arg3[%add3A_456] : memref<100000xi32, #tpu.memory_space<hbm>> -> memref<128xi32, #tpu.memory_space<hbm>>
    tpu.enqueue_dma source(%dma_start3A_466 : memref<128xi32, #tpu.memory_space<hbm>>) target(%dma_start3A_465 : memref<128xi32, #tpu.memory_space<vmem>>) target_semaphore(%arg12 : memref<!tpu.dma_semaphore, #tpu.memory_space<semaphore_mem>>)
    %add3A_467 = arith.constant 32 : i32
    %add3A_468 = arith.addi %arg1, %add3A_467 : i32
    %mul3A_469 = arith.constant 256 : i32
    %mul3A_470 = arith.muli %add3A_468, %mul3A_469 : i32
    %add3A_471 = arith.constant 24576 : i32
    %add3A_472 = arith.addi %add3A_471, %mul3A_470 : i32
    %dma_start3A_473 = arith.constant 2 : i32
    %dma_start3A_474 = arith.constant 0 : i32
    %dma_start3A_475 = arith.constant 0 : i32
    %dma_start3A_476 = tpu.memref_slice %arg5[%dma_start3A_473, %dma_start3A_474, %dma_start3A_475] : memref<4x256x64xf32, #tpu.memory_space<vmem>> -> memref<1x256x64xf32, #tpu.memory_space<vmem>>
    %dma_start3A_477 = tpu.memref_squeeze %dma_start3A_476 : memref<1x256x64xf32, #tpu.memory_space<vmem>> -> memref<256x64xf32, #tpu.memory_space<vmem>>
    %dma_start3A_478 = tpu.memref_slice %arg2[%add3A_472, %mul3A_0] : memref<100000x128xf32, #tpu.memory_space<hbm>> -> memref<256x64xf32, #tpu.memory_space<hbm>>
    %dma_start3A_479 = arith.constant 0 : i32
    %dma_start3A_480 = arith.constant 0 : i32
    %dma_start3A_481 = tpu.memref_slice %arg5[%dma_start3A_473, %dma_start3A_479, %dma_start3A_480] : memref<4x256x64xf32, #tpu.memory_space<vmem>> -> memref<1x256x64xf32, #tpu.memory_space<vmem>>
    %dma_start3A_482 = tpu.memref_squeeze %dma_start3A_481 : memref<1x256x64xf32, #tpu.memory_space<vmem>> -> memref<256x64xf32, #tpu.memory_space<vmem>>
    %dma_start3A_483 = tpu.memref_slice %arg2[%add3A_472, %mul3A_0] : memref<100000x128xf32, #tpu.memory_space<hbm>> -> memref<256x64xf32, #tpu.memory_space<hbm>>
    tpu.enqueue_dma source(%dma_start3A_483 : memref<256x64xf32, #tpu.memory_space<hbm>>) target(%dma_start3A_482 : memref<256x64xf32, #tpu.memory_space<vmem>>) target_semaphore(%arg13 : memref<!tpu.dma_semaphore, #tpu.memory_space<semaphore_mem>>)
    %add3A_484 = arith.constant 0 : i32
    %add3A_485 = arith.addi %add3A_472, %add3A_484 : i32
    %dma_start3A_486 = arith.constant 2 : i32
    %dma_start3A_487 = arith.constant 0 : i32
    %dma_start3A_488 = arith.constant 0 : i32
    %dma_start3A_489 = tpu.memref_slice %arg6[%dma_start3A_486, %dma_start3A_487, %dma_start3A_488] : memref<4x2x128xi32, #tpu.memory_space<vmem>> -> memref<1x1x128xi32, #tpu.memory_space<vmem>>
    %dma_start3A_490 = tpu.memref_squeeze %dma_start3A_489 : memref<1x1x128xi32, #tpu.memory_space<vmem>> -> memref<128xi32, #tpu.memory_space<vmem>>
    %dma_start3A_491 = tpu.memref_slice %arg3[%add3A_485] : memref<100000xi32, #tpu.memory_space<hbm>> -> memref<128xi32, #tpu.memory_space<hbm>>
    %dma_start3A_492 = arith.constant 0 : i32
    %dma_start3A_493 = tpu.memref_slice %arg6[%dma_start3A_486, %dma_start3A_487, %dma_start3A_492] : memref<4x2x128xi32, #tpu.memory_space<vmem>> -> memref<1x1x128xi32, #tpu.memory_space<vmem>>
    %dma_start3A_494 = tpu.memref_squeeze %dma_start3A_493 : memref<1x1x128xi32, #tpu.memory_space<vmem>> -> memref<128xi32, #tpu.memory_space<vmem>>
    %dma_start3A_495 = tpu.memref_slice %arg3[%add3A_485] : memref<100000xi32, #tpu.memory_space<hbm>> -> memref<128xi32, #tpu.memory_space<hbm>>
    tpu.enqueue_dma source(%dma_start3A_495 : memref<128xi32, #tpu.memory_space<hbm>>) target(%dma_start3A_494 : memref<128xi32, #tpu.memory_space<vmem>>) target_semaphore(%arg13 : memref<!tpu.dma_semaphore, #tpu.memory_space<semaphore_mem>>)
    %add3A_496 = arith.constant 128 : i32
    %add3A_497 = arith.addi %add3A_472, %add3A_496 : i32
    %dma_start3A_498 = arith.constant 2 : i32
    %dma_start3A_499 = arith.constant 1 : i32
    %dma_start3A_500 = arith.constant 0 : i32
    %dma_start3A_501 = tpu.memref_slice %arg6[%dma_start3A_498, %dma_start3A_499, %dma_start3A_500] : memref<4x2x128xi32, #tpu.memory_space<vmem>> -> memref<1x1x128xi32, #tpu.memory_space<vmem>>
    %dma_start3A_502 = tpu.memref_squeeze %dma_start3A_501 : memref<1x1x128xi32, #tpu.memory_space<vmem>> -> memref<128xi32, #tpu.memory_space<vmem>>
    %dma_start3A_503 = tpu.memref_slice %arg3[%add3A_497] : memref<100000xi32, #tpu.memory_space<hbm>> -> memref<128xi32, #tpu.memory_space<hbm>>
    %dma_start3A_504 = arith.constant 0 : i32
    %dma_start3A_505 = tpu.memref_slice %arg6[%dma_start3A_498, %dma_start3A_499, %dma_start3A_504] : memref<4x2x128xi32, #tpu.memory_space<vmem>> -> memref<1x1x128xi32, #tpu.memory_space<vmem>>
    %dma_start3A_506 = tpu.memref_squeeze %dma_start3A_505 : memref<1x1x128xi32, #tpu.memory_space<vmem>> -> memref<128xi32, #tpu.memory_space<vmem>>
    %dma_start3A_507 = tpu.memref_slice %arg3[%add3A_497] : memref<100000xi32, #tpu.memory_space<hbm>> -> memref<128xi32, #tpu.memory_space<hbm>>
    tpu.enqueue_dma source(%dma_start3A_507 : memref<128xi32, #tpu.memory_space<hbm>>) target(%dma_start3A_506 : memref<128xi32, #tpu.memory_space<vmem>>) target_semaphore(%arg13 : memref<!tpu.dma_semaphore, #tpu.memory_space<semaphore_mem>>)
    %add3A_508 = arith.constant 48 : i32
    %add3A_509 = arith.addi %arg1, %add3A_508 : i32
    %mul3A_510 = arith.constant 256 : i32
    %mul3A_511 = arith.muli %add3A_509, %mul3A_510 : i32
    %add3A_512 = arith.constant 24576 : i32
    %add3A_513 = arith.addi %add3A_512, %mul3A_511 : i32
    %dma_start3A_514 = arith.constant 3 : i32
    %dma_start3A_515 = arith.constant 0 : i32
    %dma_start3A_516 = arith.constant 0 : i32
    %dma_start3A_517 = tpu.memref_slice %arg5[%dma_start3A_514, %dma_start3A_515, %dma_start3A_516] : memref<4x256x64xf32, #tpu.memory_space<vmem>> -> memref<1x256x64xf32, #tpu.memory_space<vmem>>
    %dma_start3A_518 = tpu.memref_squeeze %dma_start3A_517 : memref<1x256x64xf32, #tpu.memory_space<vmem>> -> memref<256x64xf32, #tpu.memory_space<vmem>>
    %dma_start3A_519 = tpu.memref_slice %arg2[%add3A_513, %mul3A_0] : memref<100000x128xf32, #tpu.memory_space<hbm>> -> memref<256x64xf32, #tpu.memory_space<hbm>>
    %dma_start3A_520 = arith.constant 0 : i32
    %dma_start3A_521 = arith.constant 0 : i32
    %dma_start3A_522 = tpu.memref_slice %arg5[%dma_start3A_514, %dma_start3A_520, %dma_start3A_521] : memref<4x256x64xf32, #tpu.memory_space<vmem>> -> memref<1x256x64xf32, #tpu.memory_space<vmem>>
    %dma_start3A_523 = tpu.memref_squeeze %dma_start3A_522 : memref<1x256x64xf32, #tpu.memory_space<vmem>> -> memref<256x64xf32, #tpu.memory_space<vmem>>
    %dma_start3A_524 = tpu.memref_slice %arg2[%add3A_513, %mul3A_0] : memref<100000x128xf32, #tpu.memory_space<hbm>> -> memref<256x64xf32, #tpu.memory_space<hbm>>
    tpu.enqueue_dma source(%dma_start3A_524 : memref<256x64xf32, #tpu.memory_space<hbm>>) target(%dma_start3A_523 : memref<256x64xf32, #tpu.memory_space<vmem>>) target_semaphore(%arg14 : memref<!tpu.dma_semaphore, #tpu.memory_space<semaphore_mem>>)
    %add3A_525 = arith.constant 0 : i32
    %add3A_526 = arith.addi %add3A_513, %add3A_525 : i32
    %dma_start3A_527 = arith.constant 3 : i32
    %dma_start3A_528 = arith.constant 0 : i32
    %dma_start3A_529 = arith.constant 0 : i32
    %dma_start3A_530 = tpu.memref_slice %arg6[%dma_start3A_527, %dma_start3A_528, %dma_start3A_529] : memref<4x2x128xi32, #tpu.memory_space<vmem>> -> memref<1x1x128xi32, #tpu.memory_space<vmem>>
    %dma_start3A_531 = tpu.memref_squeeze %dma_start3A_530 : memref<1x1x128xi32, #tpu.memory_space<vmem>> -> memref<128xi32, #tpu.memory_space<vmem>>
    %dma_start3A_532 = tpu.memref_slice %arg3[%add3A_526] : memref<100000xi32, #tpu.memory_space<hbm>> -> memref<128xi32, #tpu.memory_space<hbm>>
    %dma_start3A_533 = arith.constant 0 : i32
    %dma_start3A_534 = tpu.memref_slice %arg6[%dma_start3A_527, %dma_start3A_528, %dma_start3A_533] : memref<4x2x128xi32, #tpu.memory_space<vmem>> -> memref<1x1x128xi32, #tpu.memory_space<vmem>>
    %dma_start3A_535 = tpu.memref_squeeze %dma_start3A_534 : memref<1x1x128xi32, #tpu.memory_space<vmem>> -> memref<128xi32, #tpu.memory_space<vmem>>
    %dma_start3A_536 = tpu.memref_slice %arg3[%add3A_526] : memref<100000xi32, #tpu.memory_space<hbm>> -> memref<128xi32, #tpu.memory_space<hbm>>
    tpu.enqueue_dma source(%dma_start3A_536 : memref<128xi32, #tpu.memory_space<hbm>>) target(%dma_start3A_535 : memref<128xi32, #tpu.memory_space<vmem>>) target_semaphore(%arg14 : memref<!tpu.dma_semaphore, #tpu.memory_space<semaphore_mem>>)
    %add3A_537 = arith.constant 128 : i32
    %add3A_538 = arith.addi %add3A_513, %add3A_537 : i32
    %dma_start3A_539 = arith.constant 3 : i32
    %dma_start3A_540 = arith.constant 1 : i32
    %dma_start3A_541 = arith.constant 0 : i32
    %dma_start3A_542 = tpu.memref_slice %arg6[%dma_start3A_539, %dma_start3A_540, %dma_start3A_541] : memref<4x2x128xi32, #tpu.memory_space<vmem>> -> memref<1x1x128xi32, #tpu.memory_space<vmem>>
    %dma_start3A_543 = tpu.memref_squeeze %dma_start3A_542 : memref<1x1x128xi32, #tpu.memory_space<vmem>> -> memref<128xi32, #tpu.memory_space<vmem>>
    %dma_start3A_544 = tpu.memref_slice %arg3[%add3A_538] : memref<100000xi32, #tpu.memory_space<hbm>> -> memref<128xi32, #tpu.memory_space<hbm>>
    %dma_start3A_545 = arith.constant 0 : i32
    %dma_start3A_546 = tpu.memref_slice %arg6[%dma_start3A_539, %dma_start3A_540, %dma_start3A_545] : memref<4x2x128xi32, #tpu.memory_space<vmem>> -> memref<1x1x128xi32, #tpu.memory_space<vmem>>
    %dma_start3A_547 = tpu.memref_squeeze %dma_start3A_546 : memref<1x1x128xi32, #tpu.memory_space<vmem>> -> memref<128xi32, #tpu.memory_space<vmem>>
    %dma_start3A_548 = tpu.memref_slice %arg3[%add3A_538] : memref<100000xi32, #tpu.memory_space<hbm>> -> memref<128xi32, #tpu.memory_space<hbm>>
    tpu.enqueue_dma source(%dma_start3A_548 : memref<128xi32, #tpu.memory_space<hbm>>) target(%dma_start3A_547 : memref<128xi32, #tpu.memory_space<vmem>>) target_semaphore(%arg14 : memref<!tpu.dma_semaphore, #tpu.memory_space<semaphore_mem>>)
    %dma_wait3A = arith.constant 0 : i32
    %dma_wait3A_549 = arith.constant 0 : i32
    %dma_wait3A_550 = arith.constant 0 : i32
    %dma_wait3A_551 = tpu.memref_slice %arg5[%dma_wait3A, %dma_wait3A_549, %dma_wait3A_550] : memref<4x256x64xf32, #tpu.memory_space<vmem>> -> memref<1x256x64xf32, #tpu.memory_space<vmem>>
    %dma_wait3A_552 = tpu.memref_squeeze %dma_wait3A_551 : memref<1x256x64xf32, #tpu.memory_space<vmem>> -> memref<256x64xf32, #tpu.memory_space<vmem>>
    %dma_wait3A_553 = tpu.memref_slice %arg2[%add3A_391, %mul3A_0] : memref<100000x128xf32, #tpu.memory_space<hbm>> -> memref<256x64xf32, #tpu.memory_space<hbm>>
    %dma_wait3A_554 = arith.constant 0 : i32
    %dma_wait3A_555 = arith.constant 0 : i32
    %dma_wait3A_556 = tpu.memref_slice %arg5[%dma_wait3A, %dma_wait3A_554, %dma_wait3A_555] : memref<4x256x64xf32, #tpu.memory_space<vmem>> -> memref<1x256x64xf32, #tpu.memory_space<vmem>>
    %dma_wait3A_557 = tpu.memref_squeeze %dma_wait3A_556 : memref<1x256x64xf32, #tpu.memory_space<vmem>> -> memref<256x64xf32, #tpu.memory_space<vmem>>
    %dma_wait3A_558 = tpu.memref_slice %arg2[%add3A_391, %mul3A_0] : memref<100000x128xf32, #tpu.memory_space<hbm>> -> memref<256x64xf32, #tpu.memory_space<hbm>>
    tpu.wait_dma2 semaphore(%arg11 : memref<!tpu.dma_semaphore, #tpu.memory_space<semaphore_mem>>) src(%dma_wait3A_558 : memref<256x64xf32, #tpu.memory_space<hbm>>) dst(%dma_wait3A_557 : memref<256x64xf32, #tpu.memory_space<vmem>>)
    %dma_wait3A_559 = arith.constant 0 : i32
    %dma_wait3A_560 = arith.constant 0 : i32
    %dma_wait3A_561 = arith.constant 0 : i32
    %dma_wait3A_562 = tpu.memref_slice %arg6[%dma_wait3A_559, %dma_wait3A_560, %dma_wait3A_561] : memref<4x2x128xi32, #tpu.memory_space<vmem>> -> memref<1x1x128xi32, #tpu.memory_space<vmem>>
    %dma_wait3A_563 = tpu.memref_squeeze %dma_wait3A_562 : memref<1x1x128xi32, #tpu.memory_space<vmem>> -> memref<128xi32, #tpu.memory_space<vmem>>
    %dma_wait3A_564 = tpu.memref_slice %arg3[%add3A_403] : memref<100000xi32, #tpu.memory_space<hbm>> -> memref<128xi32, #tpu.memory_space<hbm>>
    %dma_wait3A_565 = arith.constant 0 : i32
    %dma_wait3A_566 = tpu.memref_slice %arg6[%dma_wait3A_559, %dma_wait3A_560, %dma_wait3A_565] : memref<4x2x128xi32, #tpu.memory_space<vmem>> -> memref<1x1x128xi32, #tpu.memory_space<vmem>>
    %dma_wait3A_567 = tpu.memref_squeeze %dma_wait3A_566 : memref<1x1x128xi32, #tpu.memory_space<vmem>> -> memref<128xi32, #tpu.memory_space<vmem>>
    %dma_wait3A_568 = tpu.memref_slice %arg3[%add3A_403] : memref<100000xi32, #tpu.memory_space<hbm>> -> memref<128xi32, #tpu.memory_space<hbm>>
    tpu.wait_dma2 semaphore(%arg11 : memref<!tpu.dma_semaphore, #tpu.memory_space<semaphore_mem>>) src(%dma_wait3A_568 : memref<128xi32, #tpu.memory_space<hbm>>) dst(%dma_wait3A_567 : memref<128xi32, #tpu.memory_space<vmem>>)
    %dma_wait3A_569 = arith.constant 0 : i32
    %dma_wait3A_570 = arith.constant 1 : i32
    %dma_wait3A_571 = arith.constant 0 : i32
    %dma_wait3A_572 = tpu.memref_slice %arg6[%dma_wait3A_569, %dma_wait3A_570, %dma_wait3A_571] : memref<4x2x128xi32, #tpu.memory_space<vmem>> -> memref<1x1x128xi32, #tpu.memory_space<vmem>>
    %dma_wait3A_573 = tpu.memref_squeeze %dma_wait3A_572 : memref<1x1x128xi32, #tpu.memory_space<vmem>> -> memref<128xi32, #tpu.memory_space<vmem>>
    %dma_wait3A_574 = tpu.memref_slice %arg3[%add3A_415] : memref<100000xi32, #tpu.memory_space<hbm>> -> memref<128xi32, #tpu.memory_space<hbm>>
    %dma_wait3A_575 = arith.constant 0 : i32
    %dma_wait3A_576 = tpu.memref_slice %arg6[%dma_wait3A_569, %dma_wait3A_570, %dma_wait3A_575] : memref<4x2x128xi32, #tpu.memory_space<vmem>> -> memref<1x1x128xi32, #tpu.memory_space<vmem>>
    %dma_wait3A_577 = tpu.memref_squeeze %dma_wait3A_576 : memref<1x1x128xi32, #tpu.memory_space<vmem>> -> memref<128xi32, #tpu.memory_space<vmem>>
    %dma_wait3A_578 = tpu.memref_slice %arg3[%add3A_415] : memref<100000xi32, #tpu.memory_space<hbm>> -> memref<128xi32, #tpu.memory_space<hbm>>
    tpu.wait_dma2 semaphore(%arg11 : memref<!tpu.dma_semaphore, #tpu.memory_space<semaphore_mem>>) src(%dma_wait3A_578 : memref<128xi32, #tpu.memory_space<hbm>>) dst(%dma_wait3A_577 : memref<128xi32, #tpu.memory_space<vmem>>)
    %dma_start3A_579 = arith.constant 0 : i32
    %dma_start3A_580 = arith.constant 0 : i32
    %dma_start3A_581 = arith.constant 0 : i32
    %dma_start3A_582 = arith.constant 0 : i32
    %dma_start3A_583 = arith.constant 0 : i32
    %dma_start3A_584 = tpu.memref_slice %arg5[%dma_start3A_579, %dma_start3A_582, %dma_start3A_583] : memref<4x256x64xf32, #tpu.memory_space<vmem>> -> memref<1x128x64xf32, #tpu.memory_space<vmem>>
    %dma_start3A_585 = tpu.memref_squeeze %dma_start3A_584 : memref<1x128x64xf32, #tpu.memory_space<vmem>> -> memref<128x64xf32, #tpu.memory_space<vmem>>
    %dma_start3A_586 = arith.constant 0 : i32
    %dma_start3A_587 = tpu.memref_slice %arg6[%dma_start3A_580, %dma_start3A_581, %dma_start3A_586] : memref<4x2x128xi32, #tpu.memory_space<vmem>> -> memref<1x1x128xi32, #tpu.memory_space<vmem>>
    %dma_start3A_588 = tpu.memref_squeeze %dma_start3A_587 : memref<1x1x128xi32, #tpu.memory_space<vmem>> -> memref<128xi32, #tpu.memory_space<vmem>>
    %dma_start3A_589 = arith.constant 0 : i32
    %dma_start3A_590 = arith.constant 0 : i32
    %dma_start3A_591 = tpu.memref_slice %arg10[%dma_start3A_589, %dma_start3A_590] : memref<288x64xf32, #tpu.memory_space<vmem_shared>> -> memref<288x64xf32, #tpu.memory_space<vmem_shared>>
    tpu.enqueue_indirect_dma source(%dma_start3A_585 : memref<128x64xf32, #tpu.memory_space<vmem>>) target(%dma_start3A_591 : memref<288x64xf32, #tpu.memory_space<vmem_shared>>) offsets(%dma_start3A_588 : memref<128xi32, #tpu.memory_space<vmem>>) semaphore(%arg15 : memref<!tpu.dma_semaphore, #tpu.memory_space<semaphore_mem>>) {add = true}
    %dma_start3A_592 = arith.constant 0 : i32
    %dma_start3A_593 = arith.constant 0 : i32
    %dma_start3A_594 = arith.constant 1 : i32
    %dma_start3A_595 = arith.constant 128 : i32
    %dma_start3A_596 = arith.constant 0 : i32
    %dma_start3A_597 = tpu.memref_slice %arg5[%dma_start3A_592, %dma_start3A_595, %dma_start3A_596] : memref<4x256x64xf32, #tpu.memory_space<vmem>> -> memref<1x128x64xf32, #tpu.memory_space<vmem>>
    %dma_start3A_598 = tpu.memref_squeeze %dma_start3A_597 : memref<1x128x64xf32, #tpu.memory_space<vmem>> -> memref<128x64xf32, #tpu.memory_space<vmem>>
    %dma_start3A_599 = arith.constant 0 : i32
    %dma_start3A_600 = tpu.memref_slice %arg6[%dma_start3A_593, %dma_start3A_594, %dma_start3A_599] : memref<4x2x128xi32, #tpu.memory_space<vmem>> -> memref<1x1x128xi32, #tpu.memory_space<vmem>>
    %dma_start3A_601 = tpu.memref_squeeze %dma_start3A_600 : memref<1x1x128xi32, #tpu.memory_space<vmem>> -> memref<128xi32, #tpu.memory_space<vmem>>
    %dma_start3A_602 = arith.constant 0 : i32
    %dma_start3A_603 = arith.constant 0 : i32
    %dma_start3A_604 = tpu.memref_slice %arg10[%dma_start3A_602, %dma_start3A_603] : memref<288x64xf32, #tpu.memory_space<vmem_shared>> -> memref<288x64xf32, #tpu.memory_space<vmem_shared>>
    tpu.enqueue_indirect_dma source(%dma_start3A_598 : memref<128x64xf32, #tpu.memory_space<vmem>>) target(%dma_start3A_604 : memref<288x64xf32, #tpu.memory_space<vmem_shared>>) offsets(%dma_start3A_601 : memref<128xi32, #tpu.memory_space<vmem>>) semaphore(%arg15 : memref<!tpu.dma_semaphore, #tpu.memory_space<semaphore_mem>>) {add = true}
    %dma_wait3A_605 = arith.constant 0 : i32
    %dma_wait3A_606 = arith.constant 0 : i32
    %dma_wait3A_607 = arith.constant 0 : i32
    %dma_wait3A_608 = arith.constant 0 : i32
    %dma_wait3A_609 = arith.constant 0 : i32
    %dma_wait3A_610 = tpu.memref_slice %arg5[%dma_wait3A_605, %dma_wait3A_608, %dma_wait3A_609] : memref<4x256x64xf32, #tpu.memory_space<vmem>> -> memref<1x128x64xf32, #tpu.memory_space<vmem>>
    %dma_wait3A_611 = tpu.memref_squeeze %dma_wait3A_610 : memref<1x128x64xf32, #tpu.memory_space<vmem>> -> memref<128x64xf32, #tpu.memory_space<vmem>>
    %dma_wait3A_612 = arith.constant 0 : i32
    %dma_wait3A_613 = tpu.memref_slice %arg6[%dma_wait3A_606, %dma_wait3A_607, %dma_wait3A_612] : memref<4x2x128xi32, #tpu.memory_space<vmem>> -> memref<1x1x128xi32, #tpu.memory_space<vmem>>
    %dma_wait3A_614 = tpu.memref_squeeze %dma_wait3A_613 : memref<1x1x128xi32, #tpu.memory_space<vmem>> -> memref<128xi32, #tpu.memory_space<vmem>>
    %dma_wait3A_615 = arith.constant 0 : i32
    %dma_wait3A_616 = arith.constant 0 : i32
    %dma_wait3A_617 = tpu.memref_slice %arg10[%dma_wait3A_615, %dma_wait3A_616] : memref<288x64xf32, #tpu.memory_space<vmem_shared>> -> memref<288x64xf32, #tpu.memory_space<vmem_shared>>
    tpu.wait_indirect_dma semaphore(%arg15 : memref<!tpu.dma_semaphore, #tpu.memory_space<semaphore_mem>>) src(%dma_wait3A_611 : memref<128x64xf32, #tpu.memory_space<vmem>>) dst(%dma_wait3A_617 : memref<288x64xf32, #tpu.memory_space<vmem_shared>>)
    %dma_wait3A_618 = arith.constant 0 : i32
    %dma_wait3A_619 = arith.constant 0 : i32
    %dma_wait3A_620 = arith.constant 1 : i32
    %dma_wait3A_621 = arith.constant 128 : i32
    %dma_wait3A_622 = arith.constant 0 : i32
    %dma_wait3A_623 = tpu.memref_slice %arg5[%dma_wait3A_618, %dma_wait3A_621, %dma_wait3A_622] : memref<4x256x64xf32, #tpu.memory_space<vmem>> -> memref<1x128x64xf32, #tpu.memory_space<vmem>>
    %dma_wait3A_624 = tpu.memref_squeeze %dma_wait3A_623 : memref<1x128x64xf32, #tpu.memory_space<vmem>> -> memref<128x64xf32, #tpu.memory_space<vmem>>
    %dma_wait3A_625 = arith.constant 0 : i32
    %dma_wait3A_626 = tpu.memref_slice %arg6[%dma_wait3A_619, %dma_wait3A_620, %dma_wait3A_625] : memref<4x2x128xi32, #tpu.memory_space<vmem>> -> memref<1x1x128xi32, #tpu.memory_space<vmem>>
    %dma_wait3A_627 = tpu.memref_squeeze %dma_wait3A_626 : memref<1x1x128xi32, #tpu.memory_space<vmem>> -> memref<128xi32, #tpu.memory_space<vmem>>
    %dma_wait3A_628 = arith.constant 0 : i32
    %dma_wait3A_629 = arith.constant 0 : i32
    %dma_wait3A_630 = tpu.memref_slice %arg10[%dma_wait3A_628, %dma_wait3A_629] : memref<288x64xf32, #tpu.memory_space<vmem_shared>> -> memref<288x64xf32, #tpu.memory_space<vmem_shared>>
    tpu.wait_indirect_dma semaphore(%arg15 : memref<!tpu.dma_semaphore, #tpu.memory_space<semaphore_mem>>) src(%dma_wait3A_624 : memref<128x64xf32, #tpu.memory_space<vmem>>) dst(%dma_wait3A_630 : memref<288x64xf32, #tpu.memory_space<vmem_shared>>)
    %add3A_631 = arith.constant 64 : i32
    %add3A_632 = arith.addi %arg1, %add3A_631 : i32
    %mul3A_633 = arith.constant 256 : i32
    %mul3A_634 = arith.muli %add3A_632, %mul3A_633 : i32
    %add3A_635 = arith.constant 24576 : i32
    %add3A_636 = arith.addi %add3A_635, %mul3A_634 : i32
    %dma_start3A_637 = arith.constant 0 : i32
    %dma_start3A_638 = arith.constant 0 : i32
    %dma_start3A_639 = arith.constant 0 : i32
    %dma_start3A_640 = tpu.memref_slice %arg5[%dma_start3A_637, %dma_start3A_638, %dma_start3A_639] : memref<4x256x64xf32, #tpu.memory_space<vmem>> -> memref<1x256x64xf32, #tpu.memory_space<vmem>>
    %dma_start3A_641 = tpu.memref_squeeze %dma_start3A_640 : memref<1x256x64xf32, #tpu.memory_space<vmem>> -> memref<256x64xf32, #tpu.memory_space<vmem>>
    %dma_start3A_642 = tpu.memref_slice %arg2[%add3A_636, %mul3A_0] : memref<100000x128xf32, #tpu.memory_space<hbm>> -> memref<256x64xf32, #tpu.memory_space<hbm>>
    %dma_start3A_643 = arith.constant 0 : i32
    %dma_start3A_644 = arith.constant 0 : i32
    %dma_start3A_645 = tpu.memref_slice %arg5[%dma_start3A_637, %dma_start3A_643, %dma_start3A_644] : memref<4x256x64xf32, #tpu.memory_space<vmem>> -> memref<1x256x64xf32, #tpu.memory_space<vmem>>
    %dma_start3A_646 = tpu.memref_squeeze %dma_start3A_645 : memref<1x256x64xf32, #tpu.memory_space<vmem>> -> memref<256x64xf32, #tpu.memory_space<vmem>>
    %dma_start3A_647 = tpu.memref_slice %arg2[%add3A_636, %mul3A_0] : memref<100000x128xf32, #tpu.memory_space<hbm>> -> memref<256x64xf32, #tpu.memory_space<hbm>>
    tpu.enqueue_dma source(%dma_start3A_647 : memref<256x64xf32, #tpu.memory_space<hbm>>) target(%dma_start3A_646 : memref<256x64xf32, #tpu.memory_space<vmem>>) target_semaphore(%arg11 : memref<!tpu.dma_semaphore, #tpu.memory_space<semaphore_mem>>)
    %add3A_648 = arith.constant 0 : i32
    %add3A_649 = arith.addi %add3A_636, %add3A_648 : i32
    %dma_start3A_650 = arith.constant 0 : i32
    %dma_start3A_651 = arith.constant 0 : i32
    %dma_start3A_652 = arith.constant 0 : i32
    %dma_start3A_653 = tpu.memref_slice %arg6[%dma_start3A_650, %dma_start3A_651, %dma_start3A_652] : memref<4x2x128xi32, #tpu.memory_space<vmem>> -> memref<1x1x128xi32, #tpu.memory_space<vmem>>
    %dma_start3A_654 = tpu.memref_squeeze %dma_start3A_653 : memref<1x1x128xi32, #tpu.memory_space<vmem>> -> memref<128xi32, #tpu.memory_space<vmem>>
    %dma_start3A_655 = tpu.memref_slice %arg3[%add3A_649] : memref<100000xi32, #tpu.memory_space<hbm>> -> memref<128xi32, #tpu.memory_space<hbm>>
    %dma_start3A_656 = arith.constant 0 : i32
    %dma_start3A_657 = tpu.memref_slice %arg6[%dma_start3A_650, %dma_start3A_651, %dma_start3A_656] : memref<4x2x128xi32, #tpu.memory_space<vmem>> -> memref<1x1x128xi32, #tpu.memory_space<vmem>>
    %dma_start3A_658 = tpu.memref_squeeze %dma_start3A_657 : memref<1x1x128xi32, #tpu.memory_space<vmem>> -> memref<128xi32, #tpu.memory_space<vmem>>
    %dma_start3A_659 = tpu.memref_slice %arg3[%add3A_649] : memref<100000xi32, #tpu.memory_space<hbm>> -> memref<128xi32, #tpu.memory_space<hbm>>
    tpu.enqueue_dma source(%dma_start3A_659 : memref<128xi32, #tpu.memory_space<hbm>>) target(%dma_start3A_658 : memref<128xi32, #tpu.memory_space<vmem>>) target_semaphore(%arg11 : memref<!tpu.dma_semaphore, #tpu.memory_space<semaphore_mem>>)
    %add3A_660 = arith.constant 128 : i32
    %add3A_661 = arith.addi %add3A_636, %add3A_660 : i32
    %dma_start3A_662 = arith.constant 0 : i32
    %dma_start3A_663 = arith.constant 1 : i32
    %dma_start3A_664 = arith.constant 0 : i32
    %dma_start3A_665 = tpu.memref_slice %arg6[%dma_start3A_662, %dma_start3A_663, %dma_start3A_664] : memref<4x2x128xi32, #tpu.memory_space<vmem>> -> memref<1x1x128xi32, #tpu.memory_space<vmem>>
    %dma_start3A_666 = tpu.memref_squeeze %dma_start3A_665 : memref<1x1x128xi32, #tpu.memory_space<vmem>> -> memref<128xi32, #tpu.memory_space<vmem>>
    %dma_start3A_667 = tpu.memref_slice %arg3[%add3A_661] : memref<100000xi32, #tpu.memory_space<hbm>> -> memref<128xi32, #tpu.memory_space<hbm>>
    %dma_start3A_668 = arith.constant 0 : i32
    %dma_start3A_669 = tpu.memref_slice %arg6[%dma_start3A_662, %dma_start3A_663, %dma_start3A_668] : memref<4x2x128xi32, #tpu.memory_space<vmem>> -> memref<1x1x128xi32, #tpu.memory_space<vmem>>
    %dma_start3A_670 = tpu.memref_squeeze %dma_start3A_669 : memref<1x1x128xi32, #tpu.memory_space<vmem>> -> memref<128xi32, #tpu.memory_space<vmem>>
    %dma_start3A_671 = tpu.memref_slice %arg3[%add3A_661] : memref<100000xi32, #tpu.memory_space<hbm>> -> memref<128xi32, #tpu.memory_space<hbm>>
    tpu.enqueue_dma source(%dma_start3A_671 : memref<128xi32, #tpu.memory_space<hbm>>) target(%dma_start3A_670 : memref<128xi32, #tpu.memory_space<vmem>>) target_semaphore(%arg11 : memref<!tpu.dma_semaphore, #tpu.memory_space<semaphore_mem>>)
    %dma_wait3A_672 = arith.constant 1 : i32
    %dma_wait3A_673 = arith.constant 0 : i32
    %dma_wait3A_674 = arith.constant 0 : i32
    %dma_wait3A_675 = tpu.memref_slice %arg5[%dma_wait3A_672, %dma_wait3A_673, %dma_wait3A_674] : memref<4x256x64xf32, #tpu.memory_space<vmem>> -> memref<1x256x64xf32, #tpu.memory_space<vmem>>
    %dma_wait3A_676 = tpu.memref_squeeze %dma_wait3A_675 : memref<1x256x64xf32, #tpu.memory_space<vmem>> -> memref<256x64xf32, #tpu.memory_space<vmem>>
    %dma_wait3A_677 = tpu.memref_slice %arg2[%add3A_431, %mul3A_0] : memref<100000x128xf32, #tpu.memory_space<hbm>> -> memref<256x64xf32, #tpu.memory_space<hbm>>
    %dma_wait3A_678 = arith.constant 0 : i32
    %dma_wait3A_679 = arith.constant 0 : i32
    %dma_wait3A_680 = tpu.memref_slice %arg5[%dma_wait3A_672, %dma_wait3A_678, %dma_wait3A_679] : memref<4x256x64xf32, #tpu.memory_space<vmem>> -> memref<1x256x64xf32, #tpu.memory_space<vmem>>
    %dma_wait3A_681 = tpu.memref_squeeze %dma_wait3A_680 : memref<1x256x64xf32, #tpu.memory_space<vmem>> -> memref<256x64xf32, #tpu.memory_space<vmem>>
    %dma_wait3A_682 = tpu.memref_slice %arg2[%add3A_431, %mul3A_0] : memref<100000x128xf32, #tpu.memory_space<hbm>> -> memref<256x64xf32, #tpu.memory_space<hbm>>
    tpu.wait_dma2 semaphore(%arg12 : memref<!tpu.dma_semaphore, #tpu.memory_space<semaphore_mem>>) src(%dma_wait3A_682 : memref<256x64xf32, #tpu.memory_space<hbm>>) dst(%dma_wait3A_681 : memref<256x64xf32, #tpu.memory_space<vmem>>)
    %dma_wait3A_683 = arith.constant 1 : i32
    %dma_wait3A_684 = arith.constant 0 : i32
    %dma_wait3A_685 = arith.constant 0 : i32
    %dma_wait3A_686 = tpu.memref_slice %arg6[%dma_wait3A_683, %dma_wait3A_684, %dma_wait3A_685] : memref<4x2x128xi32, #tpu.memory_space<vmem>> -> memref<1x1x128xi32, #tpu.memory_space<vmem>>
    %dma_wait3A_687 = tpu.memref_squeeze %dma_wait3A_686 : memref<1x1x128xi32, #tpu.memory_space<vmem>> -> memref<128xi32, #tpu.memory_space<vmem>>
    %dma_wait3A_688 = tpu.memref_slice %arg3[%add3A_444] : memref<100000xi32, #tpu.memory_space<hbm>> -> memref<128xi32, #tpu.memory_space<hbm>>
    %dma_wait3A_689 = arith.constant 0 : i32
    %dma_wait3A_690 = tpu.memref_slice %arg6[%dma_wait3A_683, %dma_wait3A_684, %dma_wait3A_689] : memref<4x2x128xi32, #tpu.memory_space<vmem>> -> memref<1x1x128xi32, #tpu.memory_space<vmem>>
    %dma_wait3A_691 = tpu.memref_squeeze %dma_wait3A_690 : memref<1x1x128xi32, #tpu.memory_space<vmem>> -> memref<128xi32, #tpu.memory_space<vmem>>
    %dma_wait3A_692 = tpu.memref_slice %arg3[%add3A_444] : memref<100000xi32, #tpu.memory_space<hbm>> -> memref<128xi32, #tpu.memory_space<hbm>>
    tpu.wait_dma2 semaphore(%arg12 : memref<!tpu.dma_semaphore, #tpu.memory_space<semaphore_mem>>) src(%dma_wait3A_692 : memref<128xi32, #tpu.memory_space<hbm>>) dst(%dma_wait3A_691 : memref<128xi32, #tpu.memory_space<vmem>>)
    %dma_wait3A_693 = arith.constant 1 : i32
    %dma_wait3A_694 = arith.constant 1 : i32
    %dma_wait3A_695 = arith.constant 0 : i32
    %dma_wait3A_696 = tpu.memref_slice %arg6[%dma_wait3A_693, %dma_wait3A_694, %dma_wait3A_695] : memref<4x2x128xi32, #tpu.memory_space<vmem>> -> memref<1x1x128xi32, #tpu.memory_space<vmem>>
    %dma_wait3A_697 = tpu.memref_squeeze %dma_wait3A_696 : memref<1x1x128xi32, #tpu.memory_space<vmem>> -> memref<128xi32, #tpu.memory_space<vmem>>
    %dma_wait3A_698 = tpu.memref_slice %arg3[%add3A_456] : memref<100000xi32, #tpu.memory_space<hbm>> -> memref<128xi32, #tpu.memory_space<hbm>>
    %dma_wait3A_699 = arith.constant 0 : i32
    %dma_wait3A_700 = tpu.memref_slice %arg6[%dma_wait3A_693, %dma_wait3A_694, %dma_wait3A_699] : memref<4x2x128xi32, #tpu.memory_space<vmem>> -> memref<1x1x128xi32, #tpu.memory_space<vmem>>
    %dma_wait3A_701 = tpu.memref_squeeze %dma_wait3A_700 : memref<1x1x128xi32, #tpu.memory_space<vmem>> -> memref<128xi32, #tpu.memory_space<vmem>>
    %dma_wait3A_702 = tpu.memref_slice %arg3[%add3A_456] : memref<100000xi32, #tpu.memory_space<hbm>> -> memref<128xi32, #tpu.memory_space<hbm>>
    tpu.wait_dma2 semaphore(%arg12 : memref<!tpu.dma_semaphore, #tpu.memory_space<semaphore_mem>>) src(%dma_wait3A_702 : memref<128xi32, #tpu.memory_space<hbm>>) dst(%dma_wait3A_701 : memref<128xi32, #tpu.memory_space<vmem>>)
    %dma_start3A_703 = arith.constant 1 : i32
    %dma_start3A_704 = arith.constant 1 : i32
    %dma_start3A_705 = arith.constant 0 : i32
    %dma_start3A_706 = arith.constant 0 : i32
    %dma_start3A_707 = arith.constant 0 : i32
    %dma_start3A_708 = tpu.memref_slice %arg5[%dma_start3A_703, %dma_start3A_706, %dma_start3A_707] : memref<4x256x64xf32, #tpu.memory_space<vmem>> -> memref<1x128x64xf32, #tpu.memory_space<vmem>>
    %dma_start3A_709 = tpu.memref_squeeze %dma_start3A_708 : memref<1x128x64xf32, #tpu.memory_space<vmem>> -> memref<128x64xf32, #tpu.memory_space<vmem>>
    %dma_start3A_710 = arith.constant 0 : i32
    %dma_start3A_711 = tpu.memref_slice %arg6[%dma_start3A_704, %dma_start3A_705, %dma_start3A_710] : memref<4x2x128xi32, #tpu.memory_space<vmem>> -> memref<1x1x128xi32, #tpu.memory_space<vmem>>
    %dma_start3A_712 = tpu.memref_squeeze %dma_start3A_711 : memref<1x1x128xi32, #tpu.memory_space<vmem>> -> memref<128xi32, #tpu.memory_space<vmem>>
    %dma_start3A_713 = arith.constant 0 : i32
    %dma_start3A_714 = arith.constant 0 : i32
    %dma_start3A_715 = tpu.memref_slice %arg10[%dma_start3A_713, %dma_start3A_714] : memref<288x64xf32, #tpu.memory_space<vmem_shared>> -> memref<288x64xf32, #tpu.memory_space<vmem_shared>>
    tpu.enqueue_indirect_dma source(%dma_start3A_709 : memref<128x64xf32, #tpu.memory_space<vmem>>) target(%dma_start3A_715 : memref<288x64xf32, #tpu.memory_space<vmem_shared>>) offsets(%dma_start3A_712 : memref<128xi32, #tpu.memory_space<vmem>>) semaphore(%arg16 : memref<!tpu.dma_semaphore, #tpu.memory_space<semaphore_mem>>) {add = true}
    %dma_start3A_716 = arith.constant 1 : i32
    %dma_start3A_717 = arith.constant 1 : i32
    %dma_start3A_718 = arith.constant 1 : i32
    %dma_start3A_719 = arith.constant 128 : i32
    %dma_start3A_720 = arith.constant 0 : i32
    %dma_start3A_721 = tpu.memref_slice %arg5[%dma_start3A_716, %dma_start3A_719, %dma_start3A_720] : memref<4x256x64xf32, #tpu.memory_space<vmem>> -> memref<1x128x64xf32, #tpu.memory_space<vmem>>
    %dma_start3A_722 = tpu.memref_squeeze %dma_start3A_721 : memref<1x128x64xf32, #tpu.memory_space<vmem>> -> memref<128x64xf32, #tpu.memory_space<vmem>>
    %dma_start3A_723 = arith.constant 0 : i32
    %dma_start3A_724 = tpu.memref_slice %arg6[%dma_start3A_717, %dma_start3A_718, %dma_start3A_723] : memref<4x2x128xi32, #tpu.memory_space<vmem>> -> memref<1x1x128xi32, #tpu.memory_space<vmem>>
    %dma_start3A_725 = tpu.memref_squeeze %dma_start3A_724 : memref<1x1x128xi32, #tpu.memory_space<vmem>> -> memref<128xi32, #tpu.memory_space<vmem>>
    %dma_start3A_726 = arith.constant 0 : i32
    %dma_start3A_727 = arith.constant 0 : i32
    %dma_start3A_728 = tpu.memref_slice %arg10[%dma_start3A_726, %dma_start3A_727] : memref<288x64xf32, #tpu.memory_space<vmem_shared>> -> memref<288x64xf32, #tpu.memory_space<vmem_shared>>
    tpu.enqueue_indirect_dma source(%dma_start3A_722 : memref<128x64xf32, #tpu.memory_space<vmem>>) target(%dma_start3A_728 : memref<288x64xf32, #tpu.memory_space<vmem_shared>>) offsets(%dma_start3A_725 : memref<128xi32, #tpu.memory_space<vmem>>) semaphore(%arg16 : memref<!tpu.dma_semaphore, #tpu.memory_space<semaphore_mem>>) {add = true}
    %dma_wait3A_729 = arith.constant 1 : i32
    %dma_wait3A_730 = arith.constant 1 : i32
    %dma_wait3A_731 = arith.constant 0 : i32
    %dma_wait3A_732 = arith.constant 0 : i32
    %dma_wait3A_733 = arith.constant 0 : i32
    %dma_wait3A_734 = tpu.memref_slice %arg5[%dma_wait3A_729, %dma_wait3A_732, %dma_wait3A_733] : memref<4x256x64xf32, #tpu.memory_space<vmem>> -> memref<1x128x64xf32, #tpu.memory_space<vmem>>
    %dma_wait3A_735 = tpu.memref_squeeze %dma_wait3A_734 : memref<1x128x64xf32, #tpu.memory_space<vmem>> -> memref<128x64xf32, #tpu.memory_space<vmem>>
    %dma_wait3A_736 = arith.constant 0 : i32
    %dma_wait3A_737 = tpu.memref_slice %arg6[%dma_wait3A_730, %dma_wait3A_731, %dma_wait3A_736] : memref<4x2x128xi32, #tpu.memory_space<vmem>> -> memref<1x1x128xi32, #tpu.memory_space<vmem>>
    %dma_wait3A_738 = tpu.memref_squeeze %dma_wait3A_737 : memref<1x1x128xi32, #tpu.memory_space<vmem>> -> memref<128xi32, #tpu.memory_space<vmem>>
    %dma_wait3A_739 = arith.constant 0 : i32
    %dma_wait3A_740 = arith.constant 0 : i32
    %dma_wait3A_741 = tpu.memref_slice %arg10[%dma_wait3A_739, %dma_wait3A_740] : memref<288x64xf32, #tpu.memory_space<vmem_shared>> -> memref<288x64xf32, #tpu.memory_space<vmem_shared>>
    tpu.wait_indirect_dma semaphore(%arg16 : memref<!tpu.dma_semaphore, #tpu.memory_space<semaphore_mem>>) src(%dma_wait3A_735 : memref<128x64xf32, #tpu.memory_space<vmem>>) dst(%dma_wait3A_741 : memref<288x64xf32, #tpu.memory_space<vmem_shared>>)
    %dma_wait3A_742 = arith.constant 1 : i32
    %dma_wait3A_743 = arith.constant 1 : i32
    %dma_wait3A_744 = arith.constant 1 : i32
    %dma_wait3A_745 = arith.constant 128 : i32
    %dma_wait3A_746 = arith.constant 0 : i32
    %dma_wait3A_747 = tpu.memref_slice %arg5[%dma_wait3A_742, %dma_wait3A_745, %dma_wait3A_746] : memref<4x256x64xf32, #tpu.memory_space<vmem>> -> memref<1x128x64xf32, #tpu.memory_space<vmem>>
    %dma_wait3A_748 = tpu.memref_squeeze %dma_wait3A_747 : memref<1x128x64xf32, #tpu.memory_space<vmem>> -> memref<128x64xf32, #tpu.memory_space<vmem>>
    %dma_wait3A_749 = arith.constant 0 : i32
    %dma_wait3A_750 = tpu.memref_slice %arg6[%dma_wait3A_743, %dma_wait3A_744, %dma_wait3A_749] : memref<4x2x128xi32, #tpu.memory_space<vmem>> -> memref<1x1x128xi32, #tpu.memory_space<vmem>>
    %dma_wait3A_751 = tpu.memref_squeeze %dma_wait3A_750 : memref<1x1x128xi32, #tpu.memory_space<vmem>> -> memref<128xi32, #tpu.memory_space<vmem>>
    %dma_wait3A_752 = arith.constant 0 : i32
    %dma_wait3A_753 = arith.constant 0 : i32
    %dma_wait3A_754 = tpu.memref_slice %arg10[%dma_wait3A_752, %dma_wait3A_753] : memref<288x64xf32, #tpu.memory_space<vmem_shared>> -> memref<288x64xf32, #tpu.memory_space<vmem_shared>>
    tpu.wait_indirect_dma semaphore(%arg16 : memref<!tpu.dma_semaphore, #tpu.memory_space<semaphore_mem>>) src(%dma_wait3A_748 : memref<128x64xf32, #tpu.memory_space<vmem>>) dst(%dma_wait3A_754 : memref<288x64xf32, #tpu.memory_space<vmem_shared>>)
    %add3A_755 = arith.constant 80 : i32
    %add3A_756 = arith.addi %arg1, %add3A_755 : i32
    %mul3A_757 = arith.constant 256 : i32
    %mul3A_758 = arith.muli %add3A_756, %mul3A_757 : i32
    %add3A_759 = arith.constant 24576 : i32
    %add3A_760 = arith.addi %add3A_759, %mul3A_758 : i32
    %dma_start3A_761 = arith.constant 1 : i32
    %dma_start3A_762 = arith.constant 0 : i32
    %dma_start3A_763 = arith.constant 0 : i32
    %dma_start3A_764 = tpu.memref_slice %arg5[%dma_start3A_761, %dma_start3A_762, %dma_start3A_763] : memref<4x256x64xf32, #tpu.memory_space<vmem>> -> memref<1x256x64xf32, #tpu.memory_space<vmem>>
    %dma_start3A_765 = tpu.memref_squeeze %dma_start3A_764 : memref<1x256x64xf32, #tpu.memory_space<vmem>> -> memref<256x64xf32, #tpu.memory_space<vmem>>
    %dma_start3A_766 = tpu.memref_slice %arg2[%add3A_760, %mul3A_0] : memref<100000x128xf32, #tpu.memory_space<hbm>> -> memref<256x64xf32, #tpu.memory_space<hbm>>
    %dma_start3A_767 = arith.constant 0 : i32
    %dma_start3A_768 = arith.constant 0 : i32
    %dma_start3A_769 = tpu.memref_slice %arg5[%dma_start3A_761, %dma_start3A_767, %dma_start3A_768] : memref<4x256x64xf32, #tpu.memory_space<vmem>> -> memref<1x256x64xf32, #tpu.memory_space<vmem>>
    %dma_start3A_770 = tpu.memref_squeeze %dma_start3A_769 : memref<1x256x64xf32, #tpu.memory_space<vmem>> -> memref<256x64xf32, #tpu.memory_space<vmem>>
    %dma_start3A_771 = tpu.memref_slice %arg2[%add3A_760, %mul3A_0] : memref<100000x128xf32, #tpu.memory_space<hbm>> -> memref<256x64xf32, #tpu.memory_space<hbm>>
    tpu.enqueue_dma source(%dma_start3A_771 : memref<256x64xf32, #tpu.memory_space<hbm>>) target(%dma_start3A_770 : memref<256x64xf32, #tpu.memory_space<vmem>>) target_semaphore(%arg12 : memref<!tpu.dma_semaphore, #tpu.memory_space<semaphore_mem>>)
    %add3A_772 = arith.constant 0 : i32
    %add3A_773 = arith.addi %add3A_760, %add3A_772 : i32
    %dma_start3A_774 = arith.constant 1 : i32
    %dma_start3A_775 = arith.constant 0 : i32
    %dma_start3A_776 = arith.constant 0 : i32
    %dma_start3A_777 = tpu.memref_slice %arg6[%dma_start3A_774, %dma_start3A_775, %dma_start3A_776] : memref<4x2x128xi32, #tpu.memory_space<vmem>> -> memref<1x1x128xi32, #tpu.memory_space<vmem>>
    %dma_start3A_778 = tpu.memref_squeeze %dma_start3A_777 : memref<1x1x128xi32, #tpu.memory_space<vmem>> -> memref<128xi32, #tpu.memory_space<vmem>>
    %dma_start3A_779 = tpu.memref_slice %arg3[%add3A_773] : memref<100000xi32, #tpu.memory_space<hbm>> -> memref<128xi32, #tpu.memory_space<hbm>>
    %dma_start3A_780 = arith.constant 0 : i32
    %dma_start3A_781 = tpu.memref_slice %arg6[%dma_start3A_774, %dma_start3A_775, %dma_start3A_780] : memref<4x2x128xi32, #tpu.memory_space<vmem>> -> memref<1x1x128xi32, #tpu.memory_space<vmem>>
    %dma_start3A_782 = tpu.memref_squeeze %dma_start3A_781 : memref<1x1x128xi32, #tpu.memory_space<vmem>> -> memref<128xi32, #tpu.memory_space<vmem>>
    %dma_start3A_783 = tpu.memref_slice %arg3[%add3A_773] : memref<100000xi32, #tpu.memory_space<hbm>> -> memref<128xi32, #tpu.memory_space<hbm>>
    tpu.enqueue_dma source(%dma_start3A_783 : memref<128xi32, #tpu.memory_space<hbm>>) target(%dma_start3A_782 : memref<128xi32, #tpu.memory_space<vmem>>) target_semaphore(%arg12 : memref<!tpu.dma_semaphore, #tpu.memory_space<semaphore_mem>>)
    %add3A_784 = arith.constant 128 : i32
    %add3A_785 = arith.addi %add3A_760, %add3A_784 : i32
    %dma_start3A_786 = arith.constant 1 : i32
    %dma_start3A_787 = arith.constant 1 : i32
    %dma_start3A_788 = arith.constant 0 : i32
    %dma_start3A_789 = tpu.memref_slice %arg6[%dma_start3A_786, %dma_start3A_787, %dma_start3A_788] : memref<4x2x128xi32, #tpu.memory_space<vmem>> -> memref<1x1x128xi32, #tpu.memory_space<vmem>>
    %dma_start3A_790 = tpu.memref_squeeze %dma_start3A_789 : memref<1x1x128xi32, #tpu.memory_space<vmem>> -> memref<128xi32, #tpu.memory_space<vmem>>
    %dma_start3A_791 = tpu.memref_slice %arg3[%add3A_785] : memref<100000xi32, #tpu.memory_space<hbm>> -> memref<128xi32, #tpu.memory_space<hbm>>
    %dma_start3A_792 = arith.constant 0 : i32
    %dma_start3A_793 = tpu.memref_slice %arg6[%dma_start3A_786, %dma_start3A_787, %dma_start3A_792] : memref<4x2x128xi32, #tpu.memory_space<vmem>> -> memref<1x1x128xi32, #tpu.memory_space<vmem>>
    %dma_start3A_794 = tpu.memref_squeeze %dma_start3A_793 : memref<1x1x128xi32, #tpu.memory_space<vmem>> -> memref<128xi32, #tpu.memory_space<vmem>>
    %dma_start3A_795 = tpu.memref_slice %arg3[%add3A_785] : memref<100000xi32, #tpu.memory_space<hbm>> -> memref<128xi32, #tpu.memory_space<hbm>>
    tpu.enqueue_dma source(%dma_start3A_795 : memref<128xi32, #tpu.memory_space<hbm>>) target(%dma_start3A_794 : memref<128xi32, #tpu.memory_space<vmem>>) target_semaphore(%arg12 : memref<!tpu.dma_semaphore, #tpu.memory_space<semaphore_mem>>)
    %dma_wait3A_796 = arith.constant 2 : i32
    %dma_wait3A_797 = arith.constant 0 : i32
    %dma_wait3A_798 = arith.constant 0 : i32
    %dma_wait3A_799 = tpu.memref_slice %arg5[%dma_wait3A_796, %dma_wait3A_797, %dma_wait3A_798] : memref<4x256x64xf32, #tpu.memory_space<vmem>> -> memref<1x256x64xf32, #tpu.memory_space<vmem>>
    %dma_wait3A_800 = tpu.memref_squeeze %dma_wait3A_799 : memref<1x256x64xf32, #tpu.memory_space<vmem>> -> memref<256x64xf32, #tpu.memory_space<vmem>>
    %dma_wait3A_801 = tpu.memref_slice %arg2[%add3A_472, %mul3A_0] : memref<100000x128xf32, #tpu.memory_space<hbm>> -> memref<256x64xf32, #tpu.memory_space<hbm>>
    %dma_wait3A_802 = arith.constant 0 : i32
    %dma_wait3A_803 = arith.constant 0 : i32
    %dma_wait3A_804 = tpu.memref_slice %arg5[%dma_wait3A_796, %dma_wait3A_802, %dma_wait3A_803] : memref<4x256x64xf32, #tpu.memory_space<vmem>> -> memref<1x256x64xf32, #tpu.memory_space<vmem>>
    %dma_wait3A_805 = tpu.memref_squeeze %dma_wait3A_804 : memref<1x256x64xf32, #tpu.memory_space<vmem>> -> memref<256x64xf32, #tpu.memory_space<vmem>>
    %dma_wait3A_806 = tpu.memref_slice %arg2[%add3A_472, %mul3A_0] : memref<100000x128xf32, #tpu.memory_space<hbm>> -> memref<256x64xf32, #tpu.memory_space<hbm>>
    tpu.wait_dma2 semaphore(%arg13 : memref<!tpu.dma_semaphore, #tpu.memory_space<semaphore_mem>>) src(%dma_wait3A_806 : memref<256x64xf32, #tpu.memory_space<hbm>>) dst(%dma_wait3A_805 : memref<256x64xf32, #tpu.memory_space<vmem>>)
    %dma_wait3A_807 = arith.constant 2 : i32
    %dma_wait3A_808 = arith.constant 0 : i32
    %dma_wait3A_809 = arith.constant 0 : i32
    %dma_wait3A_810 = tpu.memref_slice %arg6[%dma_wait3A_807, %dma_wait3A_808, %dma_wait3A_809] : memref<4x2x128xi32, #tpu.memory_space<vmem>> -> memref<1x1x128xi32, #tpu.memory_space<vmem>>
    %dma_wait3A_811 = tpu.memref_squeeze %dma_wait3A_810 : memref<1x1x128xi32, #tpu.memory_space<vmem>> -> memref<128xi32, #tpu.memory_space<vmem>>
    %dma_wait3A_812 = tpu.memref_slice %arg3[%add3A_485] : memref<100000xi32, #tpu.memory_space<hbm>> -> memref<128xi32, #tpu.memory_space<hbm>>
    %dma_wait3A_813 = arith.constant 0 : i32
    %dma_wait3A_814 = tpu.memref_slice %arg6[%dma_wait3A_807, %dma_wait3A_808, %dma_wait3A_813] : memref<4x2x128xi32, #tpu.memory_space<vmem>> -> memref<1x1x128xi32, #tpu.memory_space<vmem>>
    %dma_wait3A_815 = tpu.memref_squeeze %dma_wait3A_814 : memref<1x1x128xi32, #tpu.memory_space<vmem>> -> memref<128xi32, #tpu.memory_space<vmem>>
    %dma_wait3A_816 = tpu.memref_slice %arg3[%add3A_485] : memref<100000xi32, #tpu.memory_space<hbm>> -> memref<128xi32, #tpu.memory_space<hbm>>
    tpu.wait_dma2 semaphore(%arg13 : memref<!tpu.dma_semaphore, #tpu.memory_space<semaphore_mem>>) src(%dma_wait3A_816 : memref<128xi32, #tpu.memory_space<hbm>>) dst(%dma_wait3A_815 : memref<128xi32, #tpu.memory_space<vmem>>)
    %dma_wait3A_817 = arith.constant 2 : i32
    %dma_wait3A_818 = arith.constant 1 : i32
    %dma_wait3A_819 = arith.constant 0 : i32
    %dma_wait3A_820 = tpu.memref_slice %arg6[%dma_wait3A_817, %dma_wait3A_818, %dma_wait3A_819] : memref<4x2x128xi32, #tpu.memory_space<vmem>> -> memref<1x1x128xi32, #tpu.memory_space<vmem>>
    %dma_wait3A_821 = tpu.memref_squeeze %dma_wait3A_820 : memref<1x1x128xi32, #tpu.memory_space<vmem>> -> memref<128xi32, #tpu.memory_space<vmem>>
    %dma_wait3A_822 = tpu.memref_slice %arg3[%add3A_497] : memref<100000xi32, #tpu.memory_space<hbm>> -> memref<128xi32, #tpu.memory_space<hbm>>
    %dma_wait3A_823 = arith.constant 0 : i32
    %dma_wait3A_824 = tpu.memref_slice %arg6[%dma_wait3A_817, %dma_wait3A_818, %dma_wait3A_823] : memref<4x2x128xi32, #tpu.memory_space<vmem>> -> memref<1x1x128xi32, #tpu.memory_space<vmem>>
    %dma_wait3A_825 = tpu.memref_squeeze %dma_wait3A_824 : memref<1x1x128xi32, #tpu.memory_space<vmem>> -> memref<128xi32, #tpu.memory_space<vmem>>
    %dma_wait3A_826 = tpu.memref_slice %arg3[%add3A_497] : memref<100000xi32, #tpu.memory_space<hbm>> -> memref<128xi32, #tpu.memory_space<hbm>>
    tpu.wait_dma2 semaphore(%arg13 : memref<!tpu.dma_semaphore, #tpu.memory_space<semaphore_mem>>) src(%dma_wait3A_826 : memref<128xi32, #tpu.memory_space<hbm>>) dst(%dma_wait3A_825 : memref<128xi32, #tpu.memory_space<vmem>>)
    %dma_start3A_827 = arith.constant 2 : i32
    %dma_start3A_828 = arith.constant 2 : i32
    %dma_start3A_829 = arith.constant 0 : i32
    %dma_start3A_830 = arith.constant 0 : i32
    %dma_start3A_831 = arith.constant 0 : i32
    %dma_start3A_832 = tpu.memref_slice %arg5[%dma_start3A_827, %dma_start3A_830, %dma_start3A_831] : memref<4x256x64xf32, #tpu.memory_space<vmem>> -> memref<1x128x64xf32, #tpu.memory_space<vmem>>
    %dma_start3A_833 = tpu.memref_squeeze %dma_start3A_832 : memref<1x128x64xf32, #tpu.memory_space<vmem>> -> memref<128x64xf32, #tpu.memory_space<vmem>>
    %dma_start3A_834 = arith.constant 0 : i32
    %dma_start3A_835 = tpu.memref_slice %arg6[%dma_start3A_828, %dma_start3A_829, %dma_start3A_834] : memref<4x2x128xi32, #tpu.memory_space<vmem>> -> memref<1x1x128xi32, #tpu.memory_space<vmem>>
    %dma_start3A_836 = tpu.memref_squeeze %dma_start3A_835 : memref<1x1x128xi32, #tpu.memory_space<vmem>> -> memref<128xi32, #tpu.memory_space<vmem>>
    %dma_start3A_837 = arith.constant 0 : i32
    %dma_start3A_838 = arith.constant 0 : i32
    %dma_start3A_839 = tpu.memref_slice %arg10[%dma_start3A_837, %dma_start3A_838] : memref<288x64xf32, #tpu.memory_space<vmem_shared>> -> memref<288x64xf32, #tpu.memory_space<vmem_shared>>
    tpu.enqueue_indirect_dma source(%dma_start3A_833 : memref<128x64xf32, #tpu.memory_space<vmem>>) target(%dma_start3A_839 : memref<288x64xf32, #tpu.memory_space<vmem_shared>>) offsets(%dma_start3A_836 : memref<128xi32, #tpu.memory_space<vmem>>) semaphore(%arg17 : memref<!tpu.dma_semaphore, #tpu.memory_space<semaphore_mem>>) {add = true}
    %dma_start3A_840 = arith.constant 2 : i32
    %dma_start3A_841 = arith.constant 2 : i32
    %dma_start3A_842 = arith.constant 1 : i32
    %dma_start3A_843 = arith.constant 128 : i32
    %dma_start3A_844 = arith.constant 0 : i32
    %dma_start3A_845 = tpu.memref_slice %arg5[%dma_start3A_840, %dma_start3A_843, %dma_start3A_844] : memref<4x256x64xf32, #tpu.memory_space<vmem>> -> memref<1x128x64xf32, #tpu.memory_space<vmem>>
    %dma_start3A_846 = tpu.memref_squeeze %dma_start3A_845 : memref<1x128x64xf32, #tpu.memory_space<vmem>> -> memref<128x64xf32, #tpu.memory_space<vmem>>
    %dma_start3A_847 = arith.constant 0 : i32
    %dma_start3A_848 = tpu.memref_slice %arg6[%dma_start3A_841, %dma_start3A_842, %dma_start3A_847] : memref<4x2x128xi32, #tpu.memory_space<vmem>> -> memref<1x1x128xi32, #tpu.memory_space<vmem>>
    %dma_start3A_849 = tpu.memref_squeeze %dma_start3A_848 : memref<1x1x128xi32, #tpu.memory_space<vmem>> -> memref<128xi32, #tpu.memory_space<vmem>>
    %dma_start3A_850 = arith.constant 0 : i32
    %dma_start3A_851 = arith.constant 0 : i32
    %dma_start3A_852 = tpu.memref_slice %arg10[%dma_start3A_850, %dma_start3A_851] : memref<288x64xf32, #tpu.memory_space<vmem_shared>> -> memref<288x64xf32, #tpu.memory_space<vmem_shared>>
    tpu.enqueue_indirect_dma source(%dma_start3A_846 : memref<128x64xf32, #tpu.memory_space<vmem>>) target(%dma_start3A_852 : memref<288x64xf32, #tpu.memory_space<vmem_shared>>) offsets(%dma_start3A_849 : memref<128xi32, #tpu.memory_space<vmem>>) semaphore(%arg17 : memref<!tpu.dma_semaphore, #tpu.memory_space<semaphore_mem>>) {add = true}
    %dma_wait3A_853 = arith.constant 2 : i32
    %dma_wait3A_854 = arith.constant 2 : i32
    %dma_wait3A_855 = arith.constant 0 : i32
    %dma_wait3A_856 = arith.constant 0 : i32
    %dma_wait3A_857 = arith.constant 0 : i32
    %dma_wait3A_858 = tpu.memref_slice %arg5[%dma_wait3A_853, %dma_wait3A_856, %dma_wait3A_857] : memref<4x256x64xf32, #tpu.memory_space<vmem>> -> memref<1x128x64xf32, #tpu.memory_space<vmem>>
    %dma_wait3A_859 = tpu.memref_squeeze %dma_wait3A_858 : memref<1x128x64xf32, #tpu.memory_space<vmem>> -> memref<128x64xf32, #tpu.memory_space<vmem>>
    %dma_wait3A_860 = arith.constant 0 : i32
    %dma_wait3A_861 = tpu.memref_slice %arg6[%dma_wait3A_854, %dma_wait3A_855, %dma_wait3A_860] : memref<4x2x128xi32, #tpu.memory_space<vmem>> -> memref<1x1x128xi32, #tpu.memory_space<vmem>>
    %dma_wait3A_862 = tpu.memref_squeeze %dma_wait3A_861 : memref<1x1x128xi32, #tpu.memory_space<vmem>> -> memref<128xi32, #tpu.memory_space<vmem>>
    %dma_wait3A_863 = arith.constant 0 : i32
    %dma_wait3A_864 = arith.constant 0 : i32
    %dma_wait3A_865 = tpu.memref_slice %arg10[%dma_wait3A_863, %dma_wait3A_864] : memref<288x64xf32, #tpu.memory_space<vmem_shared>> -> memref<288x64xf32, #tpu.memory_space<vmem_shared>>
    tpu.wait_indirect_dma semaphore(%arg17 : memref<!tpu.dma_semaphore, #tpu.memory_space<semaphore_mem>>) src(%dma_wait3A_859 : memref<128x64xf32, #tpu.memory_space<vmem>>) dst(%dma_wait3A_865 : memref<288x64xf32, #tpu.memory_space<vmem_shared>>)
    %dma_wait3A_866 = arith.constant 2 : i32
    %dma_wait3A_867 = arith.constant 2 : i32
    %dma_wait3A_868 = arith.constant 1 : i32
    %dma_wait3A_869 = arith.constant 128 : i32
    %dma_wait3A_870 = arith.constant 0 : i32
    %dma_wait3A_871 = tpu.memref_slice %arg5[%dma_wait3A_866, %dma_wait3A_869, %dma_wait3A_870] : memref<4x256x64xf32, #tpu.memory_space<vmem>> -> memref<1x128x64xf32, #tpu.memory_space<vmem>>
    %dma_wait3A_872 = tpu.memref_squeeze %dma_wait3A_871 : memref<1x128x64xf32, #tpu.memory_space<vmem>> -> memref<128x64xf32, #tpu.memory_space<vmem>>
    %dma_wait3A_873 = arith.constant 0 : i32
    %dma_wait3A_874 = tpu.memref_slice %arg6[%dma_wait3A_867, %dma_wait3A_868, %dma_wait3A_873] : memref<4x2x128xi32, #tpu.memory_space<vmem>> -> memref<1x1x128xi32, #tpu.memory_space<vmem>>
    %dma_wait3A_875 = tpu.memref_squeeze %dma_wait3A_874 : memref<1x1x128xi32, #tpu.memory_space<vmem>> -> memref<128xi32, #tpu.memory_space<vmem>>
    %dma_wait3A_876 = arith.constant 0 : i32
    %dma_wait3A_877 = arith.constant 0 : i32
    %dma_wait3A_878 = tpu.memref_slice %arg10[%dma_wait3A_876, %dma_wait3A_877] : memref<288x64xf32, #tpu.memory_space<vmem_shared>> -> memref<288x64xf32, #tpu.memory_space<vmem_shared>>
    tpu.wait_indirect_dma semaphore(%arg17 : memref<!tpu.dma_semaphore, #tpu.memory_space<semaphore_mem>>) src(%dma_wait3A_872 : memref<128x64xf32, #tpu.memory_space<vmem>>) dst(%dma_wait3A_878 : memref<288x64xf32, #tpu.memory_space<vmem_shared>>)
    %add3A_879 = arith.constant 96 : i32
    %add3A_880 = arith.addi %arg1, %add3A_879 : i32
    %mul3A_881 = arith.constant 256 : i32
    %mul3A_882 = arith.muli %add3A_880, %mul3A_881 : i32
    %add3A_883 = arith.constant 24576 : i32
    %add3A_884 = arith.addi %add3A_883, %mul3A_882 : i32
    %dma_start3A_885 = arith.constant 2 : i32
    %dma_start3A_886 = arith.constant 0 : i32
    %dma_start3A_887 = arith.constant 0 : i32
    %dma_start3A_888 = tpu.memref_slice %arg5[%dma_start3A_885, %dma_start3A_886, %dma_start3A_887] : memref<4x256x64xf32, #tpu.memory_space<vmem>> -> memref<1x256x64xf32, #tpu.memory_space<vmem>>
    %dma_start3A_889 = tpu.memref_squeeze %dma_start3A_888 : memref<1x256x64xf32, #tpu.memory_space<vmem>> -> memref<256x64xf32, #tpu.memory_space<vmem>>
    %dma_start3A_890 = tpu.memref_slice %arg2[%add3A_884, %mul3A_0] : memref<100000x128xf32, #tpu.memory_space<hbm>> -> memref<256x64xf32, #tpu.memory_space<hbm>>
    %dma_start3A_891 = arith.constant 0 : i32
    %dma_start3A_892 = arith.constant 0 : i32
    %dma_start3A_893 = tpu.memref_slice %arg5[%dma_start3A_885, %dma_start3A_891, %dma_start3A_892] : memref<4x256x64xf32, #tpu.memory_space<vmem>> -> memref<1x256x64xf32, #tpu.memory_space<vmem>>
    %dma_start3A_894 = tpu.memref_squeeze %dma_start3A_893 : memref<1x256x64xf32, #tpu.memory_space<vmem>> -> memref<256x64xf32, #tpu.memory_space<vmem>>
    %dma_start3A_895 = tpu.memref_slice %arg2[%add3A_884, %mul3A_0] : memref<100000x128xf32, #tpu.memory_space<hbm>> -> memref<256x64xf32, #tpu.memory_space<hbm>>
    tpu.enqueue_dma source(%dma_start3A_895 : memref<256x64xf32, #tpu.memory_space<hbm>>) target(%dma_start3A_894 : memref<256x64xf32, #tpu.memory_space<vmem>>) target_semaphore(%arg13 : memref<!tpu.dma_semaphore, #tpu.memory_space<semaphore_mem>>)
    %add3A_896 = arith.constant 0 : i32
    %add3A_897 = arith.addi %add3A_884, %add3A_896 : i32
    %dma_start3A_898 = arith.constant 2 : i32
    %dma_start3A_899 = arith.constant 0 : i32
    %dma_start3A_900 = arith.constant 0 : i32
    %dma_start3A_901 = tpu.memref_slice %arg6[%dma_start3A_898, %dma_start3A_899, %dma_start3A_900] : memref<4x2x128xi32, #tpu.memory_space<vmem>> -> memref<1x1x128xi32, #tpu.memory_space<vmem>>
    %dma_start3A_902 = tpu.memref_squeeze %dma_start3A_901 : memref<1x1x128xi32, #tpu.memory_space<vmem>> -> memref<128xi32, #tpu.memory_space<vmem>>
    %dma_start3A_903 = tpu.memref_slice %arg3[%add3A_897] : memref<100000xi32, #tpu.memory_space<hbm>> -> memref<128xi32, #tpu.memory_space<hbm>>
    %dma_start3A_904 = arith.constant 0 : i32
    %dma_start3A_905 = tpu.memref_slice %arg6[%dma_start3A_898, %dma_start3A_899, %dma_start3A_904] : memref<4x2x128xi32, #tpu.memory_space<vmem>> -> memref<1x1x128xi32, #tpu.memory_space<vmem>>
    %dma_start3A_906 = tpu.memref_squeeze %dma_start3A_905 : memref<1x1x128xi32, #tpu.memory_space<vmem>> -> memref<128xi32, #tpu.memory_space<vmem>>
    %dma_start3A_907 = tpu.memref_slice %arg3[%add3A_897] : memref<100000xi32, #tpu.memory_space<hbm>> -> memref<128xi32, #tpu.memory_space<hbm>>
    tpu.enqueue_dma source(%dma_start3A_907 : memref<128xi32, #tpu.memory_space<hbm>>) target(%dma_start3A_906 : memref<128xi32, #tpu.memory_space<vmem>>) target_semaphore(%arg13 : memref<!tpu.dma_semaphore, #tpu.memory_space<semaphore_mem>>)
    %add3A_908 = arith.constant 128 : i32
    %add3A_909 = arith.addi %add3A_884, %add3A_908 : i32
    %dma_start3A_910 = arith.constant 2 : i32
    %dma_start3A_911 = arith.constant 1 : i32
    %dma_start3A_912 = arith.constant 0 : i32
    %dma_start3A_913 = tpu.memref_slice %arg6[%dma_start3A_910, %dma_start3A_911, %dma_start3A_912] : memref<4x2x128xi32, #tpu.memory_space<vmem>> -> memref<1x1x128xi32, #tpu.memory_space<vmem>>
    %dma_start3A_914 = tpu.memref_squeeze %dma_start3A_913 : memref<1x1x128xi32, #tpu.memory_space<vmem>> -> memref<128xi32, #tpu.memory_space<vmem>>
    %dma_start3A_915 = tpu.memref_slice %arg3[%add3A_909] : memref<100000xi32, #tpu.memory_space<hbm>> -> memref<128xi32, #tpu.memory_space<hbm>>
    %dma_start3A_916 = arith.constant 0 : i32
    %dma_start3A_917 = tpu.memref_slice %arg6[%dma_start3A_910, %dma_start3A_911, %dma_start3A_916] : memref<4x2x128xi32, #tpu.memory_space<vmem>> -> memref<1x1x128xi32, #tpu.memory_space<vmem>>
    %dma_start3A_918 = tpu.memref_squeeze %dma_start3A_917 : memref<1x1x128xi32, #tpu.memory_space<vmem>> -> memref<128xi32, #tpu.memory_space<vmem>>
    %dma_start3A_919 = tpu.memref_slice %arg3[%add3A_909] : memref<100000xi32, #tpu.memory_space<hbm>> -> memref<128xi32, #tpu.memory_space<hbm>>
    tpu.enqueue_dma source(%dma_start3A_919 : memref<128xi32, #tpu.memory_space<hbm>>) target(%dma_start3A_918 : memref<128xi32, #tpu.memory_space<vmem>>) target_semaphore(%arg13 : memref<!tpu.dma_semaphore, #tpu.memory_space<semaphore_mem>>)
    %dma_wait3A_920 = arith.constant 3 : i32
    %dma_wait3A_921 = arith.constant 0 : i32
    %dma_wait3A_922 = arith.constant 0 : i32
    %dma_wait3A_923 = tpu.memref_slice %arg5[%dma_wait3A_920, %dma_wait3A_921, %dma_wait3A_922] : memref<4x256x64xf32, #tpu.memory_space<vmem>> -> memref<1x256x64xf32, #tpu.memory_space<vmem>>
    %dma_wait3A_924 = tpu.memref_squeeze %dma_wait3A_923 : memref<1x256x64xf32, #tpu.memory_space<vmem>> -> memref<256x64xf32, #tpu.memory_space<vmem>>
    %dma_wait3A_925 = tpu.memref_slice %arg2[%add3A_513, %mul3A_0] : memref<100000x128xf32, #tpu.memory_space<hbm>> -> memref<256x64xf32, #tpu.memory_space<hbm>>
    %dma_wait3A_926 = arith.constant 0 : i32
    %dma_wait3A_927 = arith.constant 0 : i32
    %dma_wait3A_928 = tpu.memref_slice %arg5[%dma_wait3A_920, %dma_wait3A_926, %dma_wait3A_927] : memref<4x256x64xf32, #tpu.memory_space<vmem>> -> memref<1x256x64xf32, #tpu.memory_space<vmem>>
    %dma_wait3A_929 = tpu.memref_squeeze %dma_wait3A_928 : memref<1x256x64xf32, #tpu.memory_space<vmem>> -> memref<256x64xf32, #tpu.memory_space<vmem>>
    %dma_wait3A_930 = tpu.memref_slice %arg2[%add3A_513, %mul3A_0] : memref<100000x128xf32, #tpu.memory_space<hbm>> -> memref<256x64xf32, #tpu.memory_space<hbm>>
    tpu.wait_dma2 semaphore(%arg14 : memref<!tpu.dma_semaphore, #tpu.memory_space<semaphore_mem>>) src(%dma_wait3A_930 : memref<256x64xf32, #tpu.memory_space<hbm>>) dst(%dma_wait3A_929 : memref<256x64xf32, #tpu.memory_space<vmem>>)
    %dma_wait3A_931 = arith.constant 3 : i32
    %dma_wait3A_932 = arith.constant 0 : i32
    %dma_wait3A_933 = arith.constant 0 : i32
    %dma_wait3A_934 = tpu.memref_slice %arg6[%dma_wait3A_931, %dma_wait3A_932, %dma_wait3A_933] : memref<4x2x128xi32, #tpu.memory_space<vmem>> -> memref<1x1x128xi32, #tpu.memory_space<vmem>>
    %dma_wait3A_935 = tpu.memref_squeeze %dma_wait3A_934 : memref<1x1x128xi32, #tpu.memory_space<vmem>> -> memref<128xi32, #tpu.memory_space<vmem>>
    %dma_wait3A_936 = tpu.memref_slice %arg3[%add3A_526] : memref<100000xi32, #tpu.memory_space<hbm>> -> memref<128xi32, #tpu.memory_space<hbm>>
    %dma_wait3A_937 = arith.constant 0 : i32
    %dma_wait3A_938 = tpu.memref_slice %arg6[%dma_wait3A_931, %dma_wait3A_932, %dma_wait3A_937] : memref<4x2x128xi32, #tpu.memory_space<vmem>> -> memref<1x1x128xi32, #tpu.memory_space<vmem>>
    %dma_wait3A_939 = tpu.memref_squeeze %dma_wait3A_938 : memref<1x1x128xi32, #tpu.memory_space<vmem>> -> memref<128xi32, #tpu.memory_space<vmem>>
    %dma_wait3A_940 = tpu.memref_slice %arg3[%add3A_526] : memref<100000xi32, #tpu.memory_space<hbm>> -> memref<128xi32, #tpu.memory_space<hbm>>
    tpu.wait_dma2 semaphore(%arg14 : memref<!tpu.dma_semaphore, #tpu.memory_space<semaphore_mem>>) src(%dma_wait3A_940 : memref<128xi32, #tpu.memory_space<hbm>>) dst(%dma_wait3A_939 : memref<128xi32, #tpu.memory_space<vmem>>)
    %dma_wait3A_941 = arith.constant 3 : i32
    %dma_wait3A_942 = arith.constant 1 : i32
    %dma_wait3A_943 = arith.constant 0 : i32
    %dma_wait3A_944 = tpu.memref_slice %arg6[%dma_wait3A_941, %dma_wait3A_942, %dma_wait3A_943] : memref<4x2x128xi32, #tpu.memory_space<vmem>> -> memref<1x1x128xi32, #tpu.memory_space<vmem>>
    %dma_wait3A_945 = tpu.memref_squeeze %dma_wait3A_944 : memref<1x1x128xi32, #tpu.memory_space<vmem>> -> memref<128xi32, #tpu.memory_space<vmem>>
    %dma_wait3A_946 = tpu.memref_slice %arg3[%add3A_538] : memref<100000xi32, #tpu.memory_space<hbm>> -> memref<128xi32, #tpu.memory_space<hbm>>
    %dma_wait3A_947 = arith.constant 0 : i32
    %dma_wait3A_948 = tpu.memref_slice %arg6[%dma_wait3A_941, %dma_wait3A_942, %dma_wait3A_947] : memref<4x2x128xi32, #tpu.memory_space<vmem>> -> memref<1x1x128xi32, #tpu.memory_space<vmem>>
    %dma_wait3A_949 = tpu.memref_squeeze %dma_wait3A_948 : memref<1x1x128xi32, #tpu.memory_space<vmem>> -> memref<128xi32, #tpu.memory_space<vmem>>
    %dma_wait3A_950 = tpu.memref_slice %arg3[%add3A_538] : memref<100000xi32, #tpu.memory_space<hbm>> -> memref<128xi32, #tpu.memory_space<hbm>>
    tpu.wait_dma2 semaphore(%arg14 : memref<!tpu.dma_semaphore, #tpu.memory_space<semaphore_mem>>) src(%dma_wait3A_950 : memref<128xi32, #tpu.memory_space<hbm>>) dst(%dma_wait3A_949 : memref<128xi32, #tpu.memory_space<vmem>>)
    %dma_start3A_951 = arith.constant 3 : i32
    %dma_start3A_952 = arith.constant 3 : i32
    %dma_start3A_953 = arith.constant 0 : i32
    %dma_start3A_954 = arith.constant 0 : i32
    %dma_start3A_955 = arith.constant 0 : i32
    %dma_start3A_956 = tpu.memref_slice %arg5[%dma_start3A_951, %dma_start3A_954, %dma_start3A_955] : memref<4x256x64xf32, #tpu.memory_space<vmem>> -> memref<1x128x64xf32, #tpu.memory_space<vmem>>
    %dma_start3A_957 = tpu.memref_squeeze %dma_start3A_956 : memref<1x128x64xf32, #tpu.memory_space<vmem>> -> memref<128x64xf32, #tpu.memory_space<vmem>>
    %dma_start3A_958 = arith.constant 0 : i32
    %dma_start3A_959 = tpu.memref_slice %arg6[%dma_start3A_952, %dma_start3A_953, %dma_start3A_958] : memref<4x2x128xi32, #tpu.memory_space<vmem>> -> memref<1x1x128xi32, #tpu.memory_space<vmem>>
    %dma_start3A_960 = tpu.memref_squeeze %dma_start3A_959 : memref<1x1x128xi32, #tpu.memory_space<vmem>> -> memref<128xi32, #tpu.memory_space<vmem>>
    %dma_start3A_961 = arith.constant 0 : i32
    %dma_start3A_962 = arith.constant 0 : i32
    %dma_start3A_963 = tpu.memref_slice %arg10[%dma_start3A_961, %dma_start3A_962] : memref<288x64xf32, #tpu.memory_space<vmem_shared>> -> memref<288x64xf32, #tpu.memory_space<vmem_shared>>
    tpu.enqueue_indirect_dma source(%dma_start3A_957 : memref<128x64xf32, #tpu.memory_space<vmem>>) target(%dma_start3A_963 : memref<288x64xf32, #tpu.memory_space<vmem_shared>>) offsets(%dma_start3A_960 : memref<128xi32, #tpu.memory_space<vmem>>) semaphore(%arg18 : memref<!tpu.dma_semaphore, #tpu.memory_space<semaphore_mem>>) {add = true}
    %dma_start3A_964 = arith.constant 3 : i32
    %dma_start3A_965 = arith.constant 3 : i32
    %dma_start3A_966 = arith.constant 1 : i32
    %dma_start3A_967 = arith.constant 128 : i32
    %dma_start3A_968 = arith.constant 0 : i32
    %dma_start3A_969 = tpu.memref_slice %arg5[%dma_start3A_964, %dma_start3A_967, %dma_start3A_968] : memref<4x256x64xf32, #tpu.memory_space<vmem>> -> memref<1x128x64xf32, #tpu.memory_space<vmem>>
    %dma_start3A_970 = tpu.memref_squeeze %dma_start3A_969 : memref<1x128x64xf32, #tpu.memory_space<vmem>> -> memref<128x64xf32, #tpu.memory_space<vmem>>
    %dma_start3A_971 = arith.constant 0 : i32
    %dma_start3A_972 = tpu.memref_slice %arg6[%dma_start3A_965, %dma_start3A_966, %dma_start3A_971] : memref<4x2x128xi32, #tpu.memory_space<vmem>> -> memref<1x1x128xi32, #tpu.memory_space<vmem>>
    %dma_start3A_973 = tpu.memref_squeeze %dma_start3A_972 : memref<1x1x128xi32, #tpu.memory_space<vmem>> -> memref<128xi32, #tpu.memory_space<vmem>>
    %dma_start3A_974 = arith.constant 0 : i32
    %dma_start3A_975 = arith.constant 0 : i32
    %dma_start3A_976 = tpu.memref_slice %arg10[%dma_start3A_974, %dma_start3A_975] : memref<288x64xf32, #tpu.memory_space<vmem_shared>> -> memref<288x64xf32, #tpu.memory_space<vmem_shared>>
    tpu.enqueue_indirect_dma source(%dma_start3A_970 : memref<128x64xf32, #tpu.memory_space<vmem>>) target(%dma_start3A_976 : memref<288x64xf32, #tpu.memory_space<vmem_shared>>) offsets(%dma_start3A_973 : memref<128xi32, #tpu.memory_space<vmem>>) semaphore(%arg18 : memref<!tpu.dma_semaphore, #tpu.memory_space<semaphore_mem>>) {add = true}
    %dma_wait3A_977 = arith.constant 3 : i32
    %dma_wait3A_978 = arith.constant 3 : i32
    %dma_wait3A_979 = arith.constant 0 : i32
    %dma_wait3A_980 = arith.constant 0 : i32
    %dma_wait3A_981 = arith.constant 0 : i32
    %dma_wait3A_982 = tpu.memref_slice %arg5[%dma_wait3A_977, %dma_wait3A_980, %dma_wait3A_981] : memref<4x256x64xf32, #tpu.memory_space<vmem>> -> memref<1x128x64xf32, #tpu.memory_space<vmem>>
    %dma_wait3A_983 = tpu.memref_squeeze %dma_wait3A_982 : memref<1x128x64xf32, #tpu.memory_space<vmem>> -> memref<128x64xf32, #tpu.memory_space<vmem>>
    %dma_wait3A_984 = arith.constant 0 : i32
    %dma_wait3A_985 = tpu.memref_slice %arg6[%dma_wait3A_978, %dma_wait3A_979, %dma_wait3A_984] : memref<4x2x128xi32, #tpu.memory_space<vmem>> -> memref<1x1x128xi32, #tpu.memory_space<vmem>>
    %dma_wait3A_986 = tpu.memref_squeeze %dma_wait3A_985 : memref<1x1x128xi32, #tpu.memory_space<vmem>> -> memref<128xi32, #tpu.memory_space<vmem>>
    %dma_wait3A_987 = arith.constant 0 : i32
    %dma_wait3A_988 = arith.constant 0 : i32
    %dma_wait3A_989 = tpu.memref_slice %arg10[%dma_wait3A_987, %dma_wait3A_988] : memref<288x64xf32, #tpu.memory_space<vmem_shared>> -> memref<288x64xf32, #tpu.memory_space<vmem_shared>>
    tpu.wait_indirect_dma semaphore(%arg18 : memref<!tpu.dma_semaphore, #tpu.memory_space<semaphore_mem>>) src(%dma_wait3A_983 : memref<128x64xf32, #tpu.memory_space<vmem>>) dst(%dma_wait3A_989 : memref<288x64xf32, #tpu.memory_space<vmem_shared>>)
    %dma_wait3A_990 = arith.constant 3 : i32
    %dma_wait3A_991 = arith.constant 3 : i32
    %dma_wait3A_992 = arith.constant 1 : i32
    %dma_wait3A_993 = arith.constant 128 : i32
    %dma_wait3A_994 = arith.constant 0 : i32
    %dma_wait3A_995 = tpu.memref_slice %arg5[%dma_wait3A_990, %dma_wait3A_993, %dma_wait3A_994] : memref<4x256x64xf32, #tpu.memory_space<vmem>> -> memref<1x128x64xf32, #tpu.memory_space<vmem>>
    %dma_wait3A_996 = tpu.memref_squeeze %dma_wait3A_995 : memref<1x128x64xf32, #tpu.memory_space<vmem>> -> memref<128x64xf32, #tpu.memory_space<vmem>>
    %dma_wait3A_997 = arith.constant 0 : i32
    %dma_wait3A_998 = tpu.memref_slice %arg6[%dma_wait3A_991, %dma_wait3A_992, %dma_wait3A_997] : memref<4x2x128xi32, #tpu.memory_space<vmem>> -> memref<1x1x128xi32, #tpu.memory_space<vmem>>
    %dma_wait3A_999 = tpu.memref_squeeze %dma_wait3A_998 : memref<1x1x128xi32, #tpu.memory_space<vmem>> -> memref<128xi32, #tpu.memory_space<vmem>>
    %dma_wait3A_1000 = arith.constant 0 : i32
    %dma_wait3A_1001 = arith.constant 0 : i32
    %dma_wait3A_1002 = tpu.memref_slice %arg10[%dma_wait3A_1000, %dma_wait3A_1001] : memref<288x64xf32, #tpu.memory_space<vmem_shared>> -> memref<288x64xf32, #tpu.memory_space<vmem_shared>>
    tpu.wait_indirect_dma semaphore(%arg18 : memref<!tpu.dma_semaphore, #tpu.memory_space<semaphore_mem>>) src(%dma_wait3A_996 : memref<128x64xf32, #tpu.memory_space<vmem>>) dst(%dma_wait3A_1002 : memref<288x64xf32, #tpu.memory_space<vmem_shared>>)
    %add3A_1003 = arith.constant 112 : i32
    %add3A_1004 = arith.addi %arg1, %add3A_1003 : i32
    %mul3A_1005 = arith.constant 256 : i32
    %mul3A_1006 = arith.muli %add3A_1004, %mul3A_1005 : i32
    %add3A_1007 = arith.constant 24576 : i32
    %add3A_1008 = arith.addi %add3A_1007, %mul3A_1006 : i32
    %dma_start3A_1009 = arith.constant 3 : i32
    %dma_start3A_1010 = arith.constant 0 : i32
    %dma_start3A_1011 = arith.constant 0 : i32
    %dma_start3A_1012 = tpu.memref_slice %arg5[%dma_start3A_1009, %dma_start3A_1010, %dma_start3A_1011] : memref<4x256x64xf32, #tpu.memory_space<vmem>> -> memref<1x256x64xf32, #tpu.memory_space<vmem>>
    %dma_start3A_1013 = tpu.memref_squeeze %dma_start3A_1012 : memref<1x256x64xf32, #tpu.memory_space<vmem>> -> memref<256x64xf32, #tpu.memory_space<vmem>>
    %dma_start3A_1014 = tpu.memref_slice %arg2[%add3A_1008, %mul3A_0] : memref<100000x128xf32, #tpu.memory_space<hbm>> -> memref<256x64xf32, #tpu.memory_space<hbm>>
    %dma_start3A_1015 = arith.constant 0 : i32
    %dma_start3A_1016 = arith.constant 0 : i32
    %dma_start3A_1017 = tpu.memref_slice %arg5[%dma_start3A_1009, %dma_start3A_1015, %dma_start3A_1016] : memref<4x256x64xf32, #tpu.memory_space<vmem>> -> memref<1x256x64xf32, #tpu.memory_space<vmem>>
    %dma_start3A_1018 = tpu.memref_squeeze %dma_start3A_1017 : memref<1x256x64xf32, #tpu.memory_space<vmem>> -> memref<256x64xf32, #tpu.memory_space<vmem>>
    %dma_start3A_1019 = tpu.memref_slice %arg2[%add3A_1008, %mul3A_0] : memref<100000x128xf32, #tpu.memory_space<hbm>> -> memref<256x64xf32, #tpu.memory_space<hbm>>
    tpu.enqueue_dma source(%dma_start3A_1019 : memref<256x64xf32, #tpu.memory_space<hbm>>) target(%dma_start3A_1018 : memref<256x64xf32, #tpu.memory_space<vmem>>) target_semaphore(%arg14 : memref<!tpu.dma_semaphore, #tpu.memory_space<semaphore_mem>>)
    %add3A_1020 = arith.constant 0 : i32
    %add3A_1021 = arith.addi %add3A_1008, %add3A_1020 : i32
    %dma_start3A_1022 = arith.constant 3 : i32
    %dma_start3A_1023 = arith.constant 0 : i32
    %dma_start3A_1024 = arith.constant 0 : i32
    %dma_start3A_1025 = tpu.memref_slice %arg6[%dma_start3A_1022, %dma_start3A_1023, %dma_start3A_1024] : memref<4x2x128xi32, #tpu.memory_space<vmem>> -> memref<1x1x128xi32, #tpu.memory_space<vmem>>
    %dma_start3A_1026 = tpu.memref_squeeze %dma_start3A_1025 : memref<1x1x128xi32, #tpu.memory_space<vmem>> -> memref<128xi32, #tpu.memory_space<vmem>>
    %dma_start3A_1027 = tpu.memref_slice %arg3[%add3A_1021] : memref<100000xi32, #tpu.memory_space<hbm>> -> memref<128xi32, #tpu.memory_space<hbm>>
    %dma_start3A_1028 = arith.constant 0 : i32
    %dma_start3A_1029 = tpu.memref_slice %arg6[%dma_start3A_1022, %dma_start3A_1023, %dma_start3A_1028] : memref<4x2x128xi32, #tpu.memory_space<vmem>> -> memref<1x1x128xi32, #tpu.memory_space<vmem>>
    %dma_start3A_1030 = tpu.memref_squeeze %dma_start3A_1029 : memref<1x1x128xi32, #tpu.memory_space<vmem>> -> memref<128xi32, #tpu.memory_space<vmem>>
    %dma_start3A_1031 = tpu.memref_slice %arg3[%add3A_1021] : memref<100000xi32, #tpu.memory_space<hbm>> -> memref<128xi32, #tpu.memory_space<hbm>>
    tpu.enqueue_dma source(%dma_start3A_1031 : memref<128xi32, #tpu.memory_space<hbm>>) target(%dma_start3A_1030 : memref<128xi32, #tpu.memory_space<vmem>>) target_semaphore(%arg14 : memref<!tpu.dma_semaphore, #tpu.memory_space<semaphore_mem>>)
    %add3A_1032 = arith.constant 128 : i32
    %add3A_1033 = arith.addi %add3A_1008, %add3A_1032 : i32
    %dma_start3A_1034 = arith.constant 3 : i32
    %dma_start3A_1035 = arith.constant 1 : i32
    %dma_start3A_1036 = arith.constant 0 : i32
    %dma_start3A_1037 = tpu.memref_slice %arg6[%dma_start3A_1034, %dma_start3A_1035, %dma_start3A_1036] : memref<4x2x128xi32, #tpu.memory_space<vmem>> -> memref<1x1x128xi32, #tpu.memory_space<vmem>>
    %dma_start3A_1038 = tpu.memref_squeeze %dma_start3A_1037 : memref<1x1x128xi32, #tpu.memory_space<vmem>> -> memref<128xi32, #tpu.memory_space<vmem>>
    %dma_start3A_1039 = tpu.memref_slice %arg3[%add3A_1033] : memref<100000xi32, #tpu.memory_space<hbm>> -> memref<128xi32, #tpu.memory_space<hbm>>
    %dma_start3A_1040 = arith.constant 0 : i32
    %dma_start3A_1041 = tpu.memref_slice %arg6[%dma_start3A_1034, %dma_start3A_1035, %dma_start3A_1040] : memref<4x2x128xi32, #tpu.memory_space<vmem>> -> memref<1x1x128xi32, #tpu.memory_space<vmem>>
    %dma_start3A_1042 = tpu.memref_squeeze %dma_start3A_1041 : memref<1x1x128xi32, #tpu.memory_space<vmem>> -> memref<128xi32, #tpu.memory_space<vmem>>
    %dma_start3A_1043 = tpu.memref_slice %arg3[%add3A_1033] : memref<100000xi32, #tpu.memory_space<hbm>> -> memref<128xi32, #tpu.memory_space<hbm>>
    tpu.enqueue_dma source(%dma_start3A_1043 : memref<128xi32, #tpu.memory_space<hbm>>) target(%dma_start3A_1042 : memref<128xi32, #tpu.memory_space<vmem>>) target_semaphore(%arg14 : memref<!tpu.dma_semaphore, #tpu.memory_space<semaphore_mem>>)
    %dma_wait3A_1044 = arith.constant 0 : i32
    %dma_wait3A_1045 = arith.constant 0 : i32
    %dma_wait3A_1046 = arith.constant 0 : i32
    %dma_wait3A_1047 = tpu.memref_slice %arg5[%dma_wait3A_1044, %dma_wait3A_1045, %dma_wait3A_1046] : memref<4x256x64xf32, #tpu.memory_space<vmem>> -> memref<1x256x64xf32, #tpu.memory_space<vmem>>
    %dma_wait3A_1048 = tpu.memref_squeeze %dma_wait3A_1047 : memref<1x256x64xf32, #tpu.memory_space<vmem>> -> memref<256x64xf32, #tpu.memory_space<vmem>>
    %dma_wait3A_1049 = tpu.memref_slice %arg2[%add3A_636, %mul3A_0] : memref<100000x128xf32, #tpu.memory_space<hbm>> -> memref<256x64xf32, #tpu.memory_space<hbm>>
    %dma_wait3A_1050 = arith.constant 0 : i32
    %dma_wait3A_1051 = arith.constant 0 : i32
    %dma_wait3A_1052 = tpu.memref_slice %arg5[%dma_wait3A_1044, %dma_wait3A_1050, %dma_wait3A_1051] : memref<4x256x64xf32, #tpu.memory_space<vmem>> -> memref<1x256x64xf32, #tpu.memory_space<vmem>>
    %dma_wait3A_1053 = tpu.memref_squeeze %dma_wait3A_1052 : memref<1x256x64xf32, #tpu.memory_space<vmem>> -> memref<256x64xf32, #tpu.memory_space<vmem>>
    %dma_wait3A_1054 = tpu.memref_slice %arg2[%add3A_636, %mul3A_0] : memref<100000x128xf32, #tpu.memory_space<hbm>> -> memref<256x64xf32, #tpu.memory_space<hbm>>
    tpu.wait_dma2 semaphore(%arg11 : memref<!tpu.dma_semaphore, #tpu.memory_space<semaphore_mem>>) src(%dma_wait3A_1054 : memref<256x64xf32, #tpu.memory_space<hbm>>) dst(%dma_wait3A_1053 : memref<256x64xf32, #tpu.memory_space<vmem>>)
    %dma_wait3A_1055 = arith.constant 0 : i32
    %dma_wait3A_1056 = arith.constant 0 : i32
    %dma_wait3A_1057 = arith.constant 0 : i32
    %dma_wait3A_1058 = tpu.memref_slice %arg6[%dma_wait3A_1055, %dma_wait3A_1056, %dma_wait3A_1057] : memref<4x2x128xi32, #tpu.memory_space<vmem>> -> memref<1x1x128xi32, #tpu.memory_space<vmem>>
    %dma_wait3A_1059 = tpu.memref_squeeze %dma_wait3A_1058 : memref<1x1x128xi32, #tpu.memory_space<vmem>> -> memref<128xi32, #tpu.memory_space<vmem>>
    %dma_wait3A_1060 = tpu.memref_slice %arg3[%add3A_649] : memref<100000xi32, #tpu.memory_space<hbm>> -> memref<128xi32, #tpu.memory_space<hbm>>
    %dma_wait3A_1061 = arith.constant 0 : i32
    %dma_wait3A_1062 = tpu.memref_slice %arg6[%dma_wait3A_1055, %dma_wait3A_1056, %dma_wait3A_1061] : memref<4x2x128xi32, #tpu.memory_space<vmem>> -> memref<1x1x128xi32, #tpu.memory_space<vmem>>
    %dma_wait3A_1063 = tpu.memref_squeeze %dma_wait3A_1062 : memref<1x1x128xi32, #tpu.memory_space<vmem>> -> memref<128xi32, #tpu.memory_space<vmem>>
    %dma_wait3A_1064 = tpu.memref_slice %arg3[%add3A_649] : memref<100000xi32, #tpu.memory_space<hbm>> -> memref<128xi32, #tpu.memory_space<hbm>>
    tpu.wait_dma2 semaphore(%arg11 : memref<!tpu.dma_semaphore, #tpu.memory_space<semaphore_mem>>) src(%dma_wait3A_1064 : memref<128xi32, #tpu.memory_space<hbm>>) dst(%dma_wait3A_1063 : memref<128xi32, #tpu.memory_space<vmem>>)
    %dma_wait3A_1065 = arith.constant 0 : i32
    %dma_wait3A_1066 = arith.constant 1 : i32
    %dma_wait3A_1067 = arith.constant 0 : i32
    %dma_wait3A_1068 = tpu.memref_slice %arg6[%dma_wait3A_1065, %dma_wait3A_1066, %dma_wait3A_1067] : memref<4x2x128xi32, #tpu.memory_space<vmem>> -> memref<1x1x128xi32, #tpu.memory_space<vmem>>
    %dma_wait3A_1069 = tpu.memref_squeeze %dma_wait3A_1068 : memref<1x1x128xi32, #tpu.memory_space<vmem>> -> memref<128xi32, #tpu.memory_space<vmem>>
    %dma_wait3A_1070 = tpu.memref_slice %arg3[%add3A_661] : memref<100000xi32, #tpu.memory_space<hbm>> -> memref<128xi32, #tpu.memory_space<hbm>>
    %dma_wait3A_1071 = arith.constant 0 : i32
    %dma_wait3A_1072 = tpu.memref_slice %arg6[%dma_wait3A_1065, %dma_wait3A_1066, %dma_wait3A_1071] : memref<4x2x128xi32, #tpu.memory_space<vmem>> -> memref<1x1x128xi32, #tpu.memory_space<vmem>>
    %dma_wait3A_1073 = tpu.memref_squeeze %dma_wait3A_1072 : memref<1x1x128xi32, #tpu.memory_space<vmem>> -> memref<128xi32, #tpu.memory_space<vmem>>
    %dma_wait3A_1074 = tpu.memref_slice %arg3[%add3A_661] : memref<100000xi32, #tpu.memory_space<hbm>> -> memref<128xi32, #tpu.memory_space<hbm>>
    tpu.wait_dma2 semaphore(%arg11 : memref<!tpu.dma_semaphore, #tpu.memory_space<semaphore_mem>>) src(%dma_wait3A_1074 : memref<128xi32, #tpu.memory_space<hbm>>) dst(%dma_wait3A_1073 : memref<128xi32, #tpu.memory_space<vmem>>)
    %dma_start3A_1075 = arith.constant 0 : i32
    %dma_start3A_1076 = arith.constant 0 : i32
    %dma_start3A_1077 = arith.constant 0 : i32
    %dma_start3A_1078 = arith.constant 0 : i32
    %dma_start3A_1079 = arith.constant 0 : i32
    %dma_start3A_1080 = tpu.memref_slice %arg5[%dma_start3A_1075, %dma_start3A_1078, %dma_start3A_1079] : memref<4x256x64xf32, #tpu.memory_space<vmem>> -> memref<1x128x64xf32, #tpu.memory_space<vmem>>
    %dma_start3A_1081 = tpu.memref_squeeze %dma_start3A_1080 : memref<1x128x64xf32, #tpu.memory_space<vmem>> -> memref<128x64xf32, #tpu.memory_space<vmem>>
    %dma_start3A_1082 = arith.constant 0 : i32
    %dma_start3A_1083 = tpu.memref_slice %arg6[%dma_start3A_1076, %dma_start3A_1077, %dma_start3A_1082] : memref<4x2x128xi32, #tpu.memory_space<vmem>> -> memref<1x1x128xi32, #tpu.memory_space<vmem>>
    %dma_start3A_1084 = tpu.memref_squeeze %dma_start3A_1083 : memref<1x1x128xi32, #tpu.memory_space<vmem>> -> memref<128xi32, #tpu.memory_space<vmem>>
    %dma_start3A_1085 = arith.constant 0 : i32
    %dma_start3A_1086 = arith.constant 0 : i32
    %dma_start3A_1087 = tpu.memref_slice %arg10[%dma_start3A_1085, %dma_start3A_1086] : memref<288x64xf32, #tpu.memory_space<vmem_shared>> -> memref<288x64xf32, #tpu.memory_space<vmem_shared>>
    tpu.enqueue_indirect_dma source(%dma_start3A_1081 : memref<128x64xf32, #tpu.memory_space<vmem>>) target(%dma_start3A_1087 : memref<288x64xf32, #tpu.memory_space<vmem_shared>>) offsets(%dma_start3A_1084 : memref<128xi32, #tpu.memory_space<vmem>>) semaphore(%arg15 : memref<!tpu.dma_semaphore, #tpu.memory_space<semaphore_mem>>) {add = true}
    %dma_start3A_1088 = arith.constant 0 : i32
    %dma_start3A_1089 = arith.constant 0 : i32
    %dma_start3A_1090 = arith.constant 1 : i32
    %dma_start3A_1091 = arith.constant 128 : i32
    %dma_start3A_1092 = arith.constant 0 : i32
    %dma_start3A_1093 = tpu.memref_slice %arg5[%dma_start3A_1088, %dma_start3A_1091, %dma_start3A_1092] : memref<4x256x64xf32, #tpu.memory_space<vmem>> -> memref<1x128x64xf32, #tpu.memory_space<vmem>>
    %dma_start3A_1094 = tpu.memref_squeeze %dma_start3A_1093 : memref<1x128x64xf32, #tpu.memory_space<vmem>> -> memref<128x64xf32, #tpu.memory_space<vmem>>
    %dma_start3A_1095 = arith.constant 0 : i32
    %dma_start3A_1096 = tpu.memref_slice %arg6[%dma_start3A_1089, %dma_start3A_1090, %dma_start3A_1095] : memref<4x2x128xi32, #tpu.memory_space<vmem>> -> memref<1x1x128xi32, #tpu.memory_space<vmem>>
    %dma_start3A_1097 = tpu.memref_squeeze %dma_start3A_1096 : memref<1x1x128xi32, #tpu.memory_space<vmem>> -> memref<128xi32, #tpu.memory_space<vmem>>
    %dma_start3A_1098 = arith.constant 0 : i32
    %dma_start3A_1099 = arith.constant 0 : i32
    %dma_start3A_1100 = tpu.memref_slice %arg10[%dma_start3A_1098, %dma_start3A_1099] : memref<288x64xf32, #tpu.memory_space<vmem_shared>> -> memref<288x64xf32, #tpu.memory_space<vmem_shared>>
    tpu.enqueue_indirect_dma source(%dma_start3A_1094 : memref<128x64xf32, #tpu.memory_space<vmem>>) target(%dma_start3A_1100 : memref<288x64xf32, #tpu.memory_space<vmem_shared>>) offsets(%dma_start3A_1097 : memref<128xi32, #tpu.memory_space<vmem>>) semaphore(%arg15 : memref<!tpu.dma_semaphore, #tpu.memory_space<semaphore_mem>>) {add = true}
    %dma_wait3A_1101 = arith.constant 0 : i32
    %dma_wait3A_1102 = arith.constant 0 : i32
    %dma_wait3A_1103 = arith.constant 0 : i32
    %dma_wait3A_1104 = arith.constant 0 : i32
    %dma_wait3A_1105 = arith.constant 0 : i32
    %dma_wait3A_1106 = tpu.memref_slice %arg5[%dma_wait3A_1101, %dma_wait3A_1104, %dma_wait3A_1105] : memref<4x256x64xf32, #tpu.memory_space<vmem>> -> memref<1x128x64xf32, #tpu.memory_space<vmem>>
    %dma_wait3A_1107 = tpu.memref_squeeze %dma_wait3A_1106 : memref<1x128x64xf32, #tpu.memory_space<vmem>> -> memref<128x64xf32, #tpu.memory_space<vmem>>
    %dma_wait3A_1108 = arith.constant 0 : i32
    %dma_wait3A_1109 = tpu.memref_slice %arg6[%dma_wait3A_1102, %dma_wait3A_1103, %dma_wait3A_1108] : memref<4x2x128xi32, #tpu.memory_space<vmem>> -> memref<1x1x128xi32, #tpu.memory_space<vmem>>
    %dma_wait3A_1110 = tpu.memref_squeeze %dma_wait3A_1109 : memref<1x1x128xi32, #tpu.memory_space<vmem>> -> memref<128xi32, #tpu.memory_space<vmem>>
    %dma_wait3A_1111 = arith.constant 0 : i32
    %dma_wait3A_1112 = arith.constant 0 : i32
    %dma_wait3A_1113 = tpu.memref_slice %arg10[%dma_wait3A_1111, %dma_wait3A_1112] : memref<288x64xf32, #tpu.memory_space<vmem_shared>> -> memref<288x64xf32, #tpu.memory_space<vmem_shared>>
    tpu.wait_indirect_dma semaphore(%arg15 : memref<!tpu.dma_semaphore, #tpu.memory_space<semaphore_mem>>) src(%dma_wait3A_1107 : memref<128x64xf32, #tpu.memory_space<vmem>>) dst(%dma_wait3A_1113 : memref<288x64xf32, #tpu.memory_space<vmem_shared>>)
    %dma_wait3A_1114 = arith.constant 0 : i32
    %dma_wait3A_1115 = arith.constant 0 : i32
    %dma_wait3A_1116 = arith.constant 1 : i32
    %dma_wait3A_1117 = arith.constant 128 : i32
    %dma_wait3A_1118 = arith.constant 0 : i32
    %dma_wait3A_1119 = tpu.memref_slice %arg5[%dma_wait3A_1114, %dma_wait3A_1117, %dma_wait3A_1118] : memref<4x256x64xf32, #tpu.memory_space<vmem>> -> memref<1x128x64xf32, #tpu.memory_space<vmem>>
    %dma_wait3A_1120 = tpu.memref_squeeze %dma_wait3A_1119 : memref<1x128x64xf32, #tpu.memory_space<vmem>> -> memref<128x64xf32, #tpu.memory_space<vmem>>
    %dma_wait3A_1121 = arith.constant 0 : i32
    %dma_wait3A_1122 = tpu.memref_slice %arg6[%dma_wait3A_1115, %dma_wait3A_1116, %dma_wait3A_1121] : memref<4x2x128xi32, #tpu.memory_space<vmem>> -> memref<1x1x128xi32, #tpu.memory_space<vmem>>
    %dma_wait3A_1123 = tpu.memref_squeeze %dma_wait3A_1122 : memref<1x1x128xi32, #tpu.memory_space<vmem>> -> memref<128xi32, #tpu.memory_space<vmem>>
    %dma_wait3A_1124 = arith.constant 0 : i32
    %dma_wait3A_1125 = arith.constant 0 : i32
    %dma_wait3A_1126 = tpu.memref_slice %arg10[%dma_wait3A_1124, %dma_wait3A_1125] : memref<288x64xf32, #tpu.memory_space<vmem_shared>> -> memref<288x64xf32, #tpu.memory_space<vmem_shared>>
    tpu.wait_indirect_dma semaphore(%arg15 : memref<!tpu.dma_semaphore, #tpu.memory_space<semaphore_mem>>) src(%dma_wait3A_1120 : memref<128x64xf32, #tpu.memory_space<vmem>>) dst(%dma_wait3A_1126 : memref<288x64xf32, #tpu.memory_space<vmem_shared>>)
    %add3A_1127 = arith.constant 128 : i32
    %add3A_1128 = arith.addi %arg1, %add3A_1127 : i32
    %mul3A_1129 = arith.constant 256 : i32
    %mul3A_1130 = arith.muli %add3A_1128, %mul3A_1129 : i32
    %add3A_1131 = arith.constant 24576 : i32
    %add3A_1132 = arith.addi %add3A_1131, %mul3A_1130 : i32
    %dma_start3A_1133 = arith.constant 0 : i32
    %dma_start3A_1134 = arith.constant 0 : i32
    %dma_start3A_1135 = arith.constant 0 : i32
    %dma_start3A_1136 = tpu.memref_slice %arg5[%dma_start3A_1133, %dma_start3A_1134, %dma_start3A_1135] : memref<4x256x64xf32, #tpu.memory_space<vmem>> -> memref<1x256x64xf32, #tpu.memory_space<vmem>>
    %dma_start3A_1137 = tpu.memref_squeeze %dma_start3A_1136 : memref<1x256x64xf32, #tpu.memory_space<vmem>> -> memref<256x64xf32, #tpu.memory_space<vmem>>
    %dma_start3A_1138 = tpu.memref_slice %arg2[%add3A_1132, %mul3A_0] : memref<100000x128xf32, #tpu.memory_space<hbm>> -> memref<256x64xf32, #tpu.memory_space<hbm>>
    %dma_start3A_1139 = arith.constant 0 : i32
    %dma_start3A_1140 = arith.constant 0 : i32
    %dma_start3A_1141 = tpu.memref_slice %arg5[%dma_start3A_1133, %dma_start3A_1139, %dma_start3A_1140] : memref<4x256x64xf32, #tpu.memory_space<vmem>> -> memref<1x256x64xf32, #tpu.memory_space<vmem>>
    %dma_start3A_1142 = tpu.memref_squeeze %dma_start3A_1141 : memref<1x256x64xf32, #tpu.memory_space<vmem>> -> memref<256x64xf32, #tpu.memory_space<vmem>>
    %dma_start3A_1143 = tpu.memref_slice %arg2[%add3A_1132, %mul3A_0] : memref<100000x128xf32, #tpu.memory_space<hbm>> -> memref<256x64xf32, #tpu.memory_space<hbm>>
    tpu.enqueue_dma source(%dma_start3A_1143 : memref<256x64xf32, #tpu.memory_space<hbm>>) target(%dma_start3A_1142 : memref<256x64xf32, #tpu.memory_space<vmem>>) target_semaphore(%arg11 : memref<!tpu.dma_semaphore, #tpu.memory_space<semaphore_mem>>)
    %add3A_1144 = arith.constant 0 : i32
    %add3A_1145 = arith.addi %add3A_1132, %add3A_1144 : i32
    %dma_start3A_1146 = arith.constant 0 : i32
    %dma_start3A_1147 = arith.constant 0 : i32
    %dma_start3A_1148 = arith.constant 0 : i32
    %dma_start3A_1149 = tpu.memref_slice %arg6[%dma_start3A_1146, %dma_start3A_1147, %dma_start3A_1148] : memref<4x2x128xi32, #tpu.memory_space<vmem>> -> memref<1x1x128xi32, #tpu.memory_space<vmem>>
    %dma_start3A_1150 = tpu.memref_squeeze %dma_start3A_1149 : memref<1x1x128xi32, #tpu.memory_space<vmem>> -> memref<128xi32, #tpu.memory_space<vmem>>
    %dma_start3A_1151 = tpu.memref_slice %arg3[%add3A_1145] : memref<100000xi32, #tpu.memory_space<hbm>> -> memref<128xi32, #tpu.memory_space<hbm>>
    %dma_start3A_1152 = arith.constant 0 : i32
    %dma_start3A_1153 = tpu.memref_slice %arg6[%dma_start3A_1146, %dma_start3A_1147, %dma_start3A_1152] : memref<4x2x128xi32, #tpu.memory_space<vmem>> -> memref<1x1x128xi32, #tpu.memory_space<vmem>>
    %dma_start3A_1154 = tpu.memref_squeeze %dma_start3A_1153 : memref<1x1x128xi32, #tpu.memory_space<vmem>> -> memref<128xi32, #tpu.memory_space<vmem>>
    %dma_start3A_1155 = tpu.memref_slice %arg3[%add3A_1145] : memref<100000xi32, #tpu.memory_space<hbm>> -> memref<128xi32, #tpu.memory_space<hbm>>
    tpu.enqueue_dma source(%dma_start3A_1155 : memref<128xi32, #tpu.memory_space<hbm>>) target(%dma_start3A_1154 : memref<128xi32, #tpu.memory_space<vmem>>) target_semaphore(%arg11 : memref<!tpu.dma_semaphore, #tpu.memory_space<semaphore_mem>>)
    %add3A_1156 = arith.constant 128 : i32
    %add3A_1157 = arith.addi %add3A_1132, %add3A_1156 : i32
    %dma_start3A_1158 = arith.constant 0 : i32
    %dma_start3A_1159 = arith.constant 1 : i32
    %dma_start3A_1160 = arith.constant 0 : i32
    %dma_start3A_1161 = tpu.memref_slice %arg6[%dma_start3A_1158, %dma_start3A_1159, %dma_start3A_1160] : memref<4x2x128xi32, #tpu.memory_space<vmem>> -> memref<1x1x128xi32, #tpu.memory_space<vmem>>
    %dma_start3A_1162 = tpu.memref_squeeze %dma_start3A_1161 : memref<1x1x128xi32, #tpu.memory_space<vmem>> -> memref<128xi32, #tpu.memory_space<vmem>>
    %dma_start3A_1163 = tpu.memref_slice %arg3[%add3A_1157] : memref<100000xi32, #tpu.memory_space<hbm>> -> memref<128xi32, #tpu.memory_space<hbm>>
    %dma_start3A_1164 = arith.constant 0 : i32
    %dma_start3A_1165 = tpu.memref_slice %arg6[%dma_start3A_1158, %dma_start3A_1159, %dma_start3A_1164] : memref<4x2x128xi32, #tpu.memory_space<vmem>> -> memref<1x1x128xi32, #tpu.memory_space<vmem>>
    %dma_start3A_1166 = tpu.memref_squeeze %dma_start3A_1165 : memref<1x1x128xi32, #tpu.memory_space<vmem>> -> memref<128xi32, #tpu.memory_space<vmem>>
    %dma_start3A_1167 = tpu.memref_slice %arg3[%add3A_1157] : memref<100000xi32, #tpu.memory_space<hbm>> -> memref<128xi32, #tpu.memory_space<hbm>>
    tpu.enqueue_dma source(%dma_start3A_1167 : memref<128xi32, #tpu.memory_space<hbm>>) target(%dma_start3A_1166 : memref<128xi32, #tpu.memory_space<vmem>>) target_semaphore(%arg11 : memref<!tpu.dma_semaphore, #tpu.memory_space<semaphore_mem>>)
    %dma_wait3A_1168 = arith.constant 1 : i32
    %dma_wait3A_1169 = arith.constant 0 : i32
    %dma_wait3A_1170 = arith.constant 0 : i32
    %dma_wait3A_1171 = tpu.memref_slice %arg5[%dma_wait3A_1168, %dma_wait3A_1169, %dma_wait3A_1170] : memref<4x256x64xf32, #tpu.memory_space<vmem>> -> memref<1x256x64xf32, #tpu.memory_space<vmem>>
    %dma_wait3A_1172 = tpu.memref_squeeze %dma_wait3A_1171 : memref<1x256x64xf32, #tpu.memory_space<vmem>> -> memref<256x64xf32, #tpu.memory_space<vmem>>
    %dma_wait3A_1173 = tpu.memref_slice %arg2[%add3A_760, %mul3A_0] : memref<100000x128xf32, #tpu.memory_space<hbm>> -> memref<256x64xf32, #tpu.memory_space<hbm>>
    %dma_wait3A_1174 = arith.constant 0 : i32
    %dma_wait3A_1175 = arith.constant 0 : i32
    %dma_wait3A_1176 = tpu.memref_slice %arg5[%dma_wait3A_1168, %dma_wait3A_1174, %dma_wait3A_1175] : memref<4x256x64xf32, #tpu.memory_space<vmem>> -> memref<1x256x64xf32, #tpu.memory_space<vmem>>
    %dma_wait3A_1177 = tpu.memref_squeeze %dma_wait3A_1176 : memref<1x256x64xf32, #tpu.memory_space<vmem>> -> memref<256x64xf32, #tpu.memory_space<vmem>>
    %dma_wait3A_1178 = tpu.memref_slice %arg2[%add3A_760, %mul3A_0] : memref<100000x128xf32, #tpu.memory_space<hbm>> -> memref<256x64xf32, #tpu.memory_space<hbm>>
    tpu.wait_dma2 semaphore(%arg12 : memref<!tpu.dma_semaphore, #tpu.memory_space<semaphore_mem>>) src(%dma_wait3A_1178 : memref<256x64xf32, #tpu.memory_space<hbm>>) dst(%dma_wait3A_1177 : memref<256x64xf32, #tpu.memory_space<vmem>>)
    %dma_wait3A_1179 = arith.constant 1 : i32
    %dma_wait3A_1180 = arith.constant 0 : i32
    %dma_wait3A_1181 = arith.constant 0 : i32
    %dma_wait3A_1182 = tpu.memref_slice %arg6[%dma_wait3A_1179, %dma_wait3A_1180, %dma_wait3A_1181] : memref<4x2x128xi32, #tpu.memory_space<vmem>> -> memref<1x1x128xi32, #tpu.memory_space<vmem>>
    %dma_wait3A_1183 = tpu.memref_squeeze %dma_wait3A_1182 : memref<1x1x128xi32, #tpu.memory_space<vmem>> -> memref<128xi32, #tpu.memory_space<vmem>>
    %dma_wait3A_1184 = tpu.memref_slice %arg3[%add3A_773] : memref<100000xi32, #tpu.memory_space<hbm>> -> memref<128xi32, #tpu.memory_space<hbm>>
    %dma_wait3A_1185 = arith.constant 0 : i32
    %dma_wait3A_1186 = tpu.memref_slice %arg6[%dma_wait3A_1179, %dma_wait3A_1180, %dma_wait3A_1185] : memref<4x2x128xi32, #tpu.memory_space<vmem>> -> memref<1x1x128xi32, #tpu.memory_space<vmem>>
    %dma_wait3A_1187 = tpu.memref_squeeze %dma_wait3A_1186 : memref<1x1x128xi32, #tpu.memory_space<vmem>> -> memref<128xi32, #tpu.memory_space<vmem>>
    %dma_wait3A_1188 = tpu.memref_slice %arg3[%add3A_773] : memref<100000xi32, #tpu.memory_space<hbm>> -> memref<128xi32, #tpu.memory_space<hbm>>
    tpu.wait_dma2 semaphore(%arg12 : memref<!tpu.dma_semaphore, #tpu.memory_space<semaphore_mem>>) src(%dma_wait3A_1188 : memref<128xi32, #tpu.memory_space<hbm>>) dst(%dma_wait3A_1187 : memref<128xi32, #tpu.memory_space<vmem>>)
    %dma_wait3A_1189 = arith.constant 1 : i32
    %dma_wait3A_1190 = arith.constant 1 : i32
    %dma_wait3A_1191 = arith.constant 0 : i32
    %dma_wait3A_1192 = tpu.memref_slice %arg6[%dma_wait3A_1189, %dma_wait3A_1190, %dma_wait3A_1191] : memref<4x2x128xi32, #tpu.memory_space<vmem>> -> memref<1x1x128xi32, #tpu.memory_space<vmem>>
    %dma_wait3A_1193 = tpu.memref_squeeze %dma_wait3A_1192 : memref<1x1x128xi32, #tpu.memory_space<vmem>> -> memref<128xi32, #tpu.memory_space<vmem>>
    %dma_wait3A_1194 = tpu.memref_slice %arg3[%add3A_785] : memref<100000xi32, #tpu.memory_space<hbm>> -> memref<128xi32, #tpu.memory_space<hbm>>
    %dma_wait3A_1195 = arith.constant 0 : i32
    %dma_wait3A_1196 = tpu.memref_slice %arg6[%dma_wait3A_1189, %dma_wait3A_1190, %dma_wait3A_1195] : memref<4x2x128xi32, #tpu.memory_space<vmem>> -> memref<1x1x128xi32, #tpu.memory_space<vmem>>
    %dma_wait3A_1197 = tpu.memref_squeeze %dma_wait3A_1196 : memref<1x1x128xi32, #tpu.memory_space<vmem>> -> memref<128xi32, #tpu.memory_space<vmem>>
    %dma_wait3A_1198 = tpu.memref_slice %arg3[%add3A_785] : memref<100000xi32, #tpu.memory_space<hbm>> -> memref<128xi32, #tpu.memory_space<hbm>>
    tpu.wait_dma2 semaphore(%arg12 : memref<!tpu.dma_semaphore, #tpu.memory_space<semaphore_mem>>) src(%dma_wait3A_1198 : memref<128xi32, #tpu.memory_space<hbm>>) dst(%dma_wait3A_1197 : memref<128xi32, #tpu.memory_space<vmem>>)
    %dma_start3A_1199 = arith.constant 1 : i32
    %dma_start3A_1200 = arith.constant 1 : i32
    %dma_start3A_1201 = arith.constant 0 : i32
    %dma_start3A_1202 = arith.constant 0 : i32
    %dma_start3A_1203 = arith.constant 0 : i32
    %dma_start3A_1204 = tpu.memref_slice %arg5[%dma_start3A_1199, %dma_start3A_1202, %dma_start3A_1203] : memref<4x256x64xf32, #tpu.memory_space<vmem>> -> memref<1x128x64xf32, #tpu.memory_space<vmem>>
    %dma_start3A_1205 = tpu.memref_squeeze %dma_start3A_1204 : memref<1x128x64xf32, #tpu.memory_space<vmem>> -> memref<128x64xf32, #tpu.memory_space<vmem>>
    %dma_start3A_1206 = arith.constant 0 : i32
    %dma_start3A_1207 = tpu.memref_slice %arg6[%dma_start3A_1200, %dma_start3A_1201, %dma_start3A_1206] : memref<4x2x128xi32, #tpu.memory_space<vmem>> -> memref<1x1x128xi32, #tpu.memory_space<vmem>>
    %dma_start3A_1208 = tpu.memref_squeeze %dma_start3A_1207 : memref<1x1x128xi32, #tpu.memory_space<vmem>> -> memref<128xi32, #tpu.memory_space<vmem>>
    %dma_start3A_1209 = arith.constant 0 : i32
    %dma_start3A_1210 = arith.constant 0 : i32
    %dma_start3A_1211 = tpu.memref_slice %arg10[%dma_start3A_1209, %dma_start3A_1210] : memref<288x64xf32, #tpu.memory_space<vmem_shared>> -> memref<288x64xf32, #tpu.memory_space<vmem_shared>>
    tpu.enqueue_indirect_dma source(%dma_start3A_1205 : memref<128x64xf32, #tpu.memory_space<vmem>>) target(%dma_start3A_1211 : memref<288x64xf32, #tpu.memory_space<vmem_shared>>) offsets(%dma_start3A_1208 : memref<128xi32, #tpu.memory_space<vmem>>) semaphore(%arg16 : memref<!tpu.dma_semaphore, #tpu.memory_space<semaphore_mem>>) {add = true}
    %dma_start3A_1212 = arith.constant 1 : i32
    %dma_start3A_1213 = arith.constant 1 : i32
    %dma_start3A_1214 = arith.constant 1 : i32
    %dma_start3A_1215 = arith.constant 128 : i32
    %dma_start3A_1216 = arith.constant 0 : i32
    %dma_start3A_1217 = tpu.memref_slice %arg5[%dma_start3A_1212, %dma_start3A_1215, %dma_start3A_1216] : memref<4x256x64xf32, #tpu.memory_space<vmem>> -> memref<1x128x64xf32, #tpu.memory_space<vmem>>
    %dma_start3A_1218 = tpu.memref_squeeze %dma_start3A_1217 : memref<1x128x64xf32, #tpu.memory_space<vmem>> -> memref<128x64xf32, #tpu.memory_space<vmem>>
    %dma_start3A_1219 = arith.constant 0 : i32
    %dma_start3A_1220 = tpu.memref_slice %arg6[%dma_start3A_1213, %dma_start3A_1214, %dma_start3A_1219] : memref<4x2x128xi32, #tpu.memory_space<vmem>> -> memref<1x1x128xi32, #tpu.memory_space<vmem>>
    %dma_start3A_1221 = tpu.memref_squeeze %dma_start3A_1220 : memref<1x1x128xi32, #tpu.memory_space<vmem>> -> memref<128xi32, #tpu.memory_space<vmem>>
    %dma_start3A_1222 = arith.constant 0 : i32
    %dma_start3A_1223 = arith.constant 0 : i32
    %dma_start3A_1224 = tpu.memref_slice %arg10[%dma_start3A_1222, %dma_start3A_1223] : memref<288x64xf32, #tpu.memory_space<vmem_shared>> -> memref<288x64xf32, #tpu.memory_space<vmem_shared>>
    tpu.enqueue_indirect_dma source(%dma_start3A_1218 : memref<128x64xf32, #tpu.memory_space<vmem>>) target(%dma_start3A_1224 : memref<288x64xf32, #tpu.memory_space<vmem_shared>>) offsets(%dma_start3A_1221 : memref<128xi32, #tpu.memory_space<vmem>>) semaphore(%arg16 : memref<!tpu.dma_semaphore, #tpu.memory_space<semaphore_mem>>) {add = true}
    %dma_wait3A_1225 = arith.constant 1 : i32
    %dma_wait3A_1226 = arith.constant 1 : i32
    %dma_wait3A_1227 = arith.constant 0 : i32
    %dma_wait3A_1228 = arith.constant 0 : i32
    %dma_wait3A_1229 = arith.constant 0 : i32
    %dma_wait3A_1230 = tpu.memref_slice %arg5[%dma_wait3A_1225, %dma_wait3A_1228, %dma_wait3A_1229] : memref<4x256x64xf32, #tpu.memory_space<vmem>> -> memref<1x128x64xf32, #tpu.memory_space<vmem>>
    %dma_wait3A_1231 = tpu.memref_squeeze %dma_wait3A_1230 : memref<1x128x64xf32, #tpu.memory_space<vmem>> -> memref<128x64xf32, #tpu.memory_space<vmem>>
    %dma_wait3A_1232 = arith.constant 0 : i32
    %dma_wait3A_1233 = tpu.memref_slice %arg6[%dma_wait3A_1226, %dma_wait3A_1227, %dma_wait3A_1232] : memref<4x2x128xi32, #tpu.memory_space<vmem>> -> memref<1x1x128xi32, #tpu.memory_space<vmem>>
    %dma_wait3A_1234 = tpu.memref_squeeze %dma_wait3A_1233 : memref<1x1x128xi32, #tpu.memory_space<vmem>> -> memref<128xi32, #tpu.memory_space<vmem>>
    %dma_wait3A_1235 = arith.constant 0 : i32
    %dma_wait3A_1236 = arith.constant 0 : i32
    %dma_wait3A_1237 = tpu.memref_slice %arg10[%dma_wait3A_1235, %dma_wait3A_1236] : memref<288x64xf32, #tpu.memory_space<vmem_shared>> -> memref<288x64xf32, #tpu.memory_space<vmem_shared>>
    tpu.wait_indirect_dma semaphore(%arg16 : memref<!tpu.dma_semaphore, #tpu.memory_space<semaphore_mem>>) src(%dma_wait3A_1231 : memref<128x64xf32, #tpu.memory_space<vmem>>) dst(%dma_wait3A_1237 : memref<288x64xf32, #tpu.memory_space<vmem_shared>>)
    %dma_wait3A_1238 = arith.constant 1 : i32
    %dma_wait3A_1239 = arith.constant 1 : i32
    %dma_wait3A_1240 = arith.constant 1 : i32
    %dma_wait3A_1241 = arith.constant 128 : i32
    %dma_wait3A_1242 = arith.constant 0 : i32
    %dma_wait3A_1243 = tpu.memref_slice %arg5[%dma_wait3A_1238, %dma_wait3A_1241, %dma_wait3A_1242] : memref<4x256x64xf32, #tpu.memory_space<vmem>> -> memref<1x128x64xf32, #tpu.memory_space<vmem>>
    %dma_wait3A_1244 = tpu.memref_squeeze %dma_wait3A_1243 : memref<1x128x64xf32, #tpu.memory_space<vmem>> -> memref<128x64xf32, #tpu.memory_space<vmem>>
    %dma_wait3A_1245 = arith.constant 0 : i32
    %dma_wait3A_1246 = tpu.memref_slice %arg6[%dma_wait3A_1239, %dma_wait3A_1240, %dma_wait3A_1245] : memref<4x2x128xi32, #tpu.memory_space<vmem>> -> memref<1x1x128xi32, #tpu.memory_space<vmem>>
    %dma_wait3A_1247 = tpu.memref_squeeze %dma_wait3A_1246 : memref<1x1x128xi32, #tpu.memory_space<vmem>> -> memref<128xi32, #tpu.memory_space<vmem>>
    %dma_wait3A_1248 = arith.constant 0 : i32
    %dma_wait3A_1249 = arith.constant 0 : i32
    %dma_wait3A_1250 = tpu.memref_slice %arg10[%dma_wait3A_1248, %dma_wait3A_1249] : memref<288x64xf32, #tpu.memory_space<vmem_shared>> -> memref<288x64xf32, #tpu.memory_space<vmem_shared>>
    tpu.wait_indirect_dma semaphore(%arg16 : memref<!tpu.dma_semaphore, #tpu.memory_space<semaphore_mem>>) src(%dma_wait3A_1244 : memref<128x64xf32, #tpu.memory_space<vmem>>) dst(%dma_wait3A_1250 : memref<288x64xf32, #tpu.memory_space<vmem_shared>>)
    %add3A_1251 = arith.constant 144 : i32
    %add3A_1252 = arith.addi %arg1, %add3A_1251 : i32
    %mul3A_1253 = arith.constant 256 : i32
    %mul3A_1254 = arith.muli %add3A_1252, %mul3A_1253 : i32
    %add3A_1255 = arith.constant 24576 : i32
    %add3A_1256 = arith.addi %add3A_1255, %mul3A_1254 : i32
    %dma_start3A_1257 = arith.constant 1 : i32
    %dma_start3A_1258 = arith.constant 0 : i32
    %dma_start3A_1259 = arith.constant 0 : i32
    %dma_start3A_1260 = tpu.memref_slice %arg5[%dma_start3A_1257, %dma_start3A_1258, %dma_start3A_1259] : memref<4x256x64xf32, #tpu.memory_space<vmem>> -> memref<1x256x64xf32, #tpu.memory_space<vmem>>
    %dma_start3A_1261 = tpu.memref_squeeze %dma_start3A_1260 : memref<1x256x64xf32, #tpu.memory_space<vmem>> -> memref<256x64xf32, #tpu.memory_space<vmem>>
    %dma_start3A_1262 = tpu.memref_slice %arg2[%add3A_1256, %mul3A_0] : memref<100000x128xf32, #tpu.memory_space<hbm>> -> memref<256x64xf32, #tpu.memory_space<hbm>>
    %dma_start3A_1263 = arith.constant 0 : i32
    %dma_start3A_1264 = arith.constant 0 : i32
    %dma_start3A_1265 = tpu.memref_slice %arg5[%dma_start3A_1257, %dma_start3A_1263, %dma_start3A_1264] : memref<4x256x64xf32, #tpu.memory_space<vmem>> -> memref<1x256x64xf32, #tpu.memory_space<vmem>>
    %dma_start3A_1266 = tpu.memref_squeeze %dma_start3A_1265 : memref<1x256x64xf32, #tpu.memory_space<vmem>> -> memref<256x64xf32, #tpu.memory_space<vmem>>
    %dma_start3A_1267 = tpu.memref_slice %arg2[%add3A_1256, %mul3A_0] : memref<100000x128xf32, #tpu.memory_space<hbm>> -> memref<256x64xf32, #tpu.memory_space<hbm>>
    tpu.enqueue_dma source(%dma_start3A_1267 : memref<256x64xf32, #tpu.memory_space<hbm>>) target(%dma_start3A_1266 : memref<256x64xf32, #tpu.memory_space<vmem>>) target_semaphore(%arg12 : memref<!tpu.dma_semaphore, #tpu.memory_space<semaphore_mem>>)
    %add3A_1268 = arith.constant 0 : i32
    %add3A_1269 = arith.addi %add3A_1256, %add3A_1268 : i32
    %dma_start3A_1270 = arith.constant 1 : i32
    %dma_start3A_1271 = arith.constant 0 : i32
    %dma_start3A_1272 = arith.constant 0 : i32
    %dma_start3A_1273 = tpu.memref_slice %arg6[%dma_start3A_1270, %dma_start3A_1271, %dma_start3A_1272] : memref<4x2x128xi32, #tpu.memory_space<vmem>> -> memref<1x1x128xi32, #tpu.memory_space<vmem>>
    %dma_start3A_1274 = tpu.memref_squeeze %dma_start3A_1273 : memref<1x1x128xi32, #tpu.memory_space<vmem>> -> memref<128xi32, #tpu.memory_space<vmem>>
    %dma_start3A_1275 = tpu.memref_slice %arg3[%add3A_1269] : memref<100000xi32, #tpu.memory_space<hbm>> -> memref<128xi32, #tpu.memory_space<hbm>>
    %dma_start3A_1276 = arith.constant 0 : i32
    %dma_start3A_1277 = tpu.memref_slice %arg6[%dma_start3A_1270, %dma_start3A_1271, %dma_start3A_1276] : memref<4x2x128xi32, #tpu.memory_space<vmem>> -> memref<1x1x128xi32, #tpu.memory_space<vmem>>
    %dma_start3A_1278 = tpu.memref_squeeze %dma_start3A_1277 : memref<1x1x128xi32, #tpu.memory_space<vmem>> -> memref<128xi32, #tpu.memory_space<vmem>>
    %dma_start3A_1279 = tpu.memref_slice %arg3[%add3A_1269] : memref<100000xi32, #tpu.memory_space<hbm>> -> memref<128xi32, #tpu.memory_space<hbm>>
    tpu.enqueue_dma source(%dma_start3A_1279 : memref<128xi32, #tpu.memory_space<hbm>>) target(%dma_start3A_1278 : memref<128xi32, #tpu.memory_space<vmem>>) target_semaphore(%arg12 : memref<!tpu.dma_semaphore, #tpu.memory_space<semaphore_mem>>)
    %add3A_1280 = arith.constant 128 : i32
    %add3A_1281 = arith.addi %add3A_1256, %add3A_1280 : i32
    %dma_start3A_1282 = arith.constant 1 : i32
    %dma_start3A_1283 = arith.constant 1 : i32
    %dma_start3A_1284 = arith.constant 0 : i32
    %dma_start3A_1285 = tpu.memref_slice %arg6[%dma_start3A_1282, %dma_start3A_1283, %dma_start3A_1284] : memref<4x2x128xi32, #tpu.memory_space<vmem>> -> memref<1x1x128xi32, #tpu.memory_space<vmem>>
    %dma_start3A_1286 = tpu.memref_squeeze %dma_start3A_1285 : memref<1x1x128xi32, #tpu.memory_space<vmem>> -> memref<128xi32, #tpu.memory_space<vmem>>
    %dma_start3A_1287 = tpu.memref_slice %arg3[%add3A_1281] : memref<100000xi32, #tpu.memory_space<hbm>> -> memref<128xi32, #tpu.memory_space<hbm>>
    %dma_start3A_1288 = arith.constant 0 : i32
    %dma_start3A_1289 = tpu.memref_slice %arg6[%dma_start3A_1282, %dma_start3A_1283, %dma_start3A_1288] : memref<4x2x128xi32, #tpu.memory_space<vmem>> -> memref<1x1x128xi32, #tpu.memory_space<vmem>>
    %dma_start3A_1290 = tpu.memref_squeeze %dma_start3A_1289 : memref<1x1x128xi32, #tpu.memory_space<vmem>> -> memref<128xi32, #tpu.memory_space<vmem>>
    %dma_start3A_1291 = tpu.memref_slice %arg3[%add3A_1281] : memref<100000xi32, #tpu.memory_space<hbm>> -> memref<128xi32, #tpu.memory_space<hbm>>
    tpu.enqueue_dma source(%dma_start3A_1291 : memref<128xi32, #tpu.memory_space<hbm>>) target(%dma_start3A_1290 : memref<128xi32, #tpu.memory_space<vmem>>) target_semaphore(%arg12 : memref<!tpu.dma_semaphore, #tpu.memory_space<semaphore_mem>>)
    %dma_wait3A_1292 = arith.constant 2 : i32
    %dma_wait3A_1293 = arith.constant 0 : i32
    %dma_wait3A_1294 = arith.constant 0 : i32
    %dma_wait3A_1295 = tpu.memref_slice %arg5[%dma_wait3A_1292, %dma_wait3A_1293, %dma_wait3A_1294] : memref<4x256x64xf32, #tpu.memory_space<vmem>> -> memref<1x256x64xf32, #tpu.memory_space<vmem>>
    %dma_wait3A_1296 = tpu.memref_squeeze %dma_wait3A_1295 : memref<1x256x64xf32, #tpu.memory_space<vmem>> -> memref<256x64xf32, #tpu.memory_space<vmem>>
    %dma_wait3A_1297 = tpu.memref_slice %arg2[%add3A_884, %mul3A_0] : memref<100000x128xf32, #tpu.memory_space<hbm>> -> memref<256x64xf32, #tpu.memory_space<hbm>>
    %dma_wait3A_1298 = arith.constant 0 : i32
    %dma_wait3A_1299 = arith.constant 0 : i32
    %dma_wait3A_1300 = tpu.memref_slice %arg5[%dma_wait3A_1292, %dma_wait3A_1298, %dma_wait3A_1299] : memref<4x256x64xf32, #tpu.memory_space<vmem>> -> memref<1x256x64xf32, #tpu.memory_space<vmem>>
    %dma_wait3A_1301 = tpu.memref_squeeze %dma_wait3A_1300 : memref<1x256x64xf32, #tpu.memory_space<vmem>> -> memref<256x64xf32, #tpu.memory_space<vmem>>
    %dma_wait3A_1302 = tpu.memref_slice %arg2[%add3A_884, %mul3A_0] : memref<100000x128xf32, #tpu.memory_space<hbm>> -> memref<256x64xf32, #tpu.memory_space<hbm>>
    tpu.wait_dma2 semaphore(%arg13 : memref<!tpu.dma_semaphore, #tpu.memory_space<semaphore_mem>>) src(%dma_wait3A_1302 : memref<256x64xf32, #tpu.memory_space<hbm>>) dst(%dma_wait3A_1301 : memref<256x64xf32, #tpu.memory_space<vmem>>)
    %dma_wait3A_1303 = arith.constant 2 : i32
    %dma_wait3A_1304 = arith.constant 0 : i32
    %dma_wait3A_1305 = arith.constant 0 : i32
    %dma_wait3A_1306 = tpu.memref_slice %arg6[%dma_wait3A_1303, %dma_wait3A_1304, %dma_wait3A_1305] : memref<4x2x128xi32, #tpu.memory_space<vmem>> -> memref<1x1x128xi32, #tpu.memory_space<vmem>>
    %dma_wait3A_1307 = tpu.memref_squeeze %dma_wait3A_1306 : memref<1x1x128xi32, #tpu.memory_space<vmem>> -> memref<128xi32, #tpu.memory_space<vmem>>
    %dma_wait3A_1308 = tpu.memref_slice %arg3[%add3A_897] : memref<100000xi32, #tpu.memory_space<hbm>> -> memref<128xi32, #tpu.memory_space<hbm>>
    %dma_wait3A_1309 = arith.constant 0 : i32
    %dma_wait3A_1310 = tpu.memref_slice %arg6[%dma_wait3A_1303, %dma_wait3A_1304, %dma_wait3A_1309] : memref<4x2x128xi32, #tpu.memory_space<vmem>> -> memref<1x1x128xi32, #tpu.memory_space<vmem>>
    %dma_wait3A_1311 = tpu.memref_squeeze %dma_wait3A_1310 : memref<1x1x128xi32, #tpu.memory_space<vmem>> -> memref<128xi32, #tpu.memory_space<vmem>>
    %dma_wait3A_1312 = tpu.memref_slice %arg3[%add3A_897] : memref<100000xi32, #tpu.memory_space<hbm>> -> memref<128xi32, #tpu.memory_space<hbm>>
    tpu.wait_dma2 semaphore(%arg13 : memref<!tpu.dma_semaphore, #tpu.memory_space<semaphore_mem>>) src(%dma_wait3A_1312 : memref<128xi32, #tpu.memory_space<hbm>>) dst(%dma_wait3A_1311 : memref<128xi32, #tpu.memory_space<vmem>>)
    %dma_wait3A_1313 = arith.constant 2 : i32
    %dma_wait3A_1314 = arith.constant 1 : i32
    %dma_wait3A_1315 = arith.constant 0 : i32
    %dma_wait3A_1316 = tpu.memref_slice %arg6[%dma_wait3A_1313, %dma_wait3A_1314, %dma_wait3A_1315] : memref<4x2x128xi32, #tpu.memory_space<vmem>> -> memref<1x1x128xi32, #tpu.memory_space<vmem>>
    %dma_wait3A_1317 = tpu.memref_squeeze %dma_wait3A_1316 : memref<1x1x128xi32, #tpu.memory_space<vmem>> -> memref<128xi32, #tpu.memory_space<vmem>>
    %dma_wait3A_1318 = tpu.memref_slice %arg3[%add3A_909] : memref<100000xi32, #tpu.memory_space<hbm>> -> memref<128xi32, #tpu.memory_space<hbm>>
    %dma_wait3A_1319 = arith.constant 0 : i32
    %dma_wait3A_1320 = tpu.memref_slice %arg6[%dma_wait3A_1313, %dma_wait3A_1314, %dma_wait3A_1319] : memref<4x2x128xi32, #tpu.memory_space<vmem>> -> memref<1x1x128xi32, #tpu.memory_space<vmem>>
    %dma_wait3A_1321 = tpu.memref_squeeze %dma_wait3A_1320 : memref<1x1x128xi32, #tpu.memory_space<vmem>> -> memref<128xi32, #tpu.memory_space<vmem>>
    %dma_wait3A_1322 = tpu.memref_slice %arg3[%add3A_909] : memref<100000xi32, #tpu.memory_space<hbm>> -> memref<128xi32, #tpu.memory_space<hbm>>
    tpu.wait_dma2 semaphore(%arg13 : memref<!tpu.dma_semaphore, #tpu.memory_space<semaphore_mem>>) src(%dma_wait3A_1322 : memref<128xi32, #tpu.memory_space<hbm>>) dst(%dma_wait3A_1321 : memref<128xi32, #tpu.memory_space<vmem>>)
    %dma_start3A_1323 = arith.constant 2 : i32
    %dma_start3A_1324 = arith.constant 2 : i32
    %dma_start3A_1325 = arith.constant 0 : i32
    %dma_start3A_1326 = arith.constant 0 : i32
    %dma_start3A_1327 = arith.constant 0 : i32
    %dma_start3A_1328 = tpu.memref_slice %arg5[%dma_start3A_1323, %dma_start3A_1326, %dma_start3A_1327] : memref<4x256x64xf32, #tpu.memory_space<vmem>> -> memref<1x128x64xf32, #tpu.memory_space<vmem>>
    %dma_start3A_1329 = tpu.memref_squeeze %dma_start3A_1328 : memref<1x128x64xf32, #tpu.memory_space<vmem>> -> memref<128x64xf32, #tpu.memory_space<vmem>>
    %dma_start3A_1330 = arith.constant 0 : i32
    %dma_start3A_1331 = tpu.memref_slice %arg6[%dma_start3A_1324, %dma_start3A_1325, %dma_start3A_1330] : memref<4x2x128xi32, #tpu.memory_space<vmem>> -> memref<1x1x128xi32, #tpu.memory_space<vmem>>
    %dma_start3A_1332 = tpu.memref_squeeze %dma_start3A_1331 : memref<1x1x128xi32, #tpu.memory_space<vmem>> -> memref<128xi32, #tpu.memory_space<vmem>>
    %dma_start3A_1333 = arith.constant 0 : i32
    %dma_start3A_1334 = arith.constant 0 : i32
    %dma_start3A_1335 = tpu.memref_slice %arg10[%dma_start3A_1333, %dma_start3A_1334] : memref<288x64xf32, #tpu.memory_space<vmem_shared>> -> memref<288x64xf32, #tpu.memory_space<vmem_shared>>
    tpu.enqueue_indirect_dma source(%dma_start3A_1329 : memref<128x64xf32, #tpu.memory_space<vmem>>) target(%dma_start3A_1335 : memref<288x64xf32, #tpu.memory_space<vmem_shared>>) offsets(%dma_start3A_1332 : memref<128xi32, #tpu.memory_space<vmem>>) semaphore(%arg17 : memref<!tpu.dma_semaphore, #tpu.memory_space<semaphore_mem>>) {add = true}
    %dma_start3A_1336 = arith.constant 2 : i32
    %dma_start3A_1337 = arith.constant 2 : i32
    %dma_start3A_1338 = arith.constant 1 : i32
    %dma_start3A_1339 = arith.constant 128 : i32
    %dma_start3A_1340 = arith.constant 0 : i32
    %dma_start3A_1341 = tpu.memref_slice %arg5[%dma_start3A_1336, %dma_start3A_1339, %dma_start3A_1340] : memref<4x256x64xf32, #tpu.memory_space<vmem>> -> memref<1x128x64xf32, #tpu.memory_space<vmem>>
    %dma_start3A_1342 = tpu.memref_squeeze %dma_start3A_1341 : memref<1x128x64xf32, #tpu.memory_space<vmem>> -> memref<128x64xf32, #tpu.memory_space<vmem>>
    %dma_start3A_1343 = arith.constant 0 : i32
    %dma_start3A_1344 = tpu.memref_slice %arg6[%dma_start3A_1337, %dma_start3A_1338, %dma_start3A_1343] : memref<4x2x128xi32, #tpu.memory_space<vmem>> -> memref<1x1x128xi32, #tpu.memory_space<vmem>>
    %dma_start3A_1345 = tpu.memref_squeeze %dma_start3A_1344 : memref<1x1x128xi32, #tpu.memory_space<vmem>> -> memref<128xi32, #tpu.memory_space<vmem>>
    %dma_start3A_1346 = arith.constant 0 : i32
    %dma_start3A_1347 = arith.constant 0 : i32
    %dma_start3A_1348 = tpu.memref_slice %arg10[%dma_start3A_1346, %dma_start3A_1347] : memref<288x64xf32, #tpu.memory_space<vmem_shared>> -> memref<288x64xf32, #tpu.memory_space<vmem_shared>>
    tpu.enqueue_indirect_dma source(%dma_start3A_1342 : memref<128x64xf32, #tpu.memory_space<vmem>>) target(%dma_start3A_1348 : memref<288x64xf32, #tpu.memory_space<vmem_shared>>) offsets(%dma_start3A_1345 : memref<128xi32, #tpu.memory_space<vmem>>) semaphore(%arg17 : memref<!tpu.dma_semaphore, #tpu.memory_space<semaphore_mem>>) {add = true}
    %dma_wait3A_1349 = arith.constant 2 : i32
    %dma_wait3A_1350 = arith.constant 2 : i32
    %dma_wait3A_1351 = arith.constant 0 : i32
    %dma_wait3A_1352 = arith.constant 0 : i32
    %dma_wait3A_1353 = arith.constant 0 : i32
    %dma_wait3A_1354 = tpu.memref_slice %arg5[%dma_wait3A_1349, %dma_wait3A_1352, %dma_wait3A_1353] : memref<4x256x64xf32, #tpu.memory_space<vmem>> -> memref<1x128x64xf32, #tpu.memory_space<vmem>>
    %dma_wait3A_1355 = tpu.memref_squeeze %dma_wait3A_1354 : memref<1x128x64xf32, #tpu.memory_space<vmem>> -> memref<128x64xf32, #tpu.memory_space<vmem>>
    %dma_wait3A_1356 = arith.constant 0 : i32
    %dma_wait3A_1357 = tpu.memref_slice %arg6[%dma_wait3A_1350, %dma_wait3A_1351, %dma_wait3A_1356] : memref<4x2x128xi32, #tpu.memory_space<vmem>> -> memref<1x1x128xi32, #tpu.memory_space<vmem>>
    %dma_wait3A_1358 = tpu.memref_squeeze %dma_wait3A_1357 : memref<1x1x128xi32, #tpu.memory_space<vmem>> -> memref<128xi32, #tpu.memory_space<vmem>>
    %dma_wait3A_1359 = arith.constant 0 : i32
    %dma_wait3A_1360 = arith.constant 0 : i32
    %dma_wait3A_1361 = tpu.memref_slice %arg10[%dma_wait3A_1359, %dma_wait3A_1360] : memref<288x64xf32, #tpu.memory_space<vmem_shared>> -> memref<288x64xf32, #tpu.memory_space<vmem_shared>>
    tpu.wait_indirect_dma semaphore(%arg17 : memref<!tpu.dma_semaphore, #tpu.memory_space<semaphore_mem>>) src(%dma_wait3A_1355 : memref<128x64xf32, #tpu.memory_space<vmem>>) dst(%dma_wait3A_1361 : memref<288x64xf32, #tpu.memory_space<vmem_shared>>)
    %dma_wait3A_1362 = arith.constant 2 : i32
    %dma_wait3A_1363 = arith.constant 2 : i32
    %dma_wait3A_1364 = arith.constant 1 : i32
    %dma_wait3A_1365 = arith.constant 128 : i32
    %dma_wait3A_1366 = arith.constant 0 : i32
    %dma_wait3A_1367 = tpu.memref_slice %arg5[%dma_wait3A_1362, %dma_wait3A_1365, %dma_wait3A_1366] : memref<4x256x64xf32, #tpu.memory_space<vmem>> -> memref<1x128x64xf32, #tpu.memory_space<vmem>>
    %dma_wait3A_1368 = tpu.memref_squeeze %dma_wait3A_1367 : memref<1x128x64xf32, #tpu.memory_space<vmem>> -> memref<128x64xf32, #tpu.memory_space<vmem>>
    %dma_wait3A_1369 = arith.constant 0 : i32
    %dma_wait3A_1370 = tpu.memref_slice %arg6[%dma_wait3A_1363, %dma_wait3A_1364, %dma_wait3A_1369] : memref<4x2x128xi32, #tpu.memory_space<vmem>> -> memref<1x1x128xi32, #tpu.memory_space<vmem>>
    %dma_wait3A_1371 = tpu.memref_squeeze %dma_wait3A_1370 : memref<1x1x128xi32, #tpu.memory_space<vmem>> -> memref<128xi32, #tpu.memory_space<vmem>>
    %dma_wait3A_1372 = arith.constant 0 : i32
    %dma_wait3A_1373 = arith.constant 0 : i32
    %dma_wait3A_1374 = tpu.memref_slice %arg10[%dma_wait3A_1372, %dma_wait3A_1373] : memref<288x64xf32, #tpu.memory_space<vmem_shared>> -> memref<288x64xf32, #tpu.memory_space<vmem_shared>>
    tpu.wait_indirect_dma semaphore(%arg17 : memref<!tpu.dma_semaphore, #tpu.memory_space<semaphore_mem>>) src(%dma_wait3A_1368 : memref<128x64xf32, #tpu.memory_space<vmem>>) dst(%dma_wait3A_1374 : memref<288x64xf32, #tpu.memory_space<vmem_shared>>)
    %add3A_1375 = arith.constant 160 : i32
    %add3A_1376 = arith.addi %arg1, %add3A_1375 : i32
    %mul3A_1377 = arith.constant 256 : i32
    %mul3A_1378 = arith.muli %add3A_1376, %mul3A_1377 : i32
    %add3A_1379 = arith.constant 24576 : i32
    %add3A_1380 = arith.addi %add3A_1379, %mul3A_1378 : i32
    %dma_start3A_1381 = arith.constant 2 : i32
    %dma_start3A_1382 = arith.constant 0 : i32
    %dma_start3A_1383 = arith.constant 0 : i32
    %dma_start3A_1384 = tpu.memref_slice %arg5[%dma_start3A_1381, %dma_start3A_1382, %dma_start3A_1383] : memref<4x256x64xf32, #tpu.memory_space<vmem>> -> memref<1x256x64xf32, #tpu.memory_space<vmem>>
    %dma_start3A_1385 = tpu.memref_squeeze %dma_start3A_1384 : memref<1x256x64xf32, #tpu.memory_space<vmem>> -> memref<256x64xf32, #tpu.memory_space<vmem>>
    %dma_start3A_1386 = tpu.memref_slice %arg2[%add3A_1380, %mul3A_0] : memref<100000x128xf32, #tpu.memory_space<hbm>> -> memref<256x64xf32, #tpu.memory_space<hbm>>
    %dma_start3A_1387 = arith.constant 0 : i32
    %dma_start3A_1388 = arith.constant 0 : i32
    %dma_start3A_1389 = tpu.memref_slice %arg5[%dma_start3A_1381, %dma_start3A_1387, %dma_start3A_1388] : memref<4x256x64xf32, #tpu.memory_space<vmem>> -> memref<1x256x64xf32, #tpu.memory_space<vmem>>
    %dma_start3A_1390 = tpu.memref_squeeze %dma_start3A_1389 : memref<1x256x64xf32, #tpu.memory_space<vmem>> -> memref<256x64xf32, #tpu.memory_space<vmem>>
    %dma_start3A_1391 = tpu.memref_slice %arg2[%add3A_1380, %mul3A_0] : memref<100000x128xf32, #tpu.memory_space<hbm>> -> memref<256x64xf32, #tpu.memory_space<hbm>>
    tpu.enqueue_dma source(%dma_start3A_1391 : memref<256x64xf32, #tpu.memory_space<hbm>>) target(%dma_start3A_1390 : memref<256x64xf32, #tpu.memory_space<vmem>>) target_semaphore(%arg13 : memref<!tpu.dma_semaphore, #tpu.memory_space<semaphore_mem>>)
    %add3A_1392 = arith.constant 0 : i32
    %add3A_1393 = arith.addi %add3A_1380, %add3A_1392 : i32
    %dma_start3A_1394 = arith.constant 2 : i32
    %dma_start3A_1395 = arith.constant 0 : i32
    %dma_start3A_1396 = arith.constant 0 : i32
    %dma_start3A_1397 = tpu.memref_slice %arg6[%dma_start3A_1394, %dma_start3A_1395, %dma_start3A_1396] : memref<4x2x128xi32, #tpu.memory_space<vmem>> -> memref<1x1x128xi32, #tpu.memory_space<vmem>>
    %dma_start3A_1398 = tpu.memref_squeeze %dma_start3A_1397 : memref<1x1x128xi32, #tpu.memory_space<vmem>> -> memref<128xi32, #tpu.memory_space<vmem>>
    %dma_start3A_1399 = tpu.memref_slice %arg3[%add3A_1393] : memref<100000xi32, #tpu.memory_space<hbm>> -> memref<128xi32, #tpu.memory_space<hbm>>
    %dma_start3A_1400 = arith.constant 0 : i32
    %dma_start3A_1401 = tpu.memref_slice %arg6[%dma_start3A_1394, %dma_start3A_1395, %dma_start3A_1400] : memref<4x2x128xi32, #tpu.memory_space<vmem>> -> memref<1x1x128xi32, #tpu.memory_space<vmem>>
    %dma_start3A_1402 = tpu.memref_squeeze %dma_start3A_1401 : memref<1x1x128xi32, #tpu.memory_space<vmem>> -> memref<128xi32, #tpu.memory_space<vmem>>
    %dma_start3A_1403 = tpu.memref_slice %arg3[%add3A_1393] : memref<100000xi32, #tpu.memory_space<hbm>> -> memref<128xi32, #tpu.memory_space<hbm>>
    tpu.enqueue_dma source(%dma_start3A_1403 : memref<128xi32, #tpu.memory_space<hbm>>) target(%dma_start3A_1402 : memref<128xi32, #tpu.memory_space<vmem>>) target_semaphore(%arg13 : memref<!tpu.dma_semaphore, #tpu.memory_space<semaphore_mem>>)
    %add3A_1404 = arith.constant 128 : i32
    %add3A_1405 = arith.addi %add3A_1380, %add3A_1404 : i32
    %dma_start3A_1406 = arith.constant 2 : i32
    %dma_start3A_1407 = arith.constant 1 : i32
    %dma_start3A_1408 = arith.constant 0 : i32
    %dma_start3A_1409 = tpu.memref_slice %arg6[%dma_start3A_1406, %dma_start3A_1407, %dma_start3A_1408] : memref<4x2x128xi32, #tpu.memory_space<vmem>> -> memref<1x1x128xi32, #tpu.memory_space<vmem>>
    %dma_start3A_1410 = tpu.memref_squeeze %dma_start3A_1409 : memref<1x1x128xi32, #tpu.memory_space<vmem>> -> memref<128xi32, #tpu.memory_space<vmem>>
    %dma_start3A_1411 = tpu.memref_slice %arg3[%add3A_1405] : memref<100000xi32, #tpu.memory_space<hbm>> -> memref<128xi32, #tpu.memory_space<hbm>>
    %dma_start3A_1412 = arith.constant 0 : i32
    %dma_start3A_1413 = tpu.memref_slice %arg6[%dma_start3A_1406, %dma_start3A_1407, %dma_start3A_1412] : memref<4x2x128xi32, #tpu.memory_space<vmem>> -> memref<1x1x128xi32, #tpu.memory_space<vmem>>
    %dma_start3A_1414 = tpu.memref_squeeze %dma_start3A_1413 : memref<1x1x128xi32, #tpu.memory_space<vmem>> -> memref<128xi32, #tpu.memory_space<vmem>>
    %dma_start3A_1415 = tpu.memref_slice %arg3[%add3A_1405] : memref<100000xi32, #tpu.memory_space<hbm>> -> memref<128xi32, #tpu.memory_space<hbm>>
    tpu.enqueue_dma source(%dma_start3A_1415 : memref<128xi32, #tpu.memory_space<hbm>>) target(%dma_start3A_1414 : memref<128xi32, #tpu.memory_space<vmem>>) target_semaphore(%arg13 : memref<!tpu.dma_semaphore, #tpu.memory_space<semaphore_mem>>)
    %dma_wait3A_1416 = arith.constant 3 : i32
    %dma_wait3A_1417 = arith.constant 0 : i32
    %dma_wait3A_1418 = arith.constant 0 : i32
    %dma_wait3A_1419 = tpu.memref_slice %arg5[%dma_wait3A_1416, %dma_wait3A_1417, %dma_wait3A_1418] : memref<4x256x64xf32, #tpu.memory_space<vmem>> -> memref<1x256x64xf32, #tpu.memory_space<vmem>>
    %dma_wait3A_1420 = tpu.memref_squeeze %dma_wait3A_1419 : memref<1x256x64xf32, #tpu.memory_space<vmem>> -> memref<256x64xf32, #tpu.memory_space<vmem>>
    %dma_wait3A_1421 = tpu.memref_slice %arg2[%add3A_1008, %mul3A_0] : memref<100000x128xf32, #tpu.memory_space<hbm>> -> memref<256x64xf32, #tpu.memory_space<hbm>>
    %dma_wait3A_1422 = arith.constant 0 : i32
    %dma_wait3A_1423 = arith.constant 0 : i32
    %dma_wait3A_1424 = tpu.memref_slice %arg5[%dma_wait3A_1416, %dma_wait3A_1422, %dma_wait3A_1423] : memref<4x256x64xf32, #tpu.memory_space<vmem>> -> memref<1x256x64xf32, #tpu.memory_space<vmem>>
    %dma_wait3A_1425 = tpu.memref_squeeze %dma_wait3A_1424 : memref<1x256x64xf32, #tpu.memory_space<vmem>> -> memref<256x64xf32, #tpu.memory_space<vmem>>
    %dma_wait3A_1426 = tpu.memref_slice %arg2[%add3A_1008, %mul3A_0] : memref<100000x128xf32, #tpu.memory_space<hbm>> -> memref<256x64xf32, #tpu.memory_space<hbm>>
    tpu.wait_dma2 semaphore(%arg14 : memref<!tpu.dma_semaphore, #tpu.memory_space<semaphore_mem>>) src(%dma_wait3A_1426 : memref<256x64xf32, #tpu.memory_space<hbm>>) dst(%dma_wait3A_1425 : memref<256x64xf32, #tpu.memory_space<vmem>>)
    %dma_wait3A_1427 = arith.constant 3 : i32
    %dma_wait3A_1428 = arith.constant 0 : i32
    %dma_wait3A_1429 = arith.constant 0 : i32
    %dma_wait3A_1430 = tpu.memref_slice %arg6[%dma_wait3A_1427, %dma_wait3A_1428, %dma_wait3A_1429] : memref<4x2x128xi32, #tpu.memory_space<vmem>> -> memref<1x1x128xi32, #tpu.memory_space<vmem>>
    %dma_wait3A_1431 = tpu.memref_squeeze %dma_wait3A_1430 : memref<1x1x128xi32, #tpu.memory_space<vmem>> -> memref<128xi32, #tpu.memory_space<vmem>>
    %dma_wait3A_1432 = tpu.memref_slice %arg3[%add3A_1021] : memref<100000xi32, #tpu.memory_space<hbm>> -> memref<128xi32, #tpu.memory_space<hbm>>
    %dma_wait3A_1433 = arith.constant 0 : i32
    %dma_wait3A_1434 = tpu.memref_slice %arg6[%dma_wait3A_1427, %dma_wait3A_1428, %dma_wait3A_1433] : memref<4x2x128xi32, #tpu.memory_space<vmem>> -> memref<1x1x128xi32, #tpu.memory_space<vmem>>
    %dma_wait3A_1435 = tpu.memref_squeeze %dma_wait3A_1434 : memref<1x1x128xi32, #tpu.memory_space<vmem>> -> memref<128xi32, #tpu.memory_space<vmem>>
    %dma_wait3A_1436 = tpu.memref_slice %arg3[%add3A_1021] : memref<100000xi32, #tpu.memory_space<hbm>> -> memref<128xi32, #tpu.memory_space<hbm>>
    tpu.wait_dma2 semaphore(%arg14 : memref<!tpu.dma_semaphore, #tpu.memory_space<semaphore_mem>>) src(%dma_wait3A_1436 : memref<128xi32, #tpu.memory_space<hbm>>) dst(%dma_wait3A_1435 : memref<128xi32, #tpu.memory_space<vmem>>)
    %dma_wait3A_1437 = arith.constant 3 : i32
    %dma_wait3A_1438 = arith.constant 1 : i32
    %dma_wait3A_1439 = arith.constant 0 : i32
    %dma_wait3A_1440 = tpu.memref_slice %arg6[%dma_wait3A_1437, %dma_wait3A_1438, %dma_wait3A_1439] : memref<4x2x128xi32, #tpu.memory_space<vmem>> -> memref<1x1x128xi32, #tpu.memory_space<vmem>>
    %dma_wait3A_1441 = tpu.memref_squeeze %dma_wait3A_1440 : memref<1x1x128xi32, #tpu.memory_space<vmem>> -> memref<128xi32, #tpu.memory_space<vmem>>
    %dma_wait3A_1442 = tpu.memref_slice %arg3[%add3A_1033] : memref<100000xi32, #tpu.memory_space<hbm>> -> memref<128xi32, #tpu.memory_space<hbm>>
    %dma_wait3A_1443 = arith.constant 0 : i32
    %dma_wait3A_1444 = tpu.memref_slice %arg6[%dma_wait3A_1437, %dma_wait3A_1438, %dma_wait3A_1443] : memref<4x2x128xi32, #tpu.memory_space<vmem>> -> memref<1x1x128xi32, #tpu.memory_space<vmem>>
    %dma_wait3A_1445 = tpu.memref_squeeze %dma_wait3A_1444 : memref<1x1x128xi32, #tpu.memory_space<vmem>> -> memref<128xi32, #tpu.memory_space<vmem>>
    %dma_wait3A_1446 = tpu.memref_slice %arg3[%add3A_1033] : memref<100000xi32, #tpu.memory_space<hbm>> -> memref<128xi32, #tpu.memory_space<hbm>>
    tpu.wait_dma2 semaphore(%arg14 : memref<!tpu.dma_semaphore, #tpu.memory_space<semaphore_mem>>) src(%dma_wait3A_1446 : memref<128xi32, #tpu.memory_space<hbm>>) dst(%dma_wait3A_1445 : memref<128xi32, #tpu.memory_space<vmem>>)
    %dma_start3A_1447 = arith.constant 3 : i32
    %dma_start3A_1448 = arith.constant 3 : i32
    %dma_start3A_1449 = arith.constant 0 : i32
    %dma_start3A_1450 = arith.constant 0 : i32
    %dma_start3A_1451 = arith.constant 0 : i32
    %dma_start3A_1452 = tpu.memref_slice %arg5[%dma_start3A_1447, %dma_start3A_1450, %dma_start3A_1451] : memref<4x256x64xf32, #tpu.memory_space<vmem>> -> memref<1x128x64xf32, #tpu.memory_space<vmem>>
    %dma_start3A_1453 = tpu.memref_squeeze %dma_start3A_1452 : memref<1x128x64xf32, #tpu.memory_space<vmem>> -> memref<128x64xf32, #tpu.memory_space<vmem>>
    %dma_start3A_1454 = arith.constant 0 : i32
    %dma_start3A_1455 = tpu.memref_slice %arg6[%dma_start3A_1448, %dma_start3A_1449, %dma_start3A_1454] : memref<4x2x128xi32, #tpu.memory_space<vmem>> -> memref<1x1x128xi32, #tpu.memory_space<vmem>>
    %dma_start3A_1456 = tpu.memref_squeeze %dma_start3A_1455 : memref<1x1x128xi32, #tpu.memory_space<vmem>> -> memref<128xi32, #tpu.memory_space<vmem>>
    %dma_start3A_1457 = arith.constant 0 : i32
    %dma_start3A_1458 = arith.constant 0 : i32
    %dma_start3A_1459 = tpu.memref_slice %arg10[%dma_start3A_1457, %dma_start3A_1458] : memref<288x64xf32, #tpu.memory_space<vmem_shared>> -> memref<288x64xf32, #tpu.memory_space<vmem_shared>>
    tpu.enqueue_indirect_dma source(%dma_start3A_1453 : memref<128x64xf32, #tpu.memory_space<vmem>>) target(%dma_start3A_1459 : memref<288x64xf32, #tpu.memory_space<vmem_shared>>) offsets(%dma_start3A_1456 : memref<128xi32, #tpu.memory_space<vmem>>) semaphore(%arg18 : memref<!tpu.dma_semaphore, #tpu.memory_space<semaphore_mem>>) {add = true}
    %dma_start3A_1460 = arith.constant 3 : i32
    %dma_start3A_1461 = arith.constant 3 : i32
    %dma_start3A_1462 = arith.constant 1 : i32
    %dma_start3A_1463 = arith.constant 128 : i32
    %dma_start3A_1464 = arith.constant 0 : i32
    %dma_start3A_1465 = tpu.memref_slice %arg5[%dma_start3A_1460, %dma_start3A_1463, %dma_start3A_1464] : memref<4x256x64xf32, #tpu.memory_space<vmem>> -> memref<1x128x64xf32, #tpu.memory_space<vmem>>
    %dma_start3A_1466 = tpu.memref_squeeze %dma_start3A_1465 : memref<1x128x64xf32, #tpu.memory_space<vmem>> -> memref<128x64xf32, #tpu.memory_space<vmem>>
    %dma_start3A_1467 = arith.constant 0 : i32
    %dma_start3A_1468 = tpu.memref_slice %arg6[%dma_start3A_1461, %dma_start3A_1462, %dma_start3A_1467] : memref<4x2x128xi32, #tpu.memory_space<vmem>> -> memref<1x1x128xi32, #tpu.memory_space<vmem>>
    %dma_start3A_1469 = tpu.memref_squeeze %dma_start3A_1468 : memref<1x1x128xi32, #tpu.memory_space<vmem>> -> memref<128xi32, #tpu.memory_space<vmem>>
    %dma_start3A_1470 = arith.constant 0 : i32
    %dma_start3A_1471 = arith.constant 0 : i32
    %dma_start3A_1472 = tpu.memref_slice %arg10[%dma_start3A_1470, %dma_start3A_1471] : memref<288x64xf32, #tpu.memory_space<vmem_shared>> -> memref<288x64xf32, #tpu.memory_space<vmem_shared>>
    tpu.enqueue_indirect_dma source(%dma_start3A_1466 : memref<128x64xf32, #tpu.memory_space<vmem>>) target(%dma_start3A_1472 : memref<288x64xf32, #tpu.memory_space<vmem_shared>>) offsets(%dma_start3A_1469 : memref<128xi32, #tpu.memory_space<vmem>>) semaphore(%arg18 : memref<!tpu.dma_semaphore, #tpu.memory_space<semaphore_mem>>) {add = true}
    %dma_wait3A_1473 = arith.constant 3 : i32
    %dma_wait3A_1474 = arith.constant 3 : i32
    %dma_wait3A_1475 = arith.constant 0 : i32
    %dma_wait3A_1476 = arith.constant 0 : i32
    %dma_wait3A_1477 = arith.constant 0 : i32
    %dma_wait3A_1478 = tpu.memref_slice %arg5[%dma_wait3A_1473, %dma_wait3A_1476, %dma_wait3A_1477] : memref<4x256x64xf32, #tpu.memory_space<vmem>> -> memref<1x128x64xf32, #tpu.memory_space<vmem>>
    %dma_wait3A_1479 = tpu.memref_squeeze %dma_wait3A_1478 : memref<1x128x64xf32, #tpu.memory_space<vmem>> -> memref<128x64xf32, #tpu.memory_space<vmem>>
    %dma_wait3A_1480 = arith.constant 0 : i32
    %dma_wait3A_1481 = tpu.memref_slice %arg6[%dma_wait3A_1474, %dma_wait3A_1475, %dma_wait3A_1480] : memref<4x2x128xi32, #tpu.memory_space<vmem>> -> memref<1x1x128xi32, #tpu.memory_space<vmem>>
    %dma_wait3A_1482 = tpu.memref_squeeze %dma_wait3A_1481 : memref<1x1x128xi32, #tpu.memory_space<vmem>> -> memref<128xi32, #tpu.memory_space<vmem>>
    %dma_wait3A_1483 = arith.constant 0 : i32
    %dma_wait3A_1484 = arith.constant 0 : i32
    %dma_wait3A_1485 = tpu.memref_slice %arg10[%dma_wait3A_1483, %dma_wait3A_1484] : memref<288x64xf32, #tpu.memory_space<vmem_shared>> -> memref<288x64xf32, #tpu.memory_space<vmem_shared>>
    tpu.wait_indirect_dma semaphore(%arg18 : memref<!tpu.dma_semaphore, #tpu.memory_space<semaphore_mem>>) src(%dma_wait3A_1479 : memref<128x64xf32, #tpu.memory_space<vmem>>) dst(%dma_wait3A_1485 : memref<288x64xf32, #tpu.memory_space<vmem_shared>>)
    %dma_wait3A_1486 = arith.constant 3 : i32
    %dma_wait3A_1487 = arith.constant 3 : i32
    %dma_wait3A_1488 = arith.constant 1 : i32
    %dma_wait3A_1489 = arith.constant 128 : i32
    %dma_wait3A_1490 = arith.constant 0 : i32
    %dma_wait3A_1491 = tpu.memref_slice %arg5[%dma_wait3A_1486, %dma_wait3A_1489, %dma_wait3A_1490] : memref<4x256x64xf32, #tpu.memory_space<vmem>> -> memref<1x128x64xf32, #tpu.memory_space<vmem>>
    %dma_wait3A_1492 = tpu.memref_squeeze %dma_wait3A_1491 : memref<1x128x64xf32, #tpu.memory_space<vmem>> -> memref<128x64xf32, #tpu.memory_space<vmem>>
    %dma_wait3A_1493 = arith.constant 0 : i32
    %dma_wait3A_1494 = tpu.memref_slice %arg6[%dma_wait3A_1487, %dma_wait3A_1488, %dma_wait3A_1493] : memref<4x2x128xi32, #tpu.memory_space<vmem>> -> memref<1x1x128xi32, #tpu.memory_space<vmem>>
    %dma_wait3A_1495 = tpu.memref_squeeze %dma_wait3A_1494 : memref<1x1x128xi32, #tpu.memory_space<vmem>> -> memref<128xi32, #tpu.memory_space<vmem>>
    %dma_wait3A_1496 = arith.constant 0 : i32
    %dma_wait3A_1497 = arith.constant 0 : i32
    %dma_wait3A_1498 = tpu.memref_slice %arg10[%dma_wait3A_1496, %dma_wait3A_1497] : memref<288x64xf32, #tpu.memory_space<vmem_shared>> -> memref<288x64xf32, #tpu.memory_space<vmem_shared>>
    tpu.wait_indirect_dma semaphore(%arg18 : memref<!tpu.dma_semaphore, #tpu.memory_space<semaphore_mem>>) src(%dma_wait3A_1492 : memref<128x64xf32, #tpu.memory_space<vmem>>) dst(%dma_wait3A_1498 : memref<288x64xf32, #tpu.memory_space<vmem_shared>>)
    %add3A_1499 = arith.constant 176 : i32
    %add3A_1500 = arith.addi %arg1, %add3A_1499 : i32
    %mul3A_1501 = arith.constant 256 : i32
    %mul3A_1502 = arith.muli %add3A_1500, %mul3A_1501 : i32
    %add3A_1503 = arith.constant 24576 : i32
    %add3A_1504 = arith.addi %add3A_1503, %mul3A_1502 : i32
    %dma_start3A_1505 = arith.constant 3 : i32
    %dma_start3A_1506 = arith.constant 0 : i32
    %dma_start3A_1507 = arith.constant 0 : i32
    %dma_start3A_1508 = tpu.memref_slice %arg5[%dma_start3A_1505, %dma_start3A_1506, %dma_start3A_1507] : memref<4x256x64xf32, #tpu.memory_space<vmem>> -> memref<1x256x64xf32, #tpu.memory_space<vmem>>
    %dma_start3A_1509 = tpu.memref_squeeze %dma_start3A_1508 : memref<1x256x64xf32, #tpu.memory_space<vmem>> -> memref<256x64xf32, #tpu.memory_space<vmem>>
    %dma_start3A_1510 = tpu.memref_slice %arg2[%add3A_1504, %mul3A_0] : memref<100000x128xf32, #tpu.memory_space<hbm>> -> memref<256x64xf32, #tpu.memory_space<hbm>>
    %dma_start3A_1511 = arith.constant 0 : i32
    %dma_start3A_1512 = arith.constant 0 : i32
    %dma_start3A_1513 = tpu.memref_slice %arg5[%dma_start3A_1505, %dma_start3A_1511, %dma_start3A_1512] : memref<4x256x64xf32, #tpu.memory_space<vmem>> -> memref<1x256x64xf32, #tpu.memory_space<vmem>>
    %dma_start3A_1514 = tpu.memref_squeeze %dma_start3A_1513 : memref<1x256x64xf32, #tpu.memory_space<vmem>> -> memref<256x64xf32, #tpu.memory_space<vmem>>
    %dma_start3A_1515 = tpu.memref_slice %arg2[%add3A_1504, %mul3A_0] : memref<100000x128xf32, #tpu.memory_space<hbm>> -> memref<256x64xf32, #tpu.memory_space<hbm>>
    tpu.enqueue_dma source(%dma_start3A_1515 : memref<256x64xf32, #tpu.memory_space<hbm>>) target(%dma_start3A_1514 : memref<256x64xf32, #tpu.memory_space<vmem>>) target_semaphore(%arg14 : memref<!tpu.dma_semaphore, #tpu.memory_space<semaphore_mem>>)
    %add3A_1516 = arith.constant 0 : i32
    %add3A_1517 = arith.addi %add3A_1504, %add3A_1516 : i32
    %dma_start3A_1518 = arith.constant 3 : i32
    %dma_start3A_1519 = arith.constant 0 : i32
    %dma_start3A_1520 = arith.constant 0 : i32
    %dma_start3A_1521 = tpu.memref_slice %arg6[%dma_start3A_1518, %dma_start3A_1519, %dma_start3A_1520] : memref<4x2x128xi32, #tpu.memory_space<vmem>> -> memref<1x1x128xi32, #tpu.memory_space<vmem>>
    %dma_start3A_1522 = tpu.memref_squeeze %dma_start3A_1521 : memref<1x1x128xi32, #tpu.memory_space<vmem>> -> memref<128xi32, #tpu.memory_space<vmem>>
    %dma_start3A_1523 = tpu.memref_slice %arg3[%add3A_1517] : memref<100000xi32, #tpu.memory_space<hbm>> -> memref<128xi32, #tpu.memory_space<hbm>>
    %dma_start3A_1524 = arith.constant 0 : i32
    %dma_start3A_1525 = tpu.memref_slice %arg6[%dma_start3A_1518, %dma_start3A_1519, %dma_start3A_1524] : memref<4x2x128xi32, #tpu.memory_space<vmem>> -> memref<1x1x128xi32, #tpu.memory_space<vmem>>
    %dma_start3A_1526 = tpu.memref_squeeze %dma_start3A_1525 : memref<1x1x128xi32, #tpu.memory_space<vmem>> -> memref<128xi32, #tpu.memory_space<vmem>>
    %dma_start3A_1527 = tpu.memref_slice %arg3[%add3A_1517] : memref<100000xi32, #tpu.memory_space<hbm>> -> memref<128xi32, #tpu.memory_space<hbm>>
    tpu.enqueue_dma source(%dma_start3A_1527 : memref<128xi32, #tpu.memory_space<hbm>>) target(%dma_start3A_1526 : memref<128xi32, #tpu.memory_space<vmem>>) target_semaphore(%arg14 : memref<!tpu.dma_semaphore, #tpu.memory_space<semaphore_mem>>)
    %add3A_1528 = arith.constant 128 : i32
    %add3A_1529 = arith.addi %add3A_1504, %add3A_1528 : i32
    %dma_start3A_1530 = arith.constant 3 : i32
    %dma_start3A_1531 = arith.constant 1 : i32
    %dma_start3A_1532 = arith.constant 0 : i32
    %dma_start3A_1533 = tpu.memref_slice %arg6[%dma_start3A_1530, %dma_start3A_1531, %dma_start3A_1532] : memref<4x2x128xi32, #tpu.memory_space<vmem>> -> memref<1x1x128xi32, #tpu.memory_space<vmem>>
    %dma_start3A_1534 = tpu.memref_squeeze %dma_start3A_1533 : memref<1x1x128xi32, #tpu.memory_space<vmem>> -> memref<128xi32, #tpu.memory_space<vmem>>
    %dma_start3A_1535 = tpu.memref_slice %arg3[%add3A_1529] : memref<100000xi32, #tpu.memory_space<hbm>> -> memref<128xi32, #tpu.memory_space<hbm>>
    %dma_start3A_1536 = arith.constant 0 : i32
    %dma_start3A_1537 = tpu.memref_slice %arg6[%dma_start3A_1530, %dma_start3A_1531, %dma_start3A_1536] : memref<4x2x128xi32, #tpu.memory_space<vmem>> -> memref<1x1x128xi32, #tpu.memory_space<vmem>>
    %dma_start3A_1538 = tpu.memref_squeeze %dma_start3A_1537 : memref<1x1x128xi32, #tpu.memory_space<vmem>> -> memref<128xi32, #tpu.memory_space<vmem>>
    %dma_start3A_1539 = tpu.memref_slice %arg3[%add3A_1529] : memref<100000xi32, #tpu.memory_space<hbm>> -> memref<128xi32, #tpu.memory_space<hbm>>
    tpu.enqueue_dma source(%dma_start3A_1539 : memref<128xi32, #tpu.memory_space<hbm>>) target(%dma_start3A_1538 : memref<128xi32, #tpu.memory_space<vmem>>) target_semaphore(%arg14 : memref<!tpu.dma_semaphore, #tpu.memory_space<semaphore_mem>>)
    %dma_wait3A_1540 = arith.constant 0 : i32
    %dma_wait3A_1541 = arith.constant 0 : i32
    %dma_wait3A_1542 = arith.constant 0 : i32
    %dma_wait3A_1543 = tpu.memref_slice %arg5[%dma_wait3A_1540, %dma_wait3A_1541, %dma_wait3A_1542] : memref<4x256x64xf32, #tpu.memory_space<vmem>> -> memref<1x256x64xf32, #tpu.memory_space<vmem>>
    %dma_wait3A_1544 = tpu.memref_squeeze %dma_wait3A_1543 : memref<1x256x64xf32, #tpu.memory_space<vmem>> -> memref<256x64xf32, #tpu.memory_space<vmem>>
    %dma_wait3A_1545 = tpu.memref_slice %arg2[%add3A_1132, %mul3A_0] : memref<100000x128xf32, #tpu.memory_space<hbm>> -> memref<256x64xf32, #tpu.memory_space<hbm>>
    %dma_wait3A_1546 = arith.constant 0 : i32
    %dma_wait3A_1547 = arith.constant 0 : i32
    %dma_wait3A_1548 = tpu.memref_slice %arg5[%dma_wait3A_1540, %dma_wait3A_1546, %dma_wait3A_1547] : memref<4x256x64xf32, #tpu.memory_space<vmem>> -> memref<1x256x64xf32, #tpu.memory_space<vmem>>
    %dma_wait3A_1549 = tpu.memref_squeeze %dma_wait3A_1548 : memref<1x256x64xf32, #tpu.memory_space<vmem>> -> memref<256x64xf32, #tpu.memory_space<vmem>>
    %dma_wait3A_1550 = tpu.memref_slice %arg2[%add3A_1132, %mul3A_0] : memref<100000x128xf32, #tpu.memory_space<hbm>> -> memref<256x64xf32, #tpu.memory_space<hbm>>
    tpu.wait_dma2 semaphore(%arg11 : memref<!tpu.dma_semaphore, #tpu.memory_space<semaphore_mem>>) src(%dma_wait3A_1550 : memref<256x64xf32, #tpu.memory_space<hbm>>) dst(%dma_wait3A_1549 : memref<256x64xf32, #tpu.memory_space<vmem>>)
    %dma_wait3A_1551 = arith.constant 0 : i32
    %dma_wait3A_1552 = arith.constant 0 : i32
    %dma_wait3A_1553 = arith.constant 0 : i32
    %dma_wait3A_1554 = tpu.memref_slice %arg6[%dma_wait3A_1551, %dma_wait3A_1552, %dma_wait3A_1553] : memref<4x2x128xi32, #tpu.memory_space<vmem>> -> memref<1x1x128xi32, #tpu.memory_space<vmem>>
    %dma_wait3A_1555 = tpu.memref_squeeze %dma_wait3A_1554 : memref<1x1x128xi32, #tpu.memory_space<vmem>> -> memref<128xi32, #tpu.memory_space<vmem>>
    %dma_wait3A_1556 = tpu.memref_slice %arg3[%add3A_1145] : memref<100000xi32, #tpu.memory_space<hbm>> -> memref<128xi32, #tpu.memory_space<hbm>>
    %dma_wait3A_1557 = arith.constant 0 : i32
    %dma_wait3A_1558 = tpu.memref_slice %arg6[%dma_wait3A_1551, %dma_wait3A_1552, %dma_wait3A_1557] : memref<4x2x128xi32, #tpu.memory_space<vmem>> -> memref<1x1x128xi32, #tpu.memory_space<vmem>>
    %dma_wait3A_1559 = tpu.memref_squeeze %dma_wait3A_1558 : memref<1x1x128xi32, #tpu.memory_space<vmem>> -> memref<128xi32, #tpu.memory_space<vmem>>
    %dma_wait3A_1560 = tpu.memref_slice %arg3[%add3A_1145] : memref<100000xi32, #tpu.memory_space<hbm>> -> memref<128xi32, #tpu.memory_space<hbm>>
    tpu.wait_dma2 semaphore(%arg11 : memref<!tpu.dma_semaphore, #tpu.memory_space<semaphore_mem>>) src(%dma_wait3A_1560 : memref<128xi32, #tpu.memory_space<hbm>>) dst(%dma_wait3A_1559 : memref<128xi32, #tpu.memory_space<vmem>>)
    %dma_wait3A_1561 = arith.constant 0 : i32
    %dma_wait3A_1562 = arith.constant 1 : i32
    %dma_wait3A_1563 = arith.constant 0 : i32
    %dma_wait3A_1564 = tpu.memref_slice %arg6[%dma_wait3A_1561, %dma_wait3A_1562, %dma_wait3A_1563] : memref<4x2x128xi32, #tpu.memory_space<vmem>> -> memref<1x1x128xi32, #tpu.memory_space<vmem>>
    %dma_wait3A_1565 = tpu.memref_squeeze %dma_wait3A_1564 : memref<1x1x128xi32, #tpu.memory_space<vmem>> -> memref<128xi32, #tpu.memory_space<vmem>>
    %dma_wait3A_1566 = tpu.memref_slice %arg3[%add3A_1157] : memref<100000xi32, #tpu.memory_space<hbm>> -> memref<128xi32, #tpu.memory_space<hbm>>
    %dma_wait3A_1567 = arith.constant 0 : i32
    %dma_wait3A_1568 = tpu.memref_slice %arg6[%dma_wait3A_1561, %dma_wait3A_1562, %dma_wait3A_1567] : memref<4x2x128xi32, #tpu.memory_space<vmem>> -> memref<1x1x128xi32, #tpu.memory_space<vmem>>
    %dma_wait3A_1569 = tpu.memref_squeeze %dma_wait3A_1568 : memref<1x1x128xi32, #tpu.memory_space<vmem>> -> memref<128xi32, #tpu.memory_space<vmem>>
    %dma_wait3A_1570 = tpu.memref_slice %arg3[%add3A_1157] : memref<100000xi32, #tpu.memory_space<hbm>> -> memref<128xi32, #tpu.memory_space<hbm>>
    tpu.wait_dma2 semaphore(%arg11 : memref<!tpu.dma_semaphore, #tpu.memory_space<semaphore_mem>>) src(%dma_wait3A_1570 : memref<128xi32, #tpu.memory_space<hbm>>) dst(%dma_wait3A_1569 : memref<128xi32, #tpu.memory_space<vmem>>)
    %dma_start3A_1571 = arith.constant 0 : i32
    %dma_start3A_1572 = arith.constant 0 : i32
    %dma_start3A_1573 = arith.constant 0 : i32
    %dma_start3A_1574 = arith.constant 0 : i32
    %dma_start3A_1575 = arith.constant 0 : i32
    %dma_start3A_1576 = tpu.memref_slice %arg5[%dma_start3A_1571, %dma_start3A_1574, %dma_start3A_1575] : memref<4x256x64xf32, #tpu.memory_space<vmem>> -> memref<1x128x64xf32, #tpu.memory_space<vmem>>
    %dma_start3A_1577 = tpu.memref_squeeze %dma_start3A_1576 : memref<1x128x64xf32, #tpu.memory_space<vmem>> -> memref<128x64xf32, #tpu.memory_space<vmem>>
    %dma_start3A_1578 = arith.constant 0 : i32
    %dma_start3A_1579 = tpu.memref_slice %arg6[%dma_start3A_1572, %dma_start3A_1573, %dma_start3A_1578] : memref<4x2x128xi32, #tpu.memory_space<vmem>> -> memref<1x1x128xi32, #tpu.memory_space<vmem>>
    %dma_start3A_1580 = tpu.memref_squeeze %dma_start3A_1579 : memref<1x1x128xi32, #tpu.memory_space<vmem>> -> memref<128xi32, #tpu.memory_space<vmem>>
    %dma_start3A_1581 = arith.constant 0 : i32
    %dma_start3A_1582 = arith.constant 0 : i32
    %dma_start3A_1583 = tpu.memref_slice %arg10[%dma_start3A_1581, %dma_start3A_1582] : memref<288x64xf32, #tpu.memory_space<vmem_shared>> -> memref<288x64xf32, #tpu.memory_space<vmem_shared>>
    tpu.enqueue_indirect_dma source(%dma_start3A_1577 : memref<128x64xf32, #tpu.memory_space<vmem>>) target(%dma_start3A_1583 : memref<288x64xf32, #tpu.memory_space<vmem_shared>>) offsets(%dma_start3A_1580 : memref<128xi32, #tpu.memory_space<vmem>>) semaphore(%arg15 : memref<!tpu.dma_semaphore, #tpu.memory_space<semaphore_mem>>) {add = true}
    %dma_start3A_1584 = arith.constant 0 : i32
    %dma_start3A_1585 = arith.constant 0 : i32
    %dma_start3A_1586 = arith.constant 1 : i32
    %dma_start3A_1587 = arith.constant 128 : i32
    %dma_start3A_1588 = arith.constant 0 : i32
    %dma_start3A_1589 = tpu.memref_slice %arg5[%dma_start3A_1584, %dma_start3A_1587, %dma_start3A_1588] : memref<4x256x64xf32, #tpu.memory_space<vmem>> -> memref<1x128x64xf32, #tpu.memory_space<vmem>>
    %dma_start3A_1590 = tpu.memref_squeeze %dma_start3A_1589 : memref<1x128x64xf32, #tpu.memory_space<vmem>> -> memref<128x64xf32, #tpu.memory_space<vmem>>
    %dma_start3A_1591 = arith.constant 0 : i32
    %dma_start3A_1592 = tpu.memref_slice %arg6[%dma_start3A_1585, %dma_start3A_1586, %dma_start3A_1591] : memref<4x2x128xi32, #tpu.memory_space<vmem>> -> memref<1x1x128xi32, #tpu.memory_space<vmem>>
    %dma_start3A_1593 = tpu.memref_squeeze %dma_start3A_1592 : memref<1x1x128xi32, #tpu.memory_space<vmem>> -> memref<128xi32, #tpu.memory_space<vmem>>
    %dma_start3A_1594 = arith.constant 0 : i32
    %dma_start3A_1595 = arith.constant 0 : i32
    %dma_start3A_1596 = tpu.memref_slice %arg10[%dma_start3A_1594, %dma_start3A_1595] : memref<288x64xf32, #tpu.memory_space<vmem_shared>> -> memref<288x64xf32, #tpu.memory_space<vmem_shared>>
    tpu.enqueue_indirect_dma source(%dma_start3A_1590 : memref<128x64xf32, #tpu.memory_space<vmem>>) target(%dma_start3A_1596 : memref<288x64xf32, #tpu.memory_space<vmem_shared>>) offsets(%dma_start3A_1593 : memref<128xi32, #tpu.memory_space<vmem>>) semaphore(%arg15 : memref<!tpu.dma_semaphore, #tpu.memory_space<semaphore_mem>>) {add = true}
    %dma_wait3A_1597 = arith.constant 0 : i32
    %dma_wait3A_1598 = arith.constant 0 : i32
    %dma_wait3A_1599 = arith.constant 0 : i32
    %dma_wait3A_1600 = arith.constant 0 : i32
    %dma_wait3A_1601 = arith.constant 0 : i32
    %dma_wait3A_1602 = tpu.memref_slice %arg5[%dma_wait3A_1597, %dma_wait3A_1600, %dma_wait3A_1601] : memref<4x256x64xf32, #tpu.memory_space<vmem>> -> memref<1x128x64xf32, #tpu.memory_space<vmem>>
    %dma_wait3A_1603 = tpu.memref_squeeze %dma_wait3A_1602 : memref<1x128x64xf32, #tpu.memory_space<vmem>> -> memref<128x64xf32, #tpu.memory_space<vmem>>
    %dma_wait3A_1604 = arith.constant 0 : i32
    %dma_wait3A_1605 = tpu.memref_slice %arg6[%dma_wait3A_1598, %dma_wait3A_1599, %dma_wait3A_1604] : memref<4x2x128xi32, #tpu.memory_space<vmem>> -> memref<1x1x128xi32, #tpu.memory_space<vmem>>
    %dma_wait3A_1606 = tpu.memref_squeeze %dma_wait3A_1605 : memref<1x1x128xi32, #tpu.memory_space<vmem>> -> memref<128xi32, #tpu.memory_space<vmem>>
    %dma_wait3A_1607 = arith.constant 0 : i32
    %dma_wait3A_1608 = arith.constant 0 : i32
    %dma_wait3A_1609 = tpu.memref_slice %arg10[%dma_wait3A_1607, %dma_wait3A_1608] : memref<288x64xf32, #tpu.memory_space<vmem_shared>> -> memref<288x64xf32, #tpu.memory_space<vmem_shared>>
    tpu.wait_indirect_dma semaphore(%arg15 : memref<!tpu.dma_semaphore, #tpu.memory_space<semaphore_mem>>) src(%dma_wait3A_1603 : memref<128x64xf32, #tpu.memory_space<vmem>>) dst(%dma_wait3A_1609 : memref<288x64xf32, #tpu.memory_space<vmem_shared>>)
    %dma_wait3A_1610 = arith.constant 0 : i32
    %dma_wait3A_1611 = arith.constant 0 : i32
    %dma_wait3A_1612 = arith.constant 1 : i32
    %dma_wait3A_1613 = arith.constant 128 : i32
    %dma_wait3A_1614 = arith.constant 0 : i32
    %dma_wait3A_1615 = tpu.memref_slice %arg5[%dma_wait3A_1610, %dma_wait3A_1613, %dma_wait3A_1614] : memref<4x256x64xf32, #tpu.memory_space<vmem>> -> memref<1x128x64xf32, #tpu.memory_space<vmem>>
    %dma_wait3A_1616 = tpu.memref_squeeze %dma_wait3A_1615 : memref<1x128x64xf32, #tpu.memory_space<vmem>> -> memref<128x64xf32, #tpu.memory_space<vmem>>
    %dma_wait3A_1617 = arith.constant 0 : i32
    %dma_wait3A_1618 = tpu.memref_slice %arg6[%dma_wait3A_1611, %dma_wait3A_1612, %dma_wait3A_1617] : memref<4x2x128xi32, #tpu.memory_space<vmem>> -> memref<1x1x128xi32, #tpu.memory_space<vmem>>
    %dma_wait3A_1619 = tpu.memref_squeeze %dma_wait3A_1618 : memref<1x1x128xi32, #tpu.memory_space<vmem>> -> memref<128xi32, #tpu.memory_space<vmem>>
    %dma_wait3A_1620 = arith.constant 0 : i32
    %dma_wait3A_1621 = arith.constant 0 : i32
    %dma_wait3A_1622 = tpu.memref_slice %arg10[%dma_wait3A_1620, %dma_wait3A_1621] : memref<288x64xf32, #tpu.memory_space<vmem_shared>> -> memref<288x64xf32, #tpu.memory_space<vmem_shared>>
    tpu.wait_indirect_dma semaphore(%arg15 : memref<!tpu.dma_semaphore, #tpu.memory_space<semaphore_mem>>) src(%dma_wait3A_1616 : memref<128x64xf32, #tpu.memory_space<vmem>>) dst(%dma_wait3A_1622 : memref<288x64xf32, #tpu.memory_space<vmem_shared>>)
    %add3A_1623 = arith.constant 192 : i32
    %add3A_1624 = arith.addi %arg1, %add3A_1623 : i32
    %mul3A_1625 = arith.constant 256 : i32
    %mul3A_1626 = arith.muli %add3A_1624, %mul3A_1625 : i32
    %add3A_1627 = arith.constant 24576 : i32
    %add3A_1628 = arith.addi %add3A_1627, %mul3A_1626 : i32
    %dma_start3A_1629 = arith.constant 0 : i32
    %dma_start3A_1630 = arith.constant 0 : i32
    %dma_start3A_1631 = arith.constant 0 : i32
    %dma_start3A_1632 = tpu.memref_slice %arg5[%dma_start3A_1629, %dma_start3A_1630, %dma_start3A_1631] : memref<4x256x64xf32, #tpu.memory_space<vmem>> -> memref<1x256x64xf32, #tpu.memory_space<vmem>>
    %dma_start3A_1633 = tpu.memref_squeeze %dma_start3A_1632 : memref<1x256x64xf32, #tpu.memory_space<vmem>> -> memref<256x64xf32, #tpu.memory_space<vmem>>
    %dma_start3A_1634 = tpu.memref_slice %arg2[%add3A_1628, %mul3A_0] : memref<100000x128xf32, #tpu.memory_space<hbm>> -> memref<256x64xf32, #tpu.memory_space<hbm>>
    %dma_start3A_1635 = arith.constant 0 : i32
    %dma_start3A_1636 = arith.constant 0 : i32
    %dma_start3A_1637 = tpu.memref_slice %arg5[%dma_start3A_1629, %dma_start3A_1635, %dma_start3A_1636] : memref<4x256x64xf32, #tpu.memory_space<vmem>> -> memref<1x256x64xf32, #tpu.memory_space<vmem>>
    %dma_start3A_1638 = tpu.memref_squeeze %dma_start3A_1637 : memref<1x256x64xf32, #tpu.memory_space<vmem>> -> memref<256x64xf32, #tpu.memory_space<vmem>>
    %dma_start3A_1639 = tpu.memref_slice %arg2[%add3A_1628, %mul3A_0] : memref<100000x128xf32, #tpu.memory_space<hbm>> -> memref<256x64xf32, #tpu.memory_space<hbm>>
    tpu.enqueue_dma source(%dma_start3A_1639 : memref<256x64xf32, #tpu.memory_space<hbm>>) target(%dma_start3A_1638 : memref<256x64xf32, #tpu.memory_space<vmem>>) target_semaphore(%arg11 : memref<!tpu.dma_semaphore, #tpu.memory_space<semaphore_mem>>)
    %add3A_1640 = arith.constant 0 : i32
    %add3A_1641 = arith.addi %add3A_1628, %add3A_1640 : i32
    %dma_start3A_1642 = arith.constant 0 : i32
    %dma_start3A_1643 = arith.constant 0 : i32
    %dma_start3A_1644 = arith.constant 0 : i32
    %dma_start3A_1645 = tpu.memref_slice %arg6[%dma_start3A_1642, %dma_start3A_1643, %dma_start3A_1644] : memref<4x2x128xi32, #tpu.memory_space<vmem>> -> memref<1x1x128xi32, #tpu.memory_space<vmem>>
    %dma_start3A_1646 = tpu.memref_squeeze %dma_start3A_1645 : memref<1x1x128xi32, #tpu.memory_space<vmem>> -> memref<128xi32, #tpu.memory_space<vmem>>
    %dma_start3A_1647 = tpu.memref_slice %arg3[%add3A_1641] : memref<100000xi32, #tpu.memory_space<hbm>> -> memref<128xi32, #tpu.memory_space<hbm>>
    %dma_start3A_1648 = arith.constant 0 : i32
    %dma_start3A_1649 = tpu.memref_slice %arg6[%dma_start3A_1642, %dma_start3A_1643, %dma_start3A_1648] : memref<4x2x128xi32, #tpu.memory_space<vmem>> -> memref<1x1x128xi32, #tpu.memory_space<vmem>>
    %dma_start3A_1650 = tpu.memref_squeeze %dma_start3A_1649 : memref<1x1x128xi32, #tpu.memory_space<vmem>> -> memref<128xi32, #tpu.memory_space<vmem>>
    %dma_start3A_1651 = tpu.memref_slice %arg3[%add3A_1641] : memref<100000xi32, #tpu.memory_space<hbm>> -> memref<128xi32, #tpu.memory_space<hbm>>
    tpu.enqueue_dma source(%dma_start3A_1651 : memref<128xi32, #tpu.memory_space<hbm>>) target(%dma_start3A_1650 : memref<128xi32, #tpu.memory_space<vmem>>) target_semaphore(%arg11 : memref<!tpu.dma_semaphore, #tpu.memory_space<semaphore_mem>>)
    %add3A_1652 = arith.constant 128 : i32
    %add3A_1653 = arith.addi %add3A_1628, %add3A_1652 : i32
    %dma_start3A_1654 = arith.constant 0 : i32
    %dma_start3A_1655 = arith.constant 1 : i32
    %dma_start3A_1656 = arith.constant 0 : i32
    %dma_start3A_1657 = tpu.memref_slice %arg6[%dma_start3A_1654, %dma_start3A_1655, %dma_start3A_1656] : memref<4x2x128xi32, #tpu.memory_space<vmem>> -> memref<1x1x128xi32, #tpu.memory_space<vmem>>
    %dma_start3A_1658 = tpu.memref_squeeze %dma_start3A_1657 : memref<1x1x128xi32, #tpu.memory_space<vmem>> -> memref<128xi32, #tpu.memory_space<vmem>>
    %dma_start3A_1659 = tpu.memref_slice %arg3[%add3A_1653] : memref<100000xi32, #tpu.memory_space<hbm>> -> memref<128xi32, #tpu.memory_space<hbm>>
    %dma_start3A_1660 = arith.constant 0 : i32
    %dma_start3A_1661 = tpu.memref_slice %arg6[%dma_start3A_1654, %dma_start3A_1655, %dma_start3A_1660] : memref<4x2x128xi32, #tpu.memory_space<vmem>> -> memref<1x1x128xi32, #tpu.memory_space<vmem>>
    %dma_start3A_1662 = tpu.memref_squeeze %dma_start3A_1661 : memref<1x1x128xi32, #tpu.memory_space<vmem>> -> memref<128xi32, #tpu.memory_space<vmem>>
    %dma_start3A_1663 = tpu.memref_slice %arg3[%add3A_1653] : memref<100000xi32, #tpu.memory_space<hbm>> -> memref<128xi32, #tpu.memory_space<hbm>>
    tpu.enqueue_dma source(%dma_start3A_1663 : memref<128xi32, #tpu.memory_space<hbm>>) target(%dma_start3A_1662 : memref<128xi32, #tpu.memory_space<vmem>>) target_semaphore(%arg11 : memref<!tpu.dma_semaphore, #tpu.memory_space<semaphore_mem>>)
    %dma_wait3A_1664 = arith.constant 1 : i32
    %dma_wait3A_1665 = arith.constant 0 : i32
    %dma_wait3A_1666 = arith.constant 0 : i32
    %dma_wait3A_1667 = tpu.memref_slice %arg5[%dma_wait3A_1664, %dma_wait3A_1665, %dma_wait3A_1666] : memref<4x256x64xf32, #tpu.memory_space<vmem>> -> memref<1x256x64xf32, #tpu.memory_space<vmem>>
    %dma_wait3A_1668 = tpu.memref_squeeze %dma_wait3A_1667 : memref<1x256x64xf32, #tpu.memory_space<vmem>> -> memref<256x64xf32, #tpu.memory_space<vmem>>
    %dma_wait3A_1669 = tpu.memref_slice %arg2[%add3A_1256, %mul3A_0] : memref<100000x128xf32, #tpu.memory_space<hbm>> -> memref<256x64xf32, #tpu.memory_space<hbm>>
    %dma_wait3A_1670 = arith.constant 0 : i32
    %dma_wait3A_1671 = arith.constant 0 : i32
    %dma_wait3A_1672 = tpu.memref_slice %arg5[%dma_wait3A_1664, %dma_wait3A_1670, %dma_wait3A_1671] : memref<4x256x64xf32, #tpu.memory_space<vmem>> -> memref<1x256x64xf32, #tpu.memory_space<vmem>>
    %dma_wait3A_1673 = tpu.memref_squeeze %dma_wait3A_1672 : memref<1x256x64xf32, #tpu.memory_space<vmem>> -> memref<256x64xf32, #tpu.memory_space<vmem>>
    %dma_wait3A_1674 = tpu.memref_slice %arg2[%add3A_1256, %mul3A_0] : memref<100000x128xf32, #tpu.memory_space<hbm>> -> memref<256x64xf32, #tpu.memory_space<hbm>>
    tpu.wait_dma2 semaphore(%arg12 : memref<!tpu.dma_semaphore, #tpu.memory_space<semaphore_mem>>) src(%dma_wait3A_1674 : memref<256x64xf32, #tpu.memory_space<hbm>>) dst(%dma_wait3A_1673 : memref<256x64xf32, #tpu.memory_space<vmem>>)
    %dma_wait3A_1675 = arith.constant 1 : i32
    %dma_wait3A_1676 = arith.constant 0 : i32
    %dma_wait3A_1677 = arith.constant 0 : i32
    %dma_wait3A_1678 = tpu.memref_slice %arg6[%dma_wait3A_1675, %dma_wait3A_1676, %dma_wait3A_1677] : memref<4x2x128xi32, #tpu.memory_space<vmem>> -> memref<1x1x128xi32, #tpu.memory_space<vmem>>
    %dma_wait3A_1679 = tpu.memref_squeeze %dma_wait3A_1678 : memref<1x1x128xi32, #tpu.memory_space<vmem>> -> memref<128xi32, #tpu.memory_space<vmem>>
    %dma_wait3A_1680 = tpu.memref_slice %arg3[%add3A_1269] : memref<100000xi32, #tpu.memory_space<hbm>> -> memref<128xi32, #tpu.memory_space<hbm>>
    %dma_wait3A_1681 = arith.constant 0 : i32
    %dma_wait3A_1682 = tpu.memref_slice %arg6[%dma_wait3A_1675, %dma_wait3A_1676, %dma_wait3A_1681] : memref<4x2x128xi32, #tpu.memory_space<vmem>> -> memref<1x1x128xi32, #tpu.memory_space<vmem>>
    %dma_wait3A_1683 = tpu.memref_squeeze %dma_wait3A_1682 : memref<1x1x128xi32, #tpu.memory_space<vmem>> -> memref<128xi32, #tpu.memory_space<vmem>>
    %dma_wait3A_1684 = tpu.memref_slice %arg3[%add3A_1269] : memref<100000xi32, #tpu.memory_space<hbm>> -> memref<128xi32, #tpu.memory_space<hbm>>
    tpu.wait_dma2 semaphore(%arg12 : memref<!tpu.dma_semaphore, #tpu.memory_space<semaphore_mem>>) src(%dma_wait3A_1684 : memref<128xi32, #tpu.memory_space<hbm>>) dst(%dma_wait3A_1683 : memref<128xi32, #tpu.memory_space<vmem>>)
    %dma_wait3A_1685 = arith.constant 1 : i32
    %dma_wait3A_1686 = arith.constant 1 : i32
    %dma_wait3A_1687 = arith.constant 0 : i32
    %dma_wait3A_1688 = tpu.memref_slice %arg6[%dma_wait3A_1685, %dma_wait3A_1686, %dma_wait3A_1687] : memref<4x2x128xi32, #tpu.memory_space<vmem>> -> memref<1x1x128xi32, #tpu.memory_space<vmem>>
    %dma_wait3A_1689 = tpu.memref_squeeze %dma_wait3A_1688 : memref<1x1x128xi32, #tpu.memory_space<vmem>> -> memref<128xi32, #tpu.memory_space<vmem>>
    %dma_wait3A_1690 = tpu.memref_slice %arg3[%add3A_1281] : memref<100000xi32, #tpu.memory_space<hbm>> -> memref<128xi32, #tpu.memory_space<hbm>>
    %dma_wait3A_1691 = arith.constant 0 : i32
    %dma_wait3A_1692 = tpu.memref_slice %arg6[%dma_wait3A_1685, %dma_wait3A_1686, %dma_wait3A_1691] : memref<4x2x128xi32, #tpu.memory_space<vmem>> -> memref<1x1x128xi32, #tpu.memory_space<vmem>>
    %dma_wait3A_1693 = tpu.memref_squeeze %dma_wait3A_1692 : memref<1x1x128xi32, #tpu.memory_space<vmem>> -> memref<128xi32, #tpu.memory_space<vmem>>
    %dma_wait3A_1694 = tpu.memref_slice %arg3[%add3A_1281] : memref<100000xi32, #tpu.memory_space<hbm>> -> memref<128xi32, #tpu.memory_space<hbm>>
    tpu.wait_dma2 semaphore(%arg12 : memref<!tpu.dma_semaphore, #tpu.memory_space<semaphore_mem>>) src(%dma_wait3A_1694 : memref<128xi32, #tpu.memory_space<hbm>>) dst(%dma_wait3A_1693 : memref<128xi32, #tpu.memory_space<vmem>>)
    %dma_start3A_1695 = arith.constant 1 : i32
    %dma_start3A_1696 = arith.constant 1 : i32
    %dma_start3A_1697 = arith.constant 0 : i32
    %dma_start3A_1698 = arith.constant 0 : i32
    %dma_start3A_1699 = arith.constant 0 : i32
    %dma_start3A_1700 = tpu.memref_slice %arg5[%dma_start3A_1695, %dma_start3A_1698, %dma_start3A_1699] : memref<4x256x64xf32, #tpu.memory_space<vmem>> -> memref<1x128x64xf32, #tpu.memory_space<vmem>>
    %dma_start3A_1701 = tpu.memref_squeeze %dma_start3A_1700 : memref<1x128x64xf32, #tpu.memory_space<vmem>> -> memref<128x64xf32, #tpu.memory_space<vmem>>
    %dma_start3A_1702 = arith.constant 0 : i32
    %dma_start3A_1703 = tpu.memref_slice %arg6[%dma_start3A_1696, %dma_start3A_1697, %dma_start3A_1702] : memref<4x2x128xi32, #tpu.memory_space<vmem>> -> memref<1x1x128xi32, #tpu.memory_space<vmem>>
    %dma_start3A_1704 = tpu.memref_squeeze %dma_start3A_1703 : memref<1x1x128xi32, #tpu.memory_space<vmem>> -> memref<128xi32, #tpu.memory_space<vmem>>
    %dma_start3A_1705 = arith.constant 0 : i32
    %dma_start3A_1706 = arith.constant 0 : i32
    %dma_start3A_1707 = tpu.memref_slice %arg10[%dma_start3A_1705, %dma_start3A_1706] : memref<288x64xf32, #tpu.memory_space<vmem_shared>> -> memref<288x64xf32, #tpu.memory_space<vmem_shared>>
    tpu.enqueue_indirect_dma source(%dma_start3A_1701 : memref<128x64xf32, #tpu.memory_space<vmem>>) target(%dma_start3A_1707 : memref<288x64xf32, #tpu.memory_space<vmem_shared>>) offsets(%dma_start3A_1704 : memref<128xi32, #tpu.memory_space<vmem>>) semaphore(%arg16 : memref<!tpu.dma_semaphore, #tpu.memory_space<semaphore_mem>>) {add = true}
    %dma_start3A_1708 = arith.constant 1 : i32
    %dma_start3A_1709 = arith.constant 1 : i32
    %dma_start3A_1710 = arith.constant 1 : i32
    %dma_start3A_1711 = arith.constant 128 : i32
    %dma_start3A_1712 = arith.constant 0 : i32
    %dma_start3A_1713 = tpu.memref_slice %arg5[%dma_start3A_1708, %dma_start3A_1711, %dma_start3A_1712] : memref<4x256x64xf32, #tpu.memory_space<vmem>> -> memref<1x128x64xf32, #tpu.memory_space<vmem>>
    %dma_start3A_1714 = tpu.memref_squeeze %dma_start3A_1713 : memref<1x128x64xf32, #tpu.memory_space<vmem>> -> memref<128x64xf32, #tpu.memory_space<vmem>>
    %dma_start3A_1715 = arith.constant 0 : i32
    %dma_start3A_1716 = tpu.memref_slice %arg6[%dma_start3A_1709, %dma_start3A_1710, %dma_start3A_1715] : memref<4x2x128xi32, #tpu.memory_space<vmem>> -> memref<1x1x128xi32, #tpu.memory_space<vmem>>
    %dma_start3A_1717 = tpu.memref_squeeze %dma_start3A_1716 : memref<1x1x128xi32, #tpu.memory_space<vmem>> -> memref<128xi32, #tpu.memory_space<vmem>>
    %dma_start3A_1718 = arith.constant 0 : i32
    %dma_start3A_1719 = arith.constant 0 : i32
    %dma_start3A_1720 = tpu.memref_slice %arg10[%dma_start3A_1718, %dma_start3A_1719] : memref<288x64xf32, #tpu.memory_space<vmem_shared>> -> memref<288x64xf32, #tpu.memory_space<vmem_shared>>
    tpu.enqueue_indirect_dma source(%dma_start3A_1714 : memref<128x64xf32, #tpu.memory_space<vmem>>) target(%dma_start3A_1720 : memref<288x64xf32, #tpu.memory_space<vmem_shared>>) offsets(%dma_start3A_1717 : memref<128xi32, #tpu.memory_space<vmem>>) semaphore(%arg16 : memref<!tpu.dma_semaphore, #tpu.memory_space<semaphore_mem>>) {add = true}
    %dma_wait3A_1721 = arith.constant 1 : i32
    %dma_wait3A_1722 = arith.constant 1 : i32
    %dma_wait3A_1723 = arith.constant 0 : i32
    %dma_wait3A_1724 = arith.constant 0 : i32
    %dma_wait3A_1725 = arith.constant 0 : i32
    %dma_wait3A_1726 = tpu.memref_slice %arg5[%dma_wait3A_1721, %dma_wait3A_1724, %dma_wait3A_1725] : memref<4x256x64xf32, #tpu.memory_space<vmem>> -> memref<1x128x64xf32, #tpu.memory_space<vmem>>
    %dma_wait3A_1727 = tpu.memref_squeeze %dma_wait3A_1726 : memref<1x128x64xf32, #tpu.memory_space<vmem>> -> memref<128x64xf32, #tpu.memory_space<vmem>>
    %dma_wait3A_1728 = arith.constant 0 : i32
    %dma_wait3A_1729 = tpu.memref_slice %arg6[%dma_wait3A_1722, %dma_wait3A_1723, %dma_wait3A_1728] : memref<4x2x128xi32, #tpu.memory_space<vmem>> -> memref<1x1x128xi32, #tpu.memory_space<vmem>>
    %dma_wait3A_1730 = tpu.memref_squeeze %dma_wait3A_1729 : memref<1x1x128xi32, #tpu.memory_space<vmem>> -> memref<128xi32, #tpu.memory_space<vmem>>
    %dma_wait3A_1731 = arith.constant 0 : i32
    %dma_wait3A_1732 = arith.constant 0 : i32
    %dma_wait3A_1733 = tpu.memref_slice %arg10[%dma_wait3A_1731, %dma_wait3A_1732] : memref<288x64xf32, #tpu.memory_space<vmem_shared>> -> memref<288x64xf32, #tpu.memory_space<vmem_shared>>
    tpu.wait_indirect_dma semaphore(%arg16 : memref<!tpu.dma_semaphore, #tpu.memory_space<semaphore_mem>>) src(%dma_wait3A_1727 : memref<128x64xf32, #tpu.memory_space<vmem>>) dst(%dma_wait3A_1733 : memref<288x64xf32, #tpu.memory_space<vmem_shared>>)
    %dma_wait3A_1734 = arith.constant 1 : i32
    %dma_wait3A_1735 = arith.constant 1 : i32
    %dma_wait3A_1736 = arith.constant 1 : i32
    %dma_wait3A_1737 = arith.constant 128 : i32
    %dma_wait3A_1738 = arith.constant 0 : i32
    %dma_wait3A_1739 = tpu.memref_slice %arg5[%dma_wait3A_1734, %dma_wait3A_1737, %dma_wait3A_1738] : memref<4x256x64xf32, #tpu.memory_space<vmem>> -> memref<1x128x64xf32, #tpu.memory_space<vmem>>
    %dma_wait3A_1740 = tpu.memref_squeeze %dma_wait3A_1739 : memref<1x128x64xf32, #tpu.memory_space<vmem>> -> memref<128x64xf32, #tpu.memory_space<vmem>>
    %dma_wait3A_1741 = arith.constant 0 : i32
    %dma_wait3A_1742 = tpu.memref_slice %arg6[%dma_wait3A_1735, %dma_wait3A_1736, %dma_wait3A_1741] : memref<4x2x128xi32, #tpu.memory_space<vmem>> -> memref<1x1x128xi32, #tpu.memory_space<vmem>>
    %dma_wait3A_1743 = tpu.memref_squeeze %dma_wait3A_1742 : memref<1x1x128xi32, #tpu.memory_space<vmem>> -> memref<128xi32, #tpu.memory_space<vmem>>
    %dma_wait3A_1744 = arith.constant 0 : i32
    %dma_wait3A_1745 = arith.constant 0 : i32
    %dma_wait3A_1746 = tpu.memref_slice %arg10[%dma_wait3A_1744, %dma_wait3A_1745] : memref<288x64xf32, #tpu.memory_space<vmem_shared>> -> memref<288x64xf32, #tpu.memory_space<vmem_shared>>
    tpu.wait_indirect_dma semaphore(%arg16 : memref<!tpu.dma_semaphore, #tpu.memory_space<semaphore_mem>>) src(%dma_wait3A_1740 : memref<128x64xf32, #tpu.memory_space<vmem>>) dst(%dma_wait3A_1746 : memref<288x64xf32, #tpu.memory_space<vmem_shared>>)
    %add3A_1747 = arith.constant 208 : i32
    %add3A_1748 = arith.addi %arg1, %add3A_1747 : i32
    %mul3A_1749 = arith.constant 256 : i32
    %mul3A_1750 = arith.muli %add3A_1748, %mul3A_1749 : i32
    %add3A_1751 = arith.constant 24576 : i32
    %add3A_1752 = arith.addi %add3A_1751, %mul3A_1750 : i32
    %dma_start3A_1753 = arith.constant 1 : i32
    %dma_start3A_1754 = arith.constant 0 : i32
    %dma_start3A_1755 = arith.constant 0 : i32
    %dma_start3A_1756 = tpu.memref_slice %arg5[%dma_start3A_1753, %dma_start3A_1754, %dma_start3A_1755] : memref<4x256x64xf32, #tpu.memory_space<vmem>> -> memref<1x256x64xf32, #tpu.memory_space<vmem>>
    %dma_start3A_1757 = tpu.memref_squeeze %dma_start3A_1756 : memref<1x256x64xf32, #tpu.memory_space<vmem>> -> memref<256x64xf32, #tpu.memory_space<vmem>>
    %dma_start3A_1758 = tpu.memref_slice %arg2[%add3A_1752, %mul3A_0] : memref<100000x128xf32, #tpu.memory_space<hbm>> -> memref<256x64xf32, #tpu.memory_space<hbm>>
    %dma_start3A_1759 = arith.constant 0 : i32
    %dma_start3A_1760 = arith.constant 0 : i32
    %dma_start3A_1761 = tpu.memref_slice %arg5[%dma_start3A_1753, %dma_start3A_1759, %dma_start3A_1760] : memref<4x256x64xf32, #tpu.memory_space<vmem>> -> memref<1x256x64xf32, #tpu.memory_space<vmem>>
    %dma_start3A_1762 = tpu.memref_squeeze %dma_start3A_1761 : memref<1x256x64xf32, #tpu.memory_space<vmem>> -> memref<256x64xf32, #tpu.memory_space<vmem>>
    %dma_start3A_1763 = tpu.memref_slice %arg2[%add3A_1752, %mul3A_0] : memref<100000x128xf32, #tpu.memory_space<hbm>> -> memref<256x64xf32, #tpu.memory_space<hbm>>
    tpu.enqueue_dma source(%dma_start3A_1763 : memref<256x64xf32, #tpu.memory_space<hbm>>) target(%dma_start3A_1762 : memref<256x64xf32, #tpu.memory_space<vmem>>) target_semaphore(%arg12 : memref<!tpu.dma_semaphore, #tpu.memory_space<semaphore_mem>>)
    %add3A_1764 = arith.constant 0 : i32
    %add3A_1765 = arith.addi %add3A_1752, %add3A_1764 : i32
    %dma_start3A_1766 = arith.constant 1 : i32
    %dma_start3A_1767 = arith.constant 0 : i32
    %dma_start3A_1768 = arith.constant 0 : i32
    %dma_start3A_1769 = tpu.memref_slice %arg6[%dma_start3A_1766, %dma_start3A_1767, %dma_start3A_1768] : memref<4x2x128xi32, #tpu.memory_space<vmem>> -> memref<1x1x128xi32, #tpu.memory_space<vmem>>
    %dma_start3A_1770 = tpu.memref_squeeze %dma_start3A_1769 : memref<1x1x128xi32, #tpu.memory_space<vmem>> -> memref<128xi32, #tpu.memory_space<vmem>>
    %dma_start3A_1771 = tpu.memref_slice %arg3[%add3A_1765] : memref<100000xi32, #tpu.memory_space<hbm>> -> memref<128xi32, #tpu.memory_space<hbm>>
    %dma_start3A_1772 = arith.constant 0 : i32
    %dma_start3A_1773 = tpu.memref_slice %arg6[%dma_start3A_1766, %dma_start3A_1767, %dma_start3A_1772] : memref<4x2x128xi32, #tpu.memory_space<vmem>> -> memref<1x1x128xi32, #tpu.memory_space<vmem>>
    %dma_start3A_1774 = tpu.memref_squeeze %dma_start3A_1773 : memref<1x1x128xi32, #tpu.memory_space<vmem>> -> memref<128xi32, #tpu.memory_space<vmem>>
    %dma_start3A_1775 = tpu.memref_slice %arg3[%add3A_1765] : memref<100000xi32, #tpu.memory_space<hbm>> -> memref<128xi32, #tpu.memory_space<hbm>>
    tpu.enqueue_dma source(%dma_start3A_1775 : memref<128xi32, #tpu.memory_space<hbm>>) target(%dma_start3A_1774 : memref<128xi32, #tpu.memory_space<vmem>>) target_semaphore(%arg12 : memref<!tpu.dma_semaphore, #tpu.memory_space<semaphore_mem>>)
    %add3A_1776 = arith.constant 128 : i32
    %add3A_1777 = arith.addi %add3A_1752, %add3A_1776 : i32
    %dma_start3A_1778 = arith.constant 1 : i32
    %dma_start3A_1779 = arith.constant 1 : i32
    %dma_start3A_1780 = arith.constant 0 : i32
    %dma_start3A_1781 = tpu.memref_slice %arg6[%dma_start3A_1778, %dma_start3A_1779, %dma_start3A_1780] : memref<4x2x128xi32, #tpu.memory_space<vmem>> -> memref<1x1x128xi32, #tpu.memory_space<vmem>>
    %dma_start3A_1782 = tpu.memref_squeeze %dma_start3A_1781 : memref<1x1x128xi32, #tpu.memory_space<vmem>> -> memref<128xi32, #tpu.memory_space<vmem>>
    %dma_start3A_1783 = tpu.memref_slice %arg3[%add3A_1777] : memref<100000xi32, #tpu.memory_space<hbm>> -> memref<128xi32, #tpu.memory_space<hbm>>
    %dma_start3A_1784 = arith.constant 0 : i32
    %dma_start3A_1785 = tpu.memref_slice %arg6[%dma_start3A_1778, %dma_start3A_1779, %dma_start3A_1784] : memref<4x2x128xi32, #tpu.memory_space<vmem>> -> memref<1x1x128xi32, #tpu.memory_space<vmem>>
    %dma_start3A_1786 = tpu.memref_squeeze %dma_start3A_1785 : memref<1x1x128xi32, #tpu.memory_space<vmem>> -> memref<128xi32, #tpu.memory_space<vmem>>
    %dma_start3A_1787 = tpu.memref_slice %arg3[%add3A_1777] : memref<100000xi32, #tpu.memory_space<hbm>> -> memref<128xi32, #tpu.memory_space<hbm>>
    tpu.enqueue_dma source(%dma_start3A_1787 : memref<128xi32, #tpu.memory_space<hbm>>) target(%dma_start3A_1786 : memref<128xi32, #tpu.memory_space<vmem>>) target_semaphore(%arg12 : memref<!tpu.dma_semaphore, #tpu.memory_space<semaphore_mem>>)
    %dma_wait3A_1788 = arith.constant 2 : i32
    %dma_wait3A_1789 = arith.constant 0 : i32
    %dma_wait3A_1790 = arith.constant 0 : i32
    %dma_wait3A_1791 = tpu.memref_slice %arg5[%dma_wait3A_1788, %dma_wait3A_1789, %dma_wait3A_1790] : memref<4x256x64xf32, #tpu.memory_space<vmem>> -> memref<1x256x64xf32, #tpu.memory_space<vmem>>
    %dma_wait3A_1792 = tpu.memref_squeeze %dma_wait3A_1791 : memref<1x256x64xf32, #tpu.memory_space<vmem>> -> memref<256x64xf32, #tpu.memory_space<vmem>>
    %dma_wait3A_1793 = tpu.memref_slice %arg2[%add3A_1380, %mul3A_0] : memref<100000x128xf32, #tpu.memory_space<hbm>> -> memref<256x64xf32, #tpu.memory_space<hbm>>
    %dma_wait3A_1794 = arith.constant 0 : i32
    %dma_wait3A_1795 = arith.constant 0 : i32
    %dma_wait3A_1796 = tpu.memref_slice %arg5[%dma_wait3A_1788, %dma_wait3A_1794, %dma_wait3A_1795] : memref<4x256x64xf32, #tpu.memory_space<vmem>> -> memref<1x256x64xf32, #tpu.memory_space<vmem>>
    %dma_wait3A_1797 = tpu.memref_squeeze %dma_wait3A_1796 : memref<1x256x64xf32, #tpu.memory_space<vmem>> -> memref<256x64xf32, #tpu.memory_space<vmem>>
    %dma_wait3A_1798 = tpu.memref_slice %arg2[%add3A_1380, %mul3A_0] : memref<100000x128xf32, #tpu.memory_space<hbm>> -> memref<256x64xf32, #tpu.memory_space<hbm>>
    tpu.wait_dma2 semaphore(%arg13 : memref<!tpu.dma_semaphore, #tpu.memory_space<semaphore_mem>>) src(%dma_wait3A_1798 : memref<256x64xf32, #tpu.memory_space<hbm>>) dst(%dma_wait3A_1797 : memref<256x64xf32, #tpu.memory_space<vmem>>)
    %dma_wait3A_1799 = arith.constant 2 : i32
    %dma_wait3A_1800 = arith.constant 0 : i32
    %dma_wait3A_1801 = arith.constant 0 : i32
    %dma_wait3A_1802 = tpu.memref_slice %arg6[%dma_wait3A_1799, %dma_wait3A_1800, %dma_wait3A_1801] : memref<4x2x128xi32, #tpu.memory_space<vmem>> -> memref<1x1x128xi32, #tpu.memory_space<vmem>>
    %dma_wait3A_1803 = tpu.memref_squeeze %dma_wait3A_1802 : memref<1x1x128xi32, #tpu.memory_space<vmem>> -> memref<128xi32, #tpu.memory_space<vmem>>
    %dma_wait3A_1804 = tpu.memref_slice %arg3[%add3A_1393] : memref<100000xi32, #tpu.memory_space<hbm>> -> memref<128xi32, #tpu.memory_space<hbm>>
    %dma_wait3A_1805 = arith.constant 0 : i32
    %dma_wait3A_1806 = tpu.memref_slice %arg6[%dma_wait3A_1799, %dma_wait3A_1800, %dma_wait3A_1805] : memref<4x2x128xi32, #tpu.memory_space<vmem>> -> memref<1x1x128xi32, #tpu.memory_space<vmem>>
    %dma_wait3A_1807 = tpu.memref_squeeze %dma_wait3A_1806 : memref<1x1x128xi32, #tpu.memory_space<vmem>> -> memref<128xi32, #tpu.memory_space<vmem>>
    %dma_wait3A_1808 = tpu.memref_slice %arg3[%add3A_1393] : memref<100000xi32, #tpu.memory_space<hbm>> -> memref<128xi32, #tpu.memory_space<hbm>>
    tpu.wait_dma2 semaphore(%arg13 : memref<!tpu.dma_semaphore, #tpu.memory_space<semaphore_mem>>) src(%dma_wait3A_1808 : memref<128xi32, #tpu.memory_space<hbm>>) dst(%dma_wait3A_1807 : memref<128xi32, #tpu.memory_space<vmem>>)
    %dma_wait3A_1809 = arith.constant 2 : i32
    %dma_wait3A_1810 = arith.constant 1 : i32
    %dma_wait3A_1811 = arith.constant 0 : i32
    %dma_wait3A_1812 = tpu.memref_slice %arg6[%dma_wait3A_1809, %dma_wait3A_1810, %dma_wait3A_1811] : memref<4x2x128xi32, #tpu.memory_space<vmem>> -> memref<1x1x128xi32, #tpu.memory_space<vmem>>
    %dma_wait3A_1813 = tpu.memref_squeeze %dma_wait3A_1812 : memref<1x1x128xi32, #tpu.memory_space<vmem>> -> memref<128xi32, #tpu.memory_space<vmem>>
    %dma_wait3A_1814 = tpu.memref_slice %arg3[%add3A_1405] : memref<100000xi32, #tpu.memory_space<hbm>> -> memref<128xi32, #tpu.memory_space<hbm>>
    %dma_wait3A_1815 = arith.constant 0 : i32
    %dma_wait3A_1816 = tpu.memref_slice %arg6[%dma_wait3A_1809, %dma_wait3A_1810, %dma_wait3A_1815] : memref<4x2x128xi32, #tpu.memory_space<vmem>> -> memref<1x1x128xi32, #tpu.memory_space<vmem>>
    %dma_wait3A_1817 = tpu.memref_squeeze %dma_wait3A_1816 : memref<1x1x128xi32, #tpu.memory_space<vmem>> -> memref<128xi32, #tpu.memory_space<vmem>>
    %dma_wait3A_1818 = tpu.memref_slice %arg3[%add3A_1405] : memref<100000xi32, #tpu.memory_space<hbm>> -> memref<128xi32, #tpu.memory_space<hbm>>
    tpu.wait_dma2 semaphore(%arg13 : memref<!tpu.dma_semaphore, #tpu.memory_space<semaphore_mem>>) src(%dma_wait3A_1818 : memref<128xi32, #tpu.memory_space<hbm>>) dst(%dma_wait3A_1817 : memref<128xi32, #tpu.memory_space<vmem>>)
    %dma_start3A_1819 = arith.constant 2 : i32
    %dma_start3A_1820 = arith.constant 2 : i32
    %dma_start3A_1821 = arith.constant 0 : i32
    %dma_start3A_1822 = arith.constant 0 : i32
    %dma_start3A_1823 = arith.constant 0 : i32
    %dma_start3A_1824 = tpu.memref_slice %arg5[%dma_start3A_1819, %dma_start3A_1822, %dma_start3A_1823] : memref<4x256x64xf32, #tpu.memory_space<vmem>> -> memref<1x128x64xf32, #tpu.memory_space<vmem>>
    %dma_start3A_1825 = tpu.memref_squeeze %dma_start3A_1824 : memref<1x128x64xf32, #tpu.memory_space<vmem>> -> memref<128x64xf32, #tpu.memory_space<vmem>>
    %dma_start3A_1826 = arith.constant 0 : i32
    %dma_start3A_1827 = tpu.memref_slice %arg6[%dma_start3A_1820, %dma_start3A_1821, %dma_start3A_1826] : memref<4x2x128xi32, #tpu.memory_space<vmem>> -> memref<1x1x128xi32, #tpu.memory_space<vmem>>
    %dma_start3A_1828 = tpu.memref_squeeze %dma_start3A_1827 : memref<1x1x128xi32, #tpu.memory_space<vmem>> -> memref<128xi32, #tpu.memory_space<vmem>>
    %dma_start3A_1829 = arith.constant 0 : i32
    %dma_start3A_1830 = arith.constant 0 : i32
    %dma_start3A_1831 = tpu.memref_slice %arg10[%dma_start3A_1829, %dma_start3A_1830] : memref<288x64xf32, #tpu.memory_space<vmem_shared>> -> memref<288x64xf32, #tpu.memory_space<vmem_shared>>
    tpu.enqueue_indirect_dma source(%dma_start3A_1825 : memref<128x64xf32, #tpu.memory_space<vmem>>) target(%dma_start3A_1831 : memref<288x64xf32, #tpu.memory_space<vmem_shared>>) offsets(%dma_start3A_1828 : memref<128xi32, #tpu.memory_space<vmem>>) semaphore(%arg17 : memref<!tpu.dma_semaphore, #tpu.memory_space<semaphore_mem>>) {add = true}
    %dma_start3A_1832 = arith.constant 2 : i32
    %dma_start3A_1833 = arith.constant 2 : i32
    %dma_start3A_1834 = arith.constant 1 : i32
    %dma_start3A_1835 = arith.constant 128 : i32
    %dma_start3A_1836 = arith.constant 0 : i32
    %dma_start3A_1837 = tpu.memref_slice %arg5[%dma_start3A_1832, %dma_start3A_1835, %dma_start3A_1836] : memref<4x256x64xf32, #tpu.memory_space<vmem>> -> memref<1x128x64xf32, #tpu.memory_space<vmem>>
    %dma_start3A_1838 = tpu.memref_squeeze %dma_start3A_1837 : memref<1x128x64xf32, #tpu.memory_space<vmem>> -> memref<128x64xf32, #tpu.memory_space<vmem>>
    %dma_start3A_1839 = arith.constant 0 : i32
    %dma_start3A_1840 = tpu.memref_slice %arg6[%dma_start3A_1833, %dma_start3A_1834, %dma_start3A_1839] : memref<4x2x128xi32, #tpu.memory_space<vmem>> -> memref<1x1x128xi32, #tpu.memory_space<vmem>>
    %dma_start3A_1841 = tpu.memref_squeeze %dma_start3A_1840 : memref<1x1x128xi32, #tpu.memory_space<vmem>> -> memref<128xi32, #tpu.memory_space<vmem>>
    %dma_start3A_1842 = arith.constant 0 : i32
    %dma_start3A_1843 = arith.constant 0 : i32
    %dma_start3A_1844 = tpu.memref_slice %arg10[%dma_start3A_1842, %dma_start3A_1843] : memref<288x64xf32, #tpu.memory_space<vmem_shared>> -> memref<288x64xf32, #tpu.memory_space<vmem_shared>>
    tpu.enqueue_indirect_dma source(%dma_start3A_1838 : memref<128x64xf32, #tpu.memory_space<vmem>>) target(%dma_start3A_1844 : memref<288x64xf32, #tpu.memory_space<vmem_shared>>) offsets(%dma_start3A_1841 : memref<128xi32, #tpu.memory_space<vmem>>) semaphore(%arg17 : memref<!tpu.dma_semaphore, #tpu.memory_space<semaphore_mem>>) {add = true}
    %dma_wait3A_1845 = arith.constant 2 : i32
    %dma_wait3A_1846 = arith.constant 2 : i32
    %dma_wait3A_1847 = arith.constant 0 : i32
    %dma_wait3A_1848 = arith.constant 0 : i32
    %dma_wait3A_1849 = arith.constant 0 : i32
    %dma_wait3A_1850 = tpu.memref_slice %arg5[%dma_wait3A_1845, %dma_wait3A_1848, %dma_wait3A_1849] : memref<4x256x64xf32, #tpu.memory_space<vmem>> -> memref<1x128x64xf32, #tpu.memory_space<vmem>>
    %dma_wait3A_1851 = tpu.memref_squeeze %dma_wait3A_1850 : memref<1x128x64xf32, #tpu.memory_space<vmem>> -> memref<128x64xf32, #tpu.memory_space<vmem>>
    %dma_wait3A_1852 = arith.constant 0 : i32
    %dma_wait3A_1853 = tpu.memref_slice %arg6[%dma_wait3A_1846, %dma_wait3A_1847, %dma_wait3A_1852] : memref<4x2x128xi32, #tpu.memory_space<vmem>> -> memref<1x1x128xi32, #tpu.memory_space<vmem>>
    %dma_wait3A_1854 = tpu.memref_squeeze %dma_wait3A_1853 : memref<1x1x128xi32, #tpu.memory_space<vmem>> -> memref<128xi32, #tpu.memory_space<vmem>>
    %dma_wait3A_1855 = arith.constant 0 : i32
    %dma_wait3A_1856 = arith.constant 0 : i32
    %dma_wait3A_1857 = tpu.memref_slice %arg10[%dma_wait3A_1855, %dma_wait3A_1856] : memref<288x64xf32, #tpu.memory_space<vmem_shared>> -> memref<288x64xf32, #tpu.memory_space<vmem_shared>>
    tpu.wait_indirect_dma semaphore(%arg17 : memref<!tpu.dma_semaphore, #tpu.memory_space<semaphore_mem>>) src(%dma_wait3A_1851 : memref<128x64xf32, #tpu.memory_space<vmem>>) dst(%dma_wait3A_1857 : memref<288x64xf32, #tpu.memory_space<vmem_shared>>)
    %dma_wait3A_1858 = arith.constant 2 : i32
    %dma_wait3A_1859 = arith.constant 2 : i32
    %dma_wait3A_1860 = arith.constant 1 : i32
    %dma_wait3A_1861 = arith.constant 128 : i32
    %dma_wait3A_1862 = arith.constant 0 : i32
    %dma_wait3A_1863 = tpu.memref_slice %arg5[%dma_wait3A_1858, %dma_wait3A_1861, %dma_wait3A_1862] : memref<4x256x64xf32, #tpu.memory_space<vmem>> -> memref<1x128x64xf32, #tpu.memory_space<vmem>>
    %dma_wait3A_1864 = tpu.memref_squeeze %dma_wait3A_1863 : memref<1x128x64xf32, #tpu.memory_space<vmem>> -> memref<128x64xf32, #tpu.memory_space<vmem>>
    %dma_wait3A_1865 = arith.constant 0 : i32
    %dma_wait3A_1866 = tpu.memref_slice %arg6[%dma_wait3A_1859, %dma_wait3A_1860, %dma_wait3A_1865] : memref<4x2x128xi32, #tpu.memory_space<vmem>> -> memref<1x1x128xi32, #tpu.memory_space<vmem>>
    %dma_wait3A_1867 = tpu.memref_squeeze %dma_wait3A_1866 : memref<1x1x128xi32, #tpu.memory_space<vmem>> -> memref<128xi32, #tpu.memory_space<vmem>>
    %dma_wait3A_1868 = arith.constant 0 : i32
    %dma_wait3A_1869 = arith.constant 0 : i32
    %dma_wait3A_1870 = tpu.memref_slice %arg10[%dma_wait3A_1868, %dma_wait3A_1869] : memref<288x64xf32, #tpu.memory_space<vmem_shared>> -> memref<288x64xf32, #tpu.memory_space<vmem_shared>>
    tpu.wait_indirect_dma semaphore(%arg17 : memref<!tpu.dma_semaphore, #tpu.memory_space<semaphore_mem>>) src(%dma_wait3A_1864 : memref<128x64xf32, #tpu.memory_space<vmem>>) dst(%dma_wait3A_1870 : memref<288x64xf32, #tpu.memory_space<vmem_shared>>)
    %add3A_1871 = arith.constant 224 : i32
    %add3A_1872 = arith.addi %arg1, %add3A_1871 : i32
    %mul3A_1873 = arith.constant 256 : i32
    %mul3A_1874 = arith.muli %add3A_1872, %mul3A_1873 : i32
    %add3A_1875 = arith.constant 24576 : i32
    %add3A_1876 = arith.addi %add3A_1875, %mul3A_1874 : i32
    %dma_start3A_1877 = arith.constant 2 : i32
    %dma_start3A_1878 = arith.constant 0 : i32
    %dma_start3A_1879 = arith.constant 0 : i32
    %dma_start3A_1880 = tpu.memref_slice %arg5[%dma_start3A_1877, %dma_start3A_1878, %dma_start3A_1879] : memref<4x256x64xf32, #tpu.memory_space<vmem>> -> memref<1x256x64xf32, #tpu.memory_space<vmem>>
    %dma_start3A_1881 = tpu.memref_squeeze %dma_start3A_1880 : memref<1x256x64xf32, #tpu.memory_space<vmem>> -> memref<256x64xf32, #tpu.memory_space<vmem>>
    %dma_start3A_1882 = tpu.memref_slice %arg2[%add3A_1876, %mul3A_0] : memref<100000x128xf32, #tpu.memory_space<hbm>> -> memref<256x64xf32, #tpu.memory_space<hbm>>
    %dma_start3A_1883 = arith.constant 0 : i32
    %dma_start3A_1884 = arith.constant 0 : i32
    %dma_start3A_1885 = tpu.memref_slice %arg5[%dma_start3A_1877, %dma_start3A_1883, %dma_start3A_1884] : memref<4x256x64xf32, #tpu.memory_space<vmem>> -> memref<1x256x64xf32, #tpu.memory_space<vmem>>
    %dma_start3A_1886 = tpu.memref_squeeze %dma_start3A_1885 : memref<1x256x64xf32, #tpu.memory_space<vmem>> -> memref<256x64xf32, #tpu.memory_space<vmem>>
    %dma_start3A_1887 = tpu.memref_slice %arg2[%add3A_1876, %mul3A_0] : memref<100000x128xf32, #tpu.memory_space<hbm>> -> memref<256x64xf32, #tpu.memory_space<hbm>>
    tpu.enqueue_dma source(%dma_start3A_1887 : memref<256x64xf32, #tpu.memory_space<hbm>>) target(%dma_start3A_1886 : memref<256x64xf32, #tpu.memory_space<vmem>>) target_semaphore(%arg13 : memref<!tpu.dma_semaphore, #tpu.memory_space<semaphore_mem>>)
    %add3A_1888 = arith.constant 0 : i32
    %add3A_1889 = arith.addi %add3A_1876, %add3A_1888 : i32
    %dma_start3A_1890 = arith.constant 2 : i32
    %dma_start3A_1891 = arith.constant 0 : i32
    %dma_start3A_1892 = arith.constant 0 : i32
    %dma_start3A_1893 = tpu.memref_slice %arg6[%dma_start3A_1890, %dma_start3A_1891, %dma_start3A_1892] : memref<4x2x128xi32, #tpu.memory_space<vmem>> -> memref<1x1x128xi32, #tpu.memory_space<vmem>>
    %dma_start3A_1894 = tpu.memref_squeeze %dma_start3A_1893 : memref<1x1x128xi32, #tpu.memory_space<vmem>> -> memref<128xi32, #tpu.memory_space<vmem>>
    %dma_start3A_1895 = tpu.memref_slice %arg3[%add3A_1889] : memref<100000xi32, #tpu.memory_space<hbm>> -> memref<128xi32, #tpu.memory_space<hbm>>
    %dma_start3A_1896 = arith.constant 0 : i32
    %dma_start3A_1897 = tpu.memref_slice %arg6[%dma_start3A_1890, %dma_start3A_1891, %dma_start3A_1896] : memref<4x2x128xi32, #tpu.memory_space<vmem>> -> memref<1x1x128xi32, #tpu.memory_space<vmem>>
    %dma_start3A_1898 = tpu.memref_squeeze %dma_start3A_1897 : memref<1x1x128xi32, #tpu.memory_space<vmem>> -> memref<128xi32, #tpu.memory_space<vmem>>
    %dma_start3A_1899 = tpu.memref_slice %arg3[%add3A_1889] : memref<100000xi32, #tpu.memory_space<hbm>> -> memref<128xi32, #tpu.memory_space<hbm>>
    tpu.enqueue_dma source(%dma_start3A_1899 : memref<128xi32, #tpu.memory_space<hbm>>) target(%dma_start3A_1898 : memref<128xi32, #tpu.memory_space<vmem>>) target_semaphore(%arg13 : memref<!tpu.dma_semaphore, #tpu.memory_space<semaphore_mem>>)
    %add3A_1900 = arith.constant 128 : i32
    %add3A_1901 = arith.addi %add3A_1876, %add3A_1900 : i32
    %dma_start3A_1902 = arith.constant 2 : i32
    %dma_start3A_1903 = arith.constant 1 : i32
    %dma_start3A_1904 = arith.constant 0 : i32
    %dma_start3A_1905 = tpu.memref_slice %arg6[%dma_start3A_1902, %dma_start3A_1903, %dma_start3A_1904] : memref<4x2x128xi32, #tpu.memory_space<vmem>> -> memref<1x1x128xi32, #tpu.memory_space<vmem>>
    %dma_start3A_1906 = tpu.memref_squeeze %dma_start3A_1905 : memref<1x1x128xi32, #tpu.memory_space<vmem>> -> memref<128xi32, #tpu.memory_space<vmem>>
    %dma_start3A_1907 = tpu.memref_slice %arg3[%add3A_1901] : memref<100000xi32, #tpu.memory_space<hbm>> -> memref<128xi32, #tpu.memory_space<hbm>>
    %dma_start3A_1908 = arith.constant 0 : i32
    %dma_start3A_1909 = tpu.memref_slice %arg6[%dma_start3A_1902, %dma_start3A_1903, %dma_start3A_1908] : memref<4x2x128xi32, #tpu.memory_space<vmem>> -> memref<1x1x128xi32, #tpu.memory_space<vmem>>
    %dma_start3A_1910 = tpu.memref_squeeze %dma_start3A_1909 : memref<1x1x128xi32, #tpu.memory_space<vmem>> -> memref<128xi32, #tpu.memory_space<vmem>>
    %dma_start3A_1911 = tpu.memref_slice %arg3[%add3A_1901] : memref<100000xi32, #tpu.memory_space<hbm>> -> memref<128xi32, #tpu.memory_space<hbm>>
    tpu.enqueue_dma source(%dma_start3A_1911 : memref<128xi32, #tpu.memory_space<hbm>>) target(%dma_start3A_1910 : memref<128xi32, #tpu.memory_space<vmem>>) target_semaphore(%arg13 : memref<!tpu.dma_semaphore, #tpu.memory_space<semaphore_mem>>)
    %dma_wait3A_1912 = arith.constant 3 : i32
    %dma_wait3A_1913 = arith.constant 0 : i32
    %dma_wait3A_1914 = arith.constant 0 : i32
    %dma_wait3A_1915 = tpu.memref_slice %arg5[%dma_wait3A_1912, %dma_wait3A_1913, %dma_wait3A_1914] : memref<4x256x64xf32, #tpu.memory_space<vmem>> -> memref<1x256x64xf32, #tpu.memory_space<vmem>>
    %dma_wait3A_1916 = tpu.memref_squeeze %dma_wait3A_1915 : memref<1x256x64xf32, #tpu.memory_space<vmem>> -> memref<256x64xf32, #tpu.memory_space<vmem>>
    %dma_wait3A_1917 = tpu.memref_slice %arg2[%add3A_1504, %mul3A_0] : memref<100000x128xf32, #tpu.memory_space<hbm>> -> memref<256x64xf32, #tpu.memory_space<hbm>>
    %dma_wait3A_1918 = arith.constant 0 : i32
    %dma_wait3A_1919 = arith.constant 0 : i32
    %dma_wait3A_1920 = tpu.memref_slice %arg5[%dma_wait3A_1912, %dma_wait3A_1918, %dma_wait3A_1919] : memref<4x256x64xf32, #tpu.memory_space<vmem>> -> memref<1x256x64xf32, #tpu.memory_space<vmem>>
    %dma_wait3A_1921 = tpu.memref_squeeze %dma_wait3A_1920 : memref<1x256x64xf32, #tpu.memory_space<vmem>> -> memref<256x64xf32, #tpu.memory_space<vmem>>
    %dma_wait3A_1922 = tpu.memref_slice %arg2[%add3A_1504, %mul3A_0] : memref<100000x128xf32, #tpu.memory_space<hbm>> -> memref<256x64xf32, #tpu.memory_space<hbm>>
    tpu.wait_dma2 semaphore(%arg14 : memref<!tpu.dma_semaphore, #tpu.memory_space<semaphore_mem>>) src(%dma_wait3A_1922 : memref<256x64xf32, #tpu.memory_space<hbm>>) dst(%dma_wait3A_1921 : memref<256x64xf32, #tpu.memory_space<vmem>>)
    %dma_wait3A_1923 = arith.constant 3 : i32
    %dma_wait3A_1924 = arith.constant 0 : i32
    %dma_wait3A_1925 = arith.constant 0 : i32
    %dma_wait3A_1926 = tpu.memref_slice %arg6[%dma_wait3A_1923, %dma_wait3A_1924, %dma_wait3A_1925] : memref<4x2x128xi32, #tpu.memory_space<vmem>> -> memref<1x1x128xi32, #tpu.memory_space<vmem>>
    %dma_wait3A_1927 = tpu.memref_squeeze %dma_wait3A_1926 : memref<1x1x128xi32, #tpu.memory_space<vmem>> -> memref<128xi32, #tpu.memory_space<vmem>>
    %dma_wait3A_1928 = tpu.memref_slice %arg3[%add3A_1517] : memref<100000xi32, #tpu.memory_space<hbm>> -> memref<128xi32, #tpu.memory_space<hbm>>
    %dma_wait3A_1929 = arith.constant 0 : i32
    %dma_wait3A_1930 = tpu.memref_slice %arg6[%dma_wait3A_1923, %dma_wait3A_1924, %dma_wait3A_1929] : memref<4x2x128xi32, #tpu.memory_space<vmem>> -> memref<1x1x128xi32, #tpu.memory_space<vmem>>
    %dma_wait3A_1931 = tpu.memref_squeeze %dma_wait3A_1930 : memref<1x1x128xi32, #tpu.memory_space<vmem>> -> memref<128xi32, #tpu.memory_space<vmem>>
    %dma_wait3A_1932 = tpu.memref_slice %arg3[%add3A_1517] : memref<100000xi32, #tpu.memory_space<hbm>> -> memref<128xi32, #tpu.memory_space<hbm>>
    tpu.wait_dma2 semaphore(%arg14 : memref<!tpu.dma_semaphore, #tpu.memory_space<semaphore_mem>>) src(%dma_wait3A_1932 : memref<128xi32, #tpu.memory_space<hbm>>) dst(%dma_wait3A_1931 : memref<128xi32, #tpu.memory_space<vmem>>)
    %dma_wait3A_1933 = arith.constant 3 : i32
    %dma_wait3A_1934 = arith.constant 1 : i32
    %dma_wait3A_1935 = arith.constant 0 : i32
    %dma_wait3A_1936 = tpu.memref_slice %arg6[%dma_wait3A_1933, %dma_wait3A_1934, %dma_wait3A_1935] : memref<4x2x128xi32, #tpu.memory_space<vmem>> -> memref<1x1x128xi32, #tpu.memory_space<vmem>>
    %dma_wait3A_1937 = tpu.memref_squeeze %dma_wait3A_1936 : memref<1x1x128xi32, #tpu.memory_space<vmem>> -> memref<128xi32, #tpu.memory_space<vmem>>
    %dma_wait3A_1938 = tpu.memref_slice %arg3[%add3A_1529] : memref<100000xi32, #tpu.memory_space<hbm>> -> memref<128xi32, #tpu.memory_space<hbm>>
    %dma_wait3A_1939 = arith.constant 0 : i32
    %dma_wait3A_1940 = tpu.memref_slice %arg6[%dma_wait3A_1933, %dma_wait3A_1934, %dma_wait3A_1939] : memref<4x2x128xi32, #tpu.memory_space<vmem>> -> memref<1x1x128xi32, #tpu.memory_space<vmem>>
    %dma_wait3A_1941 = tpu.memref_squeeze %dma_wait3A_1940 : memref<1x1x128xi32, #tpu.memory_space<vmem>> -> memref<128xi32, #tpu.memory_space<vmem>>
    %dma_wait3A_1942 = tpu.memref_slice %arg3[%add3A_1529] : memref<100000xi32, #tpu.memory_space<hbm>> -> memref<128xi32, #tpu.memory_space<hbm>>
    tpu.wait_dma2 semaphore(%arg14 : memref<!tpu.dma_semaphore, #tpu.memory_space<semaphore_mem>>) src(%dma_wait3A_1942 : memref<128xi32, #tpu.memory_space<hbm>>) dst(%dma_wait3A_1941 : memref<128xi32, #tpu.memory_space<vmem>>)
    %dma_start3A_1943 = arith.constant 3 : i32
    %dma_start3A_1944 = arith.constant 3 : i32
    %dma_start3A_1945 = arith.constant 0 : i32
    %dma_start3A_1946 = arith.constant 0 : i32
    %dma_start3A_1947 = arith.constant 0 : i32
    %dma_start3A_1948 = tpu.memref_slice %arg5[%dma_start3A_1943, %dma_start3A_1946, %dma_start3A_1947] : memref<4x256x64xf32, #tpu.memory_space<vmem>> -> memref<1x128x64xf32, #tpu.memory_space<vmem>>
    %dma_start3A_1949 = tpu.memref_squeeze %dma_start3A_1948 : memref<1x128x64xf32, #tpu.memory_space<vmem>> -> memref<128x64xf32, #tpu.memory_space<vmem>>
    %dma_start3A_1950 = arith.constant 0 : i32
    %dma_start3A_1951 = tpu.memref_slice %arg6[%dma_start3A_1944, %dma_start3A_1945, %dma_start3A_1950] : memref<4x2x128xi32, #tpu.memory_space<vmem>> -> memref<1x1x128xi32, #tpu.memory_space<vmem>>
    %dma_start3A_1952 = tpu.memref_squeeze %dma_start3A_1951 : memref<1x1x128xi32, #tpu.memory_space<vmem>> -> memref<128xi32, #tpu.memory_space<vmem>>
    %dma_start3A_1953 = arith.constant 0 : i32
    %dma_start3A_1954 = arith.constant 0 : i32
    %dma_start3A_1955 = tpu.memref_slice %arg10[%dma_start3A_1953, %dma_start3A_1954] : memref<288x64xf32, #tpu.memory_space<vmem_shared>> -> memref<288x64xf32, #tpu.memory_space<vmem_shared>>
    tpu.enqueue_indirect_dma source(%dma_start3A_1949 : memref<128x64xf32, #tpu.memory_space<vmem>>) target(%dma_start3A_1955 : memref<288x64xf32, #tpu.memory_space<vmem_shared>>) offsets(%dma_start3A_1952 : memref<128xi32, #tpu.memory_space<vmem>>) semaphore(%arg18 : memref<!tpu.dma_semaphore, #tpu.memory_space<semaphore_mem>>) {add = true}
    %dma_start3A_1956 = arith.constant 3 : i32
    %dma_start3A_1957 = arith.constant 3 : i32
    %dma_start3A_1958 = arith.constant 1 : i32
    %dma_start3A_1959 = arith.constant 128 : i32
    %dma_start3A_1960 = arith.constant 0 : i32
    %dma_start3A_1961 = tpu.memref_slice %arg5[%dma_start3A_1956, %dma_start3A_1959, %dma_start3A_1960] : memref<4x256x64xf32, #tpu.memory_space<vmem>> -> memref<1x128x64xf32, #tpu.memory_space<vmem>>
    %dma_start3A_1962 = tpu.memref_squeeze %dma_start3A_1961 : memref<1x128x64xf32, #tpu.memory_space<vmem>> -> memref<128x64xf32, #tpu.memory_space<vmem>>
    %dma_start3A_1963 = arith.constant 0 : i32
    %dma_start3A_1964 = tpu.memref_slice %arg6[%dma_start3A_1957, %dma_start3A_1958, %dma_start3A_1963] : memref<4x2x128xi32, #tpu.memory_space<vmem>> -> memref<1x1x128xi32, #tpu.memory_space<vmem>>
    %dma_start3A_1965 = tpu.memref_squeeze %dma_start3A_1964 : memref<1x1x128xi32, #tpu.memory_space<vmem>> -> memref<128xi32, #tpu.memory_space<vmem>>
    %dma_start3A_1966 = arith.constant 0 : i32
    %dma_start3A_1967 = arith.constant 0 : i32
    %dma_start3A_1968 = tpu.memref_slice %arg10[%dma_start3A_1966, %dma_start3A_1967] : memref<288x64xf32, #tpu.memory_space<vmem_shared>> -> memref<288x64xf32, #tpu.memory_space<vmem_shared>>
    tpu.enqueue_indirect_dma source(%dma_start3A_1962 : memref<128x64xf32, #tpu.memory_space<vmem>>) target(%dma_start3A_1968 : memref<288x64xf32, #tpu.memory_space<vmem_shared>>) offsets(%dma_start3A_1965 : memref<128xi32, #tpu.memory_space<vmem>>) semaphore(%arg18 : memref<!tpu.dma_semaphore, #tpu.memory_space<semaphore_mem>>) {add = true}
    %dma_wait3A_1969 = arith.constant 3 : i32
    %dma_wait3A_1970 = arith.constant 3 : i32
    %dma_wait3A_1971 = arith.constant 0 : i32
    %dma_wait3A_1972 = arith.constant 0 : i32
    %dma_wait3A_1973 = arith.constant 0 : i32
    %dma_wait3A_1974 = tpu.memref_slice %arg5[%dma_wait3A_1969, %dma_wait3A_1972, %dma_wait3A_1973] : memref<4x256x64xf32, #tpu.memory_space<vmem>> -> memref<1x128x64xf32, #tpu.memory_space<vmem>>
    %dma_wait3A_1975 = tpu.memref_squeeze %dma_wait3A_1974 : memref<1x128x64xf32, #tpu.memory_space<vmem>> -> memref<128x64xf32, #tpu.memory_space<vmem>>
    %dma_wait3A_1976 = arith.constant 0 : i32
    %dma_wait3A_1977 = tpu.memref_slice %arg6[%dma_wait3A_1970, %dma_wait3A_1971, %dma_wait3A_1976] : memref<4x2x128xi32, #tpu.memory_space<vmem>> -> memref<1x1x128xi32, #tpu.memory_space<vmem>>
    %dma_wait3A_1978 = tpu.memref_squeeze %dma_wait3A_1977 : memref<1x1x128xi32, #tpu.memory_space<vmem>> -> memref<128xi32, #tpu.memory_space<vmem>>
    %dma_wait3A_1979 = arith.constant 0 : i32
    %dma_wait3A_1980 = arith.constant 0 : i32
    %dma_wait3A_1981 = tpu.memref_slice %arg10[%dma_wait3A_1979, %dma_wait3A_1980] : memref<288x64xf32, #tpu.memory_space<vmem_shared>> -> memref<288x64xf32, #tpu.memory_space<vmem_shared>>
    tpu.wait_indirect_dma semaphore(%arg18 : memref<!tpu.dma_semaphore, #tpu.memory_space<semaphore_mem>>) src(%dma_wait3A_1975 : memref<128x64xf32, #tpu.memory_space<vmem>>) dst(%dma_wait3A_1981 : memref<288x64xf32, #tpu.memory_space<vmem_shared>>)
    %dma_wait3A_1982 = arith.constant 3 : i32
    %dma_wait3A_1983 = arith.constant 3 : i32
    %dma_wait3A_1984 = arith.constant 1 : i32
    %dma_wait3A_1985 = arith.constant 128 : i32
    %dma_wait3A_1986 = arith.constant 0 : i32
    %dma_wait3A_1987 = tpu.memref_slice %arg5[%dma_wait3A_1982, %dma_wait3A_1985, %dma_wait3A_1986] : memref<4x256x64xf32, #tpu.memory_space<vmem>> -> memref<1x128x64xf32, #tpu.memory_space<vmem>>
    %dma_wait3A_1988 = tpu.memref_squeeze %dma_wait3A_1987 : memref<1x128x64xf32, #tpu.memory_space<vmem>> -> memref<128x64xf32, #tpu.memory_space<vmem>>
    %dma_wait3A_1989 = arith.constant 0 : i32
    %dma_wait3A_1990 = tpu.memref_slice %arg6[%dma_wait3A_1983, %dma_wait3A_1984, %dma_wait3A_1989] : memref<4x2x128xi32, #tpu.memory_space<vmem>> -> memref<1x1x128xi32, #tpu.memory_space<vmem>>
    %dma_wait3A_1991 = tpu.memref_squeeze %dma_wait3A_1990 : memref<1x1x128xi32, #tpu.memory_space<vmem>> -> memref<128xi32, #tpu.memory_space<vmem>>
    %dma_wait3A_1992 = arith.constant 0 : i32
    %dma_wait3A_1993 = arith.constant 0 : i32
    %dma_wait3A_1994 = tpu.memref_slice %arg10[%dma_wait3A_1992, %dma_wait3A_1993] : memref<288x64xf32, #tpu.memory_space<vmem_shared>> -> memref<288x64xf32, #tpu.memory_space<vmem_shared>>
    tpu.wait_indirect_dma semaphore(%arg18 : memref<!tpu.dma_semaphore, #tpu.memory_space<semaphore_mem>>) src(%dma_wait3A_1988 : memref<128x64xf32, #tpu.memory_space<vmem>>) dst(%dma_wait3A_1994 : memref<288x64xf32, #tpu.memory_space<vmem_shared>>)
    %add3A_1995 = arith.constant 240 : i32
    %add3A_1996 = arith.addi %arg1, %add3A_1995 : i32
    %mul3A_1997 = arith.constant 256 : i32
    %mul3A_1998 = arith.muli %add3A_1996, %mul3A_1997 : i32
    %add3A_1999 = arith.constant 24576 : i32
    %add3A_2000 = arith.addi %add3A_1999, %mul3A_1998 : i32
    %dma_start3A_2001 = arith.constant 3 : i32
    %dma_start3A_2002 = arith.constant 0 : i32
    %dma_start3A_2003 = arith.constant 0 : i32
    %dma_start3A_2004 = tpu.memref_slice %arg5[%dma_start3A_2001, %dma_start3A_2002, %dma_start3A_2003] : memref<4x256x64xf32, #tpu.memory_space<vmem>> -> memref<1x256x64xf32, #tpu.memory_space<vmem>>
    %dma_start3A_2005 = tpu.memref_squeeze %dma_start3A_2004 : memref<1x256x64xf32, #tpu.memory_space<vmem>> -> memref<256x64xf32, #tpu.memory_space<vmem>>
    %dma_start3A_2006 = tpu.memref_slice %arg2[%add3A_2000, %mul3A_0] : memref<100000x128xf32, #tpu.memory_space<hbm>> -> memref<256x64xf32, #tpu.memory_space<hbm>>
    %dma_start3A_2007 = arith.constant 0 : i32
    %dma_start3A_2008 = arith.constant 0 : i32
    %dma_start3A_2009 = tpu.memref_slice %arg5[%dma_start3A_2001, %dma_start3A_2007, %dma_start3A_2008] : memref<4x256x64xf32, #tpu.memory_space<vmem>> -> memref<1x256x64xf32, #tpu.memory_space<vmem>>
    %dma_start3A_2010 = tpu.memref_squeeze %dma_start3A_2009 : memref<1x256x64xf32, #tpu.memory_space<vmem>> -> memref<256x64xf32, #tpu.memory_space<vmem>>
    %dma_start3A_2011 = tpu.memref_slice %arg2[%add3A_2000, %mul3A_0] : memref<100000x128xf32, #tpu.memory_space<hbm>> -> memref<256x64xf32, #tpu.memory_space<hbm>>
    tpu.enqueue_dma source(%dma_start3A_2011 : memref<256x64xf32, #tpu.memory_space<hbm>>) target(%dma_start3A_2010 : memref<256x64xf32, #tpu.memory_space<vmem>>) target_semaphore(%arg14 : memref<!tpu.dma_semaphore, #tpu.memory_space<semaphore_mem>>)
    %add3A_2012 = arith.constant 0 : i32
    %add3A_2013 = arith.addi %add3A_2000, %add3A_2012 : i32
    %dma_start3A_2014 = arith.constant 3 : i32
    %dma_start3A_2015 = arith.constant 0 : i32
    %dma_start3A_2016 = arith.constant 0 : i32
    %dma_start3A_2017 = tpu.memref_slice %arg6[%dma_start3A_2014, %dma_start3A_2015, %dma_start3A_2016] : memref<4x2x128xi32, #tpu.memory_space<vmem>> -> memref<1x1x128xi32, #tpu.memory_space<vmem>>
    %dma_start3A_2018 = tpu.memref_squeeze %dma_start3A_2017 : memref<1x1x128xi32, #tpu.memory_space<vmem>> -> memref<128xi32, #tpu.memory_space<vmem>>
    %dma_start3A_2019 = tpu.memref_slice %arg3[%add3A_2013] : memref<100000xi32, #tpu.memory_space<hbm>> -> memref<128xi32, #tpu.memory_space<hbm>>
    %dma_start3A_2020 = arith.constant 0 : i32
    %dma_start3A_2021 = tpu.memref_slice %arg6[%dma_start3A_2014, %dma_start3A_2015, %dma_start3A_2020] : memref<4x2x128xi32, #tpu.memory_space<vmem>> -> memref<1x1x128xi32, #tpu.memory_space<vmem>>
    %dma_start3A_2022 = tpu.memref_squeeze %dma_start3A_2021 : memref<1x1x128xi32, #tpu.memory_space<vmem>> -> memref<128xi32, #tpu.memory_space<vmem>>
    %dma_start3A_2023 = tpu.memref_slice %arg3[%add3A_2013] : memref<100000xi32, #tpu.memory_space<hbm>> -> memref<128xi32, #tpu.memory_space<hbm>>
    tpu.enqueue_dma source(%dma_start3A_2023 : memref<128xi32, #tpu.memory_space<hbm>>) target(%dma_start3A_2022 : memref<128xi32, #tpu.memory_space<vmem>>) target_semaphore(%arg14 : memref<!tpu.dma_semaphore, #tpu.memory_space<semaphore_mem>>)
    %add3A_2024 = arith.constant 128 : i32
    %add3A_2025 = arith.addi %add3A_2000, %add3A_2024 : i32
    %dma_start3A_2026 = arith.constant 3 : i32
    %dma_start3A_2027 = arith.constant 1 : i32
    %dma_start3A_2028 = arith.constant 0 : i32
    %dma_start3A_2029 = tpu.memref_slice %arg6[%dma_start3A_2026, %dma_start3A_2027, %dma_start3A_2028] : memref<4x2x128xi32, #tpu.memory_space<vmem>> -> memref<1x1x128xi32, #tpu.memory_space<vmem>>
    %dma_start3A_2030 = tpu.memref_squeeze %dma_start3A_2029 : memref<1x1x128xi32, #tpu.memory_space<vmem>> -> memref<128xi32, #tpu.memory_space<vmem>>
    %dma_start3A_2031 = tpu.memref_slice %arg3[%add3A_2025] : memref<100000xi32, #tpu.memory_space<hbm>> -> memref<128xi32, #tpu.memory_space<hbm>>
    %dma_start3A_2032 = arith.constant 0 : i32
    %dma_start3A_2033 = tpu.memref_slice %arg6[%dma_start3A_2026, %dma_start3A_2027, %dma_start3A_2032] : memref<4x2x128xi32, #tpu.memory_space<vmem>> -> memref<1x1x128xi32, #tpu.memory_space<vmem>>
    %dma_start3A_2034 = tpu.memref_squeeze %dma_start3A_2033 : memref<1x1x128xi32, #tpu.memory_space<vmem>> -> memref<128xi32, #tpu.memory_space<vmem>>
    %dma_start3A_2035 = tpu.memref_slice %arg3[%add3A_2025] : memref<100000xi32, #tpu.memory_space<hbm>> -> memref<128xi32, #tpu.memory_space<hbm>>
    tpu.enqueue_dma source(%dma_start3A_2035 : memref<128xi32, #tpu.memory_space<hbm>>) target(%dma_start3A_2034 : memref<128xi32, #tpu.memory_space<vmem>>) target_semaphore(%arg14 : memref<!tpu.dma_semaphore, #tpu.memory_space<semaphore_mem>>)
    %dma_wait3A_2036 = arith.constant 0 : i32
    %dma_wait3A_2037 = arith.constant 0 : i32
    %dma_wait3A_2038 = arith.constant 0 : i32
    %dma_wait3A_2039 = tpu.memref_slice %arg5[%dma_wait3A_2036, %dma_wait3A_2037, %dma_wait3A_2038] : memref<4x256x64xf32, #tpu.memory_space<vmem>> -> memref<1x256x64xf32, #tpu.memory_space<vmem>>
    %dma_wait3A_2040 = tpu.memref_squeeze %dma_wait3A_2039 : memref<1x256x64xf32, #tpu.memory_space<vmem>> -> memref<256x64xf32, #tpu.memory_space<vmem>>
    %dma_wait3A_2041 = tpu.memref_slice %arg2[%add3A_1628, %mul3A_0] : memref<100000x128xf32, #tpu.memory_space<hbm>> -> memref<256x64xf32, #tpu.memory_space<hbm>>
    %dma_wait3A_2042 = arith.constant 0 : i32
    %dma_wait3A_2043 = arith.constant 0 : i32
    %dma_wait3A_2044 = tpu.memref_slice %arg5[%dma_wait3A_2036, %dma_wait3A_2042, %dma_wait3A_2043] : memref<4x256x64xf32, #tpu.memory_space<vmem>> -> memref<1x256x64xf32, #tpu.memory_space<vmem>>
    %dma_wait3A_2045 = tpu.memref_squeeze %dma_wait3A_2044 : memref<1x256x64xf32, #tpu.memory_space<vmem>> -> memref<256x64xf32, #tpu.memory_space<vmem>>
    %dma_wait3A_2046 = tpu.memref_slice %arg2[%add3A_1628, %mul3A_0] : memref<100000x128xf32, #tpu.memory_space<hbm>> -> memref<256x64xf32, #tpu.memory_space<hbm>>
    tpu.wait_dma2 semaphore(%arg11 : memref<!tpu.dma_semaphore, #tpu.memory_space<semaphore_mem>>) src(%dma_wait3A_2046 : memref<256x64xf32, #tpu.memory_space<hbm>>) dst(%dma_wait3A_2045 : memref<256x64xf32, #tpu.memory_space<vmem>>)
    %dma_wait3A_2047 = arith.constant 0 : i32
    %dma_wait3A_2048 = arith.constant 0 : i32
    %dma_wait3A_2049 = arith.constant 0 : i32
    %dma_wait3A_2050 = tpu.memref_slice %arg6[%dma_wait3A_2047, %dma_wait3A_2048, %dma_wait3A_2049] : memref<4x2x128xi32, #tpu.memory_space<vmem>> -> memref<1x1x128xi32, #tpu.memory_space<vmem>>
    %dma_wait3A_2051 = tpu.memref_squeeze %dma_wait3A_2050 : memref<1x1x128xi32, #tpu.memory_space<vmem>> -> memref<128xi32, #tpu.memory_space<vmem>>
    %dma_wait3A_2052 = tpu.memref_slice %arg3[%add3A_1641] : memref<100000xi32, #tpu.memory_space<hbm>> -> memref<128xi32, #tpu.memory_space<hbm>>
    %dma_wait3A_2053 = arith.constant 0 : i32
    %dma_wait3A_2054 = tpu.memref_slice %arg6[%dma_wait3A_2047, %dma_wait3A_2048, %dma_wait3A_2053] : memref<4x2x128xi32, #tpu.memory_space<vmem>> -> memref<1x1x128xi32, #tpu.memory_space<vmem>>
    %dma_wait3A_2055 = tpu.memref_squeeze %dma_wait3A_2054 : memref<1x1x128xi32, #tpu.memory_space<vmem>> -> memref<128xi32, #tpu.memory_space<vmem>>
    %dma_wait3A_2056 = tpu.memref_slice %arg3[%add3A_1641] : memref<100000xi32, #tpu.memory_space<hbm>> -> memref<128xi32, #tpu.memory_space<hbm>>
    tpu.wait_dma2 semaphore(%arg11 : memref<!tpu.dma_semaphore, #tpu.memory_space<semaphore_mem>>) src(%dma_wait3A_2056 : memref<128xi32, #tpu.memory_space<hbm>>) dst(%dma_wait3A_2055 : memref<128xi32, #tpu.memory_space<vmem>>)
    %dma_wait3A_2057 = arith.constant 0 : i32
    %dma_wait3A_2058 = arith.constant 1 : i32
    %dma_wait3A_2059 = arith.constant 0 : i32
    %dma_wait3A_2060 = tpu.memref_slice %arg6[%dma_wait3A_2057, %dma_wait3A_2058, %dma_wait3A_2059] : memref<4x2x128xi32, #tpu.memory_space<vmem>> -> memref<1x1x128xi32, #tpu.memory_space<vmem>>
    %dma_wait3A_2061 = tpu.memref_squeeze %dma_wait3A_2060 : memref<1x1x128xi32, #tpu.memory_space<vmem>> -> memref<128xi32, #tpu.memory_space<vmem>>
    %dma_wait3A_2062 = tpu.memref_slice %arg3[%add3A_1653] : memref<100000xi32, #tpu.memory_space<hbm>> -> memref<128xi32, #tpu.memory_space<hbm>>
    %dma_wait3A_2063 = arith.constant 0 : i32
    %dma_wait3A_2064 = tpu.memref_slice %arg6[%dma_wait3A_2057, %dma_wait3A_2058, %dma_wait3A_2063] : memref<4x2x128xi32, #tpu.memory_space<vmem>> -> memref<1x1x128xi32, #tpu.memory_space<vmem>>
    %dma_wait3A_2065 = tpu.memref_squeeze %dma_wait3A_2064 : memref<1x1x128xi32, #tpu.memory_space<vmem>> -> memref<128xi32, #tpu.memory_space<vmem>>
    %dma_wait3A_2066 = tpu.memref_slice %arg3[%add3A_1653] : memref<100000xi32, #tpu.memory_space<hbm>> -> memref<128xi32, #tpu.memory_space<hbm>>
    tpu.wait_dma2 semaphore(%arg11 : memref<!tpu.dma_semaphore, #tpu.memory_space<semaphore_mem>>) src(%dma_wait3A_2066 : memref<128xi32, #tpu.memory_space<hbm>>) dst(%dma_wait3A_2065 : memref<128xi32, #tpu.memory_space<vmem>>)
    %dma_start3A_2067 = arith.constant 0 : i32
    %dma_start3A_2068 = arith.constant 0 : i32
    %dma_start3A_2069 = arith.constant 0 : i32
    %dma_start3A_2070 = arith.constant 0 : i32
    %dma_start3A_2071 = arith.constant 0 : i32
    %dma_start3A_2072 = tpu.memref_slice %arg5[%dma_start3A_2067, %dma_start3A_2070, %dma_start3A_2071] : memref<4x256x64xf32, #tpu.memory_space<vmem>> -> memref<1x128x64xf32, #tpu.memory_space<vmem>>
    %dma_start3A_2073 = tpu.memref_squeeze %dma_start3A_2072 : memref<1x128x64xf32, #tpu.memory_space<vmem>> -> memref<128x64xf32, #tpu.memory_space<vmem>>
    %dma_start3A_2074 = arith.constant 0 : i32
    %dma_start3A_2075 = tpu.memref_slice %arg6[%dma_start3A_2068, %dma_start3A_2069, %dma_start3A_2074] : memref<4x2x128xi32, #tpu.memory_space<vmem>> -> memref<1x1x128xi32, #tpu.memory_space<vmem>>
    %dma_start3A_2076 = tpu.memref_squeeze %dma_start3A_2075 : memref<1x1x128xi32, #tpu.memory_space<vmem>> -> memref<128xi32, #tpu.memory_space<vmem>>
    %dma_start3A_2077 = arith.constant 0 : i32
    %dma_start3A_2078 = arith.constant 0 : i32
    %dma_start3A_2079 = tpu.memref_slice %arg10[%dma_start3A_2077, %dma_start3A_2078] : memref<288x64xf32, #tpu.memory_space<vmem_shared>> -> memref<288x64xf32, #tpu.memory_space<vmem_shared>>
    tpu.enqueue_indirect_dma source(%dma_start3A_2073 : memref<128x64xf32, #tpu.memory_space<vmem>>) target(%dma_start3A_2079 : memref<288x64xf32, #tpu.memory_space<vmem_shared>>) offsets(%dma_start3A_2076 : memref<128xi32, #tpu.memory_space<vmem>>) semaphore(%arg15 : memref<!tpu.dma_semaphore, #tpu.memory_space<semaphore_mem>>) {add = true}
    %dma_start3A_2080 = arith.constant 0 : i32
    %dma_start3A_2081 = arith.constant 0 : i32
    %dma_start3A_2082 = arith.constant 1 : i32
    %dma_start3A_2083 = arith.constant 128 : i32
    %dma_start3A_2084 = arith.constant 0 : i32
    %dma_start3A_2085 = tpu.memref_slice %arg5[%dma_start3A_2080, %dma_start3A_2083, %dma_start3A_2084] : memref<4x256x64xf32, #tpu.memory_space<vmem>> -> memref<1x128x64xf32, #tpu.memory_space<vmem>>
    %dma_start3A_2086 = tpu.memref_squeeze %dma_start3A_2085 : memref<1x128x64xf32, #tpu.memory_space<vmem>> -> memref<128x64xf32, #tpu.memory_space<vmem>>
    %dma_start3A_2087 = arith.constant 0 : i32
    %dma_start3A_2088 = tpu.memref_slice %arg6[%dma_start3A_2081, %dma_start3A_2082, %dma_start3A_2087] : memref<4x2x128xi32, #tpu.memory_space<vmem>> -> memref<1x1x128xi32, #tpu.memory_space<vmem>>
    %dma_start3A_2089 = tpu.memref_squeeze %dma_start3A_2088 : memref<1x1x128xi32, #tpu.memory_space<vmem>> -> memref<128xi32, #tpu.memory_space<vmem>>
    %dma_start3A_2090 = arith.constant 0 : i32
    %dma_start3A_2091 = arith.constant 0 : i32
    %dma_start3A_2092 = tpu.memref_slice %arg10[%dma_start3A_2090, %dma_start3A_2091] : memref<288x64xf32, #tpu.memory_space<vmem_shared>> -> memref<288x64xf32, #tpu.memory_space<vmem_shared>>
    tpu.enqueue_indirect_dma source(%dma_start3A_2086 : memref<128x64xf32, #tpu.memory_space<vmem>>) target(%dma_start3A_2092 : memref<288x64xf32, #tpu.memory_space<vmem_shared>>) offsets(%dma_start3A_2089 : memref<128xi32, #tpu.memory_space<vmem>>) semaphore(%arg15 : memref<!tpu.dma_semaphore, #tpu.memory_space<semaphore_mem>>) {add = true}
    %dma_wait3A_2093 = arith.constant 0 : i32
    %dma_wait3A_2094 = arith.constant 0 : i32
    %dma_wait3A_2095 = arith.constant 0 : i32
    %dma_wait3A_2096 = arith.constant 0 : i32
    %dma_wait3A_2097 = arith.constant 0 : i32
    %dma_wait3A_2098 = tpu.memref_slice %arg5[%dma_wait3A_2093, %dma_wait3A_2096, %dma_wait3A_2097] : memref<4x256x64xf32, #tpu.memory_space<vmem>> -> memref<1x128x64xf32, #tpu.memory_space<vmem>>
    %dma_wait3A_2099 = tpu.memref_squeeze %dma_wait3A_2098 : memref<1x128x64xf32, #tpu.memory_space<vmem>> -> memref<128x64xf32, #tpu.memory_space<vmem>>
    %dma_wait3A_2100 = arith.constant 0 : i32
    %dma_wait3A_2101 = tpu.memref_slice %arg6[%dma_wait3A_2094, %dma_wait3A_2095, %dma_wait3A_2100] : memref<4x2x128xi32, #tpu.memory_space<vmem>> -> memref<1x1x128xi32, #tpu.memory_space<vmem>>
    %dma_wait3A_2102 = tpu.memref_squeeze %dma_wait3A_2101 : memref<1x1x128xi32, #tpu.memory_space<vmem>> -> memref<128xi32, #tpu.memory_space<vmem>>
    %dma_wait3A_2103 = arith.constant 0 : i32
    %dma_wait3A_2104 = arith.constant 0 : i32
    %dma_wait3A_2105 = tpu.memref_slice %arg10[%dma_wait3A_2103, %dma_wait3A_2104] : memref<288x64xf32, #tpu.memory_space<vmem_shared>> -> memref<288x64xf32, #tpu.memory_space<vmem_shared>>
    tpu.wait_indirect_dma semaphore(%arg15 : memref<!tpu.dma_semaphore, #tpu.memory_space<semaphore_mem>>) src(%dma_wait3A_2099 : memref<128x64xf32, #tpu.memory_space<vmem>>) dst(%dma_wait3A_2105 : memref<288x64xf32, #tpu.memory_space<vmem_shared>>)
    %dma_wait3A_2106 = arith.constant 0 : i32
    %dma_wait3A_2107 = arith.constant 0 : i32
    %dma_wait3A_2108 = arith.constant 1 : i32
    %dma_wait3A_2109 = arith.constant 128 : i32
    %dma_wait3A_2110 = arith.constant 0 : i32
    %dma_wait3A_2111 = tpu.memref_slice %arg5[%dma_wait3A_2106, %dma_wait3A_2109, %dma_wait3A_2110] : memref<4x256x64xf32, #tpu.memory_space<vmem>> -> memref<1x128x64xf32, #tpu.memory_space<vmem>>
    %dma_wait3A_2112 = tpu.memref_squeeze %dma_wait3A_2111 : memref<1x128x64xf32, #tpu.memory_space<vmem>> -> memref<128x64xf32, #tpu.memory_space<vmem>>
    %dma_wait3A_2113 = arith.constant 0 : i32
    %dma_wait3A_2114 = tpu.memref_slice %arg6[%dma_wait3A_2107, %dma_wait3A_2108, %dma_wait3A_2113] : memref<4x2x128xi32, #tpu.memory_space<vmem>> -> memref<1x1x128xi32, #tpu.memory_space<vmem>>
    %dma_wait3A_2115 = tpu.memref_squeeze %dma_wait3A_2114 : memref<1x1x128xi32, #tpu.memory_space<vmem>> -> memref<128xi32, #tpu.memory_space<vmem>>
    %dma_wait3A_2116 = arith.constant 0 : i32
    %dma_wait3A_2117 = arith.constant 0 : i32
    %dma_wait3A_2118 = tpu.memref_slice %arg10[%dma_wait3A_2116, %dma_wait3A_2117] : memref<288x64xf32, #tpu.memory_space<vmem_shared>> -> memref<288x64xf32, #tpu.memory_space<vmem_shared>>
    tpu.wait_indirect_dma semaphore(%arg15 : memref<!tpu.dma_semaphore, #tpu.memory_space<semaphore_mem>>) src(%dma_wait3A_2112 : memref<128x64xf32, #tpu.memory_space<vmem>>) dst(%dma_wait3A_2118 : memref<288x64xf32, #tpu.memory_space<vmem_shared>>)
    %add3A_2119 = arith.constant 256 : i32
    %add3A_2120 = arith.addi %arg1, %add3A_2119 : i32
    %mul3A_2121 = arith.constant 256 : i32
    %mul3A_2122 = arith.muli %add3A_2120, %mul3A_2121 : i32
    %add3A_2123 = arith.constant 24576 : i32
    %add3A_2124 = arith.addi %add3A_2123, %mul3A_2122 : i32
    %dma_start3A_2125 = arith.constant 0 : i32
    %dma_start3A_2126 = arith.constant 0 : i32
    %dma_start3A_2127 = arith.constant 0 : i32
    %dma_start3A_2128 = tpu.memref_slice %arg5[%dma_start3A_2125, %dma_start3A_2126, %dma_start3A_2127] : memref<4x256x64xf32, #tpu.memory_space<vmem>> -> memref<1x256x64xf32, #tpu.memory_space<vmem>>
    %dma_start3A_2129 = tpu.memref_squeeze %dma_start3A_2128 : memref<1x256x64xf32, #tpu.memory_space<vmem>> -> memref<256x64xf32, #tpu.memory_space<vmem>>
    %dma_start3A_2130 = tpu.memref_slice %arg2[%add3A_2124, %mul3A_0] : memref<100000x128xf32, #tpu.memory_space<hbm>> -> memref<256x64xf32, #tpu.memory_space<hbm>>
    %dma_start3A_2131 = arith.constant 0 : i32
    %dma_start3A_2132 = arith.constant 0 : i32
    %dma_start3A_2133 = tpu.memref_slice %arg5[%dma_start3A_2125, %dma_start3A_2131, %dma_start3A_2132] : memref<4x256x64xf32, #tpu.memory_space<vmem>> -> memref<1x256x64xf32, #tpu.memory_space<vmem>>
    %dma_start3A_2134 = tpu.memref_squeeze %dma_start3A_2133 : memref<1x256x64xf32, #tpu.memory_space<vmem>> -> memref<256x64xf32, #tpu.memory_space<vmem>>
    %dma_start3A_2135 = tpu.memref_slice %arg2[%add3A_2124, %mul3A_0] : memref<100000x128xf32, #tpu.memory_space<hbm>> -> memref<256x64xf32, #tpu.memory_space<hbm>>
    tpu.enqueue_dma source(%dma_start3A_2135 : memref<256x64xf32, #tpu.memory_space<hbm>>) target(%dma_start3A_2134 : memref<256x64xf32, #tpu.memory_space<vmem>>) target_semaphore(%arg11 : memref<!tpu.dma_semaphore, #tpu.memory_space<semaphore_mem>>)
    %add3A_2136 = arith.constant 0 : i32
    %add3A_2137 = arith.addi %add3A_2124, %add3A_2136 : i32
    %dma_start3A_2138 = arith.constant 0 : i32
    %dma_start3A_2139 = arith.constant 0 : i32
    %dma_start3A_2140 = arith.constant 0 : i32
    %dma_start3A_2141 = tpu.memref_slice %arg6[%dma_start3A_2138, %dma_start3A_2139, %dma_start3A_2140] : memref<4x2x128xi32, #tpu.memory_space<vmem>> -> memref<1x1x128xi32, #tpu.memory_space<vmem>>
    %dma_start3A_2142 = tpu.memref_squeeze %dma_start3A_2141 : memref<1x1x128xi32, #tpu.memory_space<vmem>> -> memref<128xi32, #tpu.memory_space<vmem>>
    %dma_start3A_2143 = tpu.memref_slice %arg3[%add3A_2137] : memref<100000xi32, #tpu.memory_space<hbm>> -> memref<128xi32, #tpu.memory_space<hbm>>
    %dma_start3A_2144 = arith.constant 0 : i32
    %dma_start3A_2145 = tpu.memref_slice %arg6[%dma_start3A_2138, %dma_start3A_2139, %dma_start3A_2144] : memref<4x2x128xi32, #tpu.memory_space<vmem>> -> memref<1x1x128xi32, #tpu.memory_space<vmem>>
    %dma_start3A_2146 = tpu.memref_squeeze %dma_start3A_2145 : memref<1x1x128xi32, #tpu.memory_space<vmem>> -> memref<128xi32, #tpu.memory_space<vmem>>
    %dma_start3A_2147 = tpu.memref_slice %arg3[%add3A_2137] : memref<100000xi32, #tpu.memory_space<hbm>> -> memref<128xi32, #tpu.memory_space<hbm>>
    tpu.enqueue_dma source(%dma_start3A_2147 : memref<128xi32, #tpu.memory_space<hbm>>) target(%dma_start3A_2146 : memref<128xi32, #tpu.memory_space<vmem>>) target_semaphore(%arg11 : memref<!tpu.dma_semaphore, #tpu.memory_space<semaphore_mem>>)
    %add3A_2148 = arith.constant 128 : i32
    %add3A_2149 = arith.addi %add3A_2124, %add3A_2148 : i32
    %dma_start3A_2150 = arith.constant 0 : i32
    %dma_start3A_2151 = arith.constant 1 : i32
    %dma_start3A_2152 = arith.constant 0 : i32
    %dma_start3A_2153 = tpu.memref_slice %arg6[%dma_start3A_2150, %dma_start3A_2151, %dma_start3A_2152] : memref<4x2x128xi32, #tpu.memory_space<vmem>> -> memref<1x1x128xi32, #tpu.memory_space<vmem>>
    %dma_start3A_2154 = tpu.memref_squeeze %dma_start3A_2153 : memref<1x1x128xi32, #tpu.memory_space<vmem>> -> memref<128xi32, #tpu.memory_space<vmem>>
    %dma_start3A_2155 = tpu.memref_slice %arg3[%add3A_2149] : memref<100000xi32, #tpu.memory_space<hbm>> -> memref<128xi32, #tpu.memory_space<hbm>>
    %dma_start3A_2156 = arith.constant 0 : i32
    %dma_start3A_2157 = tpu.memref_slice %arg6[%dma_start3A_2150, %dma_start3A_2151, %dma_start3A_2156] : memref<4x2x128xi32, #tpu.memory_space<vmem>> -> memref<1x1x128xi32, #tpu.memory_space<vmem>>
    %dma_start3A_2158 = tpu.memref_squeeze %dma_start3A_2157 : memref<1x1x128xi32, #tpu.memory_space<vmem>> -> memref<128xi32, #tpu.memory_space<vmem>>
    %dma_start3A_2159 = tpu.memref_slice %arg3[%add3A_2149] : memref<100000xi32, #tpu.memory_space<hbm>> -> memref<128xi32, #tpu.memory_space<hbm>>
    tpu.enqueue_dma source(%dma_start3A_2159 : memref<128xi32, #tpu.memory_space<hbm>>) target(%dma_start3A_2158 : memref<128xi32, #tpu.memory_space<vmem>>) target_semaphore(%arg11 : memref<!tpu.dma_semaphore, #tpu.memory_space<semaphore_mem>>)
    %dma_wait3A_2160 = arith.constant 1 : i32
    %dma_wait3A_2161 = arith.constant 0 : i32
    %dma_wait3A_2162 = arith.constant 0 : i32
    %dma_wait3A_2163 = tpu.memref_slice %arg5[%dma_wait3A_2160, %dma_wait3A_2161, %dma_wait3A_2162] : memref<4x256x64xf32, #tpu.memory_space<vmem>> -> memref<1x256x64xf32, #tpu.memory_space<vmem>>
    %dma_wait3A_2164 = tpu.memref_squeeze %dma_wait3A_2163 : memref<1x256x64xf32, #tpu.memory_space<vmem>> -> memref<256x64xf32, #tpu.memory_space<vmem>>
    %dma_wait3A_2165 = tpu.memref_slice %arg2[%add3A_1752, %mul3A_0] : memref<100000x128xf32, #tpu.memory_space<hbm>> -> memref<256x64xf32, #tpu.memory_space<hbm>>
    %dma_wait3A_2166 = arith.constant 0 : i32
    %dma_wait3A_2167 = arith.constant 0 : i32
    %dma_wait3A_2168 = tpu.memref_slice %arg5[%dma_wait3A_2160, %dma_wait3A_2166, %dma_wait3A_2167] : memref<4x256x64xf32, #tpu.memory_space<vmem>> -> memref<1x256x64xf32, #tpu.memory_space<vmem>>
    %dma_wait3A_2169 = tpu.memref_squeeze %dma_wait3A_2168 : memref<1x256x64xf32, #tpu.memory_space<vmem>> -> memref<256x64xf32, #tpu.memory_space<vmem>>
    %dma_wait3A_2170 = tpu.memref_slice %arg2[%add3A_1752, %mul3A_0] : memref<100000x128xf32, #tpu.memory_space<hbm>> -> memref<256x64xf32, #tpu.memory_space<hbm>>
    tpu.wait_dma2 semaphore(%arg12 : memref<!tpu.dma_semaphore, #tpu.memory_space<semaphore_mem>>) src(%dma_wait3A_2170 : memref<256x64xf32, #tpu.memory_space<hbm>>) dst(%dma_wait3A_2169 : memref<256x64xf32, #tpu.memory_space<vmem>>)
    %dma_wait3A_2171 = arith.constant 1 : i32
    %dma_wait3A_2172 = arith.constant 0 : i32
    %dma_wait3A_2173 = arith.constant 0 : i32
    %dma_wait3A_2174 = tpu.memref_slice %arg6[%dma_wait3A_2171, %dma_wait3A_2172, %dma_wait3A_2173] : memref<4x2x128xi32, #tpu.memory_space<vmem>> -> memref<1x1x128xi32, #tpu.memory_space<vmem>>
    %dma_wait3A_2175 = tpu.memref_squeeze %dma_wait3A_2174 : memref<1x1x128xi32, #tpu.memory_space<vmem>> -> memref<128xi32, #tpu.memory_space<vmem>>
    %dma_wait3A_2176 = tpu.memref_slice %arg3[%add3A_1765] : memref<100000xi32, #tpu.memory_space<hbm>> -> memref<128xi32, #tpu.memory_space<hbm>>
    %dma_wait3A_2177 = arith.constant 0 : i32
    %dma_wait3A_2178 = tpu.memref_slice %arg6[%dma_wait3A_2171, %dma_wait3A_2172, %dma_wait3A_2177] : memref<4x2x128xi32, #tpu.memory_space<vmem>> -> memref<1x1x128xi32, #tpu.memory_space<vmem>>
    %dma_wait3A_2179 = tpu.memref_squeeze %dma_wait3A_2178 : memref<1x1x128xi32, #tpu.memory_space<vmem>> -> memref<128xi32, #tpu.memory_space<vmem>>
    %dma_wait3A_2180 = tpu.memref_slice %arg3[%add3A_1765] : memref<100000xi32, #tpu.memory_space<hbm>> -> memref<128xi32, #tpu.memory_space<hbm>>
    tpu.wait_dma2 semaphore(%arg12 : memref<!tpu.dma_semaphore, #tpu.memory_space<semaphore_mem>>) src(%dma_wait3A_2180 : memref<128xi32, #tpu.memory_space<hbm>>) dst(%dma_wait3A_2179 : memref<128xi32, #tpu.memory_space<vmem>>)
    %dma_wait3A_2181 = arith.constant 1 : i32
    %dma_wait3A_2182 = arith.constant 1 : i32
    %dma_wait3A_2183 = arith.constant 0 : i32
    %dma_wait3A_2184 = tpu.memref_slice %arg6[%dma_wait3A_2181, %dma_wait3A_2182, %dma_wait3A_2183] : memref<4x2x128xi32, #tpu.memory_space<vmem>> -> memref<1x1x128xi32, #tpu.memory_space<vmem>>
    %dma_wait3A_2185 = tpu.memref_squeeze %dma_wait3A_2184 : memref<1x1x128xi32, #tpu.memory_space<vmem>> -> memref<128xi32, #tpu.memory_space<vmem>>
    %dma_wait3A_2186 = tpu.memref_slice %arg3[%add3A_1777] : memref<100000xi32, #tpu.memory_space<hbm>> -> memref<128xi32, #tpu.memory_space<hbm>>
    %dma_wait3A_2187 = arith.constant 0 : i32
    %dma_wait3A_2188 = tpu.memref_slice %arg6[%dma_wait3A_2181, %dma_wait3A_2182, %dma_wait3A_2187] : memref<4x2x128xi32, #tpu.memory_space<vmem>> -> memref<1x1x128xi32, #tpu.memory_space<vmem>>
    %dma_wait3A_2189 = tpu.memref_squeeze %dma_wait3A_2188 : memref<1x1x128xi32, #tpu.memory_space<vmem>> -> memref<128xi32, #tpu.memory_space<vmem>>
    %dma_wait3A_2190 = tpu.memref_slice %arg3[%add3A_1777] : memref<100000xi32, #tpu.memory_space<hbm>> -> memref<128xi32, #tpu.memory_space<hbm>>
    tpu.wait_dma2 semaphore(%arg12 : memref<!tpu.dma_semaphore, #tpu.memory_space<semaphore_mem>>) src(%dma_wait3A_2190 : memref<128xi32, #tpu.memory_space<hbm>>) dst(%dma_wait3A_2189 : memref<128xi32, #tpu.memory_space<vmem>>)
    %dma_start3A_2191 = arith.constant 1 : i32
    %dma_start3A_2192 = arith.constant 1 : i32
    %dma_start3A_2193 = arith.constant 0 : i32
    %dma_start3A_2194 = arith.constant 0 : i32
    %dma_start3A_2195 = arith.constant 0 : i32
    %dma_start3A_2196 = tpu.memref_slice %arg5[%dma_start3A_2191, %dma_start3A_2194, %dma_start3A_2195] : memref<4x256x64xf32, #tpu.memory_space<vmem>> -> memref<1x128x64xf32, #tpu.memory_space<vmem>>
    %dma_start3A_2197 = tpu.memref_squeeze %dma_start3A_2196 : memref<1x128x64xf32, #tpu.memory_space<vmem>> -> memref<128x64xf32, #tpu.memory_space<vmem>>
    %dma_start3A_2198 = arith.constant 0 : i32
    %dma_start3A_2199 = tpu.memref_slice %arg6[%dma_start3A_2192, %dma_start3A_2193, %dma_start3A_2198] : memref<4x2x128xi32, #tpu.memory_space<vmem>> -> memref<1x1x128xi32, #tpu.memory_space<vmem>>
    %dma_start3A_2200 = tpu.memref_squeeze %dma_start3A_2199 : memref<1x1x128xi32, #tpu.memory_space<vmem>> -> memref<128xi32, #tpu.memory_space<vmem>>
    %dma_start3A_2201 = arith.constant 0 : i32
    %dma_start3A_2202 = arith.constant 0 : i32
    %dma_start3A_2203 = tpu.memref_slice %arg10[%dma_start3A_2201, %dma_start3A_2202] : memref<288x64xf32, #tpu.memory_space<vmem_shared>> -> memref<288x64xf32, #tpu.memory_space<vmem_shared>>
    tpu.enqueue_indirect_dma source(%dma_start3A_2197 : memref<128x64xf32, #tpu.memory_space<vmem>>) target(%dma_start3A_2203 : memref<288x64xf32, #tpu.memory_space<vmem_shared>>) offsets(%dma_start3A_2200 : memref<128xi32, #tpu.memory_space<vmem>>) semaphore(%arg16 : memref<!tpu.dma_semaphore, #tpu.memory_space<semaphore_mem>>) {add = true}
    %dma_start3A_2204 = arith.constant 1 : i32
    %dma_start3A_2205 = arith.constant 1 : i32
    %dma_start3A_2206 = arith.constant 1 : i32
    %dma_start3A_2207 = arith.constant 128 : i32
    %dma_start3A_2208 = arith.constant 0 : i32
    %dma_start3A_2209 = tpu.memref_slice %arg5[%dma_start3A_2204, %dma_start3A_2207, %dma_start3A_2208] : memref<4x256x64xf32, #tpu.memory_space<vmem>> -> memref<1x128x64xf32, #tpu.memory_space<vmem>>
    %dma_start3A_2210 = tpu.memref_squeeze %dma_start3A_2209 : memref<1x128x64xf32, #tpu.memory_space<vmem>> -> memref<128x64xf32, #tpu.memory_space<vmem>>
    %dma_start3A_2211 = arith.constant 0 : i32
    %dma_start3A_2212 = tpu.memref_slice %arg6[%dma_start3A_2205, %dma_start3A_2206, %dma_start3A_2211] : memref<4x2x128xi32, #tpu.memory_space<vmem>> -> memref<1x1x128xi32, #tpu.memory_space<vmem>>
    %dma_start3A_2213 = tpu.memref_squeeze %dma_start3A_2212 : memref<1x1x128xi32, #tpu.memory_space<vmem>> -> memref<128xi32, #tpu.memory_space<vmem>>
    %dma_start3A_2214 = arith.constant 0 : i32
    %dma_start3A_2215 = arith.constant 0 : i32
    %dma_start3A_2216 = tpu.memref_slice %arg10[%dma_start3A_2214, %dma_start3A_2215] : memref<288x64xf32, #tpu.memory_space<vmem_shared>> -> memref<288x64xf32, #tpu.memory_space<vmem_shared>>
    tpu.enqueue_indirect_dma source(%dma_start3A_2210 : memref<128x64xf32, #tpu.memory_space<vmem>>) target(%dma_start3A_2216 : memref<288x64xf32, #tpu.memory_space<vmem_shared>>) offsets(%dma_start3A_2213 : memref<128xi32, #tpu.memory_space<vmem>>) semaphore(%arg16 : memref<!tpu.dma_semaphore, #tpu.memory_space<semaphore_mem>>) {add = true}
    %dma_wait3A_2217 = arith.constant 1 : i32
    %dma_wait3A_2218 = arith.constant 1 : i32
    %dma_wait3A_2219 = arith.constant 0 : i32
    %dma_wait3A_2220 = arith.constant 0 : i32
    %dma_wait3A_2221 = arith.constant 0 : i32
    %dma_wait3A_2222 = tpu.memref_slice %arg5[%dma_wait3A_2217, %dma_wait3A_2220, %dma_wait3A_2221] : memref<4x256x64xf32, #tpu.memory_space<vmem>> -> memref<1x128x64xf32, #tpu.memory_space<vmem>>
    %dma_wait3A_2223 = tpu.memref_squeeze %dma_wait3A_2222 : memref<1x128x64xf32, #tpu.memory_space<vmem>> -> memref<128x64xf32, #tpu.memory_space<vmem>>
    %dma_wait3A_2224 = arith.constant 0 : i32
    %dma_wait3A_2225 = tpu.memref_slice %arg6[%dma_wait3A_2218, %dma_wait3A_2219, %dma_wait3A_2224] : memref<4x2x128xi32, #tpu.memory_space<vmem>> -> memref<1x1x128xi32, #tpu.memory_space<vmem>>
    %dma_wait3A_2226 = tpu.memref_squeeze %dma_wait3A_2225 : memref<1x1x128xi32, #tpu.memory_space<vmem>> -> memref<128xi32, #tpu.memory_space<vmem>>
    %dma_wait3A_2227 = arith.constant 0 : i32
    %dma_wait3A_2228 = arith.constant 0 : i32
    %dma_wait3A_2229 = tpu.memref_slice %arg10[%dma_wait3A_2227, %dma_wait3A_2228] : memref<288x64xf32, #tpu.memory_space<vmem_shared>> -> memref<288x64xf32, #tpu.memory_space<vmem_shared>>
    tpu.wait_indirect_dma semaphore(%arg16 : memref<!tpu.dma_semaphore, #tpu.memory_space<semaphore_mem>>) src(%dma_wait3A_2223 : memref<128x64xf32, #tpu.memory_space<vmem>>) dst(%dma_wait3A_2229 : memref<288x64xf32, #tpu.memory_space<vmem_shared>>)
    %dma_wait3A_2230 = arith.constant 1 : i32
    %dma_wait3A_2231 = arith.constant 1 : i32
    %dma_wait3A_2232 = arith.constant 1 : i32
    %dma_wait3A_2233 = arith.constant 128 : i32
    %dma_wait3A_2234 = arith.constant 0 : i32
    %dma_wait3A_2235 = tpu.memref_slice %arg5[%dma_wait3A_2230, %dma_wait3A_2233, %dma_wait3A_2234] : memref<4x256x64xf32, #tpu.memory_space<vmem>> -> memref<1x128x64xf32, #tpu.memory_space<vmem>>
    %dma_wait3A_2236 = tpu.memref_squeeze %dma_wait3A_2235 : memref<1x128x64xf32, #tpu.memory_space<vmem>> -> memref<128x64xf32, #tpu.memory_space<vmem>>
    %dma_wait3A_2237 = arith.constant 0 : i32
    %dma_wait3A_2238 = tpu.memref_slice %arg6[%dma_wait3A_2231, %dma_wait3A_2232, %dma_wait3A_2237] : memref<4x2x128xi32, #tpu.memory_space<vmem>> -> memref<1x1x128xi32, #tpu.memory_space<vmem>>
    %dma_wait3A_2239 = tpu.memref_squeeze %dma_wait3A_2238 : memref<1x1x128xi32, #tpu.memory_space<vmem>> -> memref<128xi32, #tpu.memory_space<vmem>>
    %dma_wait3A_2240 = arith.constant 0 : i32
    %dma_wait3A_2241 = arith.constant 0 : i32
    %dma_wait3A_2242 = tpu.memref_slice %arg10[%dma_wait3A_2240, %dma_wait3A_2241] : memref<288x64xf32, #tpu.memory_space<vmem_shared>> -> memref<288x64xf32, #tpu.memory_space<vmem_shared>>
    tpu.wait_indirect_dma semaphore(%arg16 : memref<!tpu.dma_semaphore, #tpu.memory_space<semaphore_mem>>) src(%dma_wait3A_2236 : memref<128x64xf32, #tpu.memory_space<vmem>>) dst(%dma_wait3A_2242 : memref<288x64xf32, #tpu.memory_space<vmem_shared>>)
    %add3A_2243 = arith.constant 272 : i32
    %add3A_2244 = arith.addi %arg1, %add3A_2243 : i32
    %mul3A_2245 = arith.constant 256 : i32
    %mul3A_2246 = arith.muli %add3A_2244, %mul3A_2245 : i32
    %add3A_2247 = arith.constant 24576 : i32
    %add3A_2248 = arith.addi %add3A_2247, %mul3A_2246 : i32
    %dma_start3A_2249 = arith.constant 1 : i32
    %dma_start3A_2250 = arith.constant 0 : i32
    %dma_start3A_2251 = arith.constant 0 : i32
    %dma_start3A_2252 = tpu.memref_slice %arg5[%dma_start3A_2249, %dma_start3A_2250, %dma_start3A_2251] : memref<4x256x64xf32, #tpu.memory_space<vmem>> -> memref<1x256x64xf32, #tpu.memory_space<vmem>>
    %dma_start3A_2253 = tpu.memref_squeeze %dma_start3A_2252 : memref<1x256x64xf32, #tpu.memory_space<vmem>> -> memref<256x64xf32, #tpu.memory_space<vmem>>
    %dma_start3A_2254 = tpu.memref_slice %arg2[%add3A_2248, %mul3A_0] : memref<100000x128xf32, #tpu.memory_space<hbm>> -> memref<256x64xf32, #tpu.memory_space<hbm>>
    %dma_start3A_2255 = arith.constant 0 : i32
    %dma_start3A_2256 = arith.constant 0 : i32
    %dma_start3A_2257 = tpu.memref_slice %arg5[%dma_start3A_2249, %dma_start3A_2255, %dma_start3A_2256] : memref<4x256x64xf32, #tpu.memory_space<vmem>> -> memref<1x256x64xf32, #tpu.memory_space<vmem>>
    %dma_start3A_2258 = tpu.memref_squeeze %dma_start3A_2257 : memref<1x256x64xf32, #tpu.memory_space<vmem>> -> memref<256x64xf32, #tpu.memory_space<vmem>>
    %dma_start3A_2259 = tpu.memref_slice %arg2[%add3A_2248, %mul3A_0] : memref<100000x128xf32, #tpu.memory_space<hbm>> -> memref<256x64xf32, #tpu.memory_space<hbm>>
    tpu.enqueue_dma source(%dma_start3A_2259 : memref<256x64xf32, #tpu.memory_space<hbm>>) target(%dma_start3A_2258 : memref<256x64xf32, #tpu.memory_space<vmem>>) target_semaphore(%arg12 : memref<!tpu.dma_semaphore, #tpu.memory_space<semaphore_mem>>)
    %add3A_2260 = arith.constant 0 : i32
    %add3A_2261 = arith.addi %add3A_2248, %add3A_2260 : i32
    %dma_start3A_2262 = arith.constant 1 : i32
    %dma_start3A_2263 = arith.constant 0 : i32
    %dma_start3A_2264 = arith.constant 0 : i32
    %dma_start3A_2265 = tpu.memref_slice %arg6[%dma_start3A_2262, %dma_start3A_2263, %dma_start3A_2264] : memref<4x2x128xi32, #tpu.memory_space<vmem>> -> memref<1x1x128xi32, #tpu.memory_space<vmem>>
    %dma_start3A_2266 = tpu.memref_squeeze %dma_start3A_2265 : memref<1x1x128xi32, #tpu.memory_space<vmem>> -> memref<128xi32, #tpu.memory_space<vmem>>
    %dma_start3A_2267 = tpu.memref_slice %arg3[%add3A_2261] : memref<100000xi32, #tpu.memory_space<hbm>> -> memref<128xi32, #tpu.memory_space<hbm>>
    %dma_start3A_2268 = arith.constant 0 : i32
    %dma_start3A_2269 = tpu.memref_slice %arg6[%dma_start3A_2262, %dma_start3A_2263, %dma_start3A_2268] : memref<4x2x128xi32, #tpu.memory_space<vmem>> -> memref<1x1x128xi32, #tpu.memory_space<vmem>>
    %dma_start3A_2270 = tpu.memref_squeeze %dma_start3A_2269 : memref<1x1x128xi32, #tpu.memory_space<vmem>> -> memref<128xi32, #tpu.memory_space<vmem>>
    %dma_start3A_2271 = tpu.memref_slice %arg3[%add3A_2261] : memref<100000xi32, #tpu.memory_space<hbm>> -> memref<128xi32, #tpu.memory_space<hbm>>
    tpu.enqueue_dma source(%dma_start3A_2271 : memref<128xi32, #tpu.memory_space<hbm>>) target(%dma_start3A_2270 : memref<128xi32, #tpu.memory_space<vmem>>) target_semaphore(%arg12 : memref<!tpu.dma_semaphore, #tpu.memory_space<semaphore_mem>>)
    %add3A_2272 = arith.constant 128 : i32
    %add3A_2273 = arith.addi %add3A_2248, %add3A_2272 : i32
    %dma_start3A_2274 = arith.constant 1 : i32
    %dma_start3A_2275 = arith.constant 1 : i32
    %dma_start3A_2276 = arith.constant 0 : i32
    %dma_start3A_2277 = tpu.memref_slice %arg6[%dma_start3A_2274, %dma_start3A_2275, %dma_start3A_2276] : memref<4x2x128xi32, #tpu.memory_space<vmem>> -> memref<1x1x128xi32, #tpu.memory_space<vmem>>
    %dma_start3A_2278 = tpu.memref_squeeze %dma_start3A_2277 : memref<1x1x128xi32, #tpu.memory_space<vmem>> -> memref<128xi32, #tpu.memory_space<vmem>>
    %dma_start3A_2279 = tpu.memref_slice %arg3[%add3A_2273] : memref<100000xi32, #tpu.memory_space<hbm>> -> memref<128xi32, #tpu.memory_space<hbm>>
    %dma_start3A_2280 = arith.constant 0 : i32
    %dma_start3A_2281 = tpu.memref_slice %arg6[%dma_start3A_2274, %dma_start3A_2275, %dma_start3A_2280] : memref<4x2x128xi32, #tpu.memory_space<vmem>> -> memref<1x1x128xi32, #tpu.memory_space<vmem>>
    %dma_start3A_2282 = tpu.memref_squeeze %dma_start3A_2281 : memref<1x1x128xi32, #tpu.memory_space<vmem>> -> memref<128xi32, #tpu.memory_space<vmem>>
    %dma_start3A_2283 = tpu.memref_slice %arg3[%add3A_2273] : memref<100000xi32, #tpu.memory_space<hbm>> -> memref<128xi32, #tpu.memory_space<hbm>>
    tpu.enqueue_dma source(%dma_start3A_2283 : memref<128xi32, #tpu.memory_space<hbm>>) target(%dma_start3A_2282 : memref<128xi32, #tpu.memory_space<vmem>>) target_semaphore(%arg12 : memref<!tpu.dma_semaphore, #tpu.memory_space<semaphore_mem>>)
    %dma_wait3A_2284 = arith.constant 2 : i32
    %dma_wait3A_2285 = arith.constant 0 : i32
    %dma_wait3A_2286 = arith.constant 0 : i32
    %dma_wait3A_2287 = tpu.memref_slice %arg5[%dma_wait3A_2284, %dma_wait3A_2285, %dma_wait3A_2286] : memref<4x256x64xf32, #tpu.memory_space<vmem>> -> memref<1x256x64xf32, #tpu.memory_space<vmem>>
    %dma_wait3A_2288 = tpu.memref_squeeze %dma_wait3A_2287 : memref<1x256x64xf32, #tpu.memory_space<vmem>> -> memref<256x64xf32, #tpu.memory_space<vmem>>
    %dma_wait3A_2289 = tpu.memref_slice %arg2[%add3A_1876, %mul3A_0] : memref<100000x128xf32, #tpu.memory_space<hbm>> -> memref<256x64xf32, #tpu.memory_space<hbm>>
    %dma_wait3A_2290 = arith.constant 0 : i32
    %dma_wait3A_2291 = arith.constant 0 : i32
    %dma_wait3A_2292 = tpu.memref_slice %arg5[%dma_wait3A_2284, %dma_wait3A_2290, %dma_wait3A_2291] : memref<4x256x64xf32, #tpu.memory_space<vmem>> -> memref<1x256x64xf32, #tpu.memory_space<vmem>>
    %dma_wait3A_2293 = tpu.memref_squeeze %dma_wait3A_2292 : memref<1x256x64xf32, #tpu.memory_space<vmem>> -> memref<256x64xf32, #tpu.memory_space<vmem>>
    %dma_wait3A_2294 = tpu.memref_slice %arg2[%add3A_1876, %mul3A_0] : memref<100000x128xf32, #tpu.memory_space<hbm>> -> memref<256x64xf32, #tpu.memory_space<hbm>>
    tpu.wait_dma2 semaphore(%arg13 : memref<!tpu.dma_semaphore, #tpu.memory_space<semaphore_mem>>) src(%dma_wait3A_2294 : memref<256x64xf32, #tpu.memory_space<hbm>>) dst(%dma_wait3A_2293 : memref<256x64xf32, #tpu.memory_space<vmem>>)
    %dma_wait3A_2295 = arith.constant 2 : i32
    %dma_wait3A_2296 = arith.constant 0 : i32
    %dma_wait3A_2297 = arith.constant 0 : i32
    %dma_wait3A_2298 = tpu.memref_slice %arg6[%dma_wait3A_2295, %dma_wait3A_2296, %dma_wait3A_2297] : memref<4x2x128xi32, #tpu.memory_space<vmem>> -> memref<1x1x128xi32, #tpu.memory_space<vmem>>
    %dma_wait3A_2299 = tpu.memref_squeeze %dma_wait3A_2298 : memref<1x1x128xi32, #tpu.memory_space<vmem>> -> memref<128xi32, #tpu.memory_space<vmem>>
    %dma_wait3A_2300 = tpu.memref_slice %arg3[%add3A_1889] : memref<100000xi32, #tpu.memory_space<hbm>> -> memref<128xi32, #tpu.memory_space<hbm>>
    %dma_wait3A_2301 = arith.constant 0 : i32
    %dma_wait3A_2302 = tpu.memref_slice %arg6[%dma_wait3A_2295, %dma_wait3A_2296, %dma_wait3A_2301] : memref<4x2x128xi32, #tpu.memory_space<vmem>> -> memref<1x1x128xi32, #tpu.memory_space<vmem>>
    %dma_wait3A_2303 = tpu.memref_squeeze %dma_wait3A_2302 : memref<1x1x128xi32, #tpu.memory_space<vmem>> -> memref<128xi32, #tpu.memory_space<vmem>>
    %dma_wait3A_2304 = tpu.memref_slice %arg3[%add3A_1889] : memref<100000xi32, #tpu.memory_space<hbm>> -> memref<128xi32, #tpu.memory_space<hbm>>
    tpu.wait_dma2 semaphore(%arg13 : memref<!tpu.dma_semaphore, #tpu.memory_space<semaphore_mem>>) src(%dma_wait3A_2304 : memref<128xi32, #tpu.memory_space<hbm>>) dst(%dma_wait3A_2303 : memref<128xi32, #tpu.memory_space<vmem>>)
    %dma_wait3A_2305 = arith.constant 2 : i32
    %dma_wait3A_2306 = arith.constant 1 : i32
    %dma_wait3A_2307 = arith.constant 0 : i32
    %dma_wait3A_2308 = tpu.memref_slice %arg6[%dma_wait3A_2305, %dma_wait3A_2306, %dma_wait3A_2307] : memref<4x2x128xi32, #tpu.memory_space<vmem>> -> memref<1x1x128xi32, #tpu.memory_space<vmem>>
    %dma_wait3A_2309 = tpu.memref_squeeze %dma_wait3A_2308 : memref<1x1x128xi32, #tpu.memory_space<vmem>> -> memref<128xi32, #tpu.memory_space<vmem>>
    %dma_wait3A_2310 = tpu.memref_slice %arg3[%add3A_1901] : memref<100000xi32, #tpu.memory_space<hbm>> -> memref<128xi32, #tpu.memory_space<hbm>>
    %dma_wait3A_2311 = arith.constant 0 : i32
    %dma_wait3A_2312 = tpu.memref_slice %arg6[%dma_wait3A_2305, %dma_wait3A_2306, %dma_wait3A_2311] : memref<4x2x128xi32, #tpu.memory_space<vmem>> -> memref<1x1x128xi32, #tpu.memory_space<vmem>>
    %dma_wait3A_2313 = tpu.memref_squeeze %dma_wait3A_2312 : memref<1x1x128xi32, #tpu.memory_space<vmem>> -> memref<128xi32, #tpu.memory_space<vmem>>
    %dma_wait3A_2314 = tpu.memref_slice %arg3[%add3A_1901] : memref<100000xi32, #tpu.memory_space<hbm>> -> memref<128xi32, #tpu.memory_space<hbm>>
    tpu.wait_dma2 semaphore(%arg13 : memref<!tpu.dma_semaphore, #tpu.memory_space<semaphore_mem>>) src(%dma_wait3A_2314 : memref<128xi32, #tpu.memory_space<hbm>>) dst(%dma_wait3A_2313 : memref<128xi32, #tpu.memory_space<vmem>>)
    %dma_start3A_2315 = arith.constant 2 : i32
    %dma_start3A_2316 = arith.constant 2 : i32
    %dma_start3A_2317 = arith.constant 0 : i32
    %dma_start3A_2318 = arith.constant 0 : i32
    %dma_start3A_2319 = arith.constant 0 : i32
    %dma_start3A_2320 = tpu.memref_slice %arg5[%dma_start3A_2315, %dma_start3A_2318, %dma_start3A_2319] : memref<4x256x64xf32, #tpu.memory_space<vmem>> -> memref<1x128x64xf32, #tpu.memory_space<vmem>>
    %dma_start3A_2321 = tpu.memref_squeeze %dma_start3A_2320 : memref<1x128x64xf32, #tpu.memory_space<vmem>> -> memref<128x64xf32, #tpu.memory_space<vmem>>
    %dma_start3A_2322 = arith.constant 0 : i32
    %dma_start3A_2323 = tpu.memref_slice %arg6[%dma_start3A_2316, %dma_start3A_2317, %dma_start3A_2322] : memref<4x2x128xi32, #tpu.memory_space<vmem>> -> memref<1x1x128xi32, #tpu.memory_space<vmem>>
    %dma_start3A_2324 = tpu.memref_squeeze %dma_start3A_2323 : memref<1x1x128xi32, #tpu.memory_space<vmem>> -> memref<128xi32, #tpu.memory_space<vmem>>
    %dma_start3A_2325 = arith.constant 0 : i32
    %dma_start3A_2326 = arith.constant 0 : i32
    %dma_start3A_2327 = tpu.memref_slice %arg10[%dma_start3A_2325, %dma_start3A_2326] : memref<288x64xf32, #tpu.memory_space<vmem_shared>> -> memref<288x64xf32, #tpu.memory_space<vmem_shared>>
    tpu.enqueue_indirect_dma source(%dma_start3A_2321 : memref<128x64xf32, #tpu.memory_space<vmem>>) target(%dma_start3A_2327 : memref<288x64xf32, #tpu.memory_space<vmem_shared>>) offsets(%dma_start3A_2324 : memref<128xi32, #tpu.memory_space<vmem>>) semaphore(%arg17 : memref<!tpu.dma_semaphore, #tpu.memory_space<semaphore_mem>>) {add = true}
    %dma_start3A_2328 = arith.constant 2 : i32
    %dma_start3A_2329 = arith.constant 2 : i32
    %dma_start3A_2330 = arith.constant 1 : i32
    %dma_start3A_2331 = arith.constant 128 : i32
    %dma_start3A_2332 = arith.constant 0 : i32
    %dma_start3A_2333 = tpu.memref_slice %arg5[%dma_start3A_2328, %dma_start3A_2331, %dma_start3A_2332] : memref<4x256x64xf32, #tpu.memory_space<vmem>> -> memref<1x128x64xf32, #tpu.memory_space<vmem>>
    %dma_start3A_2334 = tpu.memref_squeeze %dma_start3A_2333 : memref<1x128x64xf32, #tpu.memory_space<vmem>> -> memref<128x64xf32, #tpu.memory_space<vmem>>
    %dma_start3A_2335 = arith.constant 0 : i32
    %dma_start3A_2336 = tpu.memref_slice %arg6[%dma_start3A_2329, %dma_start3A_2330, %dma_start3A_2335] : memref<4x2x128xi32, #tpu.memory_space<vmem>> -> memref<1x1x128xi32, #tpu.memory_space<vmem>>
    %dma_start3A_2337 = tpu.memref_squeeze %dma_start3A_2336 : memref<1x1x128xi32, #tpu.memory_space<vmem>> -> memref<128xi32, #tpu.memory_space<vmem>>
    %dma_start3A_2338 = arith.constant 0 : i32
    %dma_start3A_2339 = arith.constant 0 : i32
    %dma_start3A_2340 = tpu.memref_slice %arg10[%dma_start3A_2338, %dma_start3A_2339] : memref<288x64xf32, #tpu.memory_space<vmem_shared>> -> memref<288x64xf32, #tpu.memory_space<vmem_shared>>
    tpu.enqueue_indirect_dma source(%dma_start3A_2334 : memref<128x64xf32, #tpu.memory_space<vmem>>) target(%dma_start3A_2340 : memref<288x64xf32, #tpu.memory_space<vmem_shared>>) offsets(%dma_start3A_2337 : memref<128xi32, #tpu.memory_space<vmem>>) semaphore(%arg17 : memref<!tpu.dma_semaphore, #tpu.memory_space<semaphore_mem>>) {add = true}
    %dma_wait3A_2341 = arith.constant 3 : i32
    %dma_wait3A_2342 = arith.constant 0 : i32
    %dma_wait3A_2343 = arith.constant 0 : i32
    %dma_wait3A_2344 = tpu.memref_slice %arg5[%dma_wait3A_2341, %dma_wait3A_2342, %dma_wait3A_2343] : memref<4x256x64xf32, #tpu.memory_space<vmem>> -> memref<1x256x64xf32, #tpu.memory_space<vmem>>
    %dma_wait3A_2345 = tpu.memref_squeeze %dma_wait3A_2344 : memref<1x256x64xf32, #tpu.memory_space<vmem>> -> memref<256x64xf32, #tpu.memory_space<vmem>>
    %dma_wait3A_2346 = tpu.memref_slice %arg2[%add3A_2000, %mul3A_0] : memref<100000x128xf32, #tpu.memory_space<hbm>> -> memref<256x64xf32, #tpu.memory_space<hbm>>
    %dma_wait3A_2347 = arith.constant 0 : i32
    %dma_wait3A_2348 = arith.constant 0 : i32
    %dma_wait3A_2349 = tpu.memref_slice %arg5[%dma_wait3A_2341, %dma_wait3A_2347, %dma_wait3A_2348] : memref<4x256x64xf32, #tpu.memory_space<vmem>> -> memref<1x256x64xf32, #tpu.memory_space<vmem>>
    %dma_wait3A_2350 = tpu.memref_squeeze %dma_wait3A_2349 : memref<1x256x64xf32, #tpu.memory_space<vmem>> -> memref<256x64xf32, #tpu.memory_space<vmem>>
    %dma_wait3A_2351 = tpu.memref_slice %arg2[%add3A_2000, %mul3A_0] : memref<100000x128xf32, #tpu.memory_space<hbm>> -> memref<256x64xf32, #tpu.memory_space<hbm>>
    tpu.wait_dma2 semaphore(%arg14 : memref<!tpu.dma_semaphore, #tpu.memory_space<semaphore_mem>>) src(%dma_wait3A_2351 : memref<256x64xf32, #tpu.memory_space<hbm>>) dst(%dma_wait3A_2350 : memref<256x64xf32, #tpu.memory_space<vmem>>)
    %dma_wait3A_2352 = arith.constant 3 : i32
    %dma_wait3A_2353 = arith.constant 0 : i32
    %dma_wait3A_2354 = arith.constant 0 : i32
    %dma_wait3A_2355 = tpu.memref_slice %arg6[%dma_wait3A_2352, %dma_wait3A_2353, %dma_wait3A_2354] : memref<4x2x128xi32, #tpu.memory_space<vmem>> -> memref<1x1x128xi32, #tpu.memory_space<vmem>>
    %dma_wait3A_2356 = tpu.memref_squeeze %dma_wait3A_2355 : memref<1x1x128xi32, #tpu.memory_space<vmem>> -> memref<128xi32, #tpu.memory_space<vmem>>
    %dma_wait3A_2357 = tpu.memref_slice %arg3[%add3A_2013] : memref<100000xi32, #tpu.memory_space<hbm>> -> memref<128xi32, #tpu.memory_space<hbm>>
    %dma_wait3A_2358 = arith.constant 0 : i32
    %dma_wait3A_2359 = tpu.memref_slice %arg6[%dma_wait3A_2352, %dma_wait3A_2353, %dma_wait3A_2358] : memref<4x2x128xi32, #tpu.memory_space<vmem>> -> memref<1x1x128xi32, #tpu.memory_space<vmem>>
    %dma_wait3A_2360 = tpu.memref_squeeze %dma_wait3A_2359 : memref<1x1x128xi32, #tpu.memory_space<vmem>> -> memref<128xi32, #tpu.memory_space<vmem>>
    %dma_wait3A_2361 = tpu.memref_slice %arg3[%add3A_2013] : memref<100000xi32, #tpu.memory_space<hbm>> -> memref<128xi32, #tpu.memory_space<hbm>>
    tpu.wait_dma2 semaphore(%arg14 : memref<!tpu.dma_semaphore, #tpu.memory_space<semaphore_mem>>) src(%dma_wait3A_2361 : memref<128xi32, #tpu.memory_space<hbm>>) dst(%dma_wait3A_2360 : memref<128xi32, #tpu.memory_space<vmem>>)
    %dma_wait3A_2362 = arith.constant 3 : i32
    %dma_wait3A_2363 = arith.constant 1 : i32
    %dma_wait3A_2364 = arith.constant 0 : i32
    %dma_wait3A_2365 = tpu.memref_slice %arg6[%dma_wait3A_2362, %dma_wait3A_2363, %dma_wait3A_2364] : memref<4x2x128xi32, #tpu.memory_space<vmem>> -> memref<1x1x128xi32, #tpu.memory_space<vmem>>
    %dma_wait3A_2366 = tpu.memref_squeeze %dma_wait3A_2365 : memref<1x1x128xi32, #tpu.memory_space<vmem>> -> memref<128xi32, #tpu.memory_space<vmem>>
    %dma_wait3A_2367 = tpu.memref_slice %arg3[%add3A_2025] : memref<100000xi32, #tpu.memory_space<hbm>> -> memref<128xi32, #tpu.memory_space<hbm>>
    %dma_wait3A_2368 = arith.constant 0 : i32
    %dma_wait3A_2369 = tpu.memref_slice %arg6[%dma_wait3A_2362, %dma_wait3A_2363, %dma_wait3A_2368] : memref<4x2x128xi32, #tpu.memory_space<vmem>> -> memref<1x1x128xi32, #tpu.memory_space<vmem>>
    %dma_wait3A_2370 = tpu.memref_squeeze %dma_wait3A_2369 : memref<1x1x128xi32, #tpu.memory_space<vmem>> -> memref<128xi32, #tpu.memory_space<vmem>>
    %dma_wait3A_2371 = tpu.memref_slice %arg3[%add3A_2025] : memref<100000xi32, #tpu.memory_space<hbm>> -> memref<128xi32, #tpu.memory_space<hbm>>
    tpu.wait_dma2 semaphore(%arg14 : memref<!tpu.dma_semaphore, #tpu.memory_space<semaphore_mem>>) src(%dma_wait3A_2371 : memref<128xi32, #tpu.memory_space<hbm>>) dst(%dma_wait3A_2370 : memref<128xi32, #tpu.memory_space<vmem>>)
    %dma_start3A_2372 = arith.constant 3 : i32
    %dma_start3A_2373 = arith.constant 3 : i32
    %dma_start3A_2374 = arith.constant 0 : i32
    %dma_start3A_2375 = arith.constant 0 : i32
    %dma_start3A_2376 = arith.constant 0 : i32
    %dma_start3A_2377 = tpu.memref_slice %arg5[%dma_start3A_2372, %dma_start3A_2375, %dma_start3A_2376] : memref<4x256x64xf32, #tpu.memory_space<vmem>> -> memref<1x128x64xf32, #tpu.memory_space<vmem>>
    %dma_start3A_2378 = tpu.memref_squeeze %dma_start3A_2377 : memref<1x128x64xf32, #tpu.memory_space<vmem>> -> memref<128x64xf32, #tpu.memory_space<vmem>>
    %dma_start3A_2379 = arith.constant 0 : i32
    %dma_start3A_2380 = tpu.memref_slice %arg6[%dma_start3A_2373, %dma_start3A_2374, %dma_start3A_2379] : memref<4x2x128xi32, #tpu.memory_space<vmem>> -> memref<1x1x128xi32, #tpu.memory_space<vmem>>
    %dma_start3A_2381 = tpu.memref_squeeze %dma_start3A_2380 : memref<1x1x128xi32, #tpu.memory_space<vmem>> -> memref<128xi32, #tpu.memory_space<vmem>>
    %dma_start3A_2382 = arith.constant 0 : i32
    %dma_start3A_2383 = arith.constant 0 : i32
    %dma_start3A_2384 = tpu.memref_slice %arg10[%dma_start3A_2382, %dma_start3A_2383] : memref<288x64xf32, #tpu.memory_space<vmem_shared>> -> memref<288x64xf32, #tpu.memory_space<vmem_shared>>
    tpu.enqueue_indirect_dma source(%dma_start3A_2378 : memref<128x64xf32, #tpu.memory_space<vmem>>) target(%dma_start3A_2384 : memref<288x64xf32, #tpu.memory_space<vmem_shared>>) offsets(%dma_start3A_2381 : memref<128xi32, #tpu.memory_space<vmem>>) semaphore(%arg18 : memref<!tpu.dma_semaphore, #tpu.memory_space<semaphore_mem>>) {add = true}
    %dma_start3A_2385 = arith.constant 3 : i32
    %dma_start3A_2386 = arith.constant 3 : i32
    %dma_start3A_2387 = arith.constant 1 : i32
    %dma_start3A_2388 = arith.constant 128 : i32
    %dma_start3A_2389 = arith.constant 0 : i32
    %dma_start3A_2390 = tpu.memref_slice %arg5[%dma_start3A_2385, %dma_start3A_2388, %dma_start3A_2389] : memref<4x256x64xf32, #tpu.memory_space<vmem>> -> memref<1x128x64xf32, #tpu.memory_space<vmem>>
    %dma_start3A_2391 = tpu.memref_squeeze %dma_start3A_2390 : memref<1x128x64xf32, #tpu.memory_space<vmem>> -> memref<128x64xf32, #tpu.memory_space<vmem>>
    %dma_start3A_2392 = arith.constant 0 : i32
    %dma_start3A_2393 = tpu.memref_slice %arg6[%dma_start3A_2386, %dma_start3A_2387, %dma_start3A_2392] : memref<4x2x128xi32, #tpu.memory_space<vmem>> -> memref<1x1x128xi32, #tpu.memory_space<vmem>>
    %dma_start3A_2394 = tpu.memref_squeeze %dma_start3A_2393 : memref<1x1x128xi32, #tpu.memory_space<vmem>> -> memref<128xi32, #tpu.memory_space<vmem>>
    %dma_start3A_2395 = arith.constant 0 : i32
    %dma_start3A_2396 = arith.constant 0 : i32
    %dma_start3A_2397 = tpu.memref_slice %arg10[%dma_start3A_2395, %dma_start3A_2396] : memref<288x64xf32, #tpu.memory_space<vmem_shared>> -> memref<288x64xf32, #tpu.memory_space<vmem_shared>>
    tpu.enqueue_indirect_dma source(%dma_start3A_2391 : memref<128x64xf32, #tpu.memory_space<vmem>>) target(%dma_start3A_2397 : memref<288x64xf32, #tpu.memory_space<vmem_shared>>) offsets(%dma_start3A_2394 : memref<128xi32, #tpu.memory_space<vmem>>) semaphore(%arg18 : memref<!tpu.dma_semaphore, #tpu.memory_space<semaphore_mem>>) {add = true}
    %dma_wait3A_2398 = arith.constant 0 : i32
    %dma_wait3A_2399 = arith.constant 0 : i32
    %dma_wait3A_2400 = arith.constant 0 : i32
    %dma_wait3A_2401 = tpu.memref_slice %arg5[%dma_wait3A_2398, %dma_wait3A_2399, %dma_wait3A_2400] : memref<4x256x64xf32, #tpu.memory_space<vmem>> -> memref<1x256x64xf32, #tpu.memory_space<vmem>>
    %dma_wait3A_2402 = tpu.memref_squeeze %dma_wait3A_2401 : memref<1x256x64xf32, #tpu.memory_space<vmem>> -> memref<256x64xf32, #tpu.memory_space<vmem>>
    %dma_wait3A_2403 = tpu.memref_slice %arg2[%add3A_2124, %mul3A_0] : memref<100000x128xf32, #tpu.memory_space<hbm>> -> memref<256x64xf32, #tpu.memory_space<hbm>>
    %dma_wait3A_2404 = arith.constant 0 : i32
    %dma_wait3A_2405 = arith.constant 0 : i32
    %dma_wait3A_2406 = tpu.memref_slice %arg5[%dma_wait3A_2398, %dma_wait3A_2404, %dma_wait3A_2405] : memref<4x256x64xf32, #tpu.memory_space<vmem>> -> memref<1x256x64xf32, #tpu.memory_space<vmem>>
    %dma_wait3A_2407 = tpu.memref_squeeze %dma_wait3A_2406 : memref<1x256x64xf32, #tpu.memory_space<vmem>> -> memref<256x64xf32, #tpu.memory_space<vmem>>
    %dma_wait3A_2408 = tpu.memref_slice %arg2[%add3A_2124, %mul3A_0] : memref<100000x128xf32, #tpu.memory_space<hbm>> -> memref<256x64xf32, #tpu.memory_space<hbm>>
    tpu.wait_dma2 semaphore(%arg11 : memref<!tpu.dma_semaphore, #tpu.memory_space<semaphore_mem>>) src(%dma_wait3A_2408 : memref<256x64xf32, #tpu.memory_space<hbm>>) dst(%dma_wait3A_2407 : memref<256x64xf32, #tpu.memory_space<vmem>>)
    %dma_wait3A_2409 = arith.constant 0 : i32
    %dma_wait3A_2410 = arith.constant 0 : i32
    %dma_wait3A_2411 = arith.constant 0 : i32
    %dma_wait3A_2412 = tpu.memref_slice %arg6[%dma_wait3A_2409, %dma_wait3A_2410, %dma_wait3A_2411] : memref<4x2x128xi32, #tpu.memory_space<vmem>> -> memref<1x1x128xi32, #tpu.memory_space<vmem>>
    %dma_wait3A_2413 = tpu.memref_squeeze %dma_wait3A_2412 : memref<1x1x128xi32, #tpu.memory_space<vmem>> -> memref<128xi32, #tpu.memory_space<vmem>>
    %dma_wait3A_2414 = tpu.memref_slice %arg3[%add3A_2137] : memref<100000xi32, #tpu.memory_space<hbm>> -> memref<128xi32, #tpu.memory_space<hbm>>
    %dma_wait3A_2415 = arith.constant 0 : i32
    %dma_wait3A_2416 = tpu.memref_slice %arg6[%dma_wait3A_2409, %dma_wait3A_2410, %dma_wait3A_2415] : memref<4x2x128xi32, #tpu.memory_space<vmem>> -> memref<1x1x128xi32, #tpu.memory_space<vmem>>
    %dma_wait3A_2417 = tpu.memref_squeeze %dma_wait3A_2416 : memref<1x1x128xi32, #tpu.memory_space<vmem>> -> memref<128xi32, #tpu.memory_space<vmem>>
    %dma_wait3A_2418 = tpu.memref_slice %arg3[%add3A_2137] : memref<100000xi32, #tpu.memory_space<hbm>> -> memref<128xi32, #tpu.memory_space<hbm>>
    tpu.wait_dma2 semaphore(%arg11 : memref<!tpu.dma_semaphore, #tpu.memory_space<semaphore_mem>>) src(%dma_wait3A_2418 : memref<128xi32, #tpu.memory_space<hbm>>) dst(%dma_wait3A_2417 : memref<128xi32, #tpu.memory_space<vmem>>)
    %dma_wait3A_2419 = arith.constant 0 : i32
    %dma_wait3A_2420 = arith.constant 1 : i32
    %dma_wait3A_2421 = arith.constant 0 : i32
    %dma_wait3A_2422 = tpu.memref_slice %arg6[%dma_wait3A_2419, %dma_wait3A_2420, %dma_wait3A_2421] : memref<4x2x128xi32, #tpu.memory_space<vmem>> -> memref<1x1x128xi32, #tpu.memory_space<vmem>>
    %dma_wait3A_2423 = tpu.memref_squeeze %dma_wait3A_2422 : memref<1x1x128xi32, #tpu.memory_space<vmem>> -> memref<128xi32, #tpu.memory_space<vmem>>
    %dma_wait3A_2424 = tpu.memref_slice %arg3[%add3A_2149] : memref<100000xi32, #tpu.memory_space<hbm>> -> memref<128xi32, #tpu.memory_space<hbm>>
    %dma_wait3A_2425 = arith.constant 0 : i32
    %dma_wait3A_2426 = tpu.memref_slice %arg6[%dma_wait3A_2419, %dma_wait3A_2420, %dma_wait3A_2425] : memref<4x2x128xi32, #tpu.memory_space<vmem>> -> memref<1x1x128xi32, #tpu.memory_space<vmem>>
    %dma_wait3A_2427 = tpu.memref_squeeze %dma_wait3A_2426 : memref<1x1x128xi32, #tpu.memory_space<vmem>> -> memref<128xi32, #tpu.memory_space<vmem>>
    %dma_wait3A_2428 = tpu.memref_slice %arg3[%add3A_2149] : memref<100000xi32, #tpu.memory_space<hbm>> -> memref<128xi32, #tpu.memory_space<hbm>>
    tpu.wait_dma2 semaphore(%arg11 : memref<!tpu.dma_semaphore, #tpu.memory_space<semaphore_mem>>) src(%dma_wait3A_2428 : memref<128xi32, #tpu.memory_space<hbm>>) dst(%dma_wait3A_2427 : memref<128xi32, #tpu.memory_space<vmem>>)
    %dma_start3A_2429 = arith.constant 0 : i32
    %dma_start3A_2430 = arith.constant 0 : i32
    %dma_start3A_2431 = arith.constant 0 : i32
    %dma_start3A_2432 = arith.constant 0 : i32
    %dma_start3A_2433 = arith.constant 0 : i32
    %dma_start3A_2434 = tpu.memref_slice %arg5[%dma_start3A_2429, %dma_start3A_2432, %dma_start3A_2433] : memref<4x256x64xf32, #tpu.memory_space<vmem>> -> memref<1x128x64xf32, #tpu.memory_space<vmem>>
    %dma_start3A_2435 = tpu.memref_squeeze %dma_start3A_2434 : memref<1x128x64xf32, #tpu.memory_space<vmem>> -> memref<128x64xf32, #tpu.memory_space<vmem>>
    %dma_start3A_2436 = arith.constant 0 : i32
    %dma_start3A_2437 = tpu.memref_slice %arg6[%dma_start3A_2430, %dma_start3A_2431, %dma_start3A_2436] : memref<4x2x128xi32, #tpu.memory_space<vmem>> -> memref<1x1x128xi32, #tpu.memory_space<vmem>>
    %dma_start3A_2438 = tpu.memref_squeeze %dma_start3A_2437 : memref<1x1x128xi32, #tpu.memory_space<vmem>> -> memref<128xi32, #tpu.memory_space<vmem>>
    %dma_start3A_2439 = arith.constant 0 : i32
    %dma_start3A_2440 = arith.constant 0 : i32
    %dma_start3A_2441 = tpu.memref_slice %arg10[%dma_start3A_2439, %dma_start3A_2440] : memref<288x64xf32, #tpu.memory_space<vmem_shared>> -> memref<288x64xf32, #tpu.memory_space<vmem_shared>>
    tpu.enqueue_indirect_dma source(%dma_start3A_2435 : memref<128x64xf32, #tpu.memory_space<vmem>>) target(%dma_start3A_2441 : memref<288x64xf32, #tpu.memory_space<vmem_shared>>) offsets(%dma_start3A_2438 : memref<128xi32, #tpu.memory_space<vmem>>) semaphore(%arg15 : memref<!tpu.dma_semaphore, #tpu.memory_space<semaphore_mem>>) {add = true}
    %dma_start3A_2442 = arith.constant 0 : i32
    %dma_start3A_2443 = arith.constant 0 : i32
    %dma_start3A_2444 = arith.constant 1 : i32
    %dma_start3A_2445 = arith.constant 128 : i32
    %dma_start3A_2446 = arith.constant 0 : i32
    %dma_start3A_2447 = tpu.memref_slice %arg5[%dma_start3A_2442, %dma_start3A_2445, %dma_start3A_2446] : memref<4x256x64xf32, #tpu.memory_space<vmem>> -> memref<1x128x64xf32, #tpu.memory_space<vmem>>
    %dma_start3A_2448 = tpu.memref_squeeze %dma_start3A_2447 : memref<1x128x64xf32, #tpu.memory_space<vmem>> -> memref<128x64xf32, #tpu.memory_space<vmem>>
    %dma_start3A_2449 = arith.constant 0 : i32
    %dma_start3A_2450 = tpu.memref_slice %arg6[%dma_start3A_2443, %dma_start3A_2444, %dma_start3A_2449] : memref<4x2x128xi32, #tpu.memory_space<vmem>> -> memref<1x1x128xi32, #tpu.memory_space<vmem>>
    %dma_start3A_2451 = tpu.memref_squeeze %dma_start3A_2450 : memref<1x1x128xi32, #tpu.memory_space<vmem>> -> memref<128xi32, #tpu.memory_space<vmem>>
    %dma_start3A_2452 = arith.constant 0 : i32
    %dma_start3A_2453 = arith.constant 0 : i32
    %dma_start3A_2454 = tpu.memref_slice %arg10[%dma_start3A_2452, %dma_start3A_2453] : memref<288x64xf32, #tpu.memory_space<vmem_shared>> -> memref<288x64xf32, #tpu.memory_space<vmem_shared>>
    tpu.enqueue_indirect_dma source(%dma_start3A_2448 : memref<128x64xf32, #tpu.memory_space<vmem>>) target(%dma_start3A_2454 : memref<288x64xf32, #tpu.memory_space<vmem_shared>>) offsets(%dma_start3A_2451 : memref<128xi32, #tpu.memory_space<vmem>>) semaphore(%arg15 : memref<!tpu.dma_semaphore, #tpu.memory_space<semaphore_mem>>) {add = true}
    %dma_wait3A_2455 = arith.constant 1 : i32
    %dma_wait3A_2456 = arith.constant 0 : i32
    %dma_wait3A_2457 = arith.constant 0 : i32
    %dma_wait3A_2458 = tpu.memref_slice %arg5[%dma_wait3A_2455, %dma_wait3A_2456, %dma_wait3A_2457] : memref<4x256x64xf32, #tpu.memory_space<vmem>> -> memref<1x256x64xf32, #tpu.memory_space<vmem>>
    %dma_wait3A_2459 = tpu.memref_squeeze %dma_wait3A_2458 : memref<1x256x64xf32, #tpu.memory_space<vmem>> -> memref<256x64xf32, #tpu.memory_space<vmem>>
    %dma_wait3A_2460 = tpu.memref_slice %arg2[%add3A_2248, %mul3A_0] : memref<100000x128xf32, #tpu.memory_space<hbm>> -> memref<256x64xf32, #tpu.memory_space<hbm>>
    %dma_wait3A_2461 = arith.constant 0 : i32
    %dma_wait3A_2462 = arith.constant 0 : i32
    %dma_wait3A_2463 = tpu.memref_slice %arg5[%dma_wait3A_2455, %dma_wait3A_2461, %dma_wait3A_2462] : memref<4x256x64xf32, #tpu.memory_space<vmem>> -> memref<1x256x64xf32, #tpu.memory_space<vmem>>
    %dma_wait3A_2464 = tpu.memref_squeeze %dma_wait3A_2463 : memref<1x256x64xf32, #tpu.memory_space<vmem>> -> memref<256x64xf32, #tpu.memory_space<vmem>>
    %dma_wait3A_2465 = tpu.memref_slice %arg2[%add3A_2248, %mul3A_0] : memref<100000x128xf32, #tpu.memory_space<hbm>> -> memref<256x64xf32, #tpu.memory_space<hbm>>
    tpu.wait_dma2 semaphore(%arg12 : memref<!tpu.dma_semaphore, #tpu.memory_space<semaphore_mem>>) src(%dma_wait3A_2465 : memref<256x64xf32, #tpu.memory_space<hbm>>) dst(%dma_wait3A_2464 : memref<256x64xf32, #tpu.memory_space<vmem>>)
    %dma_wait3A_2466 = arith.constant 1 : i32
    %dma_wait3A_2467 = arith.constant 0 : i32
    %dma_wait3A_2468 = arith.constant 0 : i32
    %dma_wait3A_2469 = tpu.memref_slice %arg6[%dma_wait3A_2466, %dma_wait3A_2467, %dma_wait3A_2468] : memref<4x2x128xi32, #tpu.memory_space<vmem>> -> memref<1x1x128xi32, #tpu.memory_space<vmem>>
    %dma_wait3A_2470 = tpu.memref_squeeze %dma_wait3A_2469 : memref<1x1x128xi32, #tpu.memory_space<vmem>> -> memref<128xi32, #tpu.memory_space<vmem>>
    %dma_wait3A_2471 = tpu.memref_slice %arg3[%add3A_2261] : memref<100000xi32, #tpu.memory_space<hbm>> -> memref<128xi32, #tpu.memory_space<hbm>>
    %dma_wait3A_2472 = arith.constant 0 : i32
    %dma_wait3A_2473 = tpu.memref_slice %arg6[%dma_wait3A_2466, %dma_wait3A_2467, %dma_wait3A_2472] : memref<4x2x128xi32, #tpu.memory_space<vmem>> -> memref<1x1x128xi32, #tpu.memory_space<vmem>>
    %dma_wait3A_2474 = tpu.memref_squeeze %dma_wait3A_2473 : memref<1x1x128xi32, #tpu.memory_space<vmem>> -> memref<128xi32, #tpu.memory_space<vmem>>
    %dma_wait3A_2475 = tpu.memref_slice %arg3[%add3A_2261] : memref<100000xi32, #tpu.memory_space<hbm>> -> memref<128xi32, #tpu.memory_space<hbm>>
    tpu.wait_dma2 semaphore(%arg12 : memref<!tpu.dma_semaphore, #tpu.memory_space<semaphore_mem>>) src(%dma_wait3A_2475 : memref<128xi32, #tpu.memory_space<hbm>>) dst(%dma_wait3A_2474 : memref<128xi32, #tpu.memory_space<vmem>>)
    %dma_wait3A_2476 = arith.constant 1 : i32
    %dma_wait3A_2477 = arith.constant 1 : i32
    %dma_wait3A_2478 = arith.constant 0 : i32
    %dma_wait3A_2479 = tpu.memref_slice %arg6[%dma_wait3A_2476, %dma_wait3A_2477, %dma_wait3A_2478] : memref<4x2x128xi32, #tpu.memory_space<vmem>> -> memref<1x1x128xi32, #tpu.memory_space<vmem>>
    %dma_wait3A_2480 = tpu.memref_squeeze %dma_wait3A_2479 : memref<1x1x128xi32, #tpu.memory_space<vmem>> -> memref<128xi32, #tpu.memory_space<vmem>>
    %dma_wait3A_2481 = tpu.memref_slice %arg3[%add3A_2273] : memref<100000xi32, #tpu.memory_space<hbm>> -> memref<128xi32, #tpu.memory_space<hbm>>
    %dma_wait3A_2482 = arith.constant 0 : i32
    %dma_wait3A_2483 = tpu.memref_slice %arg6[%dma_wait3A_2476, %dma_wait3A_2477, %dma_wait3A_2482] : memref<4x2x128xi32, #tpu.memory_space<vmem>> -> memref<1x1x128xi32, #tpu.memory_space<vmem>>
    %dma_wait3A_2484 = tpu.memref_squeeze %dma_wait3A_2483 : memref<1x1x128xi32, #tpu.memory_space<vmem>> -> memref<128xi32, #tpu.memory_space<vmem>>
    %dma_wait3A_2485 = tpu.memref_slice %arg3[%add3A_2273] : memref<100000xi32, #tpu.memory_space<hbm>> -> memref<128xi32, #tpu.memory_space<hbm>>
    tpu.wait_dma2 semaphore(%arg12 : memref<!tpu.dma_semaphore, #tpu.memory_space<semaphore_mem>>) src(%dma_wait3A_2485 : memref<128xi32, #tpu.memory_space<hbm>>) dst(%dma_wait3A_2484 : memref<128xi32, #tpu.memory_space<vmem>>)
    %dma_start3A_2486 = arith.constant 1 : i32
    %dma_start3A_2487 = arith.constant 1 : i32
    %dma_start3A_2488 = arith.constant 0 : i32
    %dma_start3A_2489 = arith.constant 0 : i32
    %dma_start3A_2490 = arith.constant 0 : i32
    %dma_start3A_2491 = tpu.memref_slice %arg5[%dma_start3A_2486, %dma_start3A_2489, %dma_start3A_2490] : memref<4x256x64xf32, #tpu.memory_space<vmem>> -> memref<1x128x64xf32, #tpu.memory_space<vmem>>
    %dma_start3A_2492 = tpu.memref_squeeze %dma_start3A_2491 : memref<1x128x64xf32, #tpu.memory_space<vmem>> -> memref<128x64xf32, #tpu.memory_space<vmem>>
    %dma_start3A_2493 = arith.constant 0 : i32
    %dma_start3A_2494 = tpu.memref_slice %arg6[%dma_start3A_2487, %dma_start3A_2488, %dma_start3A_2493] : memref<4x2x128xi32, #tpu.memory_space<vmem>> -> memref<1x1x128xi32, #tpu.memory_space<vmem>>
    %dma_start3A_2495 = tpu.memref_squeeze %dma_start3A_2494 : memref<1x1x128xi32, #tpu.memory_space<vmem>> -> memref<128xi32, #tpu.memory_space<vmem>>
    %dma_start3A_2496 = arith.constant 0 : i32
    %dma_start3A_2497 = arith.constant 0 : i32
    %dma_start3A_2498 = tpu.memref_slice %arg10[%dma_start3A_2496, %dma_start3A_2497] : memref<288x64xf32, #tpu.memory_space<vmem_shared>> -> memref<288x64xf32, #tpu.memory_space<vmem_shared>>
    tpu.enqueue_indirect_dma source(%dma_start3A_2492 : memref<128x64xf32, #tpu.memory_space<vmem>>) target(%dma_start3A_2498 : memref<288x64xf32, #tpu.memory_space<vmem_shared>>) offsets(%dma_start3A_2495 : memref<128xi32, #tpu.memory_space<vmem>>) semaphore(%arg16 : memref<!tpu.dma_semaphore, #tpu.memory_space<semaphore_mem>>) {add = true}
    %dma_start3A_2499 = arith.constant 1 : i32
    %dma_start3A_2500 = arith.constant 1 : i32
    %dma_start3A_2501 = arith.constant 1 : i32
    %dma_start3A_2502 = arith.constant 128 : i32
    %dma_start3A_2503 = arith.constant 0 : i32
    %dma_start3A_2504 = tpu.memref_slice %arg5[%dma_start3A_2499, %dma_start3A_2502, %dma_start3A_2503] : memref<4x256x64xf32, #tpu.memory_space<vmem>> -> memref<1x128x64xf32, #tpu.memory_space<vmem>>
    %dma_start3A_2505 = tpu.memref_squeeze %dma_start3A_2504 : memref<1x128x64xf32, #tpu.memory_space<vmem>> -> memref<128x64xf32, #tpu.memory_space<vmem>>
    %dma_start3A_2506 = arith.constant 0 : i32
    %dma_start3A_2507 = tpu.memref_slice %arg6[%dma_start3A_2500, %dma_start3A_2501, %dma_start3A_2506] : memref<4x2x128xi32, #tpu.memory_space<vmem>> -> memref<1x1x128xi32, #tpu.memory_space<vmem>>
    %dma_start3A_2508 = tpu.memref_squeeze %dma_start3A_2507 : memref<1x1x128xi32, #tpu.memory_space<vmem>> -> memref<128xi32, #tpu.memory_space<vmem>>
    %dma_start3A_2509 = arith.constant 0 : i32
    %dma_start3A_2510 = arith.constant 0 : i32
    %dma_start3A_2511 = tpu.memref_slice %arg10[%dma_start3A_2509, %dma_start3A_2510] : memref<288x64xf32, #tpu.memory_space<vmem_shared>> -> memref<288x64xf32, #tpu.memory_space<vmem_shared>>
    tpu.enqueue_indirect_dma source(%dma_start3A_2505 : memref<128x64xf32, #tpu.memory_space<vmem>>) target(%dma_start3A_2511 : memref<288x64xf32, #tpu.memory_space<vmem_shared>>) offsets(%dma_start3A_2508 : memref<128xi32, #tpu.memory_space<vmem>>) semaphore(%arg16 : memref<!tpu.dma_semaphore, #tpu.memory_space<semaphore_mem>>) {add = true}
    %dma_wait3A_2512 = arith.constant 0 : i32
    %dma_wait3A_2513 = arith.constant 0 : i32
    %dma_wait3A_2514 = arith.constant 0 : i32
    %dma_wait3A_2515 = arith.constant 0 : i32
    %dma_wait3A_2516 = arith.constant 0 : i32
    %dma_wait3A_2517 = tpu.memref_slice %arg5[%dma_wait3A_2512, %dma_wait3A_2515, %dma_wait3A_2516] : memref<4x256x64xf32, #tpu.memory_space<vmem>> -> memref<1x128x64xf32, #tpu.memory_space<vmem>>
    %dma_wait3A_2518 = tpu.memref_squeeze %dma_wait3A_2517 : memref<1x128x64xf32, #tpu.memory_space<vmem>> -> memref<128x64xf32, #tpu.memory_space<vmem>>
    %dma_wait3A_2519 = arith.constant 0 : i32
    %dma_wait3A_2520 = tpu.memref_slice %arg6[%dma_wait3A_2513, %dma_wait3A_2514, %dma_wait3A_2519] : memref<4x2x128xi32, #tpu.memory_space<vmem>> -> memref<1x1x128xi32, #tpu.memory_space<vmem>>
    %dma_wait3A_2521 = tpu.memref_squeeze %dma_wait3A_2520 : memref<1x1x128xi32, #tpu.memory_space<vmem>> -> memref<128xi32, #tpu.memory_space<vmem>>
    %dma_wait3A_2522 = arith.constant 0 : i32
    %dma_wait3A_2523 = arith.constant 0 : i32
    %dma_wait3A_2524 = tpu.memref_slice %arg10[%dma_wait3A_2522, %dma_wait3A_2523] : memref<288x64xf32, #tpu.memory_space<vmem_shared>> -> memref<288x64xf32, #tpu.memory_space<vmem_shared>>
    tpu.wait_indirect_dma semaphore(%arg15 : memref<!tpu.dma_semaphore, #tpu.memory_space<semaphore_mem>>) src(%dma_wait3A_2518 : memref<128x64xf32, #tpu.memory_space<vmem>>) dst(%dma_wait3A_2524 : memref<288x64xf32, #tpu.memory_space<vmem_shared>>)
    %dma_wait3A_2525 = arith.constant 0 : i32
    %dma_wait3A_2526 = arith.constant 0 : i32
    %dma_wait3A_2527 = arith.constant 1 : i32
    %dma_wait3A_2528 = arith.constant 128 : i32
    %dma_wait3A_2529 = arith.constant 0 : i32
    %dma_wait3A_2530 = tpu.memref_slice %arg5[%dma_wait3A_2525, %dma_wait3A_2528, %dma_wait3A_2529] : memref<4x256x64xf32, #tpu.memory_space<vmem>> -> memref<1x128x64xf32, #tpu.memory_space<vmem>>
    %dma_wait3A_2531 = tpu.memref_squeeze %dma_wait3A_2530 : memref<1x128x64xf32, #tpu.memory_space<vmem>> -> memref<128x64xf32, #tpu.memory_space<vmem>>
    %dma_wait3A_2532 = arith.constant 0 : i32
    %dma_wait3A_2533 = tpu.memref_slice %arg6[%dma_wait3A_2526, %dma_wait3A_2527, %dma_wait3A_2532] : memref<4x2x128xi32, #tpu.memory_space<vmem>> -> memref<1x1x128xi32, #tpu.memory_space<vmem>>
    %dma_wait3A_2534 = tpu.memref_squeeze %dma_wait3A_2533 : memref<1x1x128xi32, #tpu.memory_space<vmem>> -> memref<128xi32, #tpu.memory_space<vmem>>
    %dma_wait3A_2535 = arith.constant 0 : i32
    %dma_wait3A_2536 = arith.constant 0 : i32
    %dma_wait3A_2537 = tpu.memref_slice %arg10[%dma_wait3A_2535, %dma_wait3A_2536] : memref<288x64xf32, #tpu.memory_space<vmem_shared>> -> memref<288x64xf32, #tpu.memory_space<vmem_shared>>
    tpu.wait_indirect_dma semaphore(%arg15 : memref<!tpu.dma_semaphore, #tpu.memory_space<semaphore_mem>>) src(%dma_wait3A_2531 : memref<128x64xf32, #tpu.memory_space<vmem>>) dst(%dma_wait3A_2537 : memref<288x64xf32, #tpu.memory_space<vmem_shared>>)
    %dma_wait3A_2538 = arith.constant 1 : i32
    %dma_wait3A_2539 = arith.constant 1 : i32
    %dma_wait3A_2540 = arith.constant 0 : i32
    %dma_wait3A_2541 = arith.constant 0 : i32
    %dma_wait3A_2542 = arith.constant 0 : i32
    %dma_wait3A_2543 = tpu.memref_slice %arg5[%dma_wait3A_2538, %dma_wait3A_2541, %dma_wait3A_2542] : memref<4x256x64xf32, #tpu.memory_space<vmem>> -> memref<1x128x64xf32, #tpu.memory_space<vmem>>
    %dma_wait3A_2544 = tpu.memref_squeeze %dma_wait3A_2543 : memref<1x128x64xf32, #tpu.memory_space<vmem>> -> memref<128x64xf32, #tpu.memory_space<vmem>>
    %dma_wait3A_2545 = arith.constant 0 : i32
    %dma_wait3A_2546 = tpu.memref_slice %arg6[%dma_wait3A_2539, %dma_wait3A_2540, %dma_wait3A_2545] : memref<4x2x128xi32, #tpu.memory_space<vmem>> -> memref<1x1x128xi32, #tpu.memory_space<vmem>>
    %dma_wait3A_2547 = tpu.memref_squeeze %dma_wait3A_2546 : memref<1x1x128xi32, #tpu.memory_space<vmem>> -> memref<128xi32, #tpu.memory_space<vmem>>
    %dma_wait3A_2548 = arith.constant 0 : i32
    %dma_wait3A_2549 = arith.constant 0 : i32
    %dma_wait3A_2550 = tpu.memref_slice %arg10[%dma_wait3A_2548, %dma_wait3A_2549] : memref<288x64xf32, #tpu.memory_space<vmem_shared>> -> memref<288x64xf32, #tpu.memory_space<vmem_shared>>
    tpu.wait_indirect_dma semaphore(%arg16 : memref<!tpu.dma_semaphore, #tpu.memory_space<semaphore_mem>>) src(%dma_wait3A_2544 : memref<128x64xf32, #tpu.memory_space<vmem>>) dst(%dma_wait3A_2550 : memref<288x64xf32, #tpu.memory_space<vmem_shared>>)
    %dma_wait3A_2551 = arith.constant 1 : i32
    %dma_wait3A_2552 = arith.constant 1 : i32
    %dma_wait3A_2553 = arith.constant 1 : i32
    %dma_wait3A_2554 = arith.constant 128 : i32
    %dma_wait3A_2555 = arith.constant 0 : i32
    %dma_wait3A_2556 = tpu.memref_slice %arg5[%dma_wait3A_2551, %dma_wait3A_2554, %dma_wait3A_2555] : memref<4x256x64xf32, #tpu.memory_space<vmem>> -> memref<1x128x64xf32, #tpu.memory_space<vmem>>
    %dma_wait3A_2557 = tpu.memref_squeeze %dma_wait3A_2556 : memref<1x128x64xf32, #tpu.memory_space<vmem>> -> memref<128x64xf32, #tpu.memory_space<vmem>>
    %dma_wait3A_2558 = arith.constant 0 : i32
    %dma_wait3A_2559 = tpu.memref_slice %arg6[%dma_wait3A_2552, %dma_wait3A_2553, %dma_wait3A_2558] : memref<4x2x128xi32, #tpu.memory_space<vmem>> -> memref<1x1x128xi32, #tpu.memory_space<vmem>>
    %dma_wait3A_2560 = tpu.memref_squeeze %dma_wait3A_2559 : memref<1x1x128xi32, #tpu.memory_space<vmem>> -> memref<128xi32, #tpu.memory_space<vmem>>
    %dma_wait3A_2561 = arith.constant 0 : i32
    %dma_wait3A_2562 = arith.constant 0 : i32
    %dma_wait3A_2563 = tpu.memref_slice %arg10[%dma_wait3A_2561, %dma_wait3A_2562] : memref<288x64xf32, #tpu.memory_space<vmem_shared>> -> memref<288x64xf32, #tpu.memory_space<vmem_shared>>
    tpu.wait_indirect_dma semaphore(%arg16 : memref<!tpu.dma_semaphore, #tpu.memory_space<semaphore_mem>>) src(%dma_wait3A_2557 : memref<128x64xf32, #tpu.memory_space<vmem>>) dst(%dma_wait3A_2563 : memref<288x64xf32, #tpu.memory_space<vmem_shared>>)
    %dma_wait3A_2564 = arith.constant 2 : i32
    %dma_wait3A_2565 = arith.constant 2 : i32
    %dma_wait3A_2566 = arith.constant 0 : i32
    %dma_wait3A_2567 = arith.constant 0 : i32
    %dma_wait3A_2568 = arith.constant 0 : i32
    %dma_wait3A_2569 = tpu.memref_slice %arg5[%dma_wait3A_2564, %dma_wait3A_2567, %dma_wait3A_2568] : memref<4x256x64xf32, #tpu.memory_space<vmem>> -> memref<1x128x64xf32, #tpu.memory_space<vmem>>
    %dma_wait3A_2570 = tpu.memref_squeeze %dma_wait3A_2569 : memref<1x128x64xf32, #tpu.memory_space<vmem>> -> memref<128x64xf32, #tpu.memory_space<vmem>>
    %dma_wait3A_2571 = arith.constant 0 : i32
    %dma_wait3A_2572 = tpu.memref_slice %arg6[%dma_wait3A_2565, %dma_wait3A_2566, %dma_wait3A_2571] : memref<4x2x128xi32, #tpu.memory_space<vmem>> -> memref<1x1x128xi32, #tpu.memory_space<vmem>>
    %dma_wait3A_2573 = tpu.memref_squeeze %dma_wait3A_2572 : memref<1x1x128xi32, #tpu.memory_space<vmem>> -> memref<128xi32, #tpu.memory_space<vmem>>
    %dma_wait3A_2574 = arith.constant 0 : i32
    %dma_wait3A_2575 = arith.constant 0 : i32
    %dma_wait3A_2576 = tpu.memref_slice %arg10[%dma_wait3A_2574, %dma_wait3A_2575] : memref<288x64xf32, #tpu.memory_space<vmem_shared>> -> memref<288x64xf32, #tpu.memory_space<vmem_shared>>
    tpu.wait_indirect_dma semaphore(%arg17 : memref<!tpu.dma_semaphore, #tpu.memory_space<semaphore_mem>>) src(%dma_wait3A_2570 : memref<128x64xf32, #tpu.memory_space<vmem>>) dst(%dma_wait3A_2576 : memref<288x64xf32, #tpu.memory_space<vmem_shared>>)
    %dma_wait3A_2577 = arith.constant 2 : i32
    %dma_wait3A_2578 = arith.constant 2 : i32
    %dma_wait3A_2579 = arith.constant 1 : i32
    %dma_wait3A_2580 = arith.constant 128 : i32
    %dma_wait3A_2581 = arith.constant 0 : i32
    %dma_wait3A_2582 = tpu.memref_slice %arg5[%dma_wait3A_2577, %dma_wait3A_2580, %dma_wait3A_2581] : memref<4x256x64xf32, #tpu.memory_space<vmem>> -> memref<1x128x64xf32, #tpu.memory_space<vmem>>
    %dma_wait3A_2583 = tpu.memref_squeeze %dma_wait3A_2582 : memref<1x128x64xf32, #tpu.memory_space<vmem>> -> memref<128x64xf32, #tpu.memory_space<vmem>>
    %dma_wait3A_2584 = arith.constant 0 : i32
    %dma_wait3A_2585 = tpu.memref_slice %arg6[%dma_wait3A_2578, %dma_wait3A_2579, %dma_wait3A_2584] : memref<4x2x128xi32, #tpu.memory_space<vmem>> -> memref<1x1x128xi32, #tpu.memory_space<vmem>>
    %dma_wait3A_2586 = tpu.memref_squeeze %dma_wait3A_2585 : memref<1x1x128xi32, #tpu.memory_space<vmem>> -> memref<128xi32, #tpu.memory_space<vmem>>
    %dma_wait3A_2587 = arith.constant 0 : i32
    %dma_wait3A_2588 = arith.constant 0 : i32
    %dma_wait3A_2589 = tpu.memref_slice %arg10[%dma_wait3A_2587, %dma_wait3A_2588] : memref<288x64xf32, #tpu.memory_space<vmem_shared>> -> memref<288x64xf32, #tpu.memory_space<vmem_shared>>
    tpu.wait_indirect_dma semaphore(%arg17 : memref<!tpu.dma_semaphore, #tpu.memory_space<semaphore_mem>>) src(%dma_wait3A_2583 : memref<128x64xf32, #tpu.memory_space<vmem>>) dst(%dma_wait3A_2589 : memref<288x64xf32, #tpu.memory_space<vmem_shared>>)
    %dma_wait3A_2590 = arith.constant 3 : i32
    %dma_wait3A_2591 = arith.constant 3 : i32
    %dma_wait3A_2592 = arith.constant 0 : i32
    %dma_wait3A_2593 = arith.constant 0 : i32
    %dma_wait3A_2594 = arith.constant 0 : i32
    %dma_wait3A_2595 = tpu.memref_slice %arg5[%dma_wait3A_2590, %dma_wait3A_2593, %dma_wait3A_2594] : memref<4x256x64xf32, #tpu.memory_space<vmem>> -> memref<1x128x64xf32, #tpu.memory_space<vmem>>
    %dma_wait3A_2596 = tpu.memref_squeeze %dma_wait3A_2595 : memref<1x128x64xf32, #tpu.memory_space<vmem>> -> memref<128x64xf32, #tpu.memory_space<vmem>>
    %dma_wait3A_2597 = arith.constant 0 : i32
    %dma_wait3A_2598 = tpu.memref_slice %arg6[%dma_wait3A_2591, %dma_wait3A_2592, %dma_wait3A_2597] : memref<4x2x128xi32, #tpu.memory_space<vmem>> -> memref<1x1x128xi32, #tpu.memory_space<vmem>>
    %dma_wait3A_2599 = tpu.memref_squeeze %dma_wait3A_2598 : memref<1x1x128xi32, #tpu.memory_space<vmem>> -> memref<128xi32, #tpu.memory_space<vmem>>
    %dma_wait3A_2600 = arith.constant 0 : i32
    %dma_wait3A_2601 = arith.constant 0 : i32
    %dma_wait3A_2602 = tpu.memref_slice %arg10[%dma_wait3A_2600, %dma_wait3A_2601] : memref<288x64xf32, #tpu.memory_space<vmem_shared>> -> memref<288x64xf32, #tpu.memory_space<vmem_shared>>
    tpu.wait_indirect_dma semaphore(%arg18 : memref<!tpu.dma_semaphore, #tpu.memory_space<semaphore_mem>>) src(%dma_wait3A_2596 : memref<128x64xf32, #tpu.memory_space<vmem>>) dst(%dma_wait3A_2602 : memref<288x64xf32, #tpu.memory_space<vmem_shared>>)
    %dma_wait3A_2603 = arith.constant 3 : i32
    %dma_wait3A_2604 = arith.constant 3 : i32
    %dma_wait3A_2605 = arith.constant 1 : i32
    %dma_wait3A_2606 = arith.constant 128 : i32
    %dma_wait3A_2607 = arith.constant 0 : i32
    %dma_wait3A_2608 = tpu.memref_slice %arg5[%dma_wait3A_2603, %dma_wait3A_2606, %dma_wait3A_2607] : memref<4x256x64xf32, #tpu.memory_space<vmem>> -> memref<1x128x64xf32, #tpu.memory_space<vmem>>
    %dma_wait3A_2609 = tpu.memref_squeeze %dma_wait3A_2608 : memref<1x128x64xf32, #tpu.memory_space<vmem>> -> memref<128x64xf32, #tpu.memory_space<vmem>>
    %dma_wait3A_2610 = arith.constant 0 : i32
    %dma_wait3A_2611 = tpu.memref_slice %arg6[%dma_wait3A_2604, %dma_wait3A_2605, %dma_wait3A_2610] : memref<4x2x128xi32, #tpu.memory_space<vmem>> -> memref<1x1x128xi32, #tpu.memory_space<vmem>>
    %dma_wait3A_2612 = tpu.memref_squeeze %dma_wait3A_2611 : memref<1x1x128xi32, #tpu.memory_space<vmem>> -> memref<128xi32, #tpu.memory_space<vmem>>
    %dma_wait3A_2613 = arith.constant 0 : i32
    %dma_wait3A_2614 = arith.constant 0 : i32
    %dma_wait3A_2615 = tpu.memref_slice %arg10[%dma_wait3A_2613, %dma_wait3A_2614] : memref<288x64xf32, #tpu.memory_space<vmem_shared>> -> memref<288x64xf32, #tpu.memory_space<vmem_shared>>
    tpu.wait_indirect_dma semaphore(%arg18 : memref<!tpu.dma_semaphore, #tpu.memory_space<semaphore_mem>>) src(%dma_wait3A_2609 : memref<128x64xf32, #tpu.memory_space<vmem>>) dst(%dma_wait3A_2615 : memref<288x64xf32, #tpu.memory_space<vmem_shared>>)
    %lt3A_2616 = arith.constant 6 : i32
    %lt3A_2617 = arith.cmpi slt, %arg1, %lt3A_2616 : i32
    %convert_element_type3A_2618 = arith.extui %lt3A_2617 : i1 to i32
    %cond3A_2619 = arith.constant 0 : i32
    %cond3A_2620 = arith.cmpi ne, %convert_element_type3A_2618, %cond3A_2619 : i32
    scf.if %cond3A_2620 {
      %add3A_2630 = arith.constant 288 : i32
      %add3A_2631 = arith.addi %add3A_2630, %arg1 : i32
      %mul3A_2632 = arith.constant 256 : i32
      %mul3A_2633 = arith.muli %add3A_2631, %mul3A_2632 : i32
      %add3A_2634 = arith.constant 24576 : i32
      %add3A_2635 = arith.addi %add3A_2634, %mul3A_2633 : i32
      %run_scoped3A = arith.constant 0 : i32
      "tpu.region"() ({
        %run_scoped3A_2650 = tpu.sem_alloc : memref<!tpu.dma_semaphore, #tpu.memory_space<semaphore_mem>>
        %dma_start3A_2651 = arith.constant 0 : i32
        %dma_start3A_2652 = arith.constant 0 : i32
        %dma_start3A_2653 = tpu.memref_slice %arg5[%run_scoped3A, %dma_start3A_2651, %dma_start3A_2652] : memref<4x256x64xf32, #tpu.memory_space<vmem>> -> memref<1x256x64xf32, #tpu.memory_space<vmem>>
        %dma_start3A_2654 = tpu.memref_squeeze %dma_start3A_2653 : memref<1x256x64xf32, #tpu.memory_space<vmem>> -> memref<256x64xf32, #tpu.memory_space<vmem>>
        %dma_start3A_2655 = tpu.memref_slice %arg2[%add3A_2635, %mul3A_0] : memref<100000x128xf32, #tpu.memory_space<hbm>> -> memref<256x64xf32, #tpu.memory_space<hbm>>
        %dma_start3A_2656 = arith.constant 0 : i32
        %dma_start3A_2657 = arith.constant 0 : i32
        %dma_start3A_2658 = tpu.memref_slice %arg5[%run_scoped3A, %dma_start3A_2656, %dma_start3A_2657] : memref<4x256x64xf32, #tpu.memory_space<vmem>> -> memref<1x256x64xf32, #tpu.memory_space<vmem>>
        %dma_start3A_2659 = tpu.memref_squeeze %dma_start3A_2658 : memref<1x256x64xf32, #tpu.memory_space<vmem>> -> memref<256x64xf32, #tpu.memory_space<vmem>>
        %dma_start3A_2660 = tpu.memref_slice %arg2[%add3A_2635, %mul3A_0] : memref<100000x128xf32, #tpu.memory_space<hbm>> -> memref<256x64xf32, #tpu.memory_space<hbm>>
        tpu.enqueue_dma source(%dma_start3A_2660 : memref<256x64xf32, #tpu.memory_space<hbm>>) target(%dma_start3A_2659 : memref<256x64xf32, #tpu.memory_space<vmem>>) target_semaphore(%run_scoped3A_2650 : memref<!tpu.dma_semaphore, #tpu.memory_space<semaphore_mem>>)
        %dma_wait3A_2661 = arith.constant 0 : i32
        %dma_wait3A_2662 = arith.constant 0 : i32
        %dma_wait3A_2663 = tpu.memref_slice %arg5[%run_scoped3A, %dma_wait3A_2661, %dma_wait3A_2662] : memref<4x256x64xf32, #tpu.memory_space<vmem>> -> memref<1x256x64xf32, #tpu.memory_space<vmem>>
        %dma_wait3A_2664 = tpu.memref_squeeze %dma_wait3A_2663 : memref<1x256x64xf32, #tpu.memory_space<vmem>> -> memref<256x64xf32, #tpu.memory_space<vmem>>
        %dma_wait3A_2665 = tpu.memref_slice %arg2[%add3A_2635, %mul3A_0] : memref<100000x128xf32, #tpu.memory_space<hbm>> -> memref<256x64xf32, #tpu.memory_space<hbm>>
        %dma_wait3A_2666 = arith.constant 0 : i32
        %dma_wait3A_2667 = arith.constant 0 : i32
        %dma_wait3A_2668 = tpu.memref_slice %arg5[%run_scoped3A, %dma_wait3A_2666, %dma_wait3A_2667] : memref<4x256x64xf32, #tpu.memory_space<vmem>> -> memref<1x256x64xf32, #tpu.memory_space<vmem>>
        %dma_wait3A_2669 = tpu.memref_squeeze %dma_wait3A_2668 : memref<1x256x64xf32, #tpu.memory_space<vmem>> -> memref<256x64xf32, #tpu.memory_space<vmem>>
        %dma_wait3A_2670 = tpu.memref_slice %arg2[%add3A_2635, %mul3A_0] : memref<100000x128xf32, #tpu.memory_space<hbm>> -> memref<256x64xf32, #tpu.memory_space<hbm>>
        tpu.wait_dma2 semaphore(%run_scoped3A_2650 : memref<!tpu.dma_semaphore, #tpu.memory_space<semaphore_mem>>) src(%dma_wait3A_2670 : memref<256x64xf32, #tpu.memory_space<hbm>>) dst(%dma_wait3A_2669 : memref<256x64xf32, #tpu.memory_space<vmem>>)
        tpu.yield
      }) : () -> ()
      %add3A_2636 = arith.constant 0 : i32
      %add3A_2637 = arith.addi %add3A_2635, %add3A_2636 : i32
      %run_scoped3A_2638 = arith.constant 0 : i32
      %run_scoped3A_2639 = arith.constant 0 : i32
      "tpu.region"() ({
        %run_scoped3A_2650 = tpu.sem_alloc : memref<!tpu.dma_semaphore, #tpu.memory_space<semaphore_mem>>
        %dma_start3A_2651 = arith.constant 0 : i32
        %dma_start3A_2652 = tpu.memref_slice %arg6[%run_scoped3A_2638, %run_scoped3A_2639, %dma_start3A_2651] : memref<4x2x128xi32, #tpu.memory_space<vmem>> -> memref<1x1x128xi32, #tpu.memory_space<vmem>>
        %dma_start3A_2653 = tpu.memref_squeeze %dma_start3A_2652 : memref<1x1x128xi32, #tpu.memory_space<vmem>> -> memref<128xi32, #tpu.memory_space<vmem>>
        %dma_start3A_2654 = tpu.memref_slice %arg3[%add3A_2637] : memref<100000xi32, #tpu.memory_space<hbm>> -> memref<128xi32, #tpu.memory_space<hbm>>
        %dma_start3A_2655 = arith.constant 0 : i32
        %dma_start3A_2656 = tpu.memref_slice %arg6[%run_scoped3A_2638, %run_scoped3A_2639, %dma_start3A_2655] : memref<4x2x128xi32, #tpu.memory_space<vmem>> -> memref<1x1x128xi32, #tpu.memory_space<vmem>>
        %dma_start3A_2657 = tpu.memref_squeeze %dma_start3A_2656 : memref<1x1x128xi32, #tpu.memory_space<vmem>> -> memref<128xi32, #tpu.memory_space<vmem>>
        %dma_start3A_2658 = tpu.memref_slice %arg3[%add3A_2637] : memref<100000xi32, #tpu.memory_space<hbm>> -> memref<128xi32, #tpu.memory_space<hbm>>
        tpu.enqueue_dma source(%dma_start3A_2658 : memref<128xi32, #tpu.memory_space<hbm>>) target(%dma_start3A_2657 : memref<128xi32, #tpu.memory_space<vmem>>) target_semaphore(%run_scoped3A_2650 : memref<!tpu.dma_semaphore, #tpu.memory_space<semaphore_mem>>)
        %dma_wait3A_2659 = arith.constant 0 : i32
        %dma_wait3A_2660 = tpu.memref_slice %arg6[%run_scoped3A_2638, %run_scoped3A_2639, %dma_wait3A_2659] : memref<4x2x128xi32, #tpu.memory_space<vmem>> -> memref<1x1x128xi32, #tpu.memory_space<vmem>>
        %dma_wait3A_2661 = tpu.memref_squeeze %dma_wait3A_2660 : memref<1x1x128xi32, #tpu.memory_space<vmem>> -> memref<128xi32, #tpu.memory_space<vmem>>
        %dma_wait3A_2662 = tpu.memref_slice %arg3[%add3A_2637] : memref<100000xi32, #tpu.memory_space<hbm>> -> memref<128xi32, #tpu.memory_space<hbm>>
        %dma_wait3A_2663 = arith.constant 0 : i32
        %dma_wait3A_2664 = tpu.memref_slice %arg6[%run_scoped3A_2638, %run_scoped3A_2639, %dma_wait3A_2663] : memref<4x2x128xi32, #tpu.memory_space<vmem>> -> memref<1x1x128xi32, #tpu.memory_space<vmem>>
        %dma_wait3A_2665 = tpu.memref_squeeze %dma_wait3A_2664 : memref<1x1x128xi32, #tpu.memory_space<vmem>> -> memref<128xi32, #tpu.memory_space<vmem>>
        %dma_wait3A_2666 = tpu.memref_slice %arg3[%add3A_2637] : memref<100000xi32, #tpu.memory_space<hbm>> -> memref<128xi32, #tpu.memory_space<hbm>>
        tpu.wait_dma2 semaphore(%run_scoped3A_2650 : memref<!tpu.dma_semaphore, #tpu.memory_space<semaphore_mem>>) src(%dma_wait3A_2666 : memref<128xi32, #tpu.memory_space<hbm>>) dst(%dma_wait3A_2665 : memref<128xi32, #tpu.memory_space<vmem>>)
        tpu.yield
      }) : () -> ()
      %add3A_2640 = arith.constant 128 : i32
      %add3A_2641 = arith.addi %add3A_2635, %add3A_2640 : i32
      %run_scoped3A_2642 = arith.constant 0 : i32
      %run_scoped3A_2643 = arith.constant 1 : i32
      "tpu.region"() ({
        %run_scoped3A_2650 = tpu.sem_alloc : memref<!tpu.dma_semaphore, #tpu.memory_space<semaphore_mem>>
        %dma_start3A_2651 = arith.constant 0 : i32
        %dma_start3A_2652 = tpu.memref_slice %arg6[%run_scoped3A_2642, %run_scoped3A_2643, %dma_start3A_2651] : memref<4x2x128xi32, #tpu.memory_space<vmem>> -> memref<1x1x128xi32, #tpu.memory_space<vmem>>
        %dma_start3A_2653 = tpu.memref_squeeze %dma_start3A_2652 : memref<1x1x128xi32, #tpu.memory_space<vmem>> -> memref<128xi32, #tpu.memory_space<vmem>>
        %dma_start3A_2654 = tpu.memref_slice %arg3[%add3A_2641] : memref<100000xi32, #tpu.memory_space<hbm>> -> memref<128xi32, #tpu.memory_space<hbm>>
        %dma_start3A_2655 = arith.constant 0 : i32
        %dma_start3A_2656 = tpu.memref_slice %arg6[%run_scoped3A_2642, %run_scoped3A_2643, %dma_start3A_2655] : memref<4x2x128xi32, #tpu.memory_space<vmem>> -> memref<1x1x128xi32, #tpu.memory_space<vmem>>
        %dma_start3A_2657 = tpu.memref_squeeze %dma_start3A_2656 : memref<1x1x128xi32, #tpu.memory_space<vmem>> -> memref<128xi32, #tpu.memory_space<vmem>>
        %dma_start3A_2658 = tpu.memref_slice %arg3[%add3A_2641] : memref<100000xi32, #tpu.memory_space<hbm>> -> memref<128xi32, #tpu.memory_space<hbm>>
        tpu.enqueue_dma source(%dma_start3A_2658 : memref<128xi32, #tpu.memory_space<hbm>>) target(%dma_start3A_2657 : memref<128xi32, #tpu.memory_space<vmem>>) target_semaphore(%run_scoped3A_2650 : memref<!tpu.dma_semaphore, #tpu.memory_space<semaphore_mem>>)
        %dma_wait3A_2659 = arith.constant 0 : i32
        %dma_wait3A_2660 = tpu.memref_slice %arg6[%run_scoped3A_2642, %run_scoped3A_2643, %dma_wait3A_2659] : memref<4x2x128xi32, #tpu.memory_space<vmem>> -> memref<1x1x128xi32, #tpu.memory_space<vmem>>
        %dma_wait3A_2661 = tpu.memref_squeeze %dma_wait3A_2660 : memref<1x1x128xi32, #tpu.memory_space<vmem>> -> memref<128xi32, #tpu.memory_space<vmem>>
        %dma_wait3A_2662 = tpu.memref_slice %arg3[%add3A_2641] : memref<100000xi32, #tpu.memory_space<hbm>> -> memref<128xi32, #tpu.memory_space<hbm>>
        %dma_wait3A_2663 = arith.constant 0 : i32
        %dma_wait3A_2664 = tpu.memref_slice %arg6[%run_scoped3A_2642, %run_scoped3A_2643, %dma_wait3A_2663] : memref<4x2x128xi32, #tpu.memory_space<vmem>> -> memref<1x1x128xi32, #tpu.memory_space<vmem>>
        %dma_wait3A_2665 = tpu.memref_squeeze %dma_wait3A_2664 : memref<1x1x128xi32, #tpu.memory_space<vmem>> -> memref<128xi32, #tpu.memory_space<vmem>>
        %dma_wait3A_2666 = tpu.memref_slice %arg3[%add3A_2641] : memref<100000xi32, #tpu.memory_space<hbm>> -> memref<128xi32, #tpu.memory_space<hbm>>
        tpu.wait_dma2 semaphore(%run_scoped3A_2650 : memref<!tpu.dma_semaphore, #tpu.memory_space<semaphore_mem>>) src(%dma_wait3A_2666 : memref<128xi32, #tpu.memory_space<hbm>>) dst(%dma_wait3A_2665 : memref<128xi32, #tpu.memory_space<vmem>>)
        tpu.yield
      }) : () -> ()
      %run_scoped3A_2644 = arith.constant 0 : i32
      %run_scoped3A_2645 = arith.constant 0 : i32
      %run_scoped3A_2646 = arith.constant 0 : i32
      "tpu.region"() ({
        %run_scoped3A_2650 = tpu.sem_alloc : memref<!tpu.dma_semaphore, #tpu.memory_space<semaphore_mem>>
        %dma_start3A_2651 = arith.constant 0 : i32
        %dma_start3A_2652 = arith.constant 0 : i32
        %dma_start3A_2653 = tpu.memref_slice %arg5[%run_scoped3A_2644, %dma_start3A_2651, %dma_start3A_2652] : memref<4x256x64xf32, #tpu.memory_space<vmem>> -> memref<1x128x64xf32, #tpu.memory_space<vmem>>
        %dma_start3A_2654 = tpu.memref_squeeze %dma_start3A_2653 : memref<1x128x64xf32, #tpu.memory_space<vmem>> -> memref<128x64xf32, #tpu.memory_space<vmem>>
        %dma_start3A_2655 = arith.constant 0 : i32
        %dma_start3A_2656 = tpu.memref_slice %arg6[%run_scoped3A_2645, %run_scoped3A_2646, %dma_start3A_2655] : memref<4x2x128xi32, #tpu.memory_space<vmem>> -> memref<1x1x128xi32, #tpu.memory_space<vmem>>
        %dma_start3A_2657 = tpu.memref_squeeze %dma_start3A_2656 : memref<1x1x128xi32, #tpu.memory_space<vmem>> -> memref<128xi32, #tpu.memory_space<vmem>>
        %dma_start3A_2658 = arith.constant 0 : i32
        %dma_start3A_2659 = arith.constant 0 : i32
        %dma_start3A_2660 = tpu.memref_slice %arg10[%dma_start3A_2658, %dma_start3A_2659] : memref<288x64xf32, #tpu.memory_space<vmem_shared>> -> memref<288x64xf32, #tpu.memory_space<vmem_shared>>
        tpu.enqueue_indirect_dma source(%dma_start3A_2654 : memref<128x64xf32, #tpu.memory_space<vmem>>) target(%dma_start3A_2660 : memref<288x64xf32, #tpu.memory_space<vmem_shared>>) offsets(%dma_start3A_2657 : memref<128xi32, #tpu.memory_space<vmem>>) semaphore(%run_scoped3A_2650 : memref<!tpu.dma_semaphore, #tpu.memory_space<semaphore_mem>>) {add = true}
        %dma_wait3A_2661 = arith.constant 0 : i32
        %dma_wait3A_2662 = arith.constant 0 : i32
        %dma_wait3A_2663 = tpu.memref_slice %arg5[%run_scoped3A_2644, %dma_wait3A_2661, %dma_wait3A_2662] : memref<4x256x64xf32, #tpu.memory_space<vmem>> -> memref<1x128x64xf32, #tpu.memory_space<vmem>>
        %dma_wait3A_2664 = tpu.memref_squeeze %dma_wait3A_2663 : memref<1x128x64xf32, #tpu.memory_space<vmem>> -> memref<128x64xf32, #tpu.memory_space<vmem>>
        %dma_wait3A_2665 = arith.constant 0 : i32
        %dma_wait3A_2666 = tpu.memref_slice %arg6[%run_scoped3A_2645, %run_scoped3A_2646, %dma_wait3A_2665] : memref<4x2x128xi32, #tpu.memory_space<vmem>> -> memref<1x1x128xi32, #tpu.memory_space<vmem>>
        %dma_wait3A_2667 = tpu.memref_squeeze %dma_wait3A_2666 : memref<1x1x128xi32, #tpu.memory_space<vmem>> -> memref<128xi32, #tpu.memory_space<vmem>>
        %dma_wait3A_2668 = arith.constant 0 : i32
        %dma_wait3A_2669 = arith.constant 0 : i32
        %dma_wait3A_2670 = tpu.memref_slice %arg10[%dma_wait3A_2668, %dma_wait3A_2669] : memref<288x64xf32, #tpu.memory_space<vmem_shared>> -> memref<288x64xf32, #tpu.memory_space<vmem_shared>>
        tpu.wait_indirect_dma semaphore(%run_scoped3A_2650 : memref<!tpu.dma_semaphore, #tpu.memory_space<semaphore_mem>>) src(%dma_wait3A_2664 : memref<128x64xf32, #tpu.memory_space<vmem>>) dst(%dma_wait3A_2670 : memref<288x64xf32, #tpu.memory_space<vmem_shared>>)
        tpu.yield
      }) : () -> ()
      %run_scoped3A_2647 = arith.constant 0 : i32
      %run_scoped3A_2648 = arith.constant 0 : i32
      %run_scoped3A_2649 = arith.constant 1 : i32
      "tpu.region"() ({
        %run_scoped3A_2650 = tpu.sem_alloc : memref<!tpu.dma_semaphore, #tpu.memory_space<semaphore_mem>>
        %dma_start3A_2651 = arith.constant 128 : i32
        %dma_start3A_2652 = arith.constant 0 : i32
        %dma_start3A_2653 = tpu.memref_slice %arg5[%run_scoped3A_2647, %dma_start3A_2651, %dma_start3A_2652] : memref<4x256x64xf32, #tpu.memory_space<vmem>> -> memref<1x128x64xf32, #tpu.memory_space<vmem>>
        %dma_start3A_2654 = tpu.memref_squeeze %dma_start3A_2653 : memref<1x128x64xf32, #tpu.memory_space<vmem>> -> memref<128x64xf32, #tpu.memory_space<vmem>>
        %dma_start3A_2655 = arith.constant 0 : i32
        %dma_start3A_2656 = tpu.memref_slice %arg6[%run_scoped3A_2648, %run_scoped3A_2649, %dma_start3A_2655] : memref<4x2x128xi32, #tpu.memory_space<vmem>> -> memref<1x1x128xi32, #tpu.memory_space<vmem>>
        %dma_start3A_2657 = tpu.memref_squeeze %dma_start3A_2656 : memref<1x1x128xi32, #tpu.memory_space<vmem>> -> memref<128xi32, #tpu.memory_space<vmem>>
        %dma_start3A_2658 = arith.constant 0 : i32
        %dma_start3A_2659 = arith.constant 0 : i32
        %dma_start3A_2660 = tpu.memref_slice %arg10[%dma_start3A_2658, %dma_start3A_2659] : memref<288x64xf32, #tpu.memory_space<vmem_shared>> -> memref<288x64xf32, #tpu.memory_space<vmem_shared>>
        tpu.enqueue_indirect_dma source(%dma_start3A_2654 : memref<128x64xf32, #tpu.memory_space<vmem>>) target(%dma_start3A_2660 : memref<288x64xf32, #tpu.memory_space<vmem_shared>>) offsets(%dma_start3A_2657 : memref<128xi32, #tpu.memory_space<vmem>>) semaphore(%run_scoped3A_2650 : memref<!tpu.dma_semaphore, #tpu.memory_space<semaphore_mem>>) {add = true}
        %dma_wait3A_2661 = arith.constant 128 : i32
        %dma_wait3A_2662 = arith.constant 0 : i32
        %dma_wait3A_2663 = tpu.memref_slice %arg5[%run_scoped3A_2647, %dma_wait3A_2661, %dma_wait3A_2662] : memref<4x256x64xf32, #tpu.memory_space<vmem>> -> memref<1x128x64xf32, #tpu.memory_space<vmem>>
        %dma_wait3A_2664 = tpu.memref_squeeze %dma_wait3A_2663 : memref<1x128x64xf32, #tpu.memory_space<vmem>> -> memref<128x64xf32, #tpu.memory_space<vmem>>
        %dma_wait3A_2665 = arith.constant 0 : i32
        %dma_wait3A_2666 = tpu.memref_slice %arg6[%run_scoped3A_2648, %run_scoped3A_2649, %dma_wait3A_2665] : memref<4x2x128xi32, #tpu.memory_space<vmem>> -> memref<1x1x128xi32, #tpu.memory_space<vmem>>
        %dma_wait3A_2667 = tpu.memref_squeeze %dma_wait3A_2666 : memref<1x1x128xi32, #tpu.memory_space<vmem>> -> memref<128xi32, #tpu.memory_space<vmem>>
        %dma_wait3A_2668 = arith.constant 0 : i32
        %dma_wait3A_2669 = arith.constant 0 : i32
        %dma_wait3A_2670 = tpu.memref_slice %arg10[%dma_wait3A_2668, %dma_wait3A_2669] : memref<288x64xf32, #tpu.memory_space<vmem_shared>> -> memref<288x64xf32, #tpu.memory_space<vmem_shared>>
        tpu.wait_indirect_dma semaphore(%run_scoped3A_2650 : memref<!tpu.dma_semaphore, #tpu.memory_space<semaphore_mem>>) src(%dma_wait3A_2664 : memref<128x64xf32, #tpu.memory_space<vmem>>) dst(%dma_wait3A_2670 : memref<288x64xf32, #tpu.memory_space<vmem_shared>>)
        tpu.yield
      }) : () -> ()
    } else {
    }
    %eq3A = arith.constant 15 : i32
    %eq3A_2621 = arith.cmpi eq, %arg1, %eq3A : i32
    %convert_element_type3A_2622 = arith.extui %eq3A_2621 : i1 to i32
    %cond3A_2623 = arith.constant 0 : i32
    %cond3A_2624 = arith.cmpi ne, %convert_element_type3A_2622, %cond3A_2623 : i32
    scf.if %cond3A_2624 {
      %run_scoped3A = arith.constant 0 : i32
      "tpu.region"() ({
        %run_scoped3A_2635 = tpu.sem_alloc : memref<!tpu.dma_semaphore, #tpu.memory_space<semaphore_mem>>
        %dma_start3A_2636 = arith.constant 0 : i32
        %dma_start3A_2637 = arith.constant 0 : i32
        %dma_start3A_2638 = tpu.memref_slice %arg5[%run_scoped3A, %dma_start3A_2636, %dma_start3A_2637] : memref<4x256x64xf32, #tpu.memory_space<vmem>> -> memref<1x128x64xf32, #tpu.memory_space<vmem>>
        %dma_start3A_2639 = tpu.memref_squeeze %dma_start3A_2638 : memref<1x128x64xf32, #tpu.memory_space<vmem>> -> memref<128x64xf32, #tpu.memory_space<vmem>>
        %dma_start3A_2640 = arith.constant 99840 : i32
        %dma_start3A_2641 = tpu.memref_slice %arg2[%dma_start3A_2640, %mul3A_0] : memref<100000x128xf32, #tpu.memory_space<hbm>> -> memref<128x64xf32, #tpu.memory_space<hbm>>
        %dma_start3A_2642 = arith.constant 0 : i32
        %dma_start3A_2643 = arith.constant 0 : i32
        %dma_start3A_2644 = tpu.memref_slice %arg5[%run_scoped3A, %dma_start3A_2642, %dma_start3A_2643] : memref<4x256x64xf32, #tpu.memory_space<vmem>> -> memref<1x128x64xf32, #tpu.memory_space<vmem>>
        %dma_start3A_2645 = tpu.memref_squeeze %dma_start3A_2644 : memref<1x128x64xf32, #tpu.memory_space<vmem>> -> memref<128x64xf32, #tpu.memory_space<vmem>>
        %dma_start3A_2646 = arith.constant 99840 : i32
        %dma_start3A_2647 = tpu.memref_slice %arg2[%dma_start3A_2646, %mul3A_0] : memref<100000x128xf32, #tpu.memory_space<hbm>> -> memref<128x64xf32, #tpu.memory_space<hbm>>
        tpu.enqueue_dma source(%dma_start3A_2647 : memref<128x64xf32, #tpu.memory_space<hbm>>) target(%dma_start3A_2645 : memref<128x64xf32, #tpu.memory_space<vmem>>) target_semaphore(%run_scoped3A_2635 : memref<!tpu.dma_semaphore, #tpu.memory_space<semaphore_mem>>)
        %dma_wait3A_2648 = arith.constant 0 : i32
        %dma_wait3A_2649 = arith.constant 0 : i32
        %dma_wait3A_2650 = tpu.memref_slice %arg5[%run_scoped3A, %dma_wait3A_2648, %dma_wait3A_2649] : memref<4x256x64xf32, #tpu.memory_space<vmem>> -> memref<1x128x64xf32, #tpu.memory_space<vmem>>
        %dma_wait3A_2651 = tpu.memref_squeeze %dma_wait3A_2650 : memref<1x128x64xf32, #tpu.memory_space<vmem>> -> memref<128x64xf32, #tpu.memory_space<vmem>>
        %dma_wait3A_2652 = arith.constant 99840 : i32
        %dma_wait3A_2653 = tpu.memref_slice %arg2[%dma_wait3A_2652, %mul3A_0] : memref<100000x128xf32, #tpu.memory_space<hbm>> -> memref<128x64xf32, #tpu.memory_space<hbm>>
        %dma_wait3A_2654 = arith.constant 0 : i32
        %dma_wait3A_2655 = arith.constant 0 : i32
        %dma_wait3A_2656 = tpu.memref_slice %arg5[%run_scoped3A, %dma_wait3A_2654, %dma_wait3A_2655] : memref<4x256x64xf32, #tpu.memory_space<vmem>> -> memref<1x128x64xf32, #tpu.memory_space<vmem>>
        %dma_wait3A_2657 = tpu.memref_squeeze %dma_wait3A_2656 : memref<1x128x64xf32, #tpu.memory_space<vmem>> -> memref<128x64xf32, #tpu.memory_space<vmem>>
        %dma_wait3A_2658 = arith.constant 99840 : i32
        %dma_wait3A_2659 = tpu.memref_slice %arg2[%dma_wait3A_2658, %mul3A_0] : memref<100000x128xf32, #tpu.memory_space<hbm>> -> memref<128x64xf32, #tpu.memory_space<hbm>>
        tpu.wait_dma2 semaphore(%run_scoped3A_2635 : memref<!tpu.dma_semaphore, #tpu.memory_space<semaphore_mem>>) src(%dma_wait3A_2659 : memref<128x64xf32, #tpu.memory_space<hbm>>) dst(%dma_wait3A_2657 : memref<128x64xf32, #tpu.memory_space<vmem>>)
        tpu.yield
      }) : () -> ()
      %run_scoped3A_2630 = arith.constant 0 : i32
      %run_scoped3A_2631 = arith.constant 0 : i32
      "tpu.region"() ({
        %run_scoped3A_2635 = tpu.sem_alloc : memref<!tpu.dma_semaphore, #tpu.memory_space<semaphore_mem>>
        %dma_start3A_2636 = arith.constant 0 : i32
        %dma_start3A_2637 = tpu.memref_slice %arg6[%run_scoped3A_2630, %run_scoped3A_2631, %dma_start3A_2636] : memref<4x2x128xi32, #tpu.memory_space<vmem>> -> memref<1x1x128xi32, #tpu.memory_space<vmem>>
        %dma_start3A_2638 = tpu.memref_squeeze %dma_start3A_2637 : memref<1x1x128xi32, #tpu.memory_space<vmem>> -> memref<128xi32, #tpu.memory_space<vmem>>
        %dma_start3A_2639 = arith.constant 99840 : i32
        %dma_start3A_2640 = tpu.memref_slice %arg3[%dma_start3A_2639] : memref<100000xi32, #tpu.memory_space<hbm>> -> memref<128xi32, #tpu.memory_space<hbm>>
        %dma_start3A_2641 = arith.constant 0 : i32
        %dma_start3A_2642 = tpu.memref_slice %arg6[%run_scoped3A_2630, %run_scoped3A_2631, %dma_start3A_2641] : memref<4x2x128xi32, #tpu.memory_space<vmem>> -> memref<1x1x128xi32, #tpu.memory_space<vmem>>
        %dma_start3A_2643 = tpu.memref_squeeze %dma_start3A_2642 : memref<1x1x128xi32, #tpu.memory_space<vmem>> -> memref<128xi32, #tpu.memory_space<vmem>>
        %dma_start3A_2644 = arith.constant 99840 : i32
        %dma_start3A_2645 = tpu.memref_slice %arg3[%dma_start3A_2644] : memref<100000xi32, #tpu.memory_space<hbm>> -> memref<128xi32, #tpu.memory_space<hbm>>
        tpu.enqueue_dma source(%dma_start3A_2645 : memref<128xi32, #tpu.memory_space<hbm>>) target(%dma_start3A_2643 : memref<128xi32, #tpu.memory_space<vmem>>) target_semaphore(%run_scoped3A_2635 : memref<!tpu.dma_semaphore, #tpu.memory_space<semaphore_mem>>)
        %dma_wait3A_2646 = arith.constant 0 : i32
        %dma_wait3A_2647 = tpu.memref_slice %arg6[%run_scoped3A_2630, %run_scoped3A_2631, %dma_wait3A_2646] : memref<4x2x128xi32, #tpu.memory_space<vmem>> -> memref<1x1x128xi32, #tpu.memory_space<vmem>>
        %dma_wait3A_2648 = tpu.memref_squeeze %dma_wait3A_2647 : memref<1x1x128xi32, #tpu.memory_space<vmem>> -> memref<128xi32, #tpu.memory_space<vmem>>
        %dma_wait3A_2649 = arith.constant 99840 : i32
        %dma_wait3A_2650 = tpu.memref_slice %arg3[%dma_wait3A_2649] : memref<100000xi32, #tpu.memory_space<hbm>> -> memref<128xi32, #tpu.memory_space<hbm>>
        %dma_wait3A_2651 = arith.constant 0 : i32
        %dma_wait3A_2652 = tpu.memref_slice %arg6[%run_scoped3A_2630, %run_scoped3A_2631, %dma_wait3A_2651] : memref<4x2x128xi32, #tpu.memory_space<vmem>> -> memref<1x1x128xi32, #tpu.memory_space<vmem>>
        %dma_wait3A_2653 = tpu.memref_squeeze %dma_wait3A_2652 : memref<1x1x128xi32, #tpu.memory_space<vmem>> -> memref<128xi32, #tpu.memory_space<vmem>>
        %dma_wait3A_2654 = arith.constant 99840 : i32
        %dma_wait3A_2655 = tpu.memref_slice %arg3[%dma_wait3A_2654] : memref<100000xi32, #tpu.memory_space<hbm>> -> memref<128xi32, #tpu.memory_space<hbm>>
        tpu.wait_dma2 semaphore(%run_scoped3A_2635 : memref<!tpu.dma_semaphore, #tpu.memory_space<semaphore_mem>>) src(%dma_wait3A_2655 : memref<128xi32, #tpu.memory_space<hbm>>) dst(%dma_wait3A_2653 : memref<128xi32, #tpu.memory_space<vmem>>)
        tpu.yield
      }) : () -> ()
      %run_scoped3A_2632 = arith.constant 0 : i32
      %run_scoped3A_2633 = arith.constant 0 : i32
      %run_scoped3A_2634 = arith.constant 0 : i32
      "tpu.region"() ({
        %run_scoped3A_2635 = tpu.sem_alloc : memref<!tpu.dma_semaphore, #tpu.memory_space<semaphore_mem>>
        %dma_start3A_2636 = arith.constant 0 : i32
        %dma_start3A_2637 = arith.constant 0 : i32
        %dma_start3A_2638 = tpu.memref_slice %arg5[%run_scoped3A_2632, %dma_start3A_2636, %dma_start3A_2637] : memref<4x256x64xf32, #tpu.memory_space<vmem>> -> memref<1x128x64xf32, #tpu.memory_space<vmem>>
        %dma_start3A_2639 = tpu.memref_squeeze %dma_start3A_2638 : memref<1x128x64xf32, #tpu.memory_space<vmem>> -> memref<128x64xf32, #tpu.memory_space<vmem>>
        %dma_start3A_2640 = arith.constant 0 : i32
        %dma_start3A_2641 = tpu.memref_slice %arg6[%run_scoped3A_2633, %run_scoped3A_2634, %dma_start3A_2640] : memref<4x2x128xi32, #tpu.memory_space<vmem>> -> memref<1x1x128xi32, #tpu.memory_space<vmem>>
        %dma_start3A_2642 = tpu.memref_squeeze %dma_start3A_2641 : memref<1x1x128xi32, #tpu.memory_space<vmem>> -> memref<128xi32, #tpu.memory_space<vmem>>
        %dma_start3A_2643 = arith.constant 0 : i32
        %dma_start3A_2644 = arith.constant 0 : i32
        %dma_start3A_2645 = tpu.memref_slice %arg10[%dma_start3A_2643, %dma_start3A_2644] : memref<288x64xf32, #tpu.memory_space<vmem_shared>> -> memref<288x64xf32, #tpu.memory_space<vmem_shared>>
        tpu.enqueue_indirect_dma source(%dma_start3A_2639 : memref<128x64xf32, #tpu.memory_space<vmem>>) target(%dma_start3A_2645 : memref<288x64xf32, #tpu.memory_space<vmem_shared>>) offsets(%dma_start3A_2642 : memref<128xi32, #tpu.memory_space<vmem>>) semaphore(%run_scoped3A_2635 : memref<!tpu.dma_semaphore, #tpu.memory_space<semaphore_mem>>) {add = true}
        %dma_wait3A_2646 = arith.constant 0 : i32
        %dma_wait3A_2647 = arith.constant 0 : i32
        %dma_wait3A_2648 = tpu.memref_slice %arg5[%run_scoped3A_2632, %dma_wait3A_2646, %dma_wait3A_2647] : memref<4x256x64xf32, #tpu.memory_space<vmem>> -> memref<1x128x64xf32, #tpu.memory_space<vmem>>
        %dma_wait3A_2649 = tpu.memref_squeeze %dma_wait3A_2648 : memref<1x128x64xf32, #tpu.memory_space<vmem>> -> memref<128x64xf32, #tpu.memory_space<vmem>>
        %dma_wait3A_2650 = arith.constant 0 : i32
        %dma_wait3A_2651 = tpu.memref_slice %arg6[%run_scoped3A_2633, %run_scoped3A_2634, %dma_wait3A_2650] : memref<4x2x128xi32, #tpu.memory_space<vmem>> -> memref<1x1x128xi32, #tpu.memory_space<vmem>>
        %dma_wait3A_2652 = tpu.memref_squeeze %dma_wait3A_2651 : memref<1x1x128xi32, #tpu.memory_space<vmem>> -> memref<128xi32, #tpu.memory_space<vmem>>
        %dma_wait3A_2653 = arith.constant 0 : i32
        %dma_wait3A_2654 = arith.constant 0 : i32
        %dma_wait3A_2655 = tpu.memref_slice %arg10[%dma_wait3A_2653, %dma_wait3A_2654] : memref<288x64xf32, #tpu.memory_space<vmem_shared>> -> memref<288x64xf32, #tpu.memory_space<vmem_shared>>
        tpu.wait_indirect_dma semaphore(%run_scoped3A_2635 : memref<!tpu.dma_semaphore, #tpu.memory_space<semaphore_mem>>) src(%dma_wait3A_2649 : memref<128x64xf32, #tpu.memory_space<vmem>>) dst(%dma_wait3A_2655 : memref<288x64xf32, #tpu.memory_space<vmem_shared>>)
        tpu.yield
      }) : () -> ()
      "tpu.region"() ({
        %run_scoped3A_2635 = tpu.sem_alloc : memref<!tpu.dma_semaphore, #tpu.memory_space<semaphore_mem>>
        %dma_start3A_2636 = arith.constant 99968 : i32
        %dma_start3A_2637 = tpu.memref_slice %arg2[%dma_start3A_2636, %mul3A_0] : memref<100000x128xf32, #tpu.memory_space<hbm>> -> memref<32x64xf32, #tpu.memory_space<hbm>>
        %dma_start3A_2638 = arith.constant 99968 : i32
        %dma_start3A_2639 = tpu.memref_slice %arg2[%dma_start3A_2638, %mul3A_0] : memref<100000x128xf32, #tpu.memory_space<hbm>> -> memref<32x64xf32, #tpu.memory_space<hbm>>
        tpu.enqueue_dma source(%dma_start3A_2639 : memref<32x64xf32, #tpu.memory_space<hbm>>) target(%arg8 : memref<32x64xf32, #tpu.memory_space<vmem>>) target_semaphore(%run_scoped3A_2635 : memref<!tpu.dma_semaphore, #tpu.memory_space<semaphore_mem>>)
        %dma_wait3A_2640 = arith.constant 99968 : i32
        %dma_wait3A_2641 = tpu.memref_slice %arg2[%dma_wait3A_2640, %mul3A_0] : memref<100000x128xf32, #tpu.memory_space<hbm>> -> memref<32x64xf32, #tpu.memory_space<hbm>>
        %dma_wait3A_2642 = arith.constant 99968 : i32
        %dma_wait3A_2643 = tpu.memref_slice %arg2[%dma_wait3A_2642, %mul3A_0] : memref<100000x128xf32, #tpu.memory_space<hbm>> -> memref<32x64xf32, #tpu.memory_space<hbm>>
        tpu.wait_dma2 semaphore(%run_scoped3A_2635 : memref<!tpu.dma_semaphore, #tpu.memory_space<semaphore_mem>>) src(%dma_wait3A_2643 : memref<32x64xf32, #tpu.memory_space<hbm>>) dst(%arg8 : memref<32x64xf32, #tpu.memory_space<vmem>>)
        tpu.yield
      }) : () -> ()
      "tpu.region"() ({
        %run_scoped3A_2635 = tpu.sem_alloc : memref<!tpu.dma_semaphore, #tpu.memory_space<semaphore_mem>>
        %dma_start3A_2636 = arith.constant 99968 : i32
        %dma_start3A_2637 = tpu.memref_slice %arg3[%dma_start3A_2636] : memref<100000xi32, #tpu.memory_space<hbm>> -> memref<32xi32, #tpu.memory_space<hbm>>
        %dma_start3A_2638 = arith.constant 99968 : i32
        %dma_start3A_2639 = tpu.memref_slice %arg3[%dma_start3A_2638] : memref<100000xi32, #tpu.memory_space<hbm>> -> memref<32xi32, #tpu.memory_space<hbm>>
        tpu.enqueue_dma source(%dma_start3A_2639 : memref<32xi32, #tpu.memory_space<hbm>>) target(%arg7 : memref<32xi32, #tpu.memory_space<vmem>>) target_semaphore(%run_scoped3A_2635 : memref<!tpu.dma_semaphore, #tpu.memory_space<semaphore_mem>>)
        %dma_wait3A_2640 = arith.constant 99968 : i32
        %dma_wait3A_2641 = tpu.memref_slice %arg3[%dma_wait3A_2640] : memref<100000xi32, #tpu.memory_space<hbm>> -> memref<32xi32, #tpu.memory_space<hbm>>
        %dma_wait3A_2642 = arith.constant 99968 : i32
        %dma_wait3A_2643 = tpu.memref_slice %arg3[%dma_wait3A_2642] : memref<100000xi32, #tpu.memory_space<hbm>> -> memref<32xi32, #tpu.memory_space<hbm>>
        tpu.wait_dma2 semaphore(%run_scoped3A_2635 : memref<!tpu.dma_semaphore, #tpu.memory_space<semaphore_mem>>) src(%dma_wait3A_2643 : memref<32xi32, #tpu.memory_space<hbm>>) dst(%arg7 : memref<32xi32, #tpu.memory_space<vmem>>)
        tpu.yield
      }) : () -> ()
      "tpu.region"() ({
        %run_scoped3A_2635 = tpu.sem_alloc : memref<!tpu.dma_semaphore, #tpu.memory_space<semaphore_mem>>
        %dma_start3A_2636 = arith.constant 0 : i32
        %dma_start3A_2637 = arith.constant 0 : i32
        %dma_start3A_2638 = tpu.memref_slice %arg10[%dma_start3A_2636, %dma_start3A_2637] : memref<288x64xf32, #tpu.memory_space<vmem_shared>> -> memref<288x64xf32, #tpu.memory_space<vmem_shared>>
        tpu.enqueue_indirect_dma source(%arg8 : memref<32x64xf32, #tpu.memory_space<vmem>>) target(%dma_start3A_2638 : memref<288x64xf32, #tpu.memory_space<vmem_shared>>) offsets(%arg7 : memref<32xi32, #tpu.memory_space<vmem>>) semaphore(%run_scoped3A_2635 : memref<!tpu.dma_semaphore, #tpu.memory_space<semaphore_mem>>) {add = true}
        %dma_wait3A_2639 = arith.constant 0 : i32
        %dma_wait3A_2640 = arith.constant 0 : i32
        %dma_wait3A_2641 = tpu.memref_slice %arg10[%dma_wait3A_2639, %dma_wait3A_2640] : memref<288x64xf32, #tpu.memory_space<vmem_shared>> -> memref<288x64xf32, #tpu.memory_space<vmem_shared>>
        tpu.wait_indirect_dma semaphore(%run_scoped3A_2635 : memref<!tpu.dma_semaphore, #tpu.memory_space<semaphore_mem>>) src(%arg8 : memref<32x64xf32, #tpu.memory_space<vmem>>) dst(%dma_wait3A_2641 : memref<288x64xf32, #tpu.memory_space<vmem_shared>>)
        tpu.yield
      }) : () -> ()
    } else {
    }
    %barrier3A_2625 = arith.constant 0 : index
    tpu.barrier barrier_id(%barrier3A_2625)
    %mul3A_2626 = arith.constant 16 : i32
    %mul3A_2627 = arith.muli %arg1, %mul3A_2626 : i32
    "tpu.region"() ({
      %run_scoped3A = tpu.sem_alloc : memref<!tpu.dma_semaphore, #tpu.memory_space<semaphore_mem>>
      %dma_start3A_2630 = arith.constant 0 : i32
      %dma_start3A_2631 = tpu.memref_slice %arg10[%mul3A_2627, %dma_start3A_2630] : memref<288x64xf32, #tpu.memory_space<vmem_shared>> -> memref<16x64xf32, #tpu.memory_space<vmem_shared>>
      %dma_start3A_2632 = arith.constant 0 : i32
      %dma_start3A_2633 = tpu.memref_slice %arg10[%mul3A_2627, %dma_start3A_2632] : memref<288x64xf32, #tpu.memory_space<vmem_shared>> -> memref<16x64xf32, #tpu.memory_space<vmem_shared>>
      tpu.enqueue_dma source(%dma_start3A_2633 : memref<16x64xf32, #tpu.memory_space<vmem_shared>>) target(%arg9 : memref<16x64xf32, #tpu.memory_space<vmem>>) target_semaphore(%run_scoped3A : memref<!tpu.dma_semaphore, #tpu.memory_space<semaphore_mem>>)
      %dma_wait3A_2634 = arith.constant 0 : i32
      %dma_wait3A_2635 = tpu.memref_slice %arg10[%mul3A_2627, %dma_wait3A_2634] : memref<288x64xf32, #tpu.memory_space<vmem_shared>> -> memref<16x64xf32, #tpu.memory_space<vmem_shared>>
      %dma_wait3A_2636 = arith.constant 0 : i32
      %dma_wait3A_2637 = tpu.memref_slice %arg10[%mul3A_2627, %dma_wait3A_2636] : memref<288x64xf32, #tpu.memory_space<vmem_shared>> -> memref<16x64xf32, #tpu.memory_space<vmem_shared>>
      tpu.wait_dma2 semaphore(%run_scoped3A : memref<!tpu.dma_semaphore, #tpu.memory_space<semaphore_mem>>) src(%dma_wait3A_2637 : memref<16x64xf32, #tpu.memory_space<vmem_shared>>) dst(%arg9 : memref<16x64xf32, #tpu.memory_space<vmem>>)
      tpu.yield
    }) : () -> ()
    %mul3A_2628 = arith.constant 16 : i32
    %mul3A_2629 = arith.muli %arg1, %mul3A_2628 : i32
    "tpu.region"() ({
      %run_scoped3A = tpu.sem_alloc : memref<!tpu.dma_semaphore, #tpu.memory_space<semaphore_mem>>
      %dma_start3A_2630 = tpu.memref_slice %arg4[%mul3A_2629, %mul3A_0] : memref<256x128xf32, #tpu.memory_space<hbm>> -> memref<16x64xf32, #tpu.memory_space<hbm>>
      %dma_start3A_2631 = tpu.memref_slice %arg4[%mul3A_2629, %mul3A_0] : memref<256x128xf32, #tpu.memory_space<hbm>> -> memref<16x64xf32, #tpu.memory_space<hbm>>
      tpu.enqueue_dma source(%arg9 : memref<16x64xf32, #tpu.memory_space<vmem>>) target(%dma_start3A_2631 : memref<16x64xf32, #tpu.memory_space<hbm>>) target_semaphore(%run_scoped3A : memref<!tpu.dma_semaphore, #tpu.memory_space<semaphore_mem>>)
      %dma_wait3A_2632 = tpu.memref_slice %arg4[%mul3A_2629, %mul3A_0] : memref<256x128xf32, #tpu.memory_space<hbm>> -> memref<16x64xf32, #tpu.memory_space<hbm>>
      %dma_wait3A_2633 = tpu.memref_slice %arg4[%mul3A_2629, %mul3A_0] : memref<256x128xf32, #tpu.memory_space<hbm>> -> memref<16x64xf32, #tpu.memory_space<hbm>>
      tpu.wait_dma2 semaphore(%run_scoped3A : memref<!tpu.dma_semaphore, #tpu.memory_space<semaphore_mem>>) src(%arg9 : memref<16x64xf32, #tpu.memory_space<vmem>>) dst(%dma_wait3A_2633 : memref<16x64xf32, #tpu.memory_space<hbm>>)
      tpu.yield
    }) : () -> ()
    return
  }
}

module attributes {stable_mosaic.version = 14 : i64} {
  func.func @_tc_body(%arg0: i32, %arg1: memref<1x1x512xi32, #tpu.memory_space<vmem>>, %arg2: memref<512x128xf32, #tpu.memory_space<vmem>>, %arg3: memref<256x128xf32, #tpu.memory_space<vmem>>) attributes {dimension_semantics = [#tpu.dimension_semantics<arbitrary>], iteration_bounds = array<i64: 48>, scalar_prefetch = 0 : i64, scratch_operands = 0 : i64, tpu.core_type = #tpu.core_type<tc>, window_params = [{transform_indices = @transform_0, window_bounds = array<i64: 1, 1, 512>}, {transform_indices = @transform_1, window_bounds = array<i64: 512, 128>}, {pipeline_mode = #tpu.pipeline_mode<synchronous>, transform_indices = @transform_2, window_bounds = array<i64: 256, 128>}]} {
    %get3A = arith.constant 0 : index
    %get3A_0 = arith.constant 0 : index
    %get3A_1 = arith.constant 0 : index
    %get3A_2 = vector.load %arg1[%get3A, %get3A_0, %get3A_1] : memref<1x1x512xi32, #tpu.memory_space<vmem>>, vector<1x1x512xi32>
    %get3A_3 = vector.shape_cast %get3A_2 : vector<1x1x512xi32> to vector<512xi32>
    %iota3A = tpu.iota {dimensions = array<i32: 0>} : vector<256x512xi32>
    %broadcast_in_dim3A = vector.shape_cast %get3A_3 : vector<512xi32> to vector<1x512xi32>
    %eq3A = vector.broadcast %broadcast_in_dim3A : vector<1x512xi32> to vector<256x512xi32>
    %eq3A_4 = arith.cmpi eq, %iota3A, %eq3A : vector<256x512xi32>
    %convert_element_type3A = arith.extui %eq3A_4 : vector<256x512xi1> to vector<256x512xi32>
    %convert_element_type3A_5 = arith.sitofp %convert_element_type3A : vector<256x512xi32> to vector<256x512xf32>
    %get3A_6 = arith.constant 0 : index
    %get3A_7 = arith.constant 0 : index
    %get3A_8 = vector.load %arg2[%get3A_6, %get3A_7] : memref<512x128xf32, #tpu.memory_space<vmem>>, vector<512x128xf32>
    %dot_general3A = arith.constant dense<0.000000e+00> : vector<256x128xf32>
    %dot_general3A_9 = tpu.matmul %convert_element_type3A_5, %get3A_8, %dot_general3A {dimension_numbers = #tpu.dot_dimension_numbers<[1], [0], [0], [1], [0, 0, 1, 1], [], []>, transpose_lhs_hint = false} : vector<256x512xf32>, vector<512x128xf32>, vector<256x128xf32> -> vector<256x128xf32>
    %eq3A_10 = arith.constant 0 : i32
    %eq3A_11 = arith.cmpi eq, %arg0, %eq3A_10 : i32
    %convert_element_type3A_12 = arith.extui %eq3A_11 : i1 to i32
    %cond3A = arith.constant 0 : i32
    %cond3A_13 = arith.cmpi ne, %convert_element_type3A_12, %cond3A : i32
    scf.if %cond3A_13 {
      %swap3A = arith.constant 0 : index
      %swap3A_18 = arith.constant 0 : index
      %swap3A_19 = vector.load %arg3[%swap3A, %swap3A_18] : memref<256x128xf32, #tpu.memory_space<vmem>>, vector<256x128xf32>
      tpu.vector_store %arg3[%swap3A, %swap3A_18], %dot_general3A_9 {strides = array<i32>} : memref<256x128xf32, #tpu.memory_space<vmem>>, vector<256x128xf32>,
    } else {
    }
    %gt3A = arith.constant 0 : i32
    %gt3A_14 = arith.cmpi sgt, %arg0, %gt3A : i32
    %convert_element_type3A_15 = arith.extui %gt3A_14 : i1 to i32
    %cond3A_16 = arith.constant 0 : i32
    %cond3A_17 = arith.cmpi ne, %convert_element_type3A_15, %cond3A_16 : i32
    scf.if %cond3A_17 {
      %get3A_18 = arith.constant 0 : index
      %get3A_19 = arith.constant 0 : index
      %get3A_20 = vector.load %arg3[%get3A_18, %get3A_19] : memref<256x128xf32, #tpu.memory_space<vmem>>, vector<256x128xf32>
      %add3A = arith.addf %get3A_20, %dot_general3A_9 : vector<256x128xf32>
      %swap3A = arith.constant 0 : index
      %swap3A_21 = arith.constant 0 : index
      %swap3A_22 = vector.load %arg3[%swap3A, %swap3A_21] : memref<256x128xf32, #tpu.memory_space<vmem>>, vector<256x128xf32>
      tpu.vector_store %arg3[%swap3A, %swap3A_21], %add3A {strides = array<i32>} : memref<256x128xf32, #tpu.memory_space<vmem>>, vector<256x128xf32>,
    } else {
    }
    return
  }
  func.func @transform_0(%arg0: i32) -> (i32, i32, i32) {
    %c0_i32 = arith.constant 0 : i32
    %c0_i32_0 = arith.constant 0 : i32
    %c0_i32_1 = arith.constant 0 : i32
    return %arg0, %c0_i32, %c0_i32_0 : i32, i32, i32
  }
  func.func @transform_1(%arg0: i32) -> (i32, i32) {
    %c0_i32 = arith.constant 0 : i32
    %c0_i32_0 = arith.constant 0 : i32
    return %arg0, %c0_i32 : i32, i32
  }
  func.func @transform_2(%arg0: i32) -> (i32, i32) {
    %c0_i32 = arith.constant 0 : i32
    %c0_i32_0 = arith.constant 0 : i32
    %c0_i32_1 = arith.constant 0 : i32
    return %c0_i32, %c0_i32_0 : i32, i32
  }
}

</mosaic_0001>

<sc_bundles>
// kernel: kernel.4.cloned.1.call-start
scs
__scs_entry_jumppad:
0x0: {  	(pc) =	sbr.rel $0x88, $3  }
0x1: {  	(tag) =	ssettag $0x0;
	lr =	simm.s32 $0x1  }
0x2: {  	[smem:$0x3F9F] =	sst lr;
	_ =	strace $0xD0000000  }
0x3: {  	_ = 	snop  }
0x4: {  	_ = 	snop  }
0x5: {  	_ = 	snop  }
0x6: {  	_ = 	snop  }
0x7: {  	_ = 	snop  }
__scs_overlays_trampoline_lowered:
0x8: {  	[smem:$0x3FAE] =	sst s0  }
0x9: {  	[smem:$0x3FAF] =	sst s1  }
0xa: {  	[smem:$0x3FB0] =	sst s2  }
0xb: {  	[smem:$0x3FB1] =	sst s3  }
0xc: {  	[smem:$0x3FB2] =	sst s4  }
0xd: {  	[smem:$0x3FB3] =	sst s5  }
0xe: {  	[smem:$0x3FB4] =	sst s6  }
0xf: {  	[smem:$0x3FB5] =	sst s7  }
0x10: {  	[smem:$0x3FB6] =	sst s8  }
0x11: {  	[smem:$0x3FB7] =	sst s9;
	s0 =	simm.s32 @!p0 $0x0  }
0x12: {  	s1 =	sld [smem:$0x3F9D];
	s0 =	simm.s32 @p0 $0x1  }
0x13: {  	[smem:$0x3FB8] =	sst s0;
	s0 =	simm.s32 @!p1 $0x0  }
0x14: {  	s2 =	sld [smem:$0x3F9C];
	s0 =	simm.s32 @p1 $0x1  }
0x15: {  	[smem:$0x3FB9] =	sst s0;
	s0 =	simm.s32 @!p2 $0x0  }
0x16: {  	s3 =	sld [smem:$0x3FDB];
	s0 =	simm.s32 @p2 $0x1  }
0x17: {  	s4 =	simm.s32 $0x1BF5;
	[smem:$0x3FBB] =	sst s0  }
0x18: {  	s0 =	sld [smem:$0x3F9E];
	_ =	swait.ge [sflag:s4], $0x0  }
0x19: {  	s7 =	sld [smem:$0x3F9F]  }
0x1a: {  	s8 =	sadd.s32 $0xFFFFE003, lr  }
0x1b: {  	s9 =	sadd.s32 $0xFFFFFEF7, lr;
	s5 =	simm.s32 $0xFFFFFFFF;
	p2 =	slt.u32 s8, $0xFFFFF086  }
0x1c: {  	p1 =	slt.u32 s9, $0xF7A;
	s5 =	simm.s32 @!p2 $0x0  }
0x1d: {  	s5 =	simm.s32 @p1 $0x1;
	p0 =	seq.s32 s7, s2  }
0x1e: {  	s7 =	smul.u32 @!p0 $0xF7A, s2;
	p2 =	seq.s32 @!p0 s5, $0x0  }
0x1f: {  	s9 =	smul.u32 $0xF7A, s1;
	s8 =	simm.s32 @!p0 $0x1BF5;
	p2 =	por !p2, p0  }
0x20: {  	[sflag:s8] =	ssyncset.s32 @!p0 $0xFFFFF086;
	s6 =	sadd.s32 @!p0 s3, s7;
	s7 =	simm.s32 @!p0 $0x108  }
0x21: {  	s3 =	sadd.s32 s3, s9;
	s6 =	sadd.s32 @!p0 $0x88, s6;
	s7 =	simm.s32 @p2 $0x1082  }
0x22: {  	[simem:s7], [sflag:s8] =	dma.local @!p0 [hbm:s6], $0xF7A  }
0x23: {  	s9 =	sor.u32 $0xD0000000, s2;
	s6 =	simm.s32 $0x108;
	_ =	swait.ge @!p0 [sflag:s8], $0x0  }
0x24: {  	s3 =	sadd.s32 $0x88, s3;
	s6 =	simm.s32 @!p1 $0x1082;
	[sflag:s4] =	ssyncset.s32 $0xFFFFF086  }
0x25: {  	[simem:s6], [sflag:s4] =	dma.local [hbm:s3], $0xF7A  }
0x26: {  	[smem:$0x3F9F] =	sst s1;
	(tag) =	ssettag s2;
	_ =	strace s9  }
0x27: {  	s1 =	sld [smem:$0x3FAF]  }
0x28: {  	s2 =	sld [smem:$0x3FB0]  }
0x29: {  	s4 =	sld [smem:$0x3FB2]  }
0x2a: {  	p0 =	seq.s32 s5, $0x0;
	s5 =	sld [smem:$0x3FB3]  }
0x2b: {  	s6 =	sld [smem:$0x3FB4]  }
0x2c: {  	s7 =	sld [smem:$0x3FB5]  }
0x2d: {  	s3 =	simm.s32 $0x108;
	s8 =	sld [smem:$0x3FB6]  }
0x2e: {  	s3 =	simm.s32 @!p0 $0x1082;
	s9 =	sld [smem:$0x3FB7]  }
0x2f: {  	lr =	sadd.s32 s0, s3;
	s0 =	sld [smem:$0x3FAE]  }
0x30: {  	s3 =	sld [smem:$0x3FB1]  }
0x31: {  	[smem:$0x3FBA] =	sst s10  }
0x32: {  	s10 =	sld [smem:$0x3FB8];
	_ =	sdelay $0x3  }
0x33: {  	p0 =	seq.s32 s10, $0x1;
	s10 =	sld [smem:$0x3FBA];
	_ =	sdelay $0x3  }
0x34: {  	[smem:$0x3FBA] =	sst s10  }
0x35: {  	s10 =	sld [smem:$0x3FB9];
	_ =	sdelay $0x3  }
0x36: {  	p1 =	seq.s32 s10, $0x1;
	s10 =	sld [smem:$0x3FBA];
	_ =	sdelay $0x3  }
0x37: {  	[smem:$0x3FBA] =	sst s10  }
0x38: {  	s10 =	sld [smem:$0x3FBB]  }
0x39: {  	_ = 	snop;
	(pc) =	sbr.ind lr, $3  }
0x3a: {  	_ = 	snop  }
0x3b: {  	_ = 	snop  }
0x3c: {  	p2 =	seq.s32 s10, $0x1;
	s10 =	sld [smem:$0x3FBA]  }
0x3d: {  	_ =	shalt  }
0x3e: {  	_ =	shalt  }
0x3f: {  	_ =	shalt  }
0x40: {  	_ =	shalt  }
0x41: {  	_ =	shalt  }
0x42: {  	_ =	shalt  }
0x43: {  	_ =	shalt  }
0x44: {  	_ =	shalt  }
0x45: {  	_ =	shalt  }
0x46: {  	_ =	shalt  }
0x47: {  	_ =	shalt  }
0x48: {  	_ =	shalt  }
0x49: {  	_ =	shalt  }
0x4a: {  	_ =	shalt  }
0x4b: {  	_ =	shalt  }
0x4c: {  	_ =	shalt  }
0x4d: {  	_ =	shalt  }
0x4e: {  	_ =	shalt  }
0x4f: {  	_ =	shalt  }
0x50: {  	_ =	shalt  }
0x51: {  	_ =	shalt  }
0x52: {  	_ =	shalt  }
0x53: {  	_ =	shalt  }
0x54: {  	_ =	shalt  }
0x55: {  	_ =	shalt  }
0x56: {  	_ =	shalt  }
0x57: {  	_ =	shalt  }
0x58: {  	_ =	shalt  }
0x59: {  	_ =	shalt  }
0x5a: {  	_ =	shalt  }
0x5b: {  	_ =	shalt  }
0x5c: {  	_ =	shalt  }
0x5d: {  	_ =	shalt  }
0x5e: {  	_ =	shalt  }
0x5f: {  	_ =	shalt  }
0x60: {  	_ =	shalt  }
0x61: {  	_ =	shalt  }
0x62: {  	_ =	shalt  }
0x63: {  	_ =	shalt  }
0x64: {  	_ =	shalt  }
0x65: {  	_ =	shalt  }
0x66: {  	_ =	shalt  }
0x67: {  	_ =	shalt  }
0x68: {  	_ =	shalt  }
0x69: {  	_ =	shalt  }
0x6a: {  	_ =	shalt  }
0x6b: {  	_ =	shalt  }
0x6c: {  	_ =	shalt  }
0x6d: {  	_ =	shalt  }
0x6e: {  	_ =	shalt  }
0x6f: {  	_ =	shalt  }
0x70: {  	_ =	shalt  }
0x71: {  	_ =	shalt  }
0x72: {  	_ =	shalt  }
0x73: {  	_ =	shalt  }
0x74: {  	_ =	shalt  }
0x75: {  	_ =	shalt  }
0x76: {  	_ =	shalt  }
0x77: {  	_ =	shalt  }
0x78: {  	_ =	shalt  }
0x79: {  	_ =	shalt  }
0x7a: {  	_ =	shalt  }
0x7b: {  	_ =	shalt  }
0x7c: {  	_ =	shalt  }
0x7d: {  	_ =	shalt  }
0x7e: {  	_ =	shalt  }
0x7f: {  	_ =	shalt  }
0x80: {  	_ =	shalt  }
0x81: {  	_ =	shalt  }
0x82: {  	_ =	shalt  }
0x83: {  	_ =	shalt  }
0x84: {  	_ =	shalt  }
0x85: {  	_ =	shalt  }
0x86: {  	_ =	shalt  }
0x87: {  	_ =	shalt  }
.Lfunc_end0:
.L_simem_size_0:
called_computation_lowered:
.L_overlay_start_0:
0x88: {  	s2 =	sld [smem:$0x3FD9]  }
0x89: {  	s3 =	sld [smem:$0x3FFE];
	_ =	sdelay $0x1  }
0x8a: {  	s1 =	srdreg.scid  }
0x8b: {  	s0 =	sand.u32 $0x1, s1  }
0x8c: {  	s18 =	sshll.u32 s0, $0xA;
	s2 =	sadd.s32 s3, s2  }
0x8d: {  	s2 =	sadd.s32 s2, s18  }
0x8e: {  	[smem:$0x3FC6] =	sst s2  }
0x8f: {  	_ = 	snop  }
0x90: {  	s2 =	sld [smem:$0x3FC9]  }
0x91: {  	s19 =	sld [smem:$0x3FC8]  }
0x92: {  	s4 =	sld [smem:$0x3FD0];
	(tm) =	ssettm $0x1  }
0x93: {  	s5 =	sld [smem:$0x3FFB];
	_ =	sdelay $0x3  }
0x94: {  	_ =	strace s5  }
0x95: {  	s5 =	sld [smem:$0x3FFC];
	_ =	sdelay $0x3  }
0x96: {  	_ =	strace s5  }
0x97: {  	s5 =	sld [smem:$0x3FFD];
	_ =	sdelay $0x3  }
0x98: {  	_ =	strace s5  }
0x99: {  	_ =	strace $0x8FFFFFFF  }
0x9a: {  	s20 =	sld [smem:$0x3FDB];
	_ =	sdelay $0x1  }
0x9b: {  	s6 =	simm.s32 $_scs_section_size  }
0x9c: {  	s7 =	simm.s32 $_size__tile_overlayer_lowered;
	s8 =	simm.s32 $_tile_overlayer_lowered  }
0x9d: {  	s23 =	simm.s32 $0x1BFF;
	s22 =	sshll.u32 s8, $0x1;
	s5 =	sadd.s32 s6, s20  }
0x9e: {  	s9 =	simm.s32 $0x0;
	s21 =	sshll.u32 s7, $0x1;
	s7 =	sadd.s32 s22, s5  }
0x9f: {  	[timem:s9], [sflag:s23] =	dma.local [hbm:s7], s21  }
0xa0: {  	_ =	swait.ge [sflag:s23], s21  }
0xa1: {  	s6 =	ssub.s32 $0x0, s21;
	[sflag:s23] =	ssyncset.done $0x0  }
0xa2: {  	[sflag:s23] =	ssyncadd.s32 s6;
	_ =	sdelay $0x1  }
0xa3: {  	s24 =	simm.s32 $0x1B8B  }
0xa4: {  	_ =	swait.ge [sflag:s24], $0x1  }
0xa5: {  	[sflag:s24] =	ssyncset.done $0x0  }
0xa6: {  	s25 =	simm.s32 $0x1B8E;
	[sflag:s24] =	ssyncadd.s32 $0xFFFFFFFF  }
0xa7: {  	s26 =	simm.s32 $execute0_lowered;
	[smem:$0x3FD2] =	sst s25  }
0xa8: {  	s6 =	sshll.u32 s26, $0x1;
	_ =	strace $0x80000046;
	[dreg:$0x1] =	wrdreg $0xFFFFFFFF  }
0xa9: {  	s28 =	simm.s32 $_size_execute0_lowered;
	s5 =	sadd.s32 s5, s6;
	[dreg:$0x0] =	wrdreg $0x0  }
0xaa: {  	s6 =	sshll.u32 s28, $0x1;
	[dreg:$0x2] =	wrdreg s5  }
0xab: {  	[dreg:$0x3] =	wrdreg s6  }
0xac: {  	[dreg:$0x4] =	wrdreg $0xC0  }
0xad: {  	_ =	task [dreg:s9], $0x5FFFF  }
0xae: {  	[dreg:$0x1] =	wrdreg $0xFFFFFFFF  }
0xaf: {  	[dreg:$0x0] =	wrdreg $0x60  }
0xb0: {  	[dreg:$0x2] =	wrdreg s2  }
0xb1: {  	[dreg:$0x3] =	wrdreg s19  }
0xb2: {  	[dreg:$0x4] =	wrdreg s4  }
0xb3: {  	[dreg:$0x5] =	wrdreg $0x110200  }
0xb4: {  	[dreg:$0x6] =	wrdreg $0x9  }
0xb5: {  	_ =	task.clear_ibuf [dreg:s9], $0x7FFFF;
	_ =	strace $0x90000046  }
0xb6: {  	s29 =	simm.s32 $0x9;
	_ =	strace $0x80000048  }
0xb7: {  	_ =	swait.ge [sflag:s29], $0x1  }
0xb8: {  	[sflag:s29] =	ssyncadd.s32 $0xFFFFFFFF  }
0xb9: {  	_ =	strace $0x90000048  }
0xba: {  	_ =	sfence  }
0xbb: {  	s30 =	sld [smem:$0x0];
	_ =	sdelay $0x2  }
0xbc: {  	s31 =	sshll.u32 s1, $0xD;
	s1 =	sshrl.u32 s1, $0x2  }
0xbd: {  	s3 =	sand.u32 $0x4000, s31;
	s1 =	sadd.s32 s1, s30  }
0xbe: {  	s0 =	sor.u32 s3, s0;
	s1 =	sshll.u32 s1, $0x11  }
0xbf: {  	s0 =	sor.u32 s1, s0  }
0xc0: {  	s0 =	sadd.s32 $0x8F2B, s0  }
0xc1: {  	[sflag:s0] =	ssyncadd.remote.s32 $0x1  }
0xc2: {  	_ =	sfence.sel $0xFFFF  }
0xc3: {  	[dreg:$0x0] =	wrdreg $0xFFFFFFFF;
	(pc) =	sbr.abs _section_cstart, $3  }
0xc4: {  	[dreg:$0x1] =	wrdreg $0xFFFFFFFF  }
0xc5: {  	_ =	task.clear_ibuf [dreg:s9], $0x2FFFF;
	_ =	strace $0x9FFFFFFF  }
0xc6: {  	(tm) =	ssettm $0x7FFFFFFF  }
0xc7: {  	_ =	shalt  }
tec
execute0_lowered:
.L_overlay_start_1:
0x0: {  	(tag) =	ssettag $0x1  }
0x1: {  	s5 =	rddreg [dreg:$0x0]  }
0x2: {  	s4 =	rddreg [dreg:$0x1]  }
0x3: {  	s0 =	rddreg [dreg:$0x2]  }
0x4: {  	s2 =	rddreg [dreg:$0x3];
	s6 =	stileid.u32  }
0x5: {  	s1 =	srdreg.scid;
	s3 =	simm.s32 $0x0;
	s13 =	stileid.u32  }
0x6: {  	s8 =	sshll.u32 s6, $0x8;
	s1 =	sand.u32 $0x1, s1;
	s9 =	sshll.u32 s6, $0xA  }
0x7: {  	[smem:$0x7FF] =	sst s3;
	s19 =	sshll.u32 s13, $0x5;
	s7 =	sor.u32 $0x6000, s8  }
0x8: {  	s6 =	sshll.u32 s1, $0x6;
	[smem:$0x7FC] =	sst s1;
	s26 =	sadd.s32 s9, s2  }
0x9: {  	s20 =	sor.u32 $0x7000, s8;
	s23 =	sor.u32 $0x8000, s8;
	s10 =	sshll.u32 s7, $0x7  }
0xa: {  	_ =	strace $0x80000047;
	s18 =	sadd.s32 $0x4000, s26;
	s17 =	sor.u32 s6, s10  }
0xb: {  	s7 =	sshrl.u32 s7, $0x3;
	s21 =	sshll.u32 s20, $0x7;
	s9 =	sshrl.u32 s17, $0x3  }
0xc: {  	[dreg:$0x5] =	wrdreg s18;
	s11 =	sadd.s32 s4, s7;
	s9 =	sadd.s32 s5, s9  }
0xd: {  	s7 =	sadd.s32 s19, s4;
	[dreg:$0x6] =	wrdreg s9;
	s9 =	sor.u32 s6, s21  }
0xe: {  	[dreg:$0x7] =	wrdreg s11;
	s22 =	sadd.s32 $0xC10, s7;
	s9 =	sshrl.u32 s9, $0x3  }
0xf: {  	s10 =	sshrl.u32 s20, $0x3;
	[dreg:$0x8] =	wrdreg s22;
	s9 =	sadd.s32 s5, s9  }
0x10: {  	v0 =	vimm.f32 $0.0e+00;
	s16 =	sor.u32 $0x9000, s8;
	s24 =	sadd.s32 s4, s10;
	[dreg:$0x9] =	wrdreg s9  }
0x11: {  	s25 =	sshll.u32 s23, $0x7;
	s15 =	sshrl.u32 s23, $0x3;
	[dreg:$0xa] =	wrdreg s24;
	[tilespmem:$0x10C50] =	vst v0  }
0x12: {  	s18 =	sshll.u32 s16, $0x7;
	s12 =	sadd.s32 $0xE10, s7;
	s10 =	sor.u32 s6, s25;
	[tilespmem:$0x10C60] =	vst v0  }
0x13: {  	s17 =	sadd.s32 s4, s15;
	s19 =	sadd.s32 $0x1010, s7;
	s25 =	sadd.s32 $0x1210, s7;
	[tilespmem:$0x10C70] =	vst v0  }
0x14: {  	s14 =	sshrl.u32 s10, $0x3;
	s10 =	sor.u32 s6, s18;
	[dreg:$0xb] =	wrdreg s12;
	[tilespmem:$0x10C80] =	vst v0  }
0x15: {  	s22 =	sor.u32 $0xA000, s8;
	s21 =	sshrl.u32 s16, $0x3;
	[dreg:$0xd] =	wrdreg s17;
	[tilespmem:$0x10C90] =	vst v0  }
0x16: {  	s20 =	sshrl.u32 s10, $0x3;
	s23 =	sadd.s32 s4, s21;
	[dreg:$0xe] =	wrdreg s19;
	[tilespmem:$0x10CA0] =	vst v0  }
0x17: {  	s11 =	sshrl.u32 s22, $0x3;
	s16 =	sadd.s32 $0x1410, s7;
	[dreg:$0x10] =	wrdreg s23;
	[tilespmem:$0x10CB0] =	vst v0  }
0x18: {  	s9 =	sadd.s32 s5, s14;
	s24 =	sshll.u32 s22, $0x7;
	[dreg:$0x11] =	wrdreg s25;
	[tilespmem:$0x10CC0] =	vst v0  }
0x19: {  	s12 =	sor.u32 $0xB000, s8;
	s14 =	sadd.s32 s4, s11;
	[dreg:$0x14] =	wrdreg s16;
	[tilespmem:$0x10CD0] =	vst v0  }
0x1a: {  	s19 =	sor.u32 $0xC000, s8;
	s22 =	sadd.s32 $0x1610, s7;
	s25 =	sor.u32 $0xD000, s8;
	[tilespmem:$0x10CE0] =	vst v0  }
0x1b: {  	[tilespmem:$0x10CF0] =	vst v0;
	[dreg:$0xc] =	wrdreg s9;
	s9 =	sadd.s32 s5, s20;
	s10 =	sor.u32 s6, s24  }
0x1c: {  	[tilespmem:$0x10D00] =	vst v0;
	s15 =	sshll.u32 s12, $0x7;
	[dreg:$0x13] =	wrdreg s14;
	s18 =	sshrl.u32 s12, $0x3  }
0x1d: {  	[tilespmem:$0x10D10] =	vst v0;
	s21 =	sshll.u32 s19, $0x7;
	[dreg:$0x17] =	wrdreg s22;
	s24 =	sshrl.u32 s19, $0x3  }
0x1e: {  	[tilespmem:$0x10D20] =	vst v0;
	s12 =	sshll.u32 s25, $0x7;
	s14 =	sadd.s32 $0x1810, s7;
	s16 =	sshrl.u32 s25, $0x3  }
0x1f: {  	[tilespmem:$0x10D30] =	vst v0;
	[dreg:$0xf] =	wrdreg s9;
	s10 =	sshrl.u32 s10, $0x3;
	s20 =	sadd.s32 s4, s18  }
0x20: {  	[tilespmem:$0x10D40] =	vst v0;
	[dreg:$0x1a] =	wrdreg s14;
	s18 =	sadd.s32 s4, s16;
	s16 =	sor.u32 $0x10000, s8  }
0x21: {  	[tilespmem:$0x10D50] =	vst v0;
	s9 =	sadd.s32 s5, s10;
	s10 =	sor.u32 s6, s15;
	[dreg:$0x16] =	wrdreg s20  }
0x22: {  	[tilespmem:$0x10D60] =	vst v0;
	[dreg:$0x1c] =	wrdreg s18;
	s20 =	sadd.s32 $0x1A10, s7;
	s18 =	sshll.u32 s16, $0x7  }
0x23: {  	[tilespmem:$0x10D70] =	vst v0;
	[dreg:$0x12] =	wrdreg s9;
	s17 =	sshrl.u32 s10, $0x3;
	s10 =	sor.u32 s6, s21  }
0x24: {  	[tilespmem:$0x10D80] =	vst v0;
	[dreg:$0x1d] =	wrdreg s20;
	s9 =	sadd.s32 s5, s17;
	s23 =	sshrl.u32 s10, $0x3  }
0x25: {  	[tilespmem:$0x10D90] =	vst v0;
	s10 =	sadd.s32 s4, s24;
	s17 =	sor.u32 $0xE000, s8;
	[dreg:$0x15] =	wrdreg s9  }
0x26: {  	[tilespmem:$0x10DA0] =	vst v0;
	s9 =	sadd.s32 s5, s23;
	[dreg:$0x19] =	wrdreg s10;
	s10 =	sor.u32 s6, s12  }
0x27: {  	[tilespmem:$0x10DB0] =	vst v0;
	s19 =	sshll.u32 s17, $0x7;
	s22 =	sshrl.u32 s17, $0x3;
	s23 =	sor.u32 $0xF000, s8  }
0x28: {  	[tilespmem:$0x10DC0] =	vst v0;
	s12 =	sadd.s32 $0x1C10, s7;
	[dreg:$0x18] =	wrdreg s9;
	s15 =	sshrl.u32 s10, $0x3  }
0x29: {  	[tilespmem:$0x10DD0] =	vst v0;
	s10 =	sor.u32 s6, s19;
	s24 =	sadd.s32 s4, s22;
	s25 =	sshll.u32 s23, $0x7  }
0x2a: {  	[tilespmem:$0x10DE0] =	vst v0;
	[smem:$0x7D8] =	sst s12;
	s19 =	sadd.s32 $0x1E10, s7;
	s22 =	sor.u32 $0x11000, s8  }
0x2b: {  	[tilespmem:$0x10DF0] =	vst v0;
	s12 =	sor.u32 $0x12000, s8;
	s9 =	sadd.s32 s5, s15;
	s21 =	sshrl.u32 s10, $0x3  }
0x2c: {  	[tilespmem:$0x10E00] =	vst v0;
	[dreg:$0x1f] =	wrdreg s24;
	s10 =	sor.u32 s6, s25;
	s15 =	sshrl.u32 s23, $0x3  }
0x2d: {  	[tilespmem:$0x10E10] =	vst v0;
	[smem:$0x7DB] =	sst s19;
	s24 =	sshll.u32 s22, $0x7;
	s25 =	sadd.s32 $0x2010, s7  }
0x2e: {  	[tilespmem:$0x10E20] =	vst v0;
	s11 =	sshrl.u32 s22, $0x3;
	s19 =	sor.u32 $0x13000, s8;
	[dreg:$0x1b] =	wrdreg s9  }
0x2f: {  	[tilespmem:$0x10C20] =	vst v0;
	s22 =	sadd.s32 $0x2410, s7;
	s9 =	sadd.s32 s5, s21;
	[smem:$0x7DE] =	sst s25  }
0x30: {  	[tilespmem:$0x11010] =	vst v0;
	s14 =	sshrl.u32 s10, $0x3;
	s17 =	sadd.s32 s4, s15;
	[smem:$0x7E4] =	sst s22  }
0x31: {  	[tilespmem:$0x11000] =	vst v0;
	s10 =	sor.u32 s6, s18;
	s21 =	sshrl.u32 s16, $0x3;
	[dreg:$0x1e] =	wrdreg s9  }
0x32: {  	[tilespmem:$0x10FF0] =	vst v0;
	s15 =	sshll.u32 s12, $0x7;
	s16 =	sadd.s32 $0x2210, s7;
	[smem:$0x7DA] =	sst s17  }
0x33: {  	[tilespmem:$0x10FE0] =	vst v0;
	s18 =	sshrl.u32 s12, $0x3;
	s9 =	sadd.s32 s5, s14;
	[smem:$0x7E1] =	sst s16  }
0x34: {  	[tilespmem:$0x10FD0] =	vst v0;
	s25 =	sor.u32 $0x14000, s8;
	s23 =	sadd.s32 s4, s21;
	[smem:$0x7D9] =	sst s9  }
0x35: {  	[tilespmem:$0x10FC0] =	vst v0;
	s20 =	sshrl.u32 s10, $0x3;
	s14 =	sadd.s32 s4, s11;
	[smem:$0x7DD] =	sst s23  }
0x36: {  	[tilespmem:$0x10FB0] =	vst v0;
	s10 =	sor.u32 s6, s24;
	s9 =	sadd.s32 s5, s20;
	[smem:$0x7E0] =	sst s14  }
0x37: {  	[tilespmem:$0x10FA0] =	vst v0;
	s21 =	sshll.u32 s19, $0x7;
	s20 =	sadd.s32 s4, s18;
	[smem:$0x7DC] =	sst s9  }
0x38: {  	[tilespmem:$0x10F90] =	vst v0;
	s16 =	sshrl.u32 s25, $0x3;
	s14 =	sadd.s32 $0x2610, s7;
	[smem:$0x7E3] =	sst s20  }
0x39: {  	[tilespmem:$0x10F80] =	vst v0;
	s10 =	sshrl.u32 s10, $0x3;
	s18 =	sadd.s32 s4, s16;
	[smem:$0x7E7] =	sst s14  }
0x3a: {  	[tilespmem:$0x10F70] =	vst v0;
	s24 =	sshrl.u32 s19, $0x3;
	s9 =	sadd.s32 s5, s10;
	[smem:$0x7E9] =	sst s18  }
0x3b: {  	[tilespmem:$0x10F60] =	vst v0;
	s12 =	sshll.u32 s25, $0x7;
	s20 =	sadd.s32 $0x2810, s7;
	[smem:$0x7DF] =	sst s9  }
0x3c: {  	[tilespmem:$0x10F50] =	vst v0;
	s10 =	sor.u32 s6, s15;
	s18 =	sadd.s32 $0x2C10, s7;
	[smem:$0x7EA] =	sst s20  }
0x3d: {  	[tilespmem:$0x10F40] =	vst v0;
	s17 =	sshrl.u32 s10, $0x3;
	s10 =	sor.u32 s6, s21;
	[smem:$0x7F0] =	sst s18  }
0x3e: {  	[tilespmem:$0x10F30] =	vst v0;
	s9 =	sadd.s32 s5, s17;
	s23 =	sshrl.u32 s10, $0x3;
	s10 =	sadd.s32 s4, s24  }
0x3f: {  	[tilespmem:$0x10F20] =	vst v0;
	s17 =	sor.u32 $0x15000, s8;
	[smem:$0x7E2] =	sst s9;
	s9 =	sadd.s32 s5, s23  }
0x40: {  	[tilespmem:$0x10F10] =	vst v0;
	[smem:$0x7E6] =	sst s10;
	s10 =	sor.u32 s6, s12;
	s19 =	sshll.u32 s17, $0x7  }
0x41: {  	[tilespmem:$0x10F00] =	vst v0;
	s22 =	sshrl.u32 s17, $0x3;
	s23 =	sor.u32 $0x16000, s8;
	s12 =	sadd.s32 $0x2A10, s7  }
0x42: {  	[tilespmem:$0x10EF0] =	vst v0;
	[smem:$0x7E5] =	sst s9;
	s15 =	sshrl.u32 s10, $0x3;
	s10 =	sor.u32 s6, s19  }
0x43: {  	[tilespmem:$0x10EE0] =	vst v0;
	s24 =	sadd.s32 s4, s22;
	s25 =	sshll.u32 s23, $0x7;
	[smem:$0x7ED] =	sst s12  }
0x44: {  	[tilespmem:$0x10ED0] =	vst v0;
	s11 =	sshrl.u32 s23, $0x3;
	s22 =	sadd.s32 $0x2E10, s7;
	s9 =	sadd.s32 s5, s15  }
0x45: {  	[tilespmem:$0x10EC0] =	vst v0;
	s21 =	sshrl.u32 s10, $0x3;
	[smem:$0x7EC] =	sst s24;
	s10 =	sor.u32 s6, s25  }
0x46: {  	[tilespmem:$0x10EB0] =	vst v0;
	s15 =	sor.u32 $0x17000, s8;
	s16 =	sadd.s32 s4, s11;
	[smem:$0x7F3] =	sst s22  }
0x47: {  	[tilespmem:$0x10EA0] =	vst v0;
	s24 =	sadd.s32 $0x30C0, s4;
	s8 =	sor.u32 $0x18000, s8;
	[smem:$0x7E8] =	sst s9  }
0x48: {  	[tilespmem:$0x10E90] =	vst v0;
	s9 =	sadd.s32 s5, s21;
	s14 =	sshrl.u32 s10, $0x3;
	s12 =	sshll.u32 s15, $0x7  }
0x49: {  	[tilespmem:$0x10E80] =	vst v0;
	[smem:$0x7EF] =	sst s16;
	s10 =	sshrl.u32 s15, $0x3;
	s21 =	sshll.u32 s1, $0x3  }
0x4a: {  	[tilespmem:$0x10E70] =	vst v0;
	[smem:$0x7F5] =	sst s24;
	s1 =	sshll.u32 s8, $0x7;
	s8 =	sshrl.u32 s8, $0x3  }
0x4b: {  	[tilespmem:$0x10E60] =	vst v0;
	s16 =	sadd.s32 $0x3010, s7;
	[smem:$0x7EB] =	sst s9;
	s9 =	sadd.s32 s5, s14  }
0x4c: {  	[tilespmem:$0x10E50] =	vst v0;
	s17 =	sor.u32 s6, s12;
	s20 =	sadd.s32 s4, s10;
	[smem:$0x7FA] =	sst s16  }
0x4d: {  	[tilespmem:$0x10C40] =	vst v0;
	s10 =	sadd.s32 s21, s5;
	s14 =	sshll.u32 s13, $0xB;
	[smem:$0x7EE] =	sst s9  }
0x4e: {  	[tilespmem:$0x10E40] =	vst v0;
	s11 =	sshrl.u32 s17, $0x3;
	[smem:$0x7F2] =	sst s20;
	s23 =	sadd.s32 $0x186000, s10  }
0x4f: {  	[tilespmem:$0x10E30] =	vst v0;
	s25 =	sadd.s32 $0x186800, s10;
	s10 =	sor.u32 s6, s1;
	[smem:$0x7F4] =	sst s23  }
0x50: {  	[tilespmem:$0x10C30] =	vst v0;
	s17 =	simm.s32 $0x10C20;
	s19 =	sadd.s32 s5, s11;
	[smem:$0x7F6] =	sst s25  }
0x51: {  	[spmem:s26] =	stream.linear.scatter [tilespmem:s17], [sflag:$0x9], $0x400, $0x38;
	[tilespmem:$0x114A0] =	vst v63  }
0x52: {  	s11 =	sadd.s32 $0x30D0, s4;
	s12 =	sshrl.u32 s10, $0x3;
	[smem:$0x7F1] =	sst s19  }
0x53: {  	s15 =	sor.u32 s6, s14;
	[smem:$0x7F7] =	sst s11;
	s5 =	sadd.s32 s5, s12  }
0x54: {  	s4 =	sadd.s32 s4, s8;
	[smem:$0x7F8] =	sst s5;
	s5 =	sshrl.u32 s15, $0x3  }
0x55: {  	[smem:$0x7F9] =	sst s4;
	s0 =	sadd.s32 s0, s5  }
0x56: {  	s23 =	simm.s32 $0x9;
	[smem:$0x7FD] =	sst s0  }
0x57: {  	p0 =	sgt.u32 s13, $0x1;
	_ =	swait.ge [sflag:s23], $0x400  }
0x58: {  	s1 =	simm.s32 @!p0 $0x10C20;
	[sflag:s23] =	ssyncset.done $0x0  }
0x59: {  	s4 =	simm.s32 @!p0 $0x9;
	s0 =	rddreg [dreg:$0x5];
	[sflag:s23] =	ssyncadd.s32 $0xFFFFFC00  }
0x5a: {  	[spmem:s0] =	stream.linear.scatter @!p0 [tilespmem:s1], [sflag:$0x9], $0x400, $0x38;
	[tilespmem:$0x114A0] =	vst v63  }
0x5b: {  	_ =	swait.ge @!p0 [sflag:s4], $0x400  }
0x5c: {  	[sflag:s4] =	ssyncset.done @!p0 $0x0  }
0x5d: {  	[sflag:s4] =	ssyncadd.s32 @!p0 $0xFFFFFC00  }
0x5e: {  	[bflag:$0x0] =	sbarrier.arrive $0xFFFF  }
0x5f: {  	s16 =	simm.s32 $0x40;
	s10 =	simm.s32 $0x80;
	s18 =	rddreg [dreg:$0x6]  }
0x60: {  	[tilespmem:s3], [sflag:$0x1] =	stream.strided.gather [hbm4b:s18+s16], $0x4000, s10, s16, $0x38;
	[tilespmem:$0x114A0] =	vst v63  }
0x61: {  	s12 =	simm.s32 $0x10000;
	s19 =	rddreg [dreg:$0x7]  }
0x62: {  	[tilespmem:s12], [sflag:$0x1] =	stream.linear.gather [hbm4b:s19+s3], $0x80, $0x38;
	[tilespmem:$0x114A0] =	vst v63  }
0x63: {  	s13 =	simm.s32 $0x10080;
	s20 =	rddreg [dreg:$0x8]  }
0x64: {  	[tilespmem:s13], [sflag:$0x1] =	stream.linear.gather [hbm4b:s20+s3], $0x80, $0x38;
	[tilespmem:$0x114A0] =	vst v63  }
0x65: {  	s14 =	simm.s32 $0x4000;
	s21 =	rddreg [dreg:$0x9]  }
0x66: {  	[tilespmem:s14], [sflag:$0x2] =	stream.strided.gather [hbm4b:s21+s16], $0x4000, s10, s16, $0x38;
	[tilespmem:$0x114A0] =	vst v63  }
0x67: {  	s15 =	simm.s32 $0x10100;
	s22 =	rddreg [dreg:$0xa]  }
0x68: {  	[tilespmem:s15], [sflag:$0x2] =	stream.linear.gather [hbm4b:s22+s3], $0x80, $0x38;
	[tilespmem:$0x114A0] =	vst v63  }
0x69: {  	s9 =	simm.s32 $0x10180;
	s24 =	rddreg [dreg:$0xb]  }
0x6a: {  	[tilespmem:s9], [sflag:$0x2] =	stream.linear.gather [hbm4b:s24+s3], $0x80, $0x38;
	[tilespmem:$0x114A0] =	vst v63  }
0x6b: {  	s25 =	rddreg [dreg:$0xc];
	s20 =	simm.s32 $0x8000  }
0x6c: {  	[tilespmem:s20], [sflag:$0x3] =	stream.strided.gather [hbm4b:s25+s16], $0x4000, s10, s16, $0x38;
	[tilespmem:$0x114A0] =	vst v63  }
0x6d: {  	s8 =	simm.s32 $0x10200;
	s1 =	rddreg [dreg:$0xd]  }
0x6e: {  	[tilespmem:s8], [sflag:$0x3] =	stream.linear.gather [hbm4b:s1+s3], $0x80, $0x38;
	[tilespmem:$0x114A0] =	vst v63  }
0x6f: {  	s17 =	simm.s32 $0x10280;
	s5 =	rddreg [dreg:$0xe]  }
0x70: {  	[tilespmem:s17], [sflag:$0x3] =	stream.linear.gather [hbm4b:s5+s3], $0x80, $0x38;
	[tilespmem:$0x114A0] =	vst v63  }
0x71: {  	s6 =	rddreg [dreg:$0xf];
	s18 =	simm.s32 $0xC000  }
0x72: {  	[tilespmem:s18], [sflag:$0x4] =	stream.strided.gather [hbm4b:s6+s16], $0x4000, s10, s16, $0x38;
	[tilespmem:$0x114A0] =	vst v63  }
0x73: {  	s7 =	rddreg [dreg:$0x10];
	s19 =	simm.s32 $0x10300  }
0x74: {  	[tilespmem:s19], [sflag:$0x4] =	stream.linear.gather [hbm4b:s7+s3], $0x80, $0x38;
	[tilespmem:$0x114A0] =	vst v63  }
0x75: {  	s11 =	rddreg [dreg:$0x11];
	s22 =	simm.s32 $0x1;
	s5 =	simm.s32 $0x10380  }
0x76: {  	[tilespmem:s5], [sflag:$0x4] =	stream.linear.gather [hbm4b:s11+s3], $0x80, $0x38;
	[tilespmem:$0x114A0] =	vst v63  }
0x77: {  	_ =	swait.ge [sflag:s22], $0x4000  }
0x78: {  	[sflag:s22] =	ssyncset.done $0x0  }
0x79: {  	[sflag:s22] =	ssyncadd.s32 $0xFFFFC000  }
0x7a: {  	_ =	swait.ge [sflag:s22], $0x80  }
0x7b: {  	[sflag:s22] =	ssyncset.done $0x0  }
0x7c: {  	[sflag:s22] =	ssyncadd.s32 $0xFFFFFF80  }
0x7d: {  	_ =	swait.ge [sflag:s22], $0x80  }
0x7e: {  	[sflag:s22] =	ssyncset.done $0x0  }
0x7f: {  	[sflag:s22] =	ssyncadd.s32 $0xFFFFFF80  }
0x80: {  	[spmem:s2] =	stream.indirect.scatter.add.f32 [tilespmem:s3], [sflag:$0x5], $0x40, s12, s10, $0xb8;
	[tilespmem:$0x114A0] =	vst v63  }
0x81: {  	s24 =	simm.s32 $0x5;
	s11 =	simm.s32 $0x2000  }
0x82: {  	[spmem:s2] =	stream.indirect.scatter.add.f32 [tilespmem:s11], [sflag:$0x5], $0x40, s13, s10, $0xb8;
	[tilespmem:$0x114A0] =	vst v63  }
0x83: {  	_ =	swait.ge [sflag:s24], $0x2000  }
0x84: {  	[sflag:s24] =	ssyncset.done $0x0  }
0x85: {  	[sflag:s24] =	ssyncadd.s32 $0xFFFFE000  }
0x86: {  	_ =	swait.ge [sflag:s24], $0x2000  }
0x87: {  	[sflag:s24] =	ssyncset.done $0x0  }
0x88: {  	s21 =	rddreg [dreg:$0x12];
	[sflag:s24] =	ssyncadd.s32 $0xFFFFE000  }
0x89: {  	[tilespmem:s3], [sflag:$0x1] =	stream.strided.gather [hbm4b:s21+s16], $0x4000, s10, s16, $0x38;
	[tilespmem:$0x114A0] =	vst v63  }
0x8a: {  	s25 =	rddreg [dreg:$0x13]  }
0x8b: {  	[tilespmem:s12], [sflag:$0x1] =	stream.linear.gather [hbm4b:s25+s3], $0x80, $0x38;
	[tilespmem:$0x114A0] =	vst v63  }
0x8c: {  	s1 =	rddreg [dreg:$0x14];
	s25 =	simm.s32 $0x2  }
0x8d: {  	[tilespmem:s13], [sflag:$0x1] =	stream.linear.gather [hbm4b:s1+s3], $0x80, $0x38;
	[tilespmem:$0x114A0] =	vst v63  }
0x8e: {  	_ =	swait.ge [sflag:s25], $0x4000  }
0x8f: {  	[sflag:s25] =	ssyncset.done $0x0  }
0x90: {  	[sflag:s25] =	ssyncadd.s32 $0xFFFFC000  }
0x91: {  	_ =	swait.ge [sflag:s25], $0x80  }
0x92: {  	[sflag:s25] =	ssyncset.done $0x0  }
0x93: {  	[sflag:s25] =	ssyncadd.s32 $0xFFFFFF80  }
0x94: {  	_ =	swait.ge [sflag:s25], $0x80  }
0x95: {  	[sflag:s25] =	ssyncset.done $0x0  }
0x96: {  	[sflag:s25] =	ssyncadd.s32 $0xFFFFFF80  }
0x97: {  	[spmem:s2] =	stream.indirect.scatter.add.f32 [tilespmem:s14], [sflag:$0x6], $0x40, s15, s10, $0xb8;
	[tilespmem:$0x114A0] =	vst v63  }
0x98: {  	s28 =	simm.s32 $0x6;
	s21 =	simm.s32 $0x6000  }
0x99: {  	[spmem:s2] =	stream.indirect.scatter.add.f32 [tilespmem:s21], [sflag:$0x6], $0x40, s9, s10, $0xb8;
	[tilespmem:$0x114A0] =	vst v63  }
0x9a: {  	_ =	swait.ge [sflag:s28], $0x2000  }
0x9b: {  	[sflag:s28] =	ssyncset.done $0x0  }
0x9c: {  	[sflag:s28] =	ssyncadd.s32 $0xFFFFE000  }
0x9d: {  	_ =	swait.ge [sflag:s28], $0x2000  }
0x9e: {  	[sflag:s28] =	ssyncset.done $0x0  }
0x9f: {  	s6 =	rddreg [dreg:$0x15];
	[sflag:s28] =	ssyncadd.s32 $0xFFFFE000  }
0xa0: {  	[tilespmem:s14], [sflag:$0x2] =	stream.strided.gather [hbm4b:s6+s16], $0x4000, s10, s16, $0x38;
	[tilespmem:$0x114A0] =	vst v63  }
0xa1: {  	s7 =	rddreg [dreg:$0x16]  }
0xa2: {  	[tilespmem:s15], [sflag:$0x2] =	stream.linear.gather [hbm4b:s7+s3], $0x80, $0x38;
	[tilespmem:$0x114A0] =	vst v63  }
0xa3: {  	s29 =	simm.s32 $0x3;
	s1 =	rddreg [dreg:$0x17]  }
0xa4: {  	[tilespmem:s9], [sflag:$0x2] =	stream.linear.gather [hbm4b:s1+s3], $0x80, $0x38;
	[tilespmem:$0x114A0] =	vst v63  }
0xa5: {  	_ =	swait.ge [sflag:s29], $0x4000  }
0xa6: {  	[sflag:s29] =	ssyncset.done $0x0  }
0xa7: {  	[sflag:s29] =	ssyncadd.s32 $0xFFFFC000  }
0xa8: {  	_ =	swait.ge [sflag:s29], $0x80  }
0xa9: {  	[sflag:s29] =	ssyncset.done $0x0  }
0xaa: {  	[sflag:s29] =	ssyncadd.s32 $0xFFFFFF80  }
0xab: {  	_ =	swait.ge [sflag:s29], $0x80  }
0xac: {  	[sflag:s29] =	ssyncset.done $0x0  }
0xad: {  	[sflag:s29] =	ssyncadd.s32 $0xFFFFFF80  }
0xae: {  	[spmem:s2] =	stream.indirect.scatter.add.f32 [tilespmem:s20], [sflag:$0x7], $0x40, s8, s10, $0xb8;
	[tilespmem:$0x114A0] =	vst v63  }
0xaf: {  	s30 =	simm.s32 $0xA000;
	s31 =	simm.s32 $0x7  }
0xb0: {  	[spmem:s2] =	stream.indirect.scatter.add.f32 [tilespmem:s30], [sflag:$0x7], $0x40, s17, s10, $0xb8;
	[tilespmem:$0x114A0] =	vst v63  }
0xb1: {  	_ =	swait.ge [sflag:s31], $0x2000  }
0xb2: {  	[sflag:s31] =	ssyncset.done $0x0  }
0xb3: {  	[sflag:s31] =	ssyncadd.s32 $0xFFFFE000  }
0xb4: {  	_ =	swait.ge [sflag:s31], $0x2000  }
0xb5: {  	[sflag:s31] =	ssyncset.done $0x0  }
0xb6: {  	s4 =	rddreg [dreg:$0x18];
	[sflag:s31] =	ssyncadd.s32 $0xFFFFE000  }
0xb7: {  	[tilespmem:s20], [sflag:$0x3] =	stream.strided.gather [hbm4b:s4+s16], $0x4000, s10, s16, $0x38;
	[tilespmem:$0x114A0] =	vst v63  }
0xb8: {  	s6 =	rddreg [dreg:$0x19]  }
0xb9: {  	[tilespmem:s8], [sflag:$0x3] =	stream.linear.gather [hbm4b:s6+s3], $0x80, $0x38;
	[tilespmem:$0x114A0] =	vst v63  }
0xba: {  	s0 =	simm.s32 $0x4;
	s7 =	rddreg [dreg:$0x1a]  }
0xbb: {  	[tilespmem:s17], [sflag:$0x3] =	stream.linear.gather [hbm4b:s7+s3], $0x80, $0x38;
	[tilespmem:$0x114A0] =	vst v63  }
0xbc: {  	_ =	swait.ge [sflag:s0], $0x4000  }
0xbd: {  	[sflag:s0] =	ssyncset.done $0x0  }
0xbe: {  	[sflag:s0] =	ssyncadd.s32 $0xFFFFC000  }
0xbf: {  	_ =	swait.ge [sflag:s0], $0x80  }
0xc0: {  	[sflag:s0] =	ssyncset.done $0x0  }
0xc1: {  	[sflag:s0] =	ssyncadd.s32 $0xFFFFFF80  }
0xc2: {  	_ =	swait.ge [sflag:s0], $0x80  }
0xc3: {  	[sflag:s0] =	ssyncset.done $0x0  }
0xc4: {  	[sflag:s0] =	ssyncadd.s32 $0xFFFFFF80  }
0xc5: {  	[spmem:s2] =	stream.indirect.scatter.add.f32 [tilespmem:s18], [sflag:$0x8], $0x40, s19, s10, $0xb8;
	[tilespmem:$0x114A0] =	vst v63  }
0xc6: {  	s1 =	simm.s32 $0xE000;
	s7 =	simm.s32 $0x8  }
0xc7: {  	[spmem:s2] =	stream.indirect.scatter.add.f32 [tilespmem:s1], [sflag:$0x8], $0x40, s5, s10, $0xb8;
	[tilespmem:$0x114A0] =	vst v63  }
0xc8: {  	_ =	swait.ge [sflag:s7], $0x2000  }
0xc9: {  	[sflag:s7] =	ssyncset.done $0x0  }
0xca: {  	[sflag:s7] =	ssyncadd.s32 $0xFFFFE000  }
0xcb: {  	_ =	swait.ge [sflag:s7], $0x2000  }
0xcc: {  	[sflag:s7] =	ssyncset.done $0x0  }
0xcd: {  	s4 =	rddreg [dreg:$0x1b];
	[sflag:s7] =	ssyncadd.s32 $0xFFFFE000  }
0xce: {  	[tilespmem:s18], [sflag:$0x4] =	stream.strided.gather [hbm4b:s4+s16], $0x4000, s10, s16, $0x38;
	[tilespmem:$0x114A0] =	vst v63  }
0xcf: {  	s6 =	rddreg [dreg:$0x1c]  }
0xd0: {  	[tilespmem:s19], [sflag:$0x4] =	stream.linear.gather [hbm4b:s6+s3], $0x80, $0x38;
	[tilespmem:$0x114A0] =	vst v63  }
0xd1: {  	s4 =	rddreg [dreg:$0x1d]  }
0xd2: {  	[tilespmem:s5], [sflag:$0x4] =	stream.linear.gather [hbm4b:s4+s3], $0x80, $0x38;
	[tilespmem:$0x114A0] =	vst v63  }
0xd3: {  	_ =	swait.ge [sflag:s22], $0x4000  }
0xd4: {  	[sflag:s22] =	ssyncset.done $0x0  }
0xd5: {  	[sflag:s22] =	ssyncadd.s32 $0xFFFFC000  }
0xd6: {  	_ =	swait.ge [sflag:s22], $0x80  }
0xd7: {  	[sflag:s22] =	ssyncset.done $0x0  }
0xd8: {  	[sflag:s22] =	ssyncadd.s32 $0xFFFFFF80  }
0xd9: {  	_ =	swait.ge [sflag:s22], $0x80  }
0xda: {  	[sflag:s22] =	ssyncset.done $0x0  }
0xdb: {  	[sflag:s22] =	ssyncadd.s32 $0xFFFFFF80  }
0xdc: {  	[spmem:s2] =	stream.indirect.scatter.add.f32 [tilespmem:s3], [sflag:$0x5], $0x40, s12, s10, $0xb8;
	[tilespmem:$0x114A0] =	vst v63  }
0xdd: {  	_ = 	snop  }
0xde: {  	[spmem:s2] =	stream.indirect.scatter.add.f32 [tilespmem:s11], [sflag:$0x5], $0x40, s13, s10, $0xb8;
	[tilespmem:$0x114A0] =	vst v63  }
0xdf: {  	_ =	swait.ge [sflag:s24], $0x2000  }
0xe0: {  	[sflag:s24] =	ssyncset.done $0x0  }
0xe1: {  	[sflag:s24] =	ssyncadd.s32 $0xFFFFE000  }
0xe2: {  	_ =	swait.ge [sflag:s24], $0x2000  }
0xe3: {  	s4 =	rddreg [dreg:$0x1e];
	[sflag:s24] =	ssyncset.done $0x0  }
0xe4: {  	s6 =	rddreg [dreg:$0x1f];
	[sflag:s24] =	ssyncadd.s32 $0xFFFFE000  }
0xe5: {  	[tilespmem:s3], [sflag:$0x1] =	stream.strided.gather [hbm4b:s4+s16], $0x4000, s10, s16, $0x38;
	[tilespmem:$0x114A0] =	vst v63  }
0xe6: {  	s4 =	sld [smem:$0x7D8]  }
0xe7: {  	[tilespmem:s12], [sflag:$0x1] =	stream.linear.gather [hbm4b:s6+s3], $0x80, $0x38;
	[tilespmem:$0x114A0] =	vst v63  }
0xe8: {  	_ = 	snop  }
0xe9: {  	[tilespmem:s13], [sflag:$0x1] =	stream.linear.gather [hbm4b:s4+s3], $0x80, $0x38;
	[tilespmem:$0x114A0] =	vst v63  }
0xea: {  	_ =	swait.ge [sflag:s25], $0x4000  }
0xeb: {  	[sflag:s25] =	ssyncset.done $0x0  }
0xec: {  	[sflag:s25] =	ssyncadd.s32 $0xFFFFC000  }
0xed: {  	_ =	swait.ge [sflag:s25], $0x80  }
0xee: {  	[sflag:s25] =	ssyncset.done $0x0  }
0xef: {  	[sflag:s25] =	ssyncadd.s32 $0xFFFFFF80  }
0xf0: {  	_ =	swait.ge [sflag:s25], $0x80  }
0xf1: {  	[sflag:s25] =	ssyncset.done $0x0  }
0xf2: {  	[sflag:s25] =	ssyncadd.s32 $0xFFFFFF80  }
0xf3: {  	[spmem:s2] =	stream.indirect.scatter.add.f32 [tilespmem:s14], [sflag:$0x6], $0x40, s15, s10, $0xb8;
	[tilespmem:$0x114A0] =	vst v63  }
0xf4: {  	_ = 	snop  }
0xf5: {  	[spmem:s2] =	stream.indirect.scatter.add.f32 [tilespmem:s21], [sflag:$0x6], $0x40, s9, s10, $0xb8;
	[tilespmem:$0x114A0] =	vst v63  }
0xf6: {  	_ =	swait.ge [sflag:s28], $0x2000  }
0xf7: {  	[sflag:s28] =	ssyncset.done $0x0  }
0xf8: {  	[sflag:s28] =	ssyncadd.s32 $0xFFFFE000  }
0xf9: {  	_ =	swait.ge [sflag:s28], $0x2000  }
0xfa: {  	s4 =	sld [smem:$0x7D9]  }
0xfb: {  	[sflag:s28] =	ssyncset.done $0x0  }
0xfc: {  	s6 =	sld [smem:$0x7DA];
	[sflag:s28] =	ssyncadd.s32 $0xFFFFE000  }
0xfd: {  	[tilespmem:s14], [sflag:$0x2] =	stream.strided.gather [hbm4b:s4+s16], $0x4000, s10, s16, $0x38;
	[tilespmem:$0x114A0] =	vst v63  }
0xfe: {  	s4 =	sld [smem:$0x7DB]  }
0xff: {  	[tilespmem:s15], [sflag:$0x2] =	stream.linear.gather [hbm4b:s6+s3], $0x80, $0x38;
	[tilespmem:$0x114A0] =	vst v63  }
0x100: {  	_ = 	snop  }
0x101: {  	[tilespmem:s9], [sflag:$0x2] =	stream.linear.gather [hbm4b:s4+s3], $0x80, $0x38;
	[tilespmem:$0x114A0] =	vst v63  }
0x102: {  	_ =	swait.ge [sflag:s29], $0x4000  }
0x103: {  	[sflag:s29] =	ssyncset.done $0x0  }
0x104: {  	[sflag:s29] =	ssyncadd.s32 $0xFFFFC000  }
0x105: {  	_ =	swait.ge [sflag:s29], $0x80  }
0x106: {  	[sflag:s29] =	ssyncset.done $0x0  }
0x107: {  	[sflag:s29] =	ssyncadd.s32 $0xFFFFFF80  }
0x108: {  	_ =	swait.ge [sflag:s29], $0x80  }
0x109: {  	[sflag:s29] =	ssyncset.done $0x0  }
0x10a: {  	[sflag:s29] =	ssyncadd.s32 $0xFFFFFF80  }
0x10b: {  	[spmem:s2] =	stream.indirect.scatter.add.f32 [tilespmem:s20], [sflag:$0x7], $0x40, s8, s10, $0xb8;
	[tilespmem:$0x114A0] =	vst v63  }
0x10c: {  	_ = 	snop  }
0x10d: {  	[spmem:s2] =	stream.indirect.scatter.add.f32 [tilespmem:s30], [sflag:$0x7], $0x40, s17, s10, $0xb8;
	[tilespmem:$0x114A0] =	vst v63  }
0x10e: {  	_ =	swait.ge [sflag:s31], $0x2000  }
0x10f: {  	[sflag:s31] =	ssyncset.done $0x0  }
0x110: {  	[sflag:s31] =	ssyncadd.s32 $0xFFFFE000  }
0x111: {  	_ =	swait.ge [sflag:s31], $0x2000  }
0x112: {  	s4 =	sld [smem:$0x7DC]  }
0x113: {  	[sflag:s31] =	ssyncset.done $0x0  }
0x114: {  	s6 =	sld [smem:$0x7DD];
	[sflag:s31] =	ssyncadd.s32 $0xFFFFE000  }
0x115: {  	[tilespmem:s20], [sflag:$0x3] =	stream.strided.gather [hbm4b:s4+s16], $0x4000, s10, s16, $0x38;
	[tilespmem:$0x114A0] =	vst v63  }
0x116: {  	s4 =	sld [smem:$0x7DE]  }
0x117: {  	[tilespmem:s8], [sflag:$0x3] =	stream.linear.gather [hbm4b:s6+s3], $0x80, $0x38;
	[tilespmem:$0x114A0] =	vst v63  }
0x118: {  	_ = 	snop  }
0x119: {  	[tilespmem:s17], [sflag:$0x3] =	stream.linear.gather [hbm4b:s4+s3], $0x80, $0x38;
	[tilespmem:$0x114A0] =	vst v63  }
0x11a: {  	_ =	swait.ge [sflag:s0], $0x4000  }
0x11b: {  	[sflag:s0] =	ssyncset.done $0x0  }
0x11c: {  	[sflag:s0] =	ssyncadd.s32 $0xFFFFC000  }
0x11d: {  	_ =	swait.ge [sflag:s0], $0x80  }
0x11e: {  	[sflag:s0] =	ssyncset.done $0x0  }
0x11f: {  	[sflag:s0] =	ssyncadd.s32 $0xFFFFFF80  }
0x120: {  	_ =	swait.ge [sflag:s0], $0x80  }
0x121: {  	[sflag:s0] =	ssyncset.done $0x0  }
0x122: {  	[sflag:s0] =	ssyncadd.s32 $0xFFFFFF80  }
0x123: {  	[spmem:s2] =	stream.indirect.scatter.add.f32 [tilespmem:s18], [sflag:$0x8], $0x40, s19, s10, $0xb8;
	[tilespmem:$0x114A0] =	vst v63  }
0x124: {  	_ = 	snop  }
0x125: {  	[spmem:s2] =	stream.indirect.scatter.add.f32 [tilespmem:s1], [sflag:$0x8], $0x40, s5, s10, $0xb8;
	[tilespmem:$0x114A0] =	vst v63  }
0x126: {  	_ =	swait.ge [sflag:s7], $0x2000  }
0x127: {  	[sflag:s7] =	ssyncset.done $0x0  }
0x128: {  	[sflag:s7] =	ssyncadd.s32 $0xFFFFE000  }
0x129: {  	_ =	swait.ge [sflag:s7], $0x2000  }
0x12a: {  	s4 =	sld [smem:$0x7DF]  }
0x12b: {  	[sflag:s7] =	ssyncset.done $0x0  }
0x12c: {  	s6 =	sld [smem:$0x7E0];
	[sflag:s7] =	ssyncadd.s32 $0xFFFFE000  }
0x12d: {  	[tilespmem:s18], [sflag:$0x4] =	stream.strided.gather [hbm4b:s4+s16], $0x4000, s10, s16, $0x38;
	[tilespmem:$0x114A0] =	vst v63  }
0x12e: {  	s4 =	sld [smem:$0x7E1]  }
0x12f: {  	[tilespmem:s19], [sflag:$0x4] =	stream.linear.gather [hbm4b:s6+s3], $0x80, $0x38;
	[tilespmem:$0x114A0] =	vst v63  }
0x130: {  	_ = 	snop  }
0x131: {  	[tilespmem:s5], [sflag:$0x4] =	stream.linear.gather [hbm4b:s4+s3], $0x80, $0x38;
	[tilespmem:$0x114A0] =	vst v63  }
0x132: {  	_ =	swait.ge [sflag:s22], $0x4000  }
0x133: {  	[sflag:s22] =	ssyncset.done $0x0  }
0x134: {  	[sflag:s22] =	ssyncadd.s32 $0xFFFFC000  }
0x135: {  	_ =	swait.ge [sflag:s22], $0x80  }
0x136: {  	[sflag:s22] =	ssyncset.done $0x0  }
0x137: {  	[sflag:s22] =	ssyncadd.s32 $0xFFFFFF80  }
0x138: {  	_ =	swait.ge [sflag:s22], $0x80  }
0x139: {  	[sflag:s22] =	ssyncset.done $0x0  }
0x13a: {  	[sflag:s22] =	ssyncadd.s32 $0xFFFFFF80  }
0x13b: {  	[spmem:s2] =	stream.indirect.scatter.add.f32 [tilespmem:s3], [sflag:$0x5], $0x40, s12, s10, $0xb8;
	[tilespmem:$0x114A0] =	vst v63  }
0x13c: {  	_ = 	snop  }
0x13d: {  	[spmem:s2] =	stream.indirect.scatter.add.f32 [tilespmem:s11], [sflag:$0x5], $0x40, s13, s10, $0xb8;
	[tilespmem:$0x114A0] =	vst v63  }
0x13e: {  	_ =	swait.ge [sflag:s24], $0x2000  }
0x13f: {  	[sflag:s24] =	ssyncset.done $0x0  }
0x140: {  	[sflag:s24] =	ssyncadd.s32 $0xFFFFE000  }
0x141: {  	_ =	swait.ge [sflag:s24], $0x2000  }
0x142: {  	s4 =	sld [smem:$0x7E2]  }
0x143: {  	[sflag:s24] =	ssyncset.done $0x0  }
0x144: {  	s6 =	sld [smem:$0x7E3];
	[sflag:s24] =	ssyncadd.s32 $0xFFFFE000  }
0x145: {  	[tilespmem:s3], [sflag:$0x1] =	stream.strided.gather [hbm4b:s4+s16], $0x4000, s10, s16, $0x38;
	[tilespmem:$0x114A0] =	vst v63  }
0x146: {  	s4 =	sld [smem:$0x7E4]  }
0x147: {  	[tilespmem:s12], [sflag:$0x1] =	stream.linear.gather [hbm4b:s6+s3], $0x80, $0x38;
	[tilespmem:$0x114A0] =	vst v63  }
0x148: {  	_ = 	snop  }
0x149: {  	[tilespmem:s13], [sflag:$0x1] =	stream.linear.gather [hbm4b:s4+s3], $0x80, $0x38;
	[tilespmem:$0x114A0] =	vst v63  }
0x14a: {  	_ =	swait.ge [sflag:s25], $0x4000  }
0x14b: {  	[sflag:s25] =	ssyncset.done $0x0  }
0x14c: {  	[sflag:s25] =	ssyncadd.s32 $0xFFFFC000  }
0x14d: {  	_ =	swait.ge [sflag:s25], $0x80  }
0x14e: {  	[sflag:s25] =	ssyncset.done $0x0  }
0x14f: {  	[sflag:s25] =	ssyncadd.s32 $0xFFFFFF80  }
0x150: {  	_ =	swait.ge [sflag:s25], $0x80  }
0x151: {  	[sflag:s25] =	ssyncset.done $0x0  }
0x152: {  	[sflag:s25] =	ssyncadd.s32 $0xFFFFFF80  }
0x153: {  	[spmem:s2] =	stream.indirect.scatter.add.f32 [tilespmem:s14], [sflag:$0x6], $0x40, s15, s10, $0xb8;
	[tilespmem:$0x114A0] =	vst v63  }
0x154: {  	_ = 	snop  }
0x155: {  	[spmem:s2] =	stream.indirect.scatter.add.f32 [tilespmem:s21], [sflag:$0x6], $0x40, s9, s10, $0xb8;
	[tilespmem:$0x114A0] =	vst v63  }
0x156: {  	_ =	swait.ge [sflag:s28], $0x2000  }
0x157: {  	[sflag:s28] =	ssyncset.done $0x0  }
0x158: {  	[sflag:s28] =	ssyncadd.s32 $0xFFFFE000  }
0x159: {  	_ =	swait.ge [sflag:s28], $0x2000  }
0x15a: {  	s4 =	sld [smem:$0x7E5]  }
0x15b: {  	[sflag:s28] =	ssyncset.done $0x0  }
0x15c: {  	s6 =	sld [smem:$0x7E6];
	[sflag:s28] =	ssyncadd.s32 $0xFFFFE000  }
0x15d: {  	[tilespmem:s14], [sflag:$0x2] =	stream.strided.gather [hbm4b:s4+s16], $0x4000, s10, s16, $0x38;
	[tilespmem:$0x114A0] =	vst v63  }
0x15e: {  	s4 =	sld [smem:$0x7E7]  }
0x15f: {  	[tilespmem:s15], [sflag:$0x2] =	stream.linear.gather [hbm4b:s6+s3], $0x80, $0x38;
	[tilespmem:$0x114A0] =	vst v63  }
0x160: {  	_ = 	snop  }
0x161: {  	[tilespmem:s9], [sflag:$0x2] =	stream.linear.gather [hbm4b:s4+s3], $0x80, $0x38;
	[tilespmem:$0x114A0] =	vst v63  }
0x162: {  	_ =	swait.ge [sflag:s29], $0x4000  }
0x163: {  	[sflag:s29] =	ssyncset.done $0x0  }
0x164: {  	[sflag:s29] =	ssyncadd.s32 $0xFFFFC000  }
0x165: {  	_ =	swait.ge [sflag:s29], $0x80  }
0x166: {  	[sflag:s29] =	ssyncset.done $0x0  }
0x167: {  	[sflag:s29] =	ssyncadd.s32 $0xFFFFFF80  }
0x168: {  	_ =	swait.ge [sflag:s29], $0x80  }
0x169: {  	[sflag:s29] =	ssyncset.done $0x0  }
0x16a: {  	[sflag:s29] =	ssyncadd.s32 $0xFFFFFF80  }
0x16b: {  	[spmem:s2] =	stream.indirect.scatter.add.f32 [tilespmem:s20], [sflag:$0x7], $0x40, s8, s10, $0xb8;
	[tilespmem:$0x114A0] =	vst v63  }
0x16c: {  	_ = 	snop  }
0x16d: {  	[spmem:s2] =	stream.indirect.scatter.add.f32 [tilespmem:s30], [sflag:$0x7], $0x40, s17, s10, $0xb8;
	[tilespmem:$0x114A0] =	vst v63  }
0x16e: {  	_ =	swait.ge [sflag:s31], $0x2000  }
0x16f: {  	[sflag:s31] =	ssyncset.done $0x0  }
0x170: {  	[sflag:s31] =	ssyncadd.s32 $0xFFFFE000  }
0x171: {  	_ =	swait.ge [sflag:s31], $0x2000  }
0x172: {  	s4 =	sld [smem:$0x7E8]  }
0x173: {  	[sflag:s31] =	ssyncset.done $0x0  }
0x174: {  	s6 =	sld [smem:$0x7E9];
	[sflag:s31] =	ssyncadd.s32 $0xFFFFE000  }
0x175: {  	[tilespmem:s20], [sflag:$0x3] =	stream.strided.gather [hbm4b:s4+s16], $0x4000, s10, s16, $0x38;
	[tilespmem:$0x114A0] =	vst v63  }
0x176: {  	s4 =	sld [smem:$0x7EA]  }
0x177: {  	[tilespmem:s8], [sflag:$0x3] =	stream.linear.gather [hbm4b:s6+s3], $0x80, $0x38;
	[tilespmem:$0x114A0] =	vst v63  }
0x178: {  	_ = 	snop  }
0x179: {  	[tilespmem:s17], [sflag:$0x3] =	stream.linear.gather [hbm4b:s4+s3], $0x80, $0x38;
	[tilespmem:$0x114A0] =	vst v63  }
0x17a: {  	_ =	swait.ge [sflag:s0], $0x4000  }
0x17b: {  	[sflag:s0] =	ssyncset.done $0x0  }
0x17c: {  	[sflag:s0] =	ssyncadd.s32 $0xFFFFC000  }
0x17d: {  	_ =	swait.ge [sflag:s0], $0x80  }
0x17e: {  	[sflag:s0] =	ssyncset.done $0x0  }
0x17f: {  	[sflag:s0] =	ssyncadd.s32 $0xFFFFFF80  }
0x180: {  	_ =	swait.ge [sflag:s0], $0x80  }
0x181: {  	[sflag:s0] =	ssyncset.done $0x0  }
0x182: {  	[sflag:s0] =	ssyncadd.s32 $0xFFFFFF80  }
0x183: {  	[spmem:s2] =	stream.indirect.scatter.add.f32 [tilespmem:s18], [sflag:$0x8], $0x40, s19, s10, $0xb8;
	[tilespmem:$0x114A0] =	vst v63  }
0x184: {  	_ = 	snop  }
0x185: {  	[spmem:s2] =	stream.indirect.scatter.add.f32 [tilespmem:s1], [sflag:$0x8], $0x40, s5, s10, $0xb8;
	[tilespmem:$0x114A0] =	vst v63  }
0x186: {  	_ =	swait.ge [sflag:s7], $0x2000  }
0x187: {  	[sflag:s7] =	ssyncset.done $0x0  }
0x188: {  	[sflag:s7] =	ssyncadd.s32 $0xFFFFE000  }
0x189: {  	_ =	swait.ge [sflag:s7], $0x2000  }
0x18a: {  	s4 =	sld [smem:$0x7EB]  }
0x18b: {  	[sflag:s7] =	ssyncset.done $0x0  }
0x18c: {  	s6 =	sld [smem:$0x7EC];
	[sflag:s7] =	ssyncadd.s32 $0xFFFFE000  }
0x18d: {  	[tilespmem:s18], [sflag:$0x4] =	stream.strided.gather [hbm4b:s4+s16], $0x4000, s10, s16, $0x38;
	[tilespmem:$0x114A0] =	vst v63  }
0x18e: {  	s4 =	sld [smem:$0x7ED]  }
0x18f: {  	[tilespmem:s19], [sflag:$0x4] =	stream.linear.gather [hbm4b:s6+s3], $0x80, $0x38;
	[tilespmem:$0x114A0] =	vst v63  }
0x190: {  	_ = 	snop  }
0x191: {  	[tilespmem:s5], [sflag:$0x4] =	stream.linear.gather [hbm4b:s4+s3], $0x80, $0x38;
	[tilespmem:$0x114A0] =	vst v63  }
0x192: {  	_ =	swait.ge [sflag:s22], $0x4000  }
0x193: {  	[sflag:s22] =	ssyncset.done $0x0  }
0x194: {  	[sflag:s22] =	ssyncadd.s32 $0xFFFFC000  }
0x195: {  	_ =	swait.ge [sflag:s22], $0x80  }
0x196: {  	[sflag:s22] =	ssyncset.done $0x0  }
0x197: {  	[sflag:s22] =	ssyncadd.s32 $0xFFFFFF80  }
0x198: {  	_ =	swait.ge [sflag:s22], $0x80  }
0x199: {  	[sflag:s22] =	ssyncset.done $0x0  }
0x19a: {  	[sflag:s22] =	ssyncadd.s32 $0xFFFFFF80  }
0x19b: {  	[spmem:s2] =	stream.indirect.scatter.add.f32 [tilespmem:s3], [sflag:$0x5], $0x40, s12, s10, $0xb8;
	[tilespmem:$0x114A0] =	vst v63  }
0x19c: {  	_ = 	snop  }
0x19d: {  	[spmem:s2] =	stream.indirect.scatter.add.f32 [tilespmem:s11], [sflag:$0x5], $0x40, s13, s10, $0xb8;
	[tilespmem:$0x114A0] =	vst v63  }
0x19e: {  	_ =	swait.ge [sflag:s24], $0x2000  }
0x19f: {  	[sflag:s24] =	ssyncset.done $0x0  }
0x1a0: {  	[sflag:s24] =	ssyncadd.s32 $0xFFFFE000  }
0x1a1: {  	_ =	swait.ge [sflag:s24], $0x2000  }
0x1a2: {  	s4 =	sld [smem:$0x7EE]  }
0x1a3: {  	[sflag:s24] =	ssyncset.done $0x0  }
0x1a4: {  	s6 =	sld [smem:$0x7EF];
	[sflag:s24] =	ssyncadd.s32 $0xFFFFE000  }
0x1a5: {  	[tilespmem:s3], [sflag:$0x1] =	stream.strided.gather [hbm4b:s4+s16], $0x4000, s10, s16, $0x38;
	[tilespmem:$0x114A0] =	vst v63  }
0x1a6: {  	s4 =	sld [smem:$0x7F0]  }
0x1a7: {  	[tilespmem:s12], [sflag:$0x1] =	stream.linear.gather [hbm4b:s6+s3], $0x80, $0x38;
	[tilespmem:$0x114A0] =	vst v63  }
0x1a8: {  	_ = 	snop  }
0x1a9: {  	[tilespmem:s13], [sflag:$0x1] =	stream.linear.gather [hbm4b:s4+s3], $0x80, $0x38;
	[tilespmem:$0x114A0] =	vst v63  }
0x1aa: {  	_ =	swait.ge [sflag:s25], $0x4000  }
0x1ab: {  	[sflag:s25] =	ssyncset.done $0x0  }
0x1ac: {  	[sflag:s25] =	ssyncadd.s32 $0xFFFFC000  }
0x1ad: {  	_ =	swait.ge [sflag:s25], $0x80  }
0x1ae: {  	[sflag:s25] =	ssyncset.done $0x0  }
0x1af: {  	[sflag:s25] =	ssyncadd.s32 $0xFFFFFF80  }
0x1b0: {  	_ =	swait.ge [sflag:s25], $0x80  }
0x1b1: {  	[sflag:s25] =	ssyncset.done $0x0  }
0x1b2: {  	[sflag:s25] =	ssyncadd.s32 $0xFFFFFF80  }
0x1b3: {  	[spmem:s2] =	stream.indirect.scatter.add.f32 [tilespmem:s14], [sflag:$0x6], $0x40, s15, s10, $0xb8;
	[tilespmem:$0x114A0] =	vst v63  }
0x1b4: {  	_ = 	snop  }
0x1b5: {  	[spmem:s2] =	stream.indirect.scatter.add.f32 [tilespmem:s21], [sflag:$0x6], $0x40, s9, s10, $0xb8;
	[tilespmem:$0x114A0] =	vst v63  }
0x1b6: {  	_ =	swait.ge [sflag:s28], $0x2000  }
0x1b7: {  	[sflag:s28] =	ssyncset.done $0x0  }
0x1b8: {  	[sflag:s28] =	ssyncadd.s32 $0xFFFFE000  }
0x1b9: {  	_ =	swait.ge [sflag:s28], $0x2000  }
0x1ba: {  	s4 =	sld [smem:$0x7F1]  }
0x1bb: {  	[sflag:s28] =	ssyncset.done $0x0  }
0x1bc: {  	s6 =	sld [smem:$0x7F2];
	[sflag:s28] =	ssyncadd.s32 $0xFFFFE000  }
0x1bd: {  	[tilespmem:s14], [sflag:$0x2] =	stream.strided.gather [hbm4b:s4+s16], $0x4000, s10, s16, $0x38;
	[tilespmem:$0x114A0] =	vst v63  }
0x1be: {  	s4 =	sld [smem:$0x7F3]  }
0x1bf: {  	[tilespmem:s15], [sflag:$0x2] =	stream.linear.gather [hbm4b:s6+s3], $0x80, $0x38;
	[tilespmem:$0x114A0] =	vst v63  }
0x1c0: {  	_ = 	snop  }
0x1c1: {  	[tilespmem:s9], [sflag:$0x2] =	stream.linear.gather [hbm4b:s4+s3], $0x80, $0x38;
	[tilespmem:$0x114A0] =	vst v63  }
0x1c2: {  	_ =	swait.ge [sflag:s29], $0x4000  }
0x1c3: {  	[sflag:s29] =	ssyncset.done $0x0  }
0x1c4: {  	[sflag:s29] =	ssyncadd.s32 $0xFFFFC000  }
0x1c5: {  	_ =	swait.ge [sflag:s29], $0x80  }
0x1c6: {  	[sflag:s29] =	ssyncset.done $0x0  }
0x1c7: {  	[sflag:s29] =	ssyncadd.s32 $0xFFFFFF80  }
0x1c8: {  	_ =	swait.ge [sflag:s29], $0x80  }
0x1c9: {  	[sflag:s29] =	ssyncset.done $0x0  }
0x1ca: {  	[sflag:s29] =	ssyncadd.s32 $0xFFFFFF80  }
0x1cb: {  	[spmem:s2] =	stream.indirect.scatter.add.f32 [tilespmem:s20], [sflag:$0x7], $0x40, s8, s10, $0xb8;
	[tilespmem:$0x114A0] =	vst v63  }
0x1cc: {  	_ = 	snop  }
0x1cd: {  	[spmem:s2] =	stream.indirect.scatter.add.f32 [tilespmem:s30], [sflag:$0x7], $0x40, s17, s10, $0xb8;
	[tilespmem:$0x114A0] =	vst v63  }
0x1ce: {  	_ =	swait.ge [sflag:s0], $0x4000  }
0x1cf: {  	[sflag:s0] =	ssyncset.done $0x0  }
0x1d0: {  	[sflag:s0] =	ssyncadd.s32 $0xFFFFC000  }
0x1d1: {  	_ =	swait.ge [sflag:s0], $0x80  }
0x1d2: {  	[sflag:s0] =	ssyncset.done $0x0  }
0x1d3: {  	[sflag:s0] =	ssyncadd.s32 $0xFFFFFF80  }
0x1d4: {  	_ =	swait.ge [sflag:s0], $0x80  }
0x1d5: {  	[sflag:s0] =	ssyncset.done $0x0  }
0x1d6: {  	[sflag:s0] =	ssyncadd.s32 $0xFFFFFF80  }
0x1d7: {  	[spmem:s2] =	stream.indirect.scatter.add.f32 [tilespmem:s18], [sflag:$0x8], $0x40, s19, s10, $0xb8;
	[tilespmem:$0x114A0] =	vst v63  }
0x1d8: {  	_ = 	snop  }
0x1d9: {  	[spmem:s2] =	stream.indirect.scatter.add.f32 [tilespmem:s1], [sflag:$0x8], $0x40, s5, s10, $0xb8;
	[tilespmem:$0x114A0] =	vst v63  }
0x1da: {  	_ =	swait.ge [sflag:s22], $0x4000  }
0x1db: {  	[sflag:s22] =	ssyncset.done $0x0  }
0x1dc: {  	[sflag:s22] =	ssyncadd.s32 $0xFFFFC000  }
0x1dd: {  	_ =	swait.ge [sflag:s22], $0x80  }
0x1de: {  	[sflag:s22] =	ssyncset.done $0x0  }
0x1df: {  	[sflag:s22] =	ssyncadd.s32 $0xFFFFFF80  }
0x1e0: {  	_ =	swait.ge [sflag:s22], $0x80  }
0x1e1: {  	[sflag:s22] =	ssyncset.done $0x0  }
0x1e2: {  	[sflag:s22] =	ssyncadd.s32 $0xFFFFFF80  }
0x1e3: {  	[spmem:s2] =	stream.indirect.scatter.add.f32 [tilespmem:s3], [sflag:$0x5], $0x40, s12, s10, $0xb8;
	[tilespmem:$0x114A0] =	vst v63  }
0x1e4: {  	_ = 	snop  }
0x1e5: {  	[spmem:s2] =	stream.indirect.scatter.add.f32 [tilespmem:s11], [sflag:$0x5], $0x40, s13, s10, $0xb8;
	[tilespmem:$0x114A0] =	vst v63  }
0x1e6: {  	_ =	swait.ge [sflag:s25], $0x4000  }
0x1e7: {  	[sflag:s25] =	ssyncset.done $0x0  }
0x1e8: {  	[sflag:s25] =	ssyncadd.s32 $0xFFFFC000  }
0x1e9: {  	_ =	swait.ge [sflag:s25], $0x80  }
0x1ea: {  	[sflag:s25] =	ssyncset.done $0x0  }
0x1eb: {  	[sflag:s25] =	ssyncadd.s32 $0xFFFFFF80  }
0x1ec: {  	_ =	swait.ge [sflag:s25], $0x80  }
0x1ed: {  	[sflag:s25] =	ssyncset.done $0x0  }
0x1ee: {  	[sflag:s25] =	ssyncadd.s32 $0xFFFFFF80  }
0x1ef: {  	[spmem:s2] =	stream.indirect.scatter.add.f32 [tilespmem:s14], [sflag:$0x6], $0x40, s15, s10, $0xb8;
	[tilespmem:$0x114A0] =	vst v63  }
0x1f0: {  	_ = 	snop  }
0x1f1: {  	[spmem:s2] =	stream.indirect.scatter.add.f32 [tilespmem:s21], [sflag:$0x6], $0x40, s9, s10, $0xb8;
	[tilespmem:$0x114A0] =	vst v63  }
0x1f2: {  	_ =	swait.ge [sflag:s24], $0x2000  }
0x1f3: {  	[sflag:s24] =	ssyncset.done $0x0  }
0x1f4: {  	[sflag:s24] =	ssyncadd.s32 $0xFFFFE000  }
0x1f5: {  	_ =	swait.ge [sflag:s24], $0x2000  }
0x1f6: {  	[sflag:s24] =	ssyncset.done $0x0  }
0x1f7: {  	[sflag:s24] =	ssyncadd.s32 $0xFFFFE000  }
0x1f8: {  	_ =	swait.ge [sflag:s28], $0x2000  }
0x1f9: {  	[sflag:s28] =	ssyncset.done $0x0  }
0x1fa: {  	[sflag:s28] =	ssyncadd.s32 $0xFFFFE000  }
0x1fb: {  	_ =	swait.ge [sflag:s28], $0x2000  }
0x1fc: {  	[sflag:s28] =	ssyncset.done $0x0  }
0x1fd: {  	[sflag:s28] =	ssyncadd.s32 $0xFFFFE000  }
0x1fe: {  	_ =	swait.ge [sflag:s31], $0x2000  }
0x1ff: {  	[sflag:s31] =	ssyncset.done $0x0  }
0x200: {  	[sflag:s31] =	ssyncadd.s32 $0xFFFFE000  }
0x201: {  	_ =	swait.ge [sflag:s31], $0x2000  }
0x202: {  	[sflag:s31] =	ssyncset.done $0x0  }
0x203: {  	[sflag:s31] =	ssyncadd.s32 $0xFFFFE000  }
0x204: {  	_ =	swait.ge [sflag:s7], $0x2000  }
0x205: {  	s1 =	stileid.u32;
	[sflag:s7] =	ssyncset.done $0x0  }
0x206: {  	p1 =	sgt.u32 s1, $0x5;
	[sflag:s7] =	ssyncadd.s32 $0xFFFFE000  }
0x207: {  	p2 =	sne.s32 @p1 s1, $0xF;
	_ =	swait.ge [sflag:s7], $0x2000  }
0x208: {  	p2 =	por p2, !p1;
	s4 =	sld [smem:$0x7F4]  }
0x209: {  	s5 =	simm.s32 @!p2 $0x0;
	[sflag:s7] =	ssyncset.done $0x0  }
0x20a: {  	s6 =	simm.s32 @!p2 $0x40;
	s9 =	simm.s32 @!p2 $0x80;
	[sflag:s7] =	ssyncadd.s32 $0xFFFFE000  }
0x20b: {  	[tilespmem:s5], [sflag:$0x9] =	stream.strided.gather @!p2 [hbm4b:s4+s6], $0x2000, s9, s6, $0x38;
	[tilespmem:$0x114A0] =	vst v63  }
0x20c: {  	s4 =	simm.s32 @!p2 $0x9  }
0x20d: {  	_ =	swait.ge @!p2 [sflag:s4], $0x2000  }
0x20e: {  	s1 =	sld [smem:$0x7F5]  }
0x20f: {  	[sflag:s4] =	ssyncset.done @!p2 $0x0  }
0x210: {  	s11 =	simm.s32 @!p2 $0x10000;
	[sflag:s4] =	ssyncadd.s32 @!p2 $0xFFFFE000  }
0x211: {  	[tilespmem:s11], [sflag:$0x9] =	stream.linear.gather @!p2 [hbm4b:s1+s5], $0x80, $0x38;
	[tilespmem:$0x114A0] =	vst v63  }
0x212: {  	_ =	swait.ge @!p2 [sflag:s4], $0x80  }
0x213: {  	[sflag:s4] =	ssyncset.done @!p2 $0x0  }
0x214: {  	[sflag:s4] =	ssyncadd.s32 @!p2 $0xFFFFFF80  }
0x215: {  	[spmem:s2] =	stream.indirect.scatter.add.f32 @!p2 [tilespmem:s5], [sflag:$0x9], $0x40, s11, s9, $0xb8;
	[tilespmem:$0x114A0] =	vst v63  }
0x216: {  	_ =	swait.ge @!p2 [sflag:s4], $0x2000  }
0x217: {  	s1 =	sld [smem:$0x7F6]  }
0x218: {  	[sflag:s4] =	ssyncset.done @!p2 $0x0  }
0x219: {  	s11 =	simm.s32 @!p2 $0x10420;
	[sflag:s4] =	ssyncadd.s32 @!p2 $0xFFFFE000  }
0x21a: {  	[tilespmem:s11], [sflag:$0x9] =	stream.strided.gather @!p2 [hbm4b:s1+s6], $0x800, s9, s6, $0x38;
	[tilespmem:$0x114A0] =	vst v63  }
0x21b: {  	_ =	swait.ge @!p2 [sflag:s4], $0x800  }
0x21c: {  	s1 =	sld [smem:$0x7F7]  }
0x21d: {  	[sflag:s4] =	ssyncset.done @!p2 $0x0  }
0x21e: {  	s6 =	simm.s32 @!p2 $0x10400;
	[sflag:s4] =	ssyncadd.s32 @!p2 $0xFFFFF800  }
0x21f: {  	[tilespmem:s6], [sflag:$0x9] =	stream.linear.gather @!p2 [hbm4b:s1+s5], $0x20, $0x38;
	[tilespmem:$0x114A0] =	vst v63  }
0x220: {  	_ =	swait.ge @!p2 [sflag:s4], $0x20  }
0x221: {  	[sflag:s4] =	ssyncset.done @!p2 $0x0  }
0x222: {  	s1 =	simm.s32 @!p2 $0x20;
	[sflag:s4] =	ssyncadd.s32 @!p2 $0xFFFFFFE0  }
0x223: {  	[spmem:s2] =	stream.indirect.scatter.add.f32 @!p2 [tilespmem:s11], [sflag:$0x9], $0x40, s6, s1, $0xb8;
	[tilespmem:$0x114A0] =	vst v63  }
0x224: {  	_ =	swait.ge @!p2 [sflag:s4], $0x800  }
0x225: {  	s30 =	sld [smem:$0x7F8]  }
0x226: {  	s5 =	simm.s32 @!p1 $0x0;
	[sflag:s4] =	ssyncset.done @!p2 $0x0  }
0x227: {  	s1 =	simm.s32 @!p1 $0x40;
	s6 =	simm.s32 @!p1 $0x80;
	[sflag:s4] =	ssyncadd.s32 @!p2 $0xFFFFF800  }
0x228: {  	[tilespmem:s5], [sflag:$0x9] =	stream.strided.gather @!p1 [hbm4b:s30+s1], $0x4000, s6, s1, $0x38;
	[tilespmem:$0x114A0] =	vst v63  }
0x229: {  	s30 =	simm.s32 @!p1 $0x9  }
0x22a: {  	_ =	swait.ge @!p1 [sflag:s30], $0x4000  }
0x22b: {  	s1 =	sld [smem:$0x7F9]  }
0x22c: {  	[sflag:s30] =	ssyncset.done @!p1 $0x0  }
0x22d: {  	s9 =	simm.s32 @!p1 $0x10000;
	[sflag:s30] =	ssyncadd.s32 @!p1 $0xFFFFC000  }
0x22e: {  	[tilespmem:s9], [sflag:$0x9] =	stream.linear.gather @!p1 [hbm4b:s1+s5], $0x80, $0x38;
	[tilespmem:$0x114A0] =	vst v63  }
0x22f: {  	_ =	swait.ge @!p1 [sflag:s30], $0x80  }
0x230: {  	s1 =	sld [smem:$0x7FA]  }
0x231: {  	[sflag:s30] =	ssyncset.done @!p1 $0x0  }
0x232: {  	s11 =	simm.s32 @!p1 $0x10080;
	[sflag:s30] =	ssyncadd.s32 @!p1 $0xFFFFFF80  }
0x233: {  	[tilespmem:s11], [sflag:$0x9] =	stream.linear.gather @!p1 [hbm4b:s1+s5], $0x80, $0x38;
	[tilespmem:$0x114A0] =	vst v63  }
0x234: {  	_ =	swait.ge @!p1 [sflag:s30], $0x80  }
0x235: {  	[sflag:s30] =	ssyncset.done @!p1 $0x0  }
0x236: {  	[sflag:s30] =	ssyncadd.s32 @!p1 $0xFFFFFF80  }
0x237: {  	[spmem:s2] =	stream.indirect.scatter.add.f32 @!p1 [tilespmem:s5], [sflag:$0x9], $0x40, s9, s6, $0xb8;
	[tilespmem:$0x114A0] =	vst v63  }
0x238: {  	_ =	swait.ge @!p1 [sflag:s30], $0x2000  }
0x239: {  	[sflag:s30] =	ssyncset.done @!p1 $0x0  }
0x23a: {  	s1 =	simm.s32 @!p1 $0x2000;
	[sflag:s30] =	ssyncadd.s32 @!p1 $0xFFFFE000  }
0x23b: {  	[spmem:s2] =	stream.indirect.scatter.add.f32 @!p1 [tilespmem:s1], [sflag:$0x9], $0x40, s11, s6, $0xb8;
	[tilespmem:$0x114A0] =	vst v63  }
0x23c: {  	_ =	swait.ge @!p1 [sflag:s30], $0x2000  }
0x23d: {  	[sflag:s30] =	ssyncset.done @!p1 $0x0  }
0x23e: {  	[sflag:s30] =	ssyncadd.s32 @!p1 $0xFFFFE000  }
0x23f: {  	[bflag:$0x0] =	sbarrier.arrive $0xFFFF  }
0x240: {  	s19 =	simm.s32 $0x10C20;
	[smem:$0x7FB] =	sst s26  }
0x241: {  	[tilespmem:s19], [sflag:$0x9] =	stream.linear.gather [spmem:s26], $0x400, $0x38;
	[tilespmem:$0x114A0] =	vst v63  }
0x242: {  	_ =	swait.ge [sflag:s23], $0x400  }
0x243: {  	s20 =	sld [smem:$0x7FC];
	_ =	sdelay $0x2  }
0x244: {  	s21 =	ssub.s32 $0x2, s20  }
0x245: {  	s1 =	sshrl.u32 s21, $0x1  }
0x246: {  	s1 =	ssub.s32 s21, s1  }
0x247: {  	s1 =	smax.u32 s1, $0x1  }
0x248: {  	s1 =	sadd.s32 $0xFFFFFFFF, s1  }
0x249: {  	p3 =	sne.s32 s1, $0x0  }
.Ltmp0:
0x24a: {  	s26 =	sld [smem:$0x7FD];
	(pc) =	sbr.rel @!p3 .LBB2_3-.Ltmp0, $4  }
0x24b: {  	[sflag:s23] =	ssyncset.done $0x0  }
0x24c: {  	[sflag:s23] =	ssyncadd.s32 $0xFFFFFC00  }
0x24d: {  	[hbm4b:s26+s16] =	stream.strided.scatter [tilespmem:s19], [sflag:$0x9], $0x400, s10, s16, $0x38;
	[tilespmem:$0x114A0] =	vst v63  }
0x24e: {  	_ =	swait.ge [sflag:s23], $0x400  }
0x24f: {  	s13 =	simm.s32 $0x10080;
	s14 =	simm.s32 $0x4000  }
0x250: {  	s15 =	simm.s32 $0x10100;
	s17 =	simm.s32 $0x8000;
	s18 =	simm.s32 $0x10200  }
0x251: {  	s19 =	simm.s32 $0x10280;
	s20 =	simm.s32 $0xC000;
	s21 =	simm.s32 $0x10300  }
.LBB2_2:
0x252: {  	s5 =	simm.s32 $0x9  }
0x253: {  	[sflag:s5] =	ssyncset.done $0x0  }
0x254: {  	[sflag:s5] =	ssyncadd.s32 $0xFFFFFC00  }
0x255: {  	[tilespmem:$0x10C50] =	vst v0  }
0x256: {  	[tilespmem:$0x10C60] =	vst v0  }
0x257: {  	[tilespmem:$0x10C70] =	vst v0  }
0x258: {  	[tilespmem:$0x10C80] =	vst v0  }
0x259: {  	[tilespmem:$0x10C90] =	vst v0  }
0x25a: {  	[tilespmem:$0x10CA0] =	vst v0  }
0x25b: {  	[tilespmem:$0x10CB0] =	vst v0  }
0x25c: {  	[tilespmem:$0x10CC0] =	vst v0  }
0x25d: {  	[tilespmem:$0x10CD0] =	vst v0  }
0x25e: {  	[tilespmem:$0x10CE0] =	vst v0  }
0x25f: {  	[tilespmem:$0x10CF0] =	vst v0  }
0x260: {  	[tilespmem:$0x10D00] =	vst v0  }
0x261: {  	[tilespmem:$0x10D10] =	vst v0  }
0x262: {  	[tilespmem:$0x10D20] =	vst v0  }
0x263: {  	[tilespmem:$0x10D30] =	vst v0  }
0x264: {  	[tilespmem:$0x10D40] =	vst v0  }
0x265: {  	[tilespmem:$0x10D50] =	vst v0  }
0x266: {  	[tilespmem:$0x10D60] =	vst v0  }
0x267: {  	[tilespmem:$0x10D70] =	vst v0  }
0x268: {  	[tilespmem:$0x10D80] =	vst v0  }
0x269: {  	[tilespmem:$0x10D90] =	vst v0  }
0x26a: {  	[tilespmem:$0x10DA0] =	vst v0  }
0x26b: {  	[tilespmem:$0x10DB0] =	vst v0  }
0x26c: {  	[tilespmem:$0x10DC0] =	vst v0  }
0x26d: {  	[tilespmem:$0x10DD0] =	vst v0  }
0x26e: {  	[tilespmem:$0x10DE0] =	vst v0  }
0x26f: {  	[tilespmem:$0x10DF0] =	vst v0  }
0x270: {  	[tilespmem:$0x10E00] =	vst v0  }
0x271: {  	[tilespmem:$0x10E10] =	vst v0  }
0x272: {  	[tilespmem:$0x10E20] =	vst v0  }
0x273: {  	[tilespmem:$0x10C20] =	vst v0  }
0x274: {  	[tilespmem:$0x11010] =	vst v0  }
0x275: {  	[tilespmem:$0x11000] =	vst v0  }
0x276: {  	[tilespmem:$0x10FF0] =	vst v0  }
0x277: {  	[tilespmem:$0x10FE0] =	vst v0  }
0x278: {  	[tilespmem:$0x10FD0] =	vst v0  }
0x279: {  	[tilespmem:$0x10FC0] =	vst v0  }
0x27a: {  	[tilespmem:$0x10FB0] =	vst v0  }
0x27b: {  	[tilespmem:$0x10FA0] =	vst v0  }
0x27c: {  	[tilespmem:$0x10F90] =	vst v0  }
0x27d: {  	[tilespmem:$0x10F80] =	vst v0  }
0x27e: {  	[tilespmem:$0x10F70] =	vst v0  }
0x27f: {  	[tilespmem:$0x10F60] =	vst v0  }
0x280: {  	[tilespmem:$0x10F50] =	vst v0  }
0x281: {  	[tilespmem:$0x10F40] =	vst v0  }
0x282: {  	[tilespmem:$0x10F30] =	vst v0  }
0x283: {  	[tilespmem:$0x10F20] =	vst v0  }
0x284: {  	[tilespmem:$0x10F10] =	vst v0  }
0x285: {  	[tilespmem:$0x10F00] =	vst v0  }
0x286: {  	[tilespmem:$0x10EF0] =	vst v0  }
0x287: {  	[tilespmem:$0x10EE0] =	vst v0  }
0x288: {  	[tilespmem:$0x10ED0] =	vst v0  }
0x289: {  	[tilespmem:$0x10EC0] =	vst v0  }
0x28a: {  	[tilespmem:$0x10EB0] =	vst v0  }
0x28b: {  	[tilespmem:$0x10EA0] =	vst v0  }
0x28c: {  	[tilespmem:$0x10E90] =	vst v0  }
0x28d: {  	[tilespmem:$0x10E80] =	vst v0  }
0x28e: {  	[tilespmem:$0x10E70] =	vst v0  }
0x28f: {  	[tilespmem:$0x10E60] =	vst v0  }
0x290: {  	[tilespmem:$0x10E50] =	vst v0  }
0x291: {  	[tilespmem:$0x10C40] =	vst v0  }
0x292: {  	s6 =	sld [smem:$0x7FB];
	[tilespmem:$0x10E40] =	vst v0  }
0x293: {  	s1 =	sadd.s32 $0xFFFFFFFF, s1;
	[tilespmem:$0x10E30] =	vst v0  }
0x294: {  	[smem:$0x7D7] =	sst s1;
	p3 =	sne.s32 s1, $0x0;
	[tilespmem:$0x10C30] =	vst v0;
	s1 =	simm.s32 $0x10C20  }
0x295: {  	[spmem:s6] =	stream.linear.scatter [tilespmem:s1], [sflag:$0x9], $0x400, $0x38;
	[tilespmem:$0x114A0] =	vst v63  }
0x296: {  	s6 =	simm.s32 $0x9  }
0x297: {  	_ =	swait.ge [sflag:s6], $0x400  }
0x298: {  	[sflag:s6] =	ssyncset.done $0x0  }
0x299: {  	s23 =	rddreg [dreg:$0x5];
	[sflag:s6] =	ssyncadd.s32 $0xFFFFFC00;
	s6 =	simm.s32 @!p0 $0x10C20  }
0x29a: {  	[spmem:s23] =	stream.linear.scatter @!p0 [tilespmem:s6], [sflag:$0x9], $0x400, $0x38;
	[tilespmem:$0x114A0] =	vst v63  }
0x29b: {  	s6 =	simm.s32 @!p0 $0x9  }
0x29c: {  	_ =	swait.ge @!p0 [sflag:s6], $0x400  }
0x29d: {  	[sflag:s6] =	ssyncset.done @!p0 $0x0  }
0x29e: {  	[sflag:s6] =	ssyncadd.s32 @!p0 $0xFFFFFC00  }
0x29f: {  	[bflag:$0x0] =	sbarrier.arrive $0xFFFF  }
0x2a0: {  	s1 =	simm.s32 $0x40;
	s26 =	rddreg [dreg:$0x6]  }
0x2a1: {  	[tilespmem:s3], [sflag:$0x1] =	stream.strided.gather [hbm4b:s26+s1], $0x4000, s10, s1, $0x38;
	[tilespmem:$0x114A0] =	vst v63  }
0x2a2: {  	s12 =	simm.s32 $0x10000;
	s8 =	rddreg [dreg:$0x7]  }
0x2a3: {  	[tilespmem:s12], [sflag:$0x1] =	stream.linear.gather [hbm4b:s8+s3], $0x80, $0x38;
	[tilespmem:$0x114A0] =	vst v63  }
0x2a4: {  	s11 =	rddreg [dreg:$0x8]  }
0x2a5: {  	[tilespmem:s13], [sflag:$0x1] =	stream.linear.gather [hbm4b:s11+s3], $0x80, $0x38;
	[tilespmem:$0x114A0] =	vst v63  }
0x2a6: {  	s9 =	rddreg [dreg:$0x9]  }
0x2a7: {  	[tilespmem:s14], [sflag:$0x2] =	stream.strided.gather [hbm4b:s9+s1], $0x4000, s10, s1, $0x38;
	[tilespmem:$0x114A0] =	vst v63  }
0x2a8: {  	s16 =	rddreg [dreg:$0xa]  }
0x2a9: {  	[tilespmem:s15], [sflag:$0x2] =	stream.linear.gather [hbm4b:s16+s3], $0x80, $0x38;
	[tilespmem:$0x114A0] =	vst v63  }
0x2aa: {  	s8 =	rddreg [dreg:$0xb];
	s9 =	simm.s32 $0x10180  }
0x2ab: {  	[tilespmem:s9], [sflag:$0x2] =	stream.linear.gather [hbm4b:s8+s3], $0x80, $0x38;
	[tilespmem:$0x114A0] =	vst v63  }
0x2ac: {  	s5 =	rddreg [dreg:$0xc]  }
0x2ad: {  	[tilespmem:s17], [sflag:$0x3] =	stream.strided.gather [hbm4b:s5+s1], $0x4000, s10, s1, $0x38;
	[tilespmem:$0x114A0] =	vst v63  }
0x2ae: {  	s16 =	rddreg [dreg:$0xd]  }
0x2af: {  	[tilespmem:s18], [sflag:$0x3] =	stream.linear.gather [hbm4b:s16+s3], $0x80, $0x38;
	[tilespmem:$0x114A0] =	vst v63  }
0x2b0: {  	s11 =	rddreg [dreg:$0xe]  }
0x2b1: {  	[tilespmem:s19], [sflag:$0x3] =	stream.linear.gather [hbm4b:s11+s3], $0x80, $0x38;
	[tilespmem:$0x114A0] =	vst v63  }
0x2b2: {  	s8 =	rddreg [dreg:$0xf]  }
0x2b3: {  	[tilespmem:s20], [sflag:$0x4] =	stream.strided.gather [hbm4b:s8+s1], $0x4000, s10, s1, $0x38;
	[tilespmem:$0x114A0] =	vst v63  }
0x2b4: {  	s5 =	rddreg [dreg:$0x10]  }
0x2b5: {  	[tilespmem:s21], [sflag:$0x4] =	stream.linear.gather [hbm4b:s5+s3], $0x80, $0x38;
	[tilespmem:$0x114A0] =	vst v63  }
0x2b6: {  	s11 =	rddreg [dreg:$0x11];
	s5 =	simm.s32 $0x10380  }
0x2b7: {  	[tilespmem:s5], [sflag:$0x4] =	stream.linear.gather [hbm4b:s11+s3], $0x80, $0x38;
	[tilespmem:$0x114A0] =	vst v63  }
0x2b8: {  	_ =	swait.ge [sflag:s22], $0x4000  }
0x2b9: {  	[sflag:s22] =	ssyncset.done $0x0  }
0x2ba: {  	[sflag:s22] =	ssyncadd.s32 $0xFFFFC000  }
0x2bb: {  	_ =	swait.ge [sflag:s22], $0x80  }
0x2bc: {  	[sflag:s22] =	ssyncset.done $0x0  }
0x2bd: {  	[sflag:s22] =	ssyncadd.s32 $0xFFFFFF80  }
0x2be: {  	_ =	swait.ge [sflag:s22], $0x80  }
0x2bf: {  	[sflag:s22] =	ssyncset.done $0x0  }
0x2c0: {  	[sflag:s22] =	ssyncadd.s32 $0xFFFFFF80  }
0x2c1: {  	[spmem:s2] =	stream.indirect.scatter.add.f32 [tilespmem:s3], [sflag:$0x5], $0x40, s12, s10, $0xb8;
	[tilespmem:$0x114A0] =	vst v63  }
0x2c2: {  	s16 =	simm.s32 $0x2000  }
0x2c3: {  	[spmem:s2] =	stream.indirect.scatter.add.f32 [tilespmem:s16], [sflag:$0x5], $0x40, s13, s10, $0xb8;
	[tilespmem:$0x114A0] =	vst v63  }
0x2c4: {  	_ =	swait.ge [sflag:s24], $0x2000  }
0x2c5: {  	[sflag:s24] =	ssyncset.done $0x0  }
0x2c6: {  	[sflag:s24] =	ssyncadd.s32 $0xFFFFE000  }
0x2c7: {  	_ =	swait.ge [sflag:s24], $0x2000  }
0x2c8: {  	[sflag:s24] =	ssyncset.done $0x0  }
0x2c9: {  	s23 =	rddreg [dreg:$0x12];
	[sflag:s24] =	ssyncadd.s32 $0xFFFFE000  }
0x2ca: {  	[tilespmem:s3], [sflag:$0x1] =	stream.strided.gather [hbm4b:s23+s1], $0x4000, s10, s1, $0x38;
	[tilespmem:$0x114A0] =	vst v63  }
0x2cb: {  	s26 =	rddreg [dreg:$0x13]  }
0x2cc: {  	[tilespmem:s12], [sflag:$0x1] =	stream.linear.gather [hbm4b:s26+s3], $0x80, $0x38;
	[tilespmem:$0x114A0] =	vst v63  }
0x2cd: {  	s8 =	rddreg [dreg:$0x14]  }
0x2ce: {  	[tilespmem:s13], [sflag:$0x1] =	stream.linear.gather [hbm4b:s8+s3], $0x80, $0x38;
	[tilespmem:$0x114A0] =	vst v63  }
0x2cf: {  	_ =	swait.ge [sflag:s25], $0x4000  }
0x2d0: {  	[sflag:s25] =	ssyncset.done $0x0  }
0x2d1: {  	[sflag:s25] =	ssyncadd.s32 $0xFFFFC000  }
0x2d2: {  	_ =	swait.ge [sflag:s25], $0x80  }
0x2d3: {  	[sflag:s25] =	ssyncset.done $0x0  }
0x2d4: {  	[sflag:s25] =	ssyncadd.s32 $0xFFFFFF80  }
0x2d5: {  	_ =	swait.ge [sflag:s25], $0x80  }
0x2d6: {  	[sflag:s25] =	ssyncset.done $0x0  }
0x2d7: {  	[sflag:s25] =	ssyncadd.s32 $0xFFFFFF80  }
0x2d8: {  	[spmem:s2] =	stream.indirect.scatter.add.f32 [tilespmem:s14], [sflag:$0x6], $0x40, s15, s10, $0xb8;
	[tilespmem:$0x114A0] =	vst v63  }
0x2d9: {  	s16 =	simm.s32 $0x6000  }
0x2da: {  	[spmem:s2] =	stream.indirect.scatter.add.f32 [tilespmem:s16], [sflag:$0x6], $0x40, s9, s10, $0xb8;
	[tilespmem:$0x114A0] =	vst v63  }
0x2db: {  	_ =	swait.ge [sflag:s28], $0x2000  }
0x2dc: {  	[sflag:s28] =	ssyncset.done $0x0  }
0x2dd: {  	[sflag:s28] =	ssyncadd.s32 $0xFFFFE000  }
0x2de: {  	_ =	swait.ge [sflag:s28], $0x2000  }
0x2df: {  	[sflag:s28] =	ssyncset.done $0x0  }
0x2e0: {  	s23 =	rddreg [dreg:$0x15];
	[sflag:s28] =	ssyncadd.s32 $0xFFFFE000  }
0x2e1: {  	[tilespmem:s14], [sflag:$0x2] =	stream.strided.gather [hbm4b:s23+s1], $0x4000, s10, s1, $0x38;
	[tilespmem:$0x114A0] =	vst v63  }
0x2e2: {  	s26 =	rddreg [dreg:$0x16]  }
0x2e3: {  	[tilespmem:s15], [sflag:$0x2] =	stream.linear.gather [hbm4b:s26+s3], $0x80, $0x38;
	[tilespmem:$0x114A0] =	vst v63  }
0x2e4: {  	s16 =	rddreg [dreg:$0x17]  }
0x2e5: {  	[tilespmem:s9], [sflag:$0x2] =	stream.linear.gather [hbm4b:s16+s3], $0x80, $0x38;
	[tilespmem:$0x114A0] =	vst v63  }
0x2e6: {  	_ =	swait.ge [sflag:s29], $0x4000  }
0x2e7: {  	[sflag:s29] =	ssyncset.done $0x0  }
0x2e8: {  	[sflag:s29] =	ssyncadd.s32 $0xFFFFC000  }
0x2e9: {  	_ =	swait.ge [sflag:s29], $0x80  }
0x2ea: {  	[sflag:s29] =	ssyncset.done $0x0  }
0x2eb: {  	[sflag:s29] =	ssyncadd.s32 $0xFFFFFF80  }
0x2ec: {  	_ =	swait.ge [sflag:s29], $0x80  }
0x2ed: {  	[sflag:s29] =	ssyncset.done $0x0  }
0x2ee: {  	[sflag:s29] =	ssyncadd.s32 $0xFFFFFF80  }
0x2ef: {  	[spmem:s2] =	stream.indirect.scatter.add.f32 [tilespmem:s17], [sflag:$0x7], $0x40, s18, s10, $0xb8;
	[tilespmem:$0x114A0] =	vst v63  }
0x2f0: {  	s23 =	simm.s32 $0xA000  }
0x2f1: {  	[spmem:s2] =	stream.indirect.scatter.add.f32 [tilespmem:s23], [sflag:$0x7], $0x40, s19, s10, $0xb8;
	[tilespmem:$0x114A0] =	vst v63  }
0x2f2: {  	_ =	swait.ge [sflag:s31], $0x2000  }
0x2f3: {  	[sflag:s31] =	ssyncset.done $0x0  }
0x2f4: {  	[sflag:s31] =	ssyncadd.s32 $0xFFFFE000  }
0x2f5: {  	_ =	swait.ge [sflag:s31], $0x2000  }
0x2f6: {  	[sflag:s31] =	ssyncset.done $0x0  }
0x2f7: {  	s6 =	rddreg [dreg:$0x18];
	[sflag:s31] =	ssyncadd.s32 $0xFFFFE000  }
0x2f8: {  	[tilespmem:s17], [sflag:$0x3] =	stream.strided.gather [hbm4b:s6+s1], $0x4000, s10, s1, $0x38;
	[tilespmem:$0x114A0] =	vst v63  }
0x2f9: {  	s23 =	rddreg [dreg:$0x19]  }
0x2fa: {  	[tilespmem:s18], [sflag:$0x3] =	stream.linear.gather [hbm4b:s23+s3], $0x80, $0x38;
	[tilespmem:$0x114A0] =	vst v63  }
0x2fb: {  	s26 =	rddreg [dreg:$0x1a]  }
0x2fc: {  	[tilespmem:s19], [sflag:$0x3] =	stream.linear.gather [hbm4b:s26+s3], $0x80, $0x38;
	[tilespmem:$0x114A0] =	vst v63  }
0x2fd: {  	_ =	swait.ge [sflag:s0], $0x4000  }
0x2fe: {  	[sflag:s0] =	ssyncset.done $0x0  }
0x2ff: {  	[sflag:s0] =	ssyncadd.s32 $0xFFFFC000  }
0x300: {  	_ =	swait.ge [sflag:s0], $0x80  }
0x301: {  	[sflag:s0] =	ssyncset.done $0x0  }
0x302: {  	[sflag:s0] =	ssyncadd.s32 $0xFFFFFF80  }
0x303: {  	_ =	swait.ge [sflag:s0], $0x80  }
0x304: {  	[sflag:s0] =	ssyncset.done $0x0  }
0x305: {  	[sflag:s0] =	ssyncadd.s32 $0xFFFFFF80  }
0x306: {  	[spmem:s2] =	stream.indirect.scatter.add.f32 [tilespmem:s20], [sflag:$0x8], $0x40, s21, s10, $0xb8;
	[tilespmem:$0x114A0] =	vst v63  }
0x307: {  	s26 =	simm.s32 $0xE000  }
0x308: {  	[spmem:s2] =	stream.indirect.scatter.add.f32 [tilespmem:s26], [sflag:$0x8], $0x40, s5, s10, $0xb8;
	[tilespmem:$0x114A0] =	vst v63  }
0x309: {  	_ =	swait.ge [sflag:s7], $0x2000  }
0x30a: {  	[sflag:s7] =	ssyncset.done $0x0  }
0x30b: {  	[sflag:s7] =	ssyncadd.s32 $0xFFFFE000  }
0x30c: {  	_ =	swait.ge [sflag:s7], $0x2000  }
0x30d: {  	[sflag:s7] =	ssyncset.done $0x0  }
0x30e: {  	s6 =	rddreg [dreg:$0x1b];
	[sflag:s7] =	ssyncadd.s32 $0xFFFFE000  }
0x30f: {  	[tilespmem:s20], [sflag:$0x4] =	stream.strided.gather [hbm4b:s6+s1], $0x4000, s10, s1, $0x38;
	[tilespmem:$0x114A0] =	vst v63  }
0x310: {  	s23 =	rddreg [dreg:$0x1c]  }
0x311: {  	[tilespmem:s21], [sflag:$0x4] =	stream.linear.gather [hbm4b:s23+s3], $0x80, $0x38;
	[tilespmem:$0x114A0] =	vst v63  }
0x312: {  	s26 =	rddreg [dreg:$0x1d]  }
0x313: {  	[tilespmem:s5], [sflag:$0x4] =	stream.linear.gather [hbm4b:s26+s3], $0x80, $0x38;
	[tilespmem:$0x114A0] =	vst v63  }
0x314: {  	_ =	swait.ge [sflag:s22], $0x4000  }
0x315: {  	[sflag:s22] =	ssyncset.done $0x0  }
0x316: {  	[sflag:s22] =	ssyncadd.s32 $0xFFFFC000  }
0x317: {  	_ =	swait.ge [sflag:s22], $0x80  }
0x318: {  	[sflag:s22] =	ssyncset.done $0x0  }
0x319: {  	[sflag:s22] =	ssyncadd.s32 $0xFFFFFF80  }
0x31a: {  	_ =	swait.ge [sflag:s22], $0x80  }
0x31b: {  	[sflag:s22] =	ssyncset.done $0x0  }
0x31c: {  	[sflag:s22] =	ssyncadd.s32 $0xFFFFFF80  }
0x31d: {  	[spmem:s2] =	stream.indirect.scatter.add.f32 [tilespmem:s3], [sflag:$0x5], $0x40, s12, s10, $0xb8;
	[tilespmem:$0x114A0] =	vst v63  }
0x31e: {  	s11 =	simm.s32 $0x2000  }
0x31f: {  	[spmem:s2] =	stream.indirect.scatter.add.f32 [tilespmem:s11], [sflag:$0x5], $0x40, s13, s10, $0xb8;
	[tilespmem:$0x114A0] =	vst v63  }
0x320: {  	_ =	swait.ge [sflag:s24], $0x2000  }
0x321: {  	[sflag:s24] =	ssyncset.done $0x0  }
0x322: {  	[sflag:s24] =	ssyncadd.s32 $0xFFFFE000  }
0x323: {  	_ =	swait.ge [sflag:s24], $0x2000  }
0x324: {  	[sflag:s24] =	ssyncset.done $0x0;
	s6 =	rddreg [dreg:$0x1e]  }
0x325: {  	s23 =	rddreg [dreg:$0x1f];
	[sflag:s24] =	ssyncadd.s32 $0xFFFFE000  }
0x326: {  	[tilespmem:s3], [sflag:$0x1] =	stream.strided.gather [hbm4b:s6+s1], $0x4000, s10, s1, $0x38;
	[tilespmem:$0x114A0] =	vst v63  }
0x327: {  	s26 =	sld [smem:$0x7D8]  }
0x328: {  	[tilespmem:s12], [sflag:$0x1] =	stream.linear.gather [hbm4b:s23+s3], $0x80, $0x38;
	[tilespmem:$0x114A0] =	vst v63  }
0x329: {  	_ = 	snop  }
0x32a: {  	[tilespmem:s13], [sflag:$0x1] =	stream.linear.gather [hbm4b:s26+s3], $0x80, $0x38;
	[tilespmem:$0x114A0] =	vst v63  }
0x32b: {  	_ =	swait.ge [sflag:s25], $0x4000  }
0x32c: {  	[sflag:s25] =	ssyncset.done $0x0  }
0x32d: {  	[sflag:s25] =	ssyncadd.s32 $0xFFFFC000  }
0x32e: {  	_ =	swait.ge [sflag:s25], $0x80  }
0x32f: {  	[sflag:s25] =	ssyncset.done $0x0  }
0x330: {  	[sflag:s25] =	ssyncadd.s32 $0xFFFFFF80  }
0x331: {  	_ =	swait.ge [sflag:s25], $0x80  }
0x332: {  	[sflag:s25] =	ssyncset.done $0x0  }
0x333: {  	[sflag:s25] =	ssyncadd.s32 $0xFFFFFF80  }
0x334: {  	[spmem:s2] =	stream.indirect.scatter.add.f32 [tilespmem:s14], [sflag:$0x6], $0x40, s15, s10, $0xb8;
	[tilespmem:$0x114A0] =	vst v63  }
0x335: {  	s8 =	simm.s32 $0x6000  }
0x336: {  	[spmem:s2] =	stream.indirect.scatter.add.f32 [tilespmem:s8], [sflag:$0x6], $0x40, s9, s10, $0xb8;
	[tilespmem:$0x114A0] =	vst v63  }
0x337: {  	_ =	swait.ge [sflag:s28], $0x2000  }
0x338: {  	[sflag:s28] =	ssyncset.done $0x0  }
0x339: {  	[sflag:s28] =	ssyncadd.s32 $0xFFFFE000  }
0x33a: {  	_ =	swait.ge [sflag:s28], $0x2000  }
0x33b: {  	s6 =	sld [smem:$0x7D9]  }
0x33c: {  	[sflag:s28] =	ssyncset.done $0x0  }
0x33d: {  	s23 =	sld [smem:$0x7DA];
	[sflag:s28] =	ssyncadd.s32 $0xFFFFE000  }
0x33e: {  	[tilespmem:s14], [sflag:$0x2] =	stream.strided.gather [hbm4b:s6+s1], $0x4000, s10, s1, $0x38;
	[tilespmem:$0x114A0] =	vst v63  }
0x33f: {  	s26 =	sld [smem:$0x7DB]  }
0x340: {  	[tilespmem:s15], [sflag:$0x2] =	stream.linear.gather [hbm4b:s23+s3], $0x80, $0x38;
	[tilespmem:$0x114A0] =	vst v63  }
0x341: {  	_ = 	snop  }
0x342: {  	[tilespmem:s9], [sflag:$0x2] =	stream.linear.gather [hbm4b:s26+s3], $0x80, $0x38;
	[tilespmem:$0x114A0] =	vst v63  }
0x343: {  	_ =	swait.ge [sflag:s29], $0x4000  }
0x344: {  	[sflag:s29] =	ssyncset.done $0x0  }
0x345: {  	[sflag:s29] =	ssyncadd.s32 $0xFFFFC000  }
0x346: {  	_ =	swait.ge [sflag:s29], $0x80  }
0x347: {  	[sflag:s29] =	ssyncset.done $0x0  }
0x348: {  	[sflag:s29] =	ssyncadd.s32 $0xFFFFFF80  }
0x349: {  	_ =	swait.ge [sflag:s29], $0x80  }
0x34a: {  	[sflag:s29] =	ssyncset.done $0x0  }
0x34b: {  	[sflag:s29] =	ssyncadd.s32 $0xFFFFFF80  }
0x34c: {  	[spmem:s2] =	stream.indirect.scatter.add.f32 [tilespmem:s17], [sflag:$0x7], $0x40, s18, s10, $0xb8;
	[tilespmem:$0x114A0] =	vst v63  }
0x34d: {  	s16 =	simm.s32 $0xA000  }
0x34e: {  	[spmem:s2] =	stream.indirect.scatter.add.f32 [tilespmem:s16], [sflag:$0x7], $0x40, s19, s10, $0xb8;
	[tilespmem:$0x114A0] =	vst v63  }
0x34f: {  	_ =	swait.ge [sflag:s31], $0x2000  }
0x350: {  	[sflag:s31] =	ssyncset.done $0x0  }
0x351: {  	[sflag:s31] =	ssyncadd.s32 $0xFFFFE000  }
0x352: {  	_ =	swait.ge [sflag:s31], $0x2000  }
0x353: {  	s23 =	sld [smem:$0x7DC]  }
0x354: {  	[sflag:s31] =	ssyncset.done $0x0  }
0x355: {  	s26 =	sld [smem:$0x7DD];
	[sflag:s31] =	ssyncadd.s32 $0xFFFFE000  }
0x356: {  	[tilespmem:s17], [sflag:$0x3] =	stream.strided.gather [hbm4b:s23+s1], $0x4000, s10, s1, $0x38;
	[tilespmem:$0x114A0] =	vst v63  }
0x357: {  	s16 =	sld [smem:$0x7DE]  }
0x358: {  	[tilespmem:s18], [sflag:$0x3] =	stream.linear.gather [hbm4b:s26+s3], $0x80, $0x38;
	[tilespmem:$0x114A0] =	vst v63  }
0x359: {  	_ = 	snop  }
0x35a: {  	[tilespmem:s19], [sflag:$0x3] =	stream.linear.gather [hbm4b:s16+s3], $0x80, $0x38;
	[tilespmem:$0x114A0] =	vst v63  }
0x35b: {  	_ =	swait.ge [sflag:s0], $0x4000  }
0x35c: {  	[sflag:s0] =	ssyncset.done $0x0  }
0x35d: {  	[sflag:s0] =	ssyncadd.s32 $0xFFFFC000  }
0x35e: {  	_ =	swait.ge [sflag:s0], $0x80  }
0x35f: {  	[sflag:s0] =	ssyncset.done $0x0  }
0x360: {  	[sflag:s0] =	ssyncadd.s32 $0xFFFFFF80  }
0x361: {  	_ =	swait.ge [sflag:s0], $0x80  }
0x362: {  	[sflag:s0] =	ssyncset.done $0x0  }
0x363: {  	[sflag:s0] =	ssyncadd.s32 $0xFFFFFF80  }
0x364: {  	[spmem:s2] =	stream.indirect.scatter.add.f32 [tilespmem:s20], [sflag:$0x8], $0x40, s21, s10, $0xb8;
	[tilespmem:$0x114A0] =	vst v63  }
0x365: {  	s16 =	simm.s32 $0xE000  }
0x366: {  	[spmem:s2] =	stream.indirect.scatter.add.f32 [tilespmem:s16], [sflag:$0x8], $0x40, s5, s10, $0xb8;
	[tilespmem:$0x114A0] =	vst v63  }
0x367: {  	_ =	swait.ge [sflag:s7], $0x2000  }
0x368: {  	[sflag:s7] =	ssyncset.done $0x0  }
0x369: {  	[sflag:s7] =	ssyncadd.s32 $0xFFFFE000  }
0x36a: {  	_ =	swait.ge [sflag:s7], $0x2000  }
0x36b: {  	s23 =	sld [smem:$0x7DF]  }
0x36c: {  	[sflag:s7] =	ssyncset.done $0x0  }
0x36d: {  	s26 =	sld [smem:$0x7E0];
	[sflag:s7] =	ssyncadd.s32 $0xFFFFE000  }
0x36e: {  	[tilespmem:s20], [sflag:$0x4] =	stream.strided.gather [hbm4b:s23+s1], $0x4000, s10, s1, $0x38;
	[tilespmem:$0x114A0] =	vst v63  }
0x36f: {  	s16 =	sld [smem:$0x7E1]  }
0x370: {  	[tilespmem:s21], [sflag:$0x4] =	stream.linear.gather [hbm4b:s26+s3], $0x80, $0x38;
	[tilespmem:$0x114A0] =	vst v63  }
0x371: {  	_ = 	snop  }
0x372: {  	[tilespmem:s5], [sflag:$0x4] =	stream.linear.gather [hbm4b:s16+s3], $0x80, $0x38;
	[tilespmem:$0x114A0] =	vst v63  }
0x373: {  	_ =	swait.ge [sflag:s22], $0x4000  }
0x374: {  	[sflag:s22] =	ssyncset.done $0x0  }
0x375: {  	[sflag:s22] =	ssyncadd.s32 $0xFFFFC000  }
0x376: {  	_ =	swait.ge [sflag:s22], $0x80  }
0x377: {  	[sflag:s22] =	ssyncset.done $0x0  }
0x378: {  	[sflag:s22] =	ssyncadd.s32 $0xFFFFFF80  }
0x379: {  	_ =	swait.ge [sflag:s22], $0x80  }
0x37a: {  	[sflag:s22] =	ssyncset.done $0x0  }
0x37b: {  	[sflag:s22] =	ssyncadd.s32 $0xFFFFFF80  }
0x37c: {  	[spmem:s2] =	stream.indirect.scatter.add.f32 [tilespmem:s3], [sflag:$0x5], $0x40, s12, s10, $0xb8;
	[tilespmem:$0x114A0] =	vst v63  }
0x37d: {  	s11 =	simm.s32 $0x2000  }
0x37e: {  	[spmem:s2] =	stream.indirect.scatter.add.f32 [tilespmem:s11], [sflag:$0x5], $0x40, s13, s10, $0xb8;
	[tilespmem:$0x114A0] =	vst v63  }
0x37f: {  	_ =	swait.ge [sflag:s24], $0x2000  }
0x380: {  	[sflag:s24] =	ssyncset.done $0x0  }
0x381: {  	[sflag:s24] =	ssyncadd.s32 $0xFFFFE000  }
0x382: {  	_ =	swait.ge [sflag:s24], $0x2000  }
0x383: {  	s26 =	sld [smem:$0x7E2]  }
0x384: {  	[sflag:s24] =	ssyncset.done $0x0  }
0x385: {  	s11 =	sld [smem:$0x7E3];
	[sflag:s24] =	ssyncadd.s32 $0xFFFFE000  }
0x386: {  	[tilespmem:s3], [sflag:$0x1] =	stream.strided.gather [hbm4b:s26+s1], $0x4000, s10, s1, $0x38;
	[tilespmem:$0x114A0] =	vst v63  }
0x387: {  	s16 =	sld [smem:$0x7E4]  }
0x388: {  	[tilespmem:s12], [sflag:$0x1] =	stream.linear.gather [hbm4b:s11+s3], $0x80, $0x38;
	[tilespmem:$0x114A0] =	vst v63  }
0x389: {  	_ = 	snop  }
0x38a: {  	[tilespmem:s13], [sflag:$0x1] =	stream.linear.gather [hbm4b:s16+s3], $0x80, $0x38;
	[tilespmem:$0x114A0] =	vst v63  }
0x38b: {  	_ =	swait.ge [sflag:s25], $0x4000  }
0x38c: {  	[sflag:s25] =	ssyncset.done $0x0  }
0x38d: {  	[sflag:s25] =	ssyncadd.s32 $0xFFFFC000  }
0x38e: {  	_ =	swait.ge [sflag:s25], $0x80  }
0x38f: {  	[sflag:s25] =	ssyncset.done $0x0  }
0x390: {  	[sflag:s25] =	ssyncadd.s32 $0xFFFFFF80  }
0x391: {  	_ =	swait.ge [sflag:s25], $0x80  }
0x392: {  	[sflag:s25] =	ssyncset.done $0x0  }
0x393: {  	[sflag:s25] =	ssyncadd.s32 $0xFFFFFF80  }
0x394: {  	[spmem:s2] =	stream.indirect.scatter.add.f32 [tilespmem:s14], [sflag:$0x6], $0x40, s15, s10, $0xb8;
	[tilespmem:$0x114A0] =	vst v63  }
0x395: {  	s8 =	simm.s32 $0x6000  }
0x396: {  	[spmem:s2] =	stream.indirect.scatter.add.f32 [tilespmem:s8], [sflag:$0x6], $0x40, s9, s10, $0xb8;
	[tilespmem:$0x114A0] =	vst v63  }
0x397: {  	_ =	swait.ge [sflag:s28], $0x2000  }
0x398: {  	[sflag:s28] =	ssyncset.done $0x0  }
0x399: {  	[sflag:s28] =	ssyncadd.s32 $0xFFFFE000  }
0x39a: {  	_ =	swait.ge [sflag:s28], $0x2000  }
0x39b: {  	s8 =	sld [smem:$0x7E5]  }
0x39c: {  	[sflag:s28] =	ssyncset.done $0x0  }
0x39d: {  	s11 =	sld [smem:$0x7E6];
	[sflag:s28] =	ssyncadd.s32 $0xFFFFE000  }
0x39e: {  	[tilespmem:s14], [sflag:$0x2] =	stream.strided.gather [hbm4b:s8+s1], $0x4000, s10, s1, $0x38;
	[tilespmem:$0x114A0] =	vst v63  }
0x39f: {  	s16 =	sld [smem:$0x7E7]  }
0x3a0: {  	[tilespmem:s15], [sflag:$0x2] =	stream.linear.gather [hbm4b:s11+s3], $0x80, $0x38;
	[tilespmem:$0x114A0] =	vst v63  }
0x3a1: {  	_ = 	snop  }
0x3a2: {  	[tilespmem:s9], [sflag:$0x2] =	stream.linear.gather [hbm4b:s16+s3], $0x80, $0x38;
	[tilespmem:$0x114A0] =	vst v63  }
0x3a3: {  	_ =	swait.ge [sflag:s29], $0x4000  }
0x3a4: {  	[sflag:s29] =	ssyncset.done $0x0  }
0x3a5: {  	[sflag:s29] =	ssyncadd.s32 $0xFFFFC000  }
0x3a6: {  	_ =	swait.ge [sflag:s29], $0x80  }
0x3a7: {  	[sflag:s29] =	ssyncset.done $0x0  }
0x3a8: {  	[sflag:s29] =	ssyncadd.s32 $0xFFFFFF80  }
0x3a9: {  	_ =	swait.ge [sflag:s29], $0x80  }
0x3aa: {  	[sflag:s29] =	ssyncset.done $0x0  }
0x3ab: {  	[sflag:s29] =	ssyncadd.s32 $0xFFFFFF80  }
0x3ac: {  	[spmem:s2] =	stream.indirect.scatter.add.f32 [tilespmem:s17], [sflag:$0x7], $0x40, s18, s10, $0xb8;
	[tilespmem:$0x114A0] =	vst v63  }
0x3ad: {  	s23 =	simm.s32 $0xA000  }
0x3ae: {  	[spmem:s2] =	stream.indirect.scatter.add.f32 [tilespmem:s23], [sflag:$0x7], $0x40, s19, s10, $0xb8;
	[tilespmem:$0x114A0] =	vst v63  }
0x3af: {  	_ =	swait.ge [sflag:s31], $0x2000  }
0x3b0: {  	[sflag:s31] =	ssyncset.done $0x0  }
0x3b1: {  	[sflag:s31] =	ssyncadd.s32 $0xFFFFE000  }
0x3b2: {  	_ =	swait.ge [sflag:s31], $0x2000  }
0x3b3: {  	s26 =	sld [smem:$0x7E8]  }
0x3b4: {  	[sflag:s31] =	ssyncset.done $0x0  }
0x3b5: {  	s8 =	sld [smem:$0x7E9];
	[sflag:s31] =	ssyncadd.s32 $0xFFFFE000  }
0x3b6: {  	[tilespmem:s17], [sflag:$0x3] =	stream.strided.gather [hbm4b:s26+s1], $0x4000, s10, s1, $0x38;
	[tilespmem:$0x114A0] =	vst v63  }
0x3b7: {  	s11 =	sld [smem:$0x7EA]  }
0x3b8: {  	[tilespmem:s18], [sflag:$0x3] =	stream.linear.gather [hbm4b:s8+s3], $0x80, $0x38;
	[tilespmem:$0x114A0] =	vst v63  }
0x3b9: {  	_ = 	snop  }
0x3ba: {  	[tilespmem:s19], [sflag:$0x3] =	stream.linear.gather [hbm4b:s11+s3], $0x80, $0x38;
	[tilespmem:$0x114A0] =	vst v63  }
0x3bb: {  	_ =	swait.ge [sflag:s0], $0x4000  }
0x3bc: {  	[sflag:s0] =	ssyncset.done $0x0  }
0x3bd: {  	[sflag:s0] =	ssyncadd.s32 $0xFFFFC000  }
0x3be: {  	_ =	swait.ge [sflag:s0], $0x80  }
0x3bf: {  	[sflag:s0] =	ssyncset.done $0x0  }
0x3c0: {  	[sflag:s0] =	ssyncadd.s32 $0xFFFFFF80  }
0x3c1: {  	_ =	swait.ge [sflag:s0], $0x80  }
0x3c2: {  	[sflag:s0] =	ssyncset.done $0x0  }
0x3c3: {  	[sflag:s0] =	ssyncadd.s32 $0xFFFFFF80  }
0x3c4: {  	[spmem:s2] =	stream.indirect.scatter.add.f32 [tilespmem:s20], [sflag:$0x8], $0x40, s21, s10, $0xb8;
	[tilespmem:$0x114A0] =	vst v63  }
0x3c5: {  	s16 =	simm.s32 $0xE000  }
0x3c6: {  	[spmem:s2] =	stream.indirect.scatter.add.f32 [tilespmem:s16], [sflag:$0x8], $0x40, s5, s10, $0xb8;
	[tilespmem:$0x114A0] =	vst v63  }
0x3c7: {  	_ =	swait.ge [sflag:s7], $0x2000  }
0x3c8: {  	[sflag:s7] =	ssyncset.done $0x0  }
0x3c9: {  	[sflag:s7] =	ssyncadd.s32 $0xFFFFE000  }
0x3ca: {  	_ =	swait.ge [sflag:s7], $0x2000  }
0x3cb: {  	s23 =	sld [smem:$0x7EB]  }
0x3cc: {  	[sflag:s7] =	ssyncset.done $0x0  }
0x3cd: {  	s26 =	sld [smem:$0x7EC];
	[sflag:s7] =	ssyncadd.s32 $0xFFFFE000  }
0x3ce: {  	[tilespmem:s20], [sflag:$0x4] =	stream.strided.gather [hbm4b:s23+s1], $0x4000, s10, s1, $0x38;
	[tilespmem:$0x114A0] =	vst v63  }
0x3cf: {  	s8 =	sld [smem:$0x7ED]  }
0x3d0: {  	[tilespmem:s21], [sflag:$0x4] =	stream.linear.gather [hbm4b:s26+s3], $0x80, $0x38;
	[tilespmem:$0x114A0] =	vst v63  }
0x3d1: {  	_ = 	snop  }
0x3d2: {  	[tilespmem:s5], [sflag:$0x4] =	stream.linear.gather [hbm4b:s8+s3], $0x80, $0x38;
	[tilespmem:$0x114A0] =	vst v63  }
0x3d3: {  	_ =	swait.ge [sflag:s22], $0x4000  }
0x3d4: {  	[sflag:s22] =	ssyncset.done $0x0  }
0x3d5: {  	[sflag:s22] =	ssyncadd.s32 $0xFFFFC000  }
0x3d6: {  	_ =	swait.ge [sflag:s22], $0x80  }
0x3d7: {  	[sflag:s22] =	ssyncset.done $0x0  }
0x3d8: {  	[sflag:s22] =	ssyncadd.s32 $0xFFFFFF80  }
0x3d9: {  	_ =	swait.ge [sflag:s22], $0x80  }
0x3da: {  	[sflag:s22] =	ssyncset.done $0x0  }
0x3db: {  	[sflag:s22] =	ssyncadd.s32 $0xFFFFFF80  }
0x3dc: {  	[spmem:s2] =	stream.indirect.scatter.add.f32 [tilespmem:s3], [sflag:$0x5], $0x40, s12, s10, $0xb8;
	[tilespmem:$0x114A0] =	vst v63  }
0x3dd: {  	s16 =	simm.s32 $0x2000  }
0x3de: {  	[spmem:s2] =	stream.indirect.scatter.add.f32 [tilespmem:s16], [sflag:$0x5], $0x40, s13, s10, $0xb8;
	[tilespmem:$0x114A0] =	vst v63  }
0x3df: {  	_ =	swait.ge [sflag:s24], $0x2000  }
0x3e0: {  	[sflag:s24] =	ssyncset.done $0x0  }
0x3e1: {  	[sflag:s24] =	ssyncadd.s32 $0xFFFFE000  }
0x3e2: {  	_ =	swait.ge [sflag:s24], $0x2000  }
0x3e3: {  	s23 =	sld [smem:$0x7EE]  }
0x3e4: {  	[sflag:s24] =	ssyncset.done $0x0  }
0x3e5: {  	s26 =	sld [smem:$0x7EF];
	[sflag:s24] =	ssyncadd.s32 $0xFFFFE000  }
0x3e6: {  	[tilespmem:s3], [sflag:$0x1] =	stream.strided.gather [hbm4b:s23+s1], $0x4000, s10, s1, $0x38;
	[tilespmem:$0x114A0] =	vst v63  }
0x3e7: {  	s16 =	sld [smem:$0x7F0]  }
0x3e8: {  	[tilespmem:s12], [sflag:$0x1] =	stream.linear.gather [hbm4b:s26+s3], $0x80, $0x38;
	[tilespmem:$0x114A0] =	vst v63  }
0x3e9: {  	_ = 	snop  }
0x3ea: {  	[tilespmem:s13], [sflag:$0x1] =	stream.linear.gather [hbm4b:s16+s3], $0x80, $0x38;
	[tilespmem:$0x114A0] =	vst v63  }
0x3eb: {  	_ =	swait.ge [sflag:s25], $0x4000  }
0x3ec: {  	[sflag:s25] =	ssyncset.done $0x0  }
0x3ed: {  	[sflag:s25] =	ssyncadd.s32 $0xFFFFC000  }
0x3ee: {  	_ =	swait.ge [sflag:s25], $0x80  }
0x3ef: {  	[sflag:s25] =	ssyncset.done $0x0  }
0x3f0: {  	[sflag:s25] =	ssyncadd.s32 $0xFFFFFF80  }
0x3f1: {  	_ =	swait.ge [sflag:s25], $0x80  }
0x3f2: {  	[sflag:s25] =	ssyncset.done $0x0  }
0x3f3: {  	[sflag:s25] =	ssyncadd.s32 $0xFFFFFF80  }
0x3f4: {  	[spmem:s2] =	stream.indirect.scatter.add.f32 [tilespmem:s14], [sflag:$0x6], $0x40, s15, s10, $0xb8;
	[tilespmem:$0x114A0] =	vst v63  }
0x3f5: {  	s23 =	simm.s32 $0x6000  }
0x3f6: {  	[spmem:s2] =	stream.indirect.scatter.add.f32 [tilespmem:s23], [sflag:$0x6], $0x40, s9, s10, $0xb8;
	[tilespmem:$0x114A0] =	vst v63  }
0x3f7: {  	_ =	swait.ge [sflag:s28], $0x2000  }
0x3f8: {  	[sflag:s28] =	ssyncset.done $0x0  }
0x3f9: {  	[sflag:s28] =	ssyncadd.s32 $0xFFFFE000  }
0x3fa: {  	_ =	swait.ge [sflag:s28], $0x2000  }
0x3fb: {  	s6 =	sld [smem:$0x7F1]  }
0x3fc: {  	[sflag:s28] =	ssyncset.done $0x0  }
0x3fd: {  	s23 =	sld [smem:$0x7F2];
	[sflag:s28] =	ssyncadd.s32 $0xFFFFE000  }
0x3fe: {  	[tilespmem:s14], [sflag:$0x2] =	stream.strided.gather [hbm4b:s6+s1], $0x4000, s10, s1, $0x38;
	[tilespmem:$0x114A0] =	vst v63  }
0x3ff: {  	s26 =	sld [smem:$0x7F3]  }
0x400: {  	[tilespmem:s15], [sflag:$0x2] =	stream.linear.gather [hbm4b:s23+s3], $0x80, $0x38;
	[tilespmem:$0x114A0] =	vst v63  }
0x401: {  	_ = 	snop  }
0x402: {  	[tilespmem:s9], [sflag:$0x2] =	stream.linear.gather [hbm4b:s26+s3], $0x80, $0x38;
	[tilespmem:$0x114A0] =	vst v63  }
0x403: {  	_ =	swait.ge [sflag:s29], $0x4000  }
0x404: {  	[sflag:s29] =	ssyncset.done $0x0  }
0x405: {  	[sflag:s29] =	ssyncadd.s32 $0xFFFFC000  }
0x406: {  	_ =	swait.ge [sflag:s29], $0x80  }
0x407: {  	[sflag:s29] =	ssyncset.done $0x0  }
0x408: {  	[sflag:s29] =	ssyncadd.s32 $0xFFFFFF80  }
0x409: {  	_ =	swait.ge [sflag:s29], $0x80  }
0x40a: {  	[sflag:s29] =	ssyncset.done $0x0  }
0x40b: {  	[sflag:s29] =	ssyncadd.s32 $0xFFFFFF80  }
0x40c: {  	[spmem:s2] =	stream.indirect.scatter.add.f32 [tilespmem:s17], [sflag:$0x7], $0x40, s18, s10, $0xb8;
	[tilespmem:$0x114A0] =	vst v63  }
0x40d: {  	s26 =	simm.s32 $0xA000  }
0x40e: {  	[spmem:s2] =	stream.indirect.scatter.add.f32 [tilespmem:s26], [sflag:$0x7], $0x40, s19, s10, $0xb8;
	[tilespmem:$0x114A0] =	vst v63  }
0x40f: {  	_ =	swait.ge [sflag:s0], $0x4000  }
0x410: {  	[sflag:s0] =	ssyncset.done $0x0  }
0x411: {  	[sflag:s0] =	ssyncadd.s32 $0xFFFFC000  }
0x412: {  	_ =	swait.ge [sflag:s0], $0x80  }
0x413: {  	[sflag:s0] =	ssyncset.done $0x0  }
0x414: {  	[sflag:s0] =	ssyncadd.s32 $0xFFFFFF80  }
0x415: {  	_ =	swait.ge [sflag:s0], $0x80  }
0x416: {  	[sflag:s0] =	ssyncset.done $0x0  }
0x417: {  	[sflag:s0] =	ssyncadd.s32 $0xFFFFFF80  }
0x418: {  	[spmem:s2] =	stream.indirect.scatter.add.f32 [tilespmem:s20], [sflag:$0x8], $0x40, s21, s10, $0xb8;
	[tilespmem:$0x114A0] =	vst v63  }
0x419: {  	s11 =	simm.s32 $0xE000  }
0x41a: {  	[spmem:s2] =	stream.indirect.scatter.add.f32 [tilespmem:s11], [sflag:$0x8], $0x40, s5, s10, $0xb8;
	[tilespmem:$0x114A0] =	vst v63  }
0x41b: {  	_ =	swait.ge [sflag:s22], $0x4000  }
0x41c: {  	[sflag:s22] =	ssyncset.done $0x0  }
0x41d: {  	[sflag:s22] =	ssyncadd.s32 $0xFFFFC000  }
0x41e: {  	_ =	swait.ge [sflag:s22], $0x80  }
0x41f: {  	[sflag:s22] =	ssyncset.done $0x0  }
0x420: {  	[sflag:s22] =	ssyncadd.s32 $0xFFFFFF80  }
0x421: {  	_ =	swait.ge [sflag:s22], $0x80  }
0x422: {  	[sflag:s22] =	ssyncset.done $0x0  }
0x423: {  	[sflag:s22] =	ssyncadd.s32 $0xFFFFFF80  }
0x424: {  	[spmem:s2] =	stream.indirect.scatter.add.f32 [tilespmem:s3], [sflag:$0x5], $0x40, s12, s10, $0xb8;
	[tilespmem:$0x114A0] =	vst v63  }
0x425: {  	s8 =	simm.s32 $0x2000  }
0x426: {  	[spmem:s2] =	stream.indirect.scatter.add.f32 [tilespmem:s8], [sflag:$0x5], $0x40, s13, s10, $0xb8;
	[tilespmem:$0x114A0] =	vst v63  }
0x427: {  	_ =	swait.ge [sflag:s25], $0x4000  }
0x428: {  	[sflag:s25] =	ssyncset.done $0x0  }
0x429: {  	[sflag:s25] =	ssyncadd.s32 $0xFFFFC000  }
0x42a: {  	_ =	swait.ge [sflag:s25], $0x80  }
0x42b: {  	[sflag:s25] =	ssyncset.done $0x0  }
0x42c: {  	[sflag:s25] =	ssyncadd.s32 $0xFFFFFF80  }
0x42d: {  	_ =	swait.ge [sflag:s25], $0x80  }
0x42e: {  	[sflag:s25] =	ssyncset.done $0x0  }
0x42f: {  	[sflag:s25] =	ssyncadd.s32 $0xFFFFFF80  }
0x430: {  	[spmem:s2] =	stream.indirect.scatter.add.f32 [tilespmem:s14], [sflag:$0x6], $0x40, s15, s10, $0xb8;
	[tilespmem:$0x114A0] =	vst v63  }
0x431: {  	s16 =	simm.s32 $0x6000  }
0x432: {  	[spmem:s2] =	stream.indirect.scatter.add.f32 [tilespmem:s16], [sflag:$0x6], $0x40, s9, s10, $0xb8;
	[tilespmem:$0x114A0] =	vst v63  }
0x433: {  	_ =	swait.ge [sflag:s24], $0x2000  }
0x434: {  	[sflag:s24] =	ssyncset.done $0x0  }
0x435: {  	[sflag:s24] =	ssyncadd.s32 $0xFFFFE000  }
0x436: {  	_ =	swait.ge [sflag:s24], $0x2000  }
0x437: {  	[sflag:s24] =	ssyncset.done $0x0  }
0x438: {  	[sflag:s24] =	ssyncadd.s32 $0xFFFFE000  }
0x439: {  	_ =	swait.ge [sflag:s28], $0x2000  }
0x43a: {  	[sflag:s28] =	ssyncset.done $0x0  }
0x43b: {  	[sflag:s28] =	ssyncadd.s32 $0xFFFFE000  }
0x43c: {  	_ =	swait.ge [sflag:s28], $0x2000  }
0x43d: {  	[sflag:s28] =	ssyncset.done $0x0  }
0x43e: {  	[sflag:s28] =	ssyncadd.s32 $0xFFFFE000  }
0x43f: {  	_ =	swait.ge [sflag:s31], $0x2000  }
0x440: {  	[sflag:s31] =	ssyncset.done $0x0  }
0x441: {  	[sflag:s31] =	ssyncadd.s32 $0xFFFFE000  }
0x442: {  	_ =	swait.ge [sflag:s31], $0x2000  }
0x443: {  	[sflag:s31] =	ssyncset.done $0x0  }
0x444: {  	[sflag:s31] =	ssyncadd.s32 $0xFFFFE000  }
0x445: {  	_ =	swait.ge [sflag:s7], $0x2000  }
0x446: {  	[sflag:s7] =	ssyncset.done $0x0  }
0x447: {  	[sflag:s7] =	ssyncadd.s32 $0xFFFFE000  }
0x448: {  	_ =	swait.ge [sflag:s7], $0x2000  }
0x449: {  	s6 =	sld [smem:$0x7F4]  }
0x44a: {  	s5 =	simm.s32 @!p2 $0x0;
	[sflag:s7] =	ssyncset.done $0x0  }
0x44b: {  	s11 =	simm.s32 @!p2 $0x80;
	s9 =	simm.s32 @!p2 $0x40;
	[sflag:s7] =	ssyncadd.s32 $0xFFFFE000  }
0x44c: {  	[tilespmem:s5], [sflag:$0x9] =	stream.strided.gather @!p2 [hbm4b:s6+s9], $0x2000, s11, s9, $0x38;
	[tilespmem:$0x114A0] =	vst v63  }
0x44d: {  	_ =	swait.ge @!p2 [sflag:s4], $0x2000  }
0x44e: {  	s6 =	sld [smem:$0x7F5]  }
0x44f: {  	[sflag:s4] =	ssyncset.done @!p2 $0x0  }
0x450: {  	s12 =	simm.s32 @!p2 $0x10000;
	[sflag:s4] =	ssyncadd.s32 @!p2 $0xFFFFE000  }
0x451: {  	[tilespmem:s12], [sflag:$0x9] =	stream.linear.gather @!p2 [hbm4b:s6+s5], $0x80, $0x38;
	[tilespmem:$0x114A0] =	vst v63  }
0x452: {  	_ =	swait.ge @!p2 [sflag:s4], $0x80  }
0x453: {  	[sflag:s4] =	ssyncset.done @!p2 $0x0  }
0x454: {  	[sflag:s4] =	ssyncadd.s32 @!p2 $0xFFFFFF80  }
0x455: {  	[spmem:s2] =	stream.indirect.scatter.add.f32 @!p2 [tilespmem:s5], [sflag:$0x9], $0x40, s12, s11, $0xb8;
	[tilespmem:$0x114A0] =	vst v63  }
0x456: {  	_ =	swait.ge @!p2 [sflag:s4], $0x2000  }
0x457: {  	s6 =	sld [smem:$0x7F6]  }
0x458: {  	[sflag:s4] =	ssyncset.done @!p2 $0x0  }
0x459: {  	s12 =	simm.s32 @!p2 $0x10420;
	[sflag:s4] =	ssyncadd.s32 @!p2 $0xFFFFE000  }
0x45a: {  	[tilespmem:s12], [sflag:$0x9] =	stream.strided.gather @!p2 [hbm4b:s6+s9], $0x800, s11, s9, $0x38;
	[tilespmem:$0x114A0] =	vst v63  }
0x45b: {  	_ =	swait.ge @!p2 [sflag:s4], $0x800  }
0x45c: {  	s6 =	sld [smem:$0x7F7]  }
0x45d: {  	[sflag:s4] =	ssyncset.done @!p2 $0x0  }
0x45e: {  	s9 =	simm.s32 @!p2 $0x10400;
	[sflag:s4] =	ssyncadd.s32 @!p2 $0xFFFFF800  }
0x45f: {  	[tilespmem:s9], [sflag:$0x9] =	stream.linear.gather @!p2 [hbm4b:s6+s5], $0x20, $0x38;
	[tilespmem:$0x114A0] =	vst v63  }
0x460: {  	_ =	swait.ge @!p2 [sflag:s4], $0x20  }
0x461: {  	[sflag:s4] =	ssyncset.done @!p2 $0x0  }
0x462: {  	s5 =	simm.s32 @!p2 $0x20;
	[sflag:s4] =	ssyncadd.s32 @!p2 $0xFFFFFFE0  }
0x463: {  	[spmem:s2] =	stream.indirect.scatter.add.f32 @!p2 [tilespmem:s12], [sflag:$0x9], $0x40, s9, s5, $0xb8;
	[tilespmem:$0x114A0] =	vst v63  }
0x464: {  	_ =	swait.ge @!p2 [sflag:s4], $0x800  }
0x465: {  	s6 =	sld [smem:$0x7F8]  }
0x466: {  	s11 =	simm.s32 @!p1 $0x80;
	[sflag:s4] =	ssyncset.done @!p2 $0x0  }
0x467: {  	s5 =	simm.s32 @!p1 $0x0;
	s9 =	simm.s32 @!p1 $0x40;
	[sflag:s4] =	ssyncadd.s32 @!p2 $0xFFFFF800  }
0x468: {  	[tilespmem:s5], [sflag:$0x9] =	stream.strided.gather @!p1 [hbm4b:s6+s9], $0x4000, s11, s9, $0x38;
	[tilespmem:$0x114A0] =	vst v63  }
0x469: {  	_ =	swait.ge @!p1 [sflag:s30], $0x4000  }
0x46a: {  	s6 =	sld [smem:$0x7F9]  }
0x46b: {  	[sflag:s30] =	ssyncset.done @!p1 $0x0  }
0x46c: {  	s9 =	simm.s32 @!p1 $0x10000;
	[sflag:s30] =	ssyncadd.s32 @!p1 $0xFFFFC000  }
0x46d: {  	[tilespmem:s9], [sflag:$0x9] =	stream.linear.gather @!p1 [hbm4b:s6+s5], $0x80, $0x38;
	[tilespmem:$0x114A0] =	vst v63  }
0x46e: {  	_ =	swait.ge @!p1 [sflag:s30], $0x80  }
0x46f: {  	s6 =	sld [smem:$0x7FA]  }
0x470: {  	[sflag:s30] =	ssyncset.done @!p1 $0x0  }
0x471: {  	s12 =	simm.s32 @!p1 $0x10080;
	[sflag:s30] =	ssyncadd.s32 @!p1 $0xFFFFFF80  }
0x472: {  	[tilespmem:s12], [sflag:$0x9] =	stream.linear.gather @!p1 [hbm4b:s6+s5], $0x80, $0x38;
	[tilespmem:$0x114A0] =	vst v63  }
0x473: {  	_ =	swait.ge @!p1 [sflag:s30], $0x80  }
0x474: {  	[sflag:s30] =	ssyncset.done @!p1 $0x0  }
0x475: {  	[sflag:s30] =	ssyncadd.s32 @!p1 $0xFFFFFF80  }
0x476: {  	[spmem:s2] =	stream.indirect.scatter.add.f32 @!p1 [tilespmem:s5], [sflag:$0x9], $0x40, s9, s11, $0xb8;
	[tilespmem:$0x114A0] =	vst v63  }
0x477: {  	_ =	swait.ge @!p1 [sflag:s30], $0x2000  }
0x478: {  	[sflag:s30] =	ssyncset.done @!p1 $0x0  }
0x479: {  	s5 =	simm.s32 @!p1 $0x2000;
	[sflag:s30] =	ssyncadd.s32 @!p1 $0xFFFFE000  }
0x47a: {  	[spmem:s2] =	stream.indirect.scatter.add.f32 @!p1 [tilespmem:s5], [sflag:$0x9], $0x40, s12, s11, $0xb8;
	[tilespmem:$0x114A0] =	vst v63  }
0x47b: {  	_ =	swait.ge @!p1 [sflag:s30], $0x2000  }
0x47c: {  	[sflag:s30] =	ssyncset.done @!p1 $0x0  }
0x47d: {  	[sflag:s30] =	ssyncadd.s32 @!p1 $0xFFFFE000  }
0x47e: {  	[bflag:$0x0] =	sbarrier.arrive $0xFFFF  }
0x47f: {  	s12 =	sld [smem:$0x7FB];
	_ =	sdelay $0x1  }
0x480: {  	s16 =	simm.s32 $0x9;
	s11 =	simm.s32 $0x10C20  }
0x481: {  	[tilespmem:s11], [sflag:$0x9] =	stream.linear.gather [spmem:s12], $0x400, $0x38;
	[tilespmem:$0x114A0] =	vst v63  }
0x482: {  	_ =	swait.ge [sflag:s16], $0x400  }
.Ltmp1:
0x483: {  	s23 =	sld [smem:$0x7FD];
	(pc) =	sbr.rel @p3 .LBB2_2-.Ltmp1, $4  }
0x484: {  	[sflag:s16] =	ssyncset.done $0x0  }
0x485: {  	s26 =	simm.s32 $0x9;
	[sflag:s16] =	ssyncadd.s32 $0xFFFFFC00  }
0x486: {  	[hbm4b:s23+s1] =	stream.strided.scatter [tilespmem:s11], [sflag:$0x9], $0x400, s10, s1, $0x38;
	[tilespmem:$0x114A0] =	vst v63  }
0x487: {  	s1 =	sld [smem:$0x7D7];
	_ =	swait.ge [sflag:s26], $0x400  }
.LBB2_3:
0x488: {  	s0 =	simm.s32 $0x9  }
0x489: {  	[sflag:s0] =	ssyncset.done $0x0  }
0x48a: {  	[sflag:s0] =	ssyncadd.s32 $0xFFFFFC00  }
0x48b: {  	_ =	sfence.sel $0x180000  }
0x48c: {  	[bflag:$0x0] =	sbarrier.arrive $0xFFFF  }
0x48d: {  	_ =	strace $0x90000047  }
0x48e: {  	s31 =	stileid.u32;
	[bflag:$0x2] =	sbarrier.arrive $0xFFFF  }
0x48f: {  	p0 =	sne.s32 s31, $0x0;
	s0 =	rddreg [dreg:$0x4]  }
0x490: {  	s0 =	sadd.s32 @!p0 $0x100000, s0  }
0x491: {  	[sflag:s0] =	ssyncadd.tile.s32 @!p0 $0x1;
	_ =	shalt  }
.Lfunc_end2:
_tile_overlayer_lowered:
.L_overlay_start_2:
0x492: {  	(tag) =	ssettag $0x2  }
0x493: {  	s0 =	rddreg [dreg:$0x0];
	s2 =	stileid.u32  }
0x494: {  	s1 =	rddreg [dreg:$0x1];
	p0 =	sne.s32 s2, $0x0  }
0x495: {  	s3 =	rddreg [dreg:$0x2];
	[bflag:$0x3] =	sbarrier.arrive $0xFFFF;
	s2 =	simm.s32 @!p0 $0x1C09  }
0x496: {  	[timem:s3], [sflag:s2] =	dma.local @!p0 [hbm:s0], s1  }
0x497: {  	s0 =	simm.s32 @!p0 $0x9  }
0x498: {  	_ =	swait.ge @!p0 [sflag:s0], s1  }
0x499: {  	s1 =	ssub.s32 @!p0 $0x0, s1;
	[sflag:s0] =	ssyncset.done @!p0 $0x0  }
0x49a: {  	[sflag:s0] =	ssyncadd.s32 @!p0 s1  }
0x49b: {  	[bflag:$0x3] =	sbarrier.arrive $0xFFFF  }
0x49c: {  	_ =	shalt  }

</sc_bundles>
